<compile_context>
chip_gen: v7x
topology: tpu7x:2x2x1
jax: 0.10.2.dev20260603
libtpu: 0.0.44.dev20260713+nightly
codegen_flags: <defaults>
</compile_context>

<pallas_src>
import functools

import jax
import jax.numpy as jnp
from jax import lax
from jax.experimental import pallas as pl
from jax.experimental.pallas import tpu as pltpu
from jax.experimental.pallas import tpu_sc as plsc

N = 10000
E = 320000
D = 128
G = 64

NC, NS = 2, 16
NW = NC * NS
NP = 10240
EB = 128
EP = 327680
EPW = EP // NW
NBLK = EPW // EB
HALF = NBLK // 2
RPT = NP // NS

_HIGH = lax.Precision.HIGHEST


def _edge_body(u_hbm, src_hbm, dst_hbm, zeros_hbm, out_hbm,
               sidx, didx, rows0, rows1, acc, sem, gsem0, gsem1):
    c = lax.axis_index("c")
    s = lax.axis_index("s")
    w = c * NS + s

    for k in range(RPT // EB):
        pltpu.async_copy(zeros_hbm, acc.at[pl.ds(s * RPT + k * EB, EB)], sem)
    pltpu.async_copy(src_hbm.at[w, 0], sidx, sem)
    pltpu.async_copy(dst_hbm.at[w, 0], didx, sem)
    for k in range(RPT // EB):
        pltpu.make_async_copy(zeros_hbm, acc.at[pl.ds(s * RPT + k * EB, EB)],
                              sem).wait()
    pltpu.make_async_copy(src_hbm.at[w, 0], sidx, sem).wait()
    pltpu.make_async_copy(dst_hbm.at[w, 0], didx, sem).wait()
    plsc.subcore_barrier()

    def _gather(j, rows, gsem):
        pltpu.async_copy(u_hbm.at[sidx.at[j]], rows, gsem)

    def _gwait(j, rows, gsem):
        pltpu.make_async_copy(u_hbm.at[sidx.at[j]], rows, gsem).wait()

    def _scatter(j, rows):
        pltpu.sync_copy(rows, acc.at[didx.at[j]], add=True)

    for h in range(2):
        _gather(0, rows0, gsem0)

        @pl.loop(0, HALF - 2, step=2)
        def _(j):
            _gwait(j, rows0, gsem0)
            _gather(j + 1, rows1, gsem1)
            _scatter(j, rows0)
            _gwait(j + 1, rows1, gsem1)
            _gather(j + 2, rows0, gsem0)
            _scatter(j + 1, rows1)

        _gwait(HALF - 2, rows0, gsem0)
        _gather(HALF - 1, rows1, gsem1)
        _scatter(HALF - 2, rows0)
        _gwait(HALF - 1, rows1, gsem1)
        _scatter(HALF - 1, rows1)
        if h == 0:
            pltpu.sync_copy(src_hbm.at[w, 1], sidx)
            pltpu.sync_copy(dst_hbm.at[w, 1], didx)

    plsc.subcore_barrier()
    pltpu.sync_copy(acc.at[pl.ds(s * RPT, RPT)], out_hbm.at[c, pl.ds(s * RPT, RPT)])


@functools.cache
def _sc_kernels():
    mesh = plsc.VectorSubcoreMesh(
        core_axis_name="c", subcore_axis_name="s",
        num_cores=NC, num_subcores=NS,
    )
    edge = pl.kernel(
        _edge_body,
        out_type=jax.ShapeDtypeStruct((NC, NP, D), jnp.float32),
        mesh=mesh,
        scratch_types=[
            pltpu.VMEM((HALF, EB), jnp.int32),
            pltpu.VMEM((HALF, EB), jnp.int32),
            pltpu.VMEM((EB, D), jnp.float32),
            pltpu.VMEM((EB, D), jnp.float32),
            pltpu.VMEM_SHARED((NP, D), jnp.float32),
            pltpu.SemaphoreType.DMA,
            pltpu.SemaphoreType.DMA,
            pltpu.SemaphoreType.DMA,
        ],
    )
    return edge


_R = 1024
_NG = NP // _R


def _dinv_of(deg_ref):
    deg = deg_ref[0, :, 0:1] + deg_ref[1, :, 0:1] + 1.0
    return lax.rsqrt(deg)


def _first_body(deg_ref, x_ref, w_ref, o_ref):
    dinv = _dinv_of(deg_ref)
    h = jnp.dot(x_ref[...], w_ref[...], precision=_HIGH,
                preferred_element_type=jnp.float32)
    o_ref[...] = h * dinv


def _fused_body(deg_ref, p_ref, u_ref, b_ref, w_ref, o_ref):
    dinv = _dinv_of(deg_ref)
    agg = dinv * (p_ref[0] + p_ref[1] + u_ref[...]) + b_ref[...]
    y = jnp.maximum(agg, 0.0)
    h = jnp.dot(y, w_ref[...], precision=_HIGH,
                preferred_element_type=jnp.float32)
    o_ref[...] = h * dinv


def _final_body(deg_ref, p_ref, u_ref, b_ref, batch_ref, wout_ref, bout_ref,
                o_ref, sums, cnts):
    i = pl.program_id(0)
    dinv = _dinv_of(deg_ref)
    agg = dinv * (p_ref[0] + p_ref[1] + u_ref[...]) + b_ref[...]
    y = jnp.maximum(agg, 0.0)
    oh = (batch_ref[...] == lax.broadcasted_iota(jnp.int32, (_R, G), 1))
    oh = oh.astype(jnp.float32)
    part = lax.dot_general(oh, y, (((0,), (0,)), ((), ())), precision=_HIGH,
                           preferred_element_type=jnp.float32)
    cpart = jnp.sum(oh, axis=0)[:, None]

    @pl.when(i == 0)
    def _():
        sums[...] = jnp.zeros_like(sums)
        cnts[...] = jnp.zeros_like(cnts)

    sums[...] += part
    cnts[...] += cpart

    @pl.when(i == _NG - 1)
    def _():
        pooled = sums[...] / jnp.maximum(cnts[...], 1.0)
        o_ref[...] = (
            jnp.dot(pooled, wout_ref[...], precision=_HIGH,
                    preferred_element_type=jnp.float32)
            + bout_ref[...]
        )


_deg_spec = pl.BlockSpec((NC, _R, D), lambda i: (0, i, 0))
_row_spec = pl.BlockSpec((_R, D), lambda i: (i, 0))
_p_spec = pl.BlockSpec((NC, _R, D), lambda i: (0, i, 0))
_w_spec = pl.BlockSpec((D, D), lambda i: (0, 0))
_b_spec = pl.BlockSpec((1, D), lambda i: (0, 0))

_first_tc = pl.pallas_call(
    _first_body,
    grid=(_NG,),
    in_specs=[_deg_spec, _row_spec, _w_spec],
    out_specs=_row_spec,
    out_shape=jax.ShapeDtypeStruct((NP, D), jnp.float32),
)

_fused_tc = pl.pallas_call(
    _fused_body,
    grid=(_NG,),
    in_specs=[_deg_spec, _p_spec, _row_spec, _b_spec, _w_spec],
    out_specs=_row_spec,
    out_shape=jax.ShapeDtypeStruct((NP, D), jnp.float32),
)

_final_tc = pl.pallas_call(
    _final_body,
    grid=(_NG,),
    in_specs=[_deg_spec, _p_spec, _row_spec, _b_spec,
              pl.BlockSpec((_R, 1), lambda i: (i, 0)),
              _w_spec, _b_spec],
    out_specs=pl.BlockSpec((G, D), lambda i: (0, 0)),
    out_shape=jax.ShapeDtypeStruct((G, D), jnp.float32),
    scratch_shapes=[pltpu.VMEM((G, D), jnp.float32),
                    pltpu.VMEM((G, 1), jnp.float32)],
)


def kernel(x, edge_index, batch, W1, b1, W2, b2, W3, b3, Wout, bout):
    pad_e = N + jnp.arange(EP - E, dtype=jnp.int32) % (NP - N)
    src = jnp.concatenate([edge_index[0], pad_e]).reshape(NW, 2, HALF, EB)
    dst = jnp.concatenate([edge_index[1], pad_e]).reshape(NW, 2, HALF, EB)
    x_p = jnp.concatenate([x, jnp.zeros((NP - N, D), jnp.float32)], axis=0)
    batch_p = jnp.concatenate(
        [batch, jnp.full((NP - N,), G, dtype=batch.dtype)]
    ).reshape(NP, 1)
    zeros_row = jnp.zeros((EB, D), jnp.float32)
    ones_mat = jnp.ones((NP, D), jnp.float32)
    b1r, b2r, b3r = b1.reshape(1, D), b2.reshape(1, D), b3.reshape(1, D)
    boutr = bout.reshape(1, D)

    edge_k = _sc_kernels()
    degp = edge_k(ones_mat, src, dst, zeros_row)
    u1 = _first_tc(degp, x_p, W1)
    p1 = edge_k(u1, src, dst, zeros_row)
    u2 = _fused_tc(degp, p1, u1, b1r, W2)
    p2 = edge_k(u2, src, dst, zeros_row)
    u3 = _fused_tc(degp, p2, u2, b2r, W3)
    p3 = edge_k(u3, src, dst, zeros_row)
    return _final_tc(degp, p3, u3, b3r, batch_p, Wout, boutr)

# --- scband reference (transcript-rebuilt; emitter-appended) ---
"""Pipeline reference for scband-generator-31756988187185 (READ-ONLY COPY).

The authoritative reference and input builder live on the scoring server;
editing this copy changes nothing except your own understanding.
"""

import jax, jax.numpy as jnp
import numpy as np

N = 10000
E = 320000
D = 128
H = 128
O = 128
G = 64

def setup_inputs(seed: int = 0) -> dict:
    key = jax.random.key(seed)
    ks = jax.random.split(key, 12)
    x = jax.random.normal(ks[0], (N, D), dtype=jnp.float32)
    edge_index = jax.random.randint(ks[1], (2, E), 0, N, dtype=jnp.int32)
    batch = jnp.sort(jax.random.randint(ks[2], (N,), 0, G, dtype=jnp.int32))
    s = 1.0 / np.sqrt(D)
    W1 = jax.random.normal(ks[3], (D, H), dtype=jnp.float32) * s
    b1 = jnp.zeros((H,), dtype=jnp.float32)
    W2 = jax.random.normal(ks[4], (H, H), dtype=jnp.float32) * s
    b2 = jnp.zeros((H,), dtype=jnp.float32)
    W3 = jax.random.normal(ks[5], (H, H), dtype=jnp.float32) * s
    b3 = jnp.zeros((H,), dtype=jnp.float32)
    Wout = jax.random.normal(ks[6], (H, O), dtype=jnp.float32) * s
    bout = jnp.zeros((O,), dtype=jnp.float32)
    return {"x": x, "edge_index": edge_index, "batch": batch,
            "W1": W1, "b1": b1, "W2": W2, "b2": b2, "W3": W3, "b3": b3,
            "Wout": Wout, "bout": bout}

def _gcn_conv(x, edge_index, W, b):
    n = x.shape[0]
    loop = jnp.arange(n, dtype=edge_index.dtype)
    src = jnp.concatenate([edge_index[0], loop])
    dst = jnp.concatenate([edge_index[1], loop])
    deg = jax.ops.segment_sum(jnp.ones_like(dst, dtype=jnp.float32), dst, num_segments=n)
    dinv = jnp.where(deg > 0, jax.lax.rsqrt(jnp.maximum(deg, 1.0)), 0.0)
    norm = dinv[src] * dinv[dst]
    h = x @ W
    msg = h[src] * norm[:, None]
    agg = jax.ops.segment_sum(msg, dst, num_segments=n)
    return agg + b

def reference(x, edge_index, batch, W1, b1, W2, b2, W3, b3, Wout, bout):
    # GCNConv layers with ReLU activation (norm=None, dropout=0 -> no-op in eval)
    h = _gcn_conv(x, edge_index, W1, b1)
    h = jax.nn.relu(h)
    h = _gcn_conv(h, edge_index, W2, b2)
    h = jax.nn.relu(h)
    h = _gcn_conv(h, edge_index, W3, b3)
    h = jax.nn.relu(h)
    # global_mean_pool over batch assignment
    sums = jax.ops.segment_sum(h, batch, num_segments=G)
    counts = jax.ops.segment_sum(jnp.ones((h.shape[0],), dtype=jnp.float32), batch, num_segments=G)
    pooled = sums / jnp.maximum(counts, 1.0)[:, None]
    out = pooled @ Wout + bout
    return out

if __name__ == "__main__":
    import jax
    _d = setup_inputs()
    print(jax.jit(kernel)(*tuple(_d.values())))

</pallas_src>

<mosaic_0001>
#map = affine_map<(d0, d1) -> (0, 0)>
#map1 = affine_map<(d0, d1) -> (0, 0, 0, 0)>
#map2 = affine_map<(d0, d1) -> (0, 0, 0)>
module attributes {stable_mosaic.version = 14 : i64} {
  func.func @_edge_body(%arg0: i32, %arg1: i32, %arg2: memref<10240x128xf32, #tpu.memory_space<hbm>>, %arg3: memref<32x2x40x128xi32, #tpu.memory_space<hbm>>, %arg4: memref<32x2x40x128xi32, #tpu.memory_space<hbm>>, %arg5: memref<128x128xf32, #tpu.memory_space<hbm>>, %arg6: memref<2x10240x128xf32, #tpu.memory_space<hbm>>, %arg7: memref<40x128xi32, #tpu.memory_space<vmem>>, %arg8: memref<40x128xi32, #tpu.memory_space<vmem>>, %arg9: memref<128x128xf32, #tpu.memory_space<vmem>>, %arg10: memref<128x128xf32, #tpu.memory_space<vmem>>, %arg11: memref<10240x128xf32, #tpu.memory_space<vmem_shared>>, %arg12: memref<!tpu.dma_semaphore, #tpu.memory_space<semaphore_mem>>, %arg13: memref<!tpu.dma_semaphore, #tpu.memory_space<semaphore_mem>>, %arg14: memref<!tpu.dma_semaphore, #tpu.memory_space<semaphore_mem>>) attributes {dimension_semantics = [#tpu.dimension_semantics<core_parallel>, #tpu.dimension_semantics<subcore_parallel>], iteration_bounds = array<i64: 2, 16>, scalar_prefetch = 0 : i64, scratch_operands = 8 : i64, tpu.core_type = #tpu.core_type<sc_vector_subcore>, window_params = [{transform_indices = #map}, {transform_indices = #map1}, {transform_indices = #map1}, {transform_indices = #map}, {transform_indices = #map2}]} {
    %mul3A = arith.constant 16 : i32
    %mul3A_0 = arith.muli %arg0, %mul3A : i32
    %add3A = arith.addi %mul3A_0, %arg1 : i32
    %mul3A_1 = arith.constant 640 : i32
    %mul3A_2 = arith.muli %arg1, %mul3A_1 : i32
    %add3A_3 = arith.constant 0 : i32
    %add3A_4 = arith.addi %mul3A_2, %add3A_3 : i32
    %dma_start3A = arith.constant 0 : i32
    %dma_start3A_5 = tpu.memref_slice %arg11[%add3A_4, %dma_start3A] : memref<10240x128xf32, #tpu.memory_space<vmem_shared>> -> memref<128x128xf32, #tpu.memory_space<vmem_shared>>
    tpu.enqueue_dma source(%arg5 : memref<128x128xf32, #tpu.memory_space<hbm>>) target(%dma_start3A_5 : memref<128x128xf32, #tpu.memory_space<vmem_shared>>) target_semaphore(%arg12 : memref<!tpu.dma_semaphore, #tpu.memory_space<semaphore_mem>>)
    %mul3A_6 = arith.constant 640 : i32
    %mul3A_7 = arith.muli %arg1, %mul3A_6 : i32
    %add3A_8 = arith.constant 128 : i32
    %add3A_9 = arith.addi %mul3A_7, %add3A_8 : i32
    %dma_start3A_10 = arith.constant 0 : i32
    %dma_start3A_11 = tpu.memref_slice %arg11[%add3A_9, %dma_start3A_10] : memref<10240x128xf32, #tpu.memory_space<vmem_shared>> -> memref<128x128xf32, #tpu.memory_space<vmem_shared>>
    tpu.enqueue_dma source(%arg5 : memref<128x128xf32, #tpu.memory_space<hbm>>) target(%dma_start3A_11 : memref<128x128xf32, #tpu.memory_space<vmem_shared>>) target_semaphore(%arg12 : memref<!tpu.dma_semaphore, #tpu.memory_space<semaphore_mem>>)
    %mul3A_12 = arith.constant 640 : i32
    %mul3A_13 = arith.muli %arg1, %mul3A_12 : i32
    %add3A_14 = arith.constant 256 : i32
    %add3A_15 = arith.addi %mul3A_13, %add3A_14 : i32
    %dma_start3A_16 = arith.constant 0 : i32
    %dma_start3A_17 = tpu.memref_slice %arg11[%add3A_15, %dma_start3A_16] : memref<10240x128xf32, #tpu.memory_space<vmem_shared>> -> memref<128x128xf32, #tpu.memory_space<vmem_shared>>
    tpu.enqueue_dma source(%arg5 : memref<128x128xf32, #tpu.memory_space<hbm>>) target(%dma_start3A_17 : memref<128x128xf32, #tpu.memory_space<vmem_shared>>) target_semaphore(%arg12 : memref<!tpu.dma_semaphore, #tpu.memory_space<semaphore_mem>>)
    %mul3A_18 = arith.constant 640 : i32
    %mul3A_19 = arith.muli %arg1, %mul3A_18 : i32
    %add3A_20 = arith.constant 384 : i32
    %add3A_21 = arith.addi %mul3A_19, %add3A_20 : i32
    %dma_start3A_22 = arith.constant 0 : i32
    %dma_start3A_23 = tpu.memref_slice %arg11[%add3A_21, %dma_start3A_22] : memref<10240x128xf32, #tpu.memory_space<vmem_shared>> -> memref<128x128xf32, #tpu.memory_space<vmem_shared>>
    tpu.enqueue_dma source(%arg5 : memref<128x128xf32, #tpu.memory_space<hbm>>) target(%dma_start3A_23 : memref<128x128xf32, #tpu.memory_space<vmem_shared>>) target_semaphore(%arg12 : memref<!tpu.dma_semaphore, #tpu.memory_space<semaphore_mem>>)
    %mul3A_24 = arith.constant 640 : i32
    %mul3A_25 = arith.muli %arg1, %mul3A_24 : i32
    %add3A_26 = arith.constant 512 : i32
    %add3A_27 = arith.addi %mul3A_25, %add3A_26 : i32
    %dma_start3A_28 = arith.constant 0 : i32
    %dma_start3A_29 = tpu.memref_slice %arg11[%add3A_27, %dma_start3A_28] : memref<10240x128xf32, #tpu.memory_space<vmem_shared>> -> memref<128x128xf32, #tpu.memory_space<vmem_shared>>
    tpu.enqueue_dma source(%arg5 : memref<128x128xf32, #tpu.memory_space<hbm>>) target(%dma_start3A_29 : memref<128x128xf32, #tpu.memory_space<vmem_shared>>) target_semaphore(%arg12 : memref<!tpu.dma_semaphore, #tpu.memory_space<semaphore_mem>>)
    %dma_start3A_30 = arith.constant 0 : i32
    %dma_start3A_31 = arith.constant 0 : i32
    %dma_start3A_32 = arith.constant 0 : i32
    %dma_start3A_33 = tpu.memref_slice %arg3[%add3A, %dma_start3A_30, %dma_start3A_31, %dma_start3A_32] : memref<32x2x40x128xi32, #tpu.memory_space<hbm>> -> memref<1x1x40x128xi32, #tpu.memory_space<hbm>>
    %dma_start3A_34 = tpu.memref_squeeze %dma_start3A_33 : memref<1x1x40x128xi32, #tpu.memory_space<hbm>> -> memref<40x128xi32, #tpu.memory_space<hbm>>
    %dma_start3A_35 = arith.constant 0 : i32
    %dma_start3A_36 = arith.constant 0 : i32
    %dma_start3A_37 = tpu.memref_slice %arg3[%add3A, %dma_start3A_30, %dma_start3A_35, %dma_start3A_36] : memref<32x2x40x128xi32, #tpu.memory_space<hbm>> -> memref<1x1x40x128xi32, #tpu.memory_space<hbm>>
    %dma_start3A_38 = tpu.memref_squeeze %dma_start3A_37 : memref<1x1x40x128xi32, #tpu.memory_space<hbm>> -> memref<40x128xi32, #tpu.memory_space<hbm>>
    tpu.enqueue_dma source(%dma_start3A_38 : memref<40x128xi32, #tpu.memory_space<hbm>>) target(%arg7 : memref<40x128xi32, #tpu.memory_space<vmem>>) target_semaphore(%arg12 : memref<!tpu.dma_semaphore, #tpu.memory_space<semaphore_mem>>)
    %dma_start3A_39 = arith.constant 0 : i32
    %dma_start3A_40 = arith.constant 0 : i32
    %dma_start3A_41 = arith.constant 0 : i32
    %dma_start3A_42 = tpu.memref_slice %arg4[%add3A, %dma_start3A_39, %dma_start3A_40, %dma_start3A_41] : memref<32x2x40x128xi32, #tpu.memory_space<hbm>> -> memref<1x1x40x128xi32, #tpu.memory_space<hbm>>
    %dma_start3A_43 = tpu.memref_squeeze %dma_start3A_42 : memref<1x1x40x128xi32, #tpu.memory_space<hbm>> -> memref<40x128xi32, #tpu.memory_space<hbm>>
    %dma_start3A_44 = arith.constant 0 : i32
    %dma_start3A_45 = arith.constant 0 : i32
    %dma_start3A_46 = tpu.memref_slice %arg4[%add3A, %dma_start3A_39, %dma_start3A_44, %dma_start3A_45] : memref<32x2x40x128xi32, #tpu.memory_space<hbm>> -> memref<1x1x40x128xi32, #tpu.memory_space<hbm>>
    %dma_start3A_47 = tpu.memref_squeeze %dma_start3A_46 : memref<1x1x40x128xi32, #tpu.memory_space<hbm>> -> memref<40x128xi32, #tpu.memory_space<hbm>>
    tpu.enqueue_dma source(%dma_start3A_47 : memref<40x128xi32, #tpu.memory_space<hbm>>) target(%arg8 : memref<40x128xi32, #tpu.memory_space<vmem>>) target_semaphore(%arg12 : memref<!tpu.dma_semaphore, #tpu.memory_space<semaphore_mem>>)
    %mul3A_48 = arith.constant 640 : i32
    %mul3A_49 = arith.muli %arg1, %mul3A_48 : i32
    %add3A_50 = arith.constant 0 : i32
    %add3A_51 = arith.addi %mul3A_49, %add3A_50 : i32
    %dma_wait3A = arith.constant 0 : i32
    %dma_wait3A_52 = tpu.memref_slice %arg11[%add3A_51, %dma_wait3A] : memref<10240x128xf32, #tpu.memory_space<vmem_shared>> -> memref<128x128xf32, #tpu.memory_space<vmem_shared>>
    tpu.wait_dma2 semaphore(%arg12 : memref<!tpu.dma_semaphore, #tpu.memory_space<semaphore_mem>>) src(%arg5 : memref<128x128xf32, #tpu.memory_space<hbm>>) dst(%dma_wait3A_52 : memref<128x128xf32, #tpu.memory_space<vmem_shared>>)
    %mul3A_53 = arith.constant 640 : i32
    %mul3A_54 = arith.muli %arg1, %mul3A_53 : i32
    %add3A_55 = arith.constant 128 : i32
    %add3A_56 = arith.addi %mul3A_54, %add3A_55 : i32
    %dma_wait3A_57 = arith.constant 0 : i32
    %dma_wait3A_58 = tpu.memref_slice %arg11[%add3A_56, %dma_wait3A_57] : memref<10240x128xf32, #tpu.memory_space<vmem_shared>> -> memref<128x128xf32, #tpu.memory_space<vmem_shared>>
    tpu.wait_dma2 semaphore(%arg12 : memref<!tpu.dma_semaphore, #tpu.memory_space<semaphore_mem>>) src(%arg5 : memref<128x128xf32, #tpu.memory_space<hbm>>) dst(%dma_wait3A_58 : memref<128x128xf32, #tpu.memory_space<vmem_shared>>)
    %mul3A_59 = arith.constant 640 : i32
    %mul3A_60 = arith.muli %arg1, %mul3A_59 : i32
    %add3A_61 = arith.constant 256 : i32
    %add3A_62 = arith.addi %mul3A_60, %add3A_61 : i32
    %dma_wait3A_63 = arith.constant 0 : i32
    %dma_wait3A_64 = tpu.memref_slice %arg11[%add3A_62, %dma_wait3A_63] : memref<10240x128xf32, #tpu.memory_space<vmem_shared>> -> memref<128x128xf32, #tpu.memory_space<vmem_shared>>
    tpu.wait_dma2 semaphore(%arg12 : memref<!tpu.dma_semaphore, #tpu.memory_space<semaphore_mem>>) src(%arg5 : memref<128x128xf32, #tpu.memory_space<hbm>>) dst(%dma_wait3A_64 : memref<128x128xf32, #tpu.memory_space<vmem_shared>>)
    %mul3A_65 = arith.constant 640 : i32
    %mul3A_66 = arith.muli %arg1, %mul3A_65 : i32
    %add3A_67 = arith.constant 384 : i32
    %add3A_68 = arith.addi %mul3A_66, %add3A_67 : i32
    %dma_wait3A_69 = arith.constant 0 : i32
    %dma_wait3A_70 = tpu.memref_slice %arg11[%add3A_68, %dma_wait3A_69] : memref<10240x128xf32, #tpu.memory_space<vmem_shared>> -> memref<128x128xf32, #tpu.memory_space<vmem_shared>>
    tpu.wait_dma2 semaphore(%arg12 : memref<!tpu.dma_semaphore, #tpu.memory_space<semaphore_mem>>) src(%arg5 : memref<128x128xf32, #tpu.memory_space<hbm>>) dst(%dma_wait3A_70 : memref<128x128xf32, #tpu.memory_space<vmem_shared>>)
    %mul3A_71 = arith.constant 640 : i32
    %mul3A_72 = arith.muli %arg1, %mul3A_71 : i32
    %add3A_73 = arith.constant 512 : i32
    %add3A_74 = arith.addi %mul3A_72, %add3A_73 : i32
    %dma_wait3A_75 = arith.constant 0 : i32
    %dma_wait3A_76 = tpu.memref_slice %arg11[%add3A_74, %dma_wait3A_75] : memref<10240x128xf32, #tpu.memory_space<vmem_shared>> -> memref<128x128xf32, #tpu.memory_space<vmem_shared>>
    tpu.wait_dma2 semaphore(%arg12 : memref<!tpu.dma_semaphore, #tpu.memory_space<semaphore_mem>>) src(%arg5 : memref<128x128xf32, #tpu.memory_space<hbm>>) dst(%dma_wait3A_76 : memref<128x128xf32, #tpu.memory_space<vmem_shared>>)
    %dma_wait3A_77 = arith.constant 0 : i32
    %dma_wait3A_78 = arith.constant 0 : i32
    %dma_wait3A_79 = arith.constant 0 : i32
    %dma_wait3A_80 = tpu.memref_slice %arg3[%add3A, %dma_wait3A_77, %dma_wait3A_78, %dma_wait3A_79] : memref<32x2x40x128xi32, #tpu.memory_space<hbm>> -> memref<1x1x40x128xi32, #tpu.memory_space<hbm>>
    %dma_wait3A_81 = tpu.memref_squeeze %dma_wait3A_80 : memref<1x1x40x128xi32, #tpu.memory_space<hbm>> -> memref<40x128xi32, #tpu.memory_space<hbm>>
    %dma_wait3A_82 = arith.constant 0 : i32
    %dma_wait3A_83 = arith.constant 0 : i32
    %dma_wait3A_84 = tpu.memref_slice %arg3[%add3A, %dma_wait3A_77, %dma_wait3A_82, %dma_wait3A_83] : memref<32x2x40x128xi32, #tpu.memory_space<hbm>> -> memref<1x1x40x128xi32, #tpu.memory_space<hbm>>
    %dma_wait3A_85 = tpu.memref_squeeze %dma_wait3A_84 : memref<1x1x40x128xi32, #tpu.memory_space<hbm>> -> memref<40x128xi32, #tpu.memory_space<hbm>>
    tpu.wait_dma2 semaphore(%arg12 : memref<!tpu.dma_semaphore, #tpu.memory_space<semaphore_mem>>) src(%dma_wait3A_85 : memref<40x128xi32, #tpu.memory_space<hbm>>) dst(%arg7 : memref<40x128xi32, #tpu.memory_space<vmem>>)
    %dma_wait3A_86 = arith.constant 0 : i32
    %dma_wait3A_87 = arith.constant 0 : i32
    %dma_wait3A_88 = arith.constant 0 : i32
    %dma_wait3A_89 = tpu.memref_slice %arg4[%add3A, %dma_wait3A_86, %dma_wait3A_87, %dma_wait3A_88] : memref<32x2x40x128xi32, #tpu.memory_space<hbm>> -> memref<1x1x40x128xi32, #tpu.memory_space<hbm>>
    %dma_wait3A_90 = tpu.memref_squeeze %dma_wait3A_89 : memref<1x1x40x128xi32, #tpu.memory_space<hbm>> -> memref<40x128xi32, #tpu.memory_space<hbm>>
    %dma_wait3A_91 = arith.constant 0 : i32
    %dma_wait3A_92 = arith.constant 0 : i32
    %dma_wait3A_93 = tpu.memref_slice %arg4[%add3A, %dma_wait3A_86, %dma_wait3A_91, %dma_wait3A_92] : memref<32x2x40x128xi32, #tpu.memory_space<hbm>> -> memref<1x1x40x128xi32, #tpu.memory_space<hbm>>
    %dma_wait3A_94 = tpu.memref_squeeze %dma_wait3A_93 : memref<1x1x40x128xi32, #tpu.memory_space<hbm>> -> memref<40x128xi32, #tpu.memory_space<hbm>>
    tpu.wait_dma2 semaphore(%arg12 : memref<!tpu.dma_semaphore, #tpu.memory_space<semaphore_mem>>) src(%dma_wait3A_94 : memref<40x128xi32, #tpu.memory_space<hbm>>) dst(%arg8 : memref<40x128xi32, #tpu.memory_space<vmem>>)
    %barrier3A = arith.constant 0 : index
    tpu.barrier barrier_id(%barrier3A)
    %dma_start3A_95 = arith.constant 0 : i32
    %dma_start3A_96 = arith.constant 0 : i32
    %dma_start3A_97 = tpu.memref_slice %arg7[%dma_start3A_95, %dma_start3A_96] : memref<40x128xi32, #tpu.memory_space<vmem>> -> memref<1x128xi32, #tpu.memory_space<vmem>>
    %dma_start3A_98 = tpu.memref_squeeze %dma_start3A_97 : memref<1x128xi32, #tpu.memory_space<vmem>> -> memref<128xi32, #tpu.memory_space<vmem>>
    %dma_start3A_99 = arith.constant 0 : i32
    %dma_start3A_100 = arith.constant 0 : i32
    %dma_start3A_101 = tpu.memref_slice %arg2[%dma_start3A_99, %dma_start3A_100] : memref<10240x128xf32, #tpu.memory_space<hbm>> -> memref<10240x128xf32, #tpu.memory_space<hbm>>
    tpu.enqueue_indirect_dma source(%dma_start3A_101 : memref<10240x128xf32, #tpu.memory_space<hbm>>) target(%arg9 : memref<128x128xf32, #tpu.memory_space<vmem>>) offsets(%dma_start3A_98 : memref<128xi32, #tpu.memory_space<vmem>>) semaphore(%arg13 : memref<!tpu.dma_semaphore, #tpu.memory_space<semaphore_mem>>)
    %scan3A = arith.constant 0 : i32
    %scan3A_102 = arith.constant 19 : i32
    %scan3A_103 = arith.addi %scan3A, %scan3A_102 : i32
    %scan3A_104 = arith.constant 1 : i32
    scf.for %scan3A_170 = %scan3A to %scan3A_103 step %scan3A_104  : i32 {
      %mul3A_171 = arith.constant 2 : i32
      %mul3A_172 = arith.muli %scan3A_170, %mul3A_171 : i32
      %add3A_173 = arith.constant 0 : i32
      %add3A_174 = arith.addi %add3A_173, %mul3A_172 : i32
      %dma_wait3A_175 = arith.constant 0 : i32
      %dma_wait3A_176 = tpu.memref_slice %arg7[%add3A_174, %dma_wait3A_175] : memref<40x128xi32, #tpu.memory_space<vmem>> -> memref<1x128xi32, #tpu.memory_space<vmem>>
      %dma_wait3A_177 = tpu.memref_squeeze %dma_wait3A_176 : memref<1x128xi32, #tpu.memory_space<vmem>> -> memref<128xi32, #tpu.memory_space<vmem>>
      %dma_wait3A_178 = arith.constant 0 : i32
      %dma_wait3A_179 = arith.constant 0 : i32
      %dma_wait3A_180 = tpu.memref_slice %arg2[%dma_wait3A_178, %dma_wait3A_179] : memref<10240x128xf32, #tpu.memory_space<hbm>> -> memref<10240x128xf32, #tpu.memory_space<hbm>>
      tpu.wait_indirect_dma semaphore(%arg13 : memref<!tpu.dma_semaphore, #tpu.memory_space<semaphore_mem>>) src(%dma_wait3A_180 : memref<10240x128xf32, #tpu.memory_space<hbm>>) dst(%arg9 : memref<128x128xf32, #tpu.memory_space<vmem>>)
      %add3A_181 = arith.constant 1 : i32
      %add3A_182 = arith.addi %add3A_174, %add3A_181 : i32
      %dma_start3A_183 = arith.constant 0 : i32
      %dma_start3A_184 = tpu.memref_slice %arg7[%add3A_182, %dma_start3A_183] : memref<40x128xi32, #tpu.memory_space<vmem>> -> memref<1x128xi32, #tpu.memory_space<vmem>>
      %dma_start3A_185 = tpu.memref_squeeze %dma_start3A_184 : memref<1x128xi32, #tpu.memory_space<vmem>> -> memref<128xi32, #tpu.memory_space<vmem>>
      %dma_start3A_186 = arith.constant 0 : i32
      %dma_start3A_187 = arith.constant 0 : i32
      %dma_start3A_188 = tpu.memref_slice %arg2[%dma_start3A_186, %dma_start3A_187] : memref<10240x128xf32, #tpu.memory_space<hbm>> -> memref<10240x128xf32, #tpu.memory_space<hbm>>
      tpu.enqueue_indirect_dma source(%dma_start3A_188 : memref<10240x128xf32, #tpu.memory_space<hbm>>) target(%arg10 : memref<128x128xf32, #tpu.memory_space<vmem>>) offsets(%dma_start3A_185 : memref<128xi32, #tpu.memory_space<vmem>>) semaphore(%arg14 : memref<!tpu.dma_semaphore, #tpu.memory_space<semaphore_mem>>)
      "tpu.region"() ({
        %run_scoped3A_207 = tpu.sem_alloc : memref<!tpu.dma_semaphore, #tpu.memory_space<semaphore_mem>>
        %dma_start3A_208 = arith.constant 0 : i32
        %dma_start3A_209 = tpu.memref_slice %arg8[%add3A_174, %dma_start3A_208] : memref<40x128xi32, #tpu.memory_space<vmem>> -> memref<1x128xi32, #tpu.memory_space<vmem>>
        %dma_start3A_210 = tpu.memref_squeeze %dma_start3A_209 : memref<1x128xi32, #tpu.memory_space<vmem>> -> memref<128xi32, #tpu.memory_space<vmem>>
        %dma_start3A_211 = arith.constant 0 : i32
        %dma_start3A_212 = arith.constant 0 : i32
        %dma_start3A_213 = tpu.memref_slice %arg11[%dma_start3A_211, %dma_start3A_212] : memref<10240x128xf32, #tpu.memory_space<vmem_shared>> -> memref<10240x128xf32, #tpu.memory_space<vmem_shared>>
        tpu.enqueue_indirect_dma source(%arg9 : memref<128x128xf32, #tpu.memory_space<vmem>>) target(%dma_start3A_213 : memref<10240x128xf32, #tpu.memory_space<vmem_shared>>) offsets(%dma_start3A_210 : memref<128xi32, #tpu.memory_space<vmem>>) semaphore(%run_scoped3A_207 : memref<!tpu.dma_semaphore, #tpu.memory_space<semaphore_mem>>) {add = true}
        %dma_wait3A_214 = arith.constant 0 : i32
        %dma_wait3A_215 = tpu.memref_slice %arg8[%add3A_174, %dma_wait3A_214] : memref<40x128xi32, #tpu.memory_space<vmem>> -> memref<1x128xi32, #tpu.memory_space<vmem>>
        %dma_wait3A_216 = tpu.memref_squeeze %dma_wait3A_215 : memref<1x128xi32, #tpu.memory_space<vmem>> -> memref<128xi32, #tpu.memory_space<vmem>>
        %dma_wait3A_217 = arith.constant 0 : i32
        %dma_wait3A_218 = arith.constant 0 : i32
        %dma_wait3A_219 = tpu.memref_slice %arg11[%dma_wait3A_217, %dma_wait3A_218] : memref<10240x128xf32, #tpu.memory_space<vmem_shared>> -> memref<10240x128xf32, #tpu.memory_space<vmem_shared>>
        tpu.wait_indirect_dma semaphore(%run_scoped3A_207 : memref<!tpu.dma_semaphore, #tpu.memory_space<semaphore_mem>>) src(%arg9 : memref<128x128xf32, #tpu.memory_space<vmem>>) dst(%dma_wait3A_219 : memref<10240x128xf32, #tpu.memory_space<vmem_shared>>)
        tpu.yield
      }) : () -> ()
      %add3A_189 = arith.constant 1 : i32
      %add3A_190 = arith.addi %add3A_174, %add3A_189 : i32
      %dma_wait3A_191 = arith.constant 0 : i32
      %dma_wait3A_192 = tpu.memref_slice %arg7[%add3A_190, %dma_wait3A_191] : memref<40x128xi32, #tpu.memory_space<vmem>> -> memref<1x128xi32, #tpu.memory_space<vmem>>
      %dma_wait3A_193 = tpu.memref_squeeze %dma_wait3A_192 : memref<1x128xi32, #tpu.memory_space<vmem>> -> memref<128xi32, #tpu.memory_space<vmem>>
      %dma_wait3A_194 = arith.constant 0 : i32
      %dma_wait3A_195 = arith.constant 0 : i32
      %dma_wait3A_196 = tpu.memref_slice %arg2[%dma_wait3A_194, %dma_wait3A_195] : memref<10240x128xf32, #tpu.memory_space<hbm>> -> memref<10240x128xf32, #tpu.memory_space<hbm>>
      tpu.wait_indirect_dma semaphore(%arg14 : memref<!tpu.dma_semaphore, #tpu.memory_space<semaphore_mem>>) src(%dma_wait3A_196 : memref<10240x128xf32, #tpu.memory_space<hbm>>) dst(%arg10 : memref<128x128xf32, #tpu.memory_space<vmem>>)
      %add3A_197 = arith.constant 2 : i32
      %add3A_198 = arith.addi %add3A_174, %add3A_197 : i32
      %dma_start3A_199 = arith.constant 0 : i32
      %dma_start3A_200 = tpu.memref_slice %arg7[%add3A_198, %dma_start3A_199] : memref<40x128xi32, #tpu.memory_space<vmem>> -> memref<1x128xi32, #tpu.memory_space<vmem>>
      %dma_start3A_201 = tpu.memref_squeeze %dma_start3A_200 : memref<1x128xi32, #tpu.memory_space<vmem>> -> memref<128xi32, #tpu.memory_space<vmem>>
      %dma_start3A_202 = arith.constant 0 : i32
      %dma_start3A_203 = arith.constant 0 : i32
      %dma_start3A_204 = tpu.memref_slice %arg2[%dma_start3A_202, %dma_start3A_203] : memref<10240x128xf32, #tpu.memory_space<hbm>> -> memref<10240x128xf32, #tpu.memory_space<hbm>>
      tpu.enqueue_indirect_dma source(%dma_start3A_204 : memref<10240x128xf32, #tpu.memory_space<hbm>>) target(%arg9 : memref<128x128xf32, #tpu.memory_space<vmem>>) offsets(%dma_start3A_201 : memref<128xi32, #tpu.memory_space<vmem>>) semaphore(%arg13 : memref<!tpu.dma_semaphore, #tpu.memory_space<semaphore_mem>>)
      %add3A_205 = arith.constant 1 : i32
      %add3A_206 = arith.addi %add3A_174, %add3A_205 : i32
      "tpu.region"() ({
        %run_scoped3A_207 = tpu.sem_alloc : memref<!tpu.dma_semaphore, #tpu.memory_space<semaphore_mem>>
        %dma_start3A_208 = arith.constant 0 : i32
        %dma_start3A_209 = tpu.memref_slice %arg8[%add3A_206, %dma_start3A_208] : memref<40x128xi32, #tpu.memory_space<vmem>> -> memref<1x128xi32, #tpu.memory_space<vmem>>
        %dma_start3A_210 = tpu.memref_squeeze %dma_start3A_209 : memref<1x128xi32, #tpu.memory_space<vmem>> -> memref<128xi32, #tpu.memory_space<vmem>>
        %dma_start3A_211 = arith.constant 0 : i32
        %dma_start3A_212 = arith.constant 0 : i32
        %dma_start3A_213 = tpu.memref_slice %arg11[%dma_start3A_211, %dma_start3A_212] : memref<10240x128xf32, #tpu.memory_space<vmem_shared>> -> memref<10240x128xf32, #tpu.memory_space<vmem_shared>>
        tpu.enqueue_indirect_dma source(%arg10 : memref<128x128xf32, #tpu.memory_space<vmem>>) target(%dma_start3A_213 : memref<10240x128xf32, #tpu.memory_space<vmem_shared>>) offsets(%dma_start3A_210 : memref<128xi32, #tpu.memory_space<vmem>>) semaphore(%run_scoped3A_207 : memref<!tpu.dma_semaphore, #tpu.memory_space<semaphore_mem>>) {add = true}
        %dma_wait3A_214 = arith.constant 0 : i32
        %dma_wait3A_215 = tpu.memref_slice %arg8[%add3A_206, %dma_wait3A_214] : memref<40x128xi32, #tpu.memory_space<vmem>> -> memref<1x128xi32, #tpu.memory_space<vmem>>
        %dma_wait3A_216 = tpu.memref_squeeze %dma_wait3A_215 : memref<1x128xi32, #tpu.memory_space<vmem>> -> memref<128xi32, #tpu.memory_space<vmem>>
        %dma_wait3A_217 = arith.constant 0 : i32
        %dma_wait3A_218 = arith.constant 0 : i32
        %dma_wait3A_219 = tpu.memref_slice %arg11[%dma_wait3A_217, %dma_wait3A_218] : memref<10240x128xf32, #tpu.memory_space<vmem_shared>> -> memref<10240x128xf32, #tpu.memory_space<vmem_shared>>
        tpu.wait_indirect_dma semaphore(%run_scoped3A_207 : memref<!tpu.dma_semaphore, #tpu.memory_space<semaphore_mem>>) src(%arg10 : memref<128x128xf32, #tpu.memory_space<vmem>>) dst(%dma_wait3A_219 : memref<10240x128xf32, #tpu.memory_space<vmem_shared>>)
        tpu.yield
      }) : () -> ()
    }
    %scan3A_105 = arith.constant 19 : i32
    %dma_wait3A_106 = arith.constant 38 : i32
    %dma_wait3A_107 = arith.constant 0 : i32
    %dma_wait3A_108 = tpu.memref_slice %arg7[%dma_wait3A_106, %dma_wait3A_107] : memref<40x128xi32, #tpu.memory_space<vmem>> -> memref<1x128xi32, #tpu.memory_space<vmem>>
    %dma_wait3A_109 = tpu.memref_squeeze %dma_wait3A_108 : memref<1x128xi32, #tpu.memory_space<vmem>> -> memref<128xi32, #tpu.memory_space<vmem>>
    %dma_wait3A_110 = arith.constant 0 : i32
    %dma_wait3A_111 = arith.constant 0 : i32
    %dma_wait3A_112 = tpu.memref_slice %arg2[%dma_wait3A_110, %dma_wait3A_111] : memref<10240x128xf32, #tpu.memory_space<hbm>> -> memref<10240x128xf32, #tpu.memory_space<hbm>>
    tpu.wait_indirect_dma semaphore(%arg13 : memref<!tpu.dma_semaphore, #tpu.memory_space<semaphore_mem>>) src(%dma_wait3A_112 : memref<10240x128xf32, #tpu.memory_space<hbm>>) dst(%arg9 : memref<128x128xf32, #tpu.memory_space<vmem>>)
    %dma_start3A_113 = arith.constant 39 : i32
    %dma_start3A_114 = arith.constant 0 : i32
    %dma_start3A_115 = tpu.memref_slice %arg7[%dma_start3A_113, %dma_start3A_114] : memref<40x128xi32, #tpu.memory_space<vmem>> -> memref<1x128xi32, #tpu.memory_space<vmem>>
    %dma_start3A_116 = tpu.memref_squeeze %dma_start3A_115 : memref<1x128xi32, #tpu.memory_space<vmem>> -> memref<128xi32, #tpu.memory_space<vmem>>
    %dma_start3A_117 = arith.constant 0 : i32
    %dma_start3A_118 = arith.constant 0 : i32
    %dma_start3A_119 = tpu.memref_slice %arg2[%dma_start3A_117, %dma_start3A_118] : memref<10240x128xf32, #tpu.memory_space<hbm>> -> memref<10240x128xf32, #tpu.memory_space<hbm>>
    tpu.enqueue_indirect_dma source(%dma_start3A_119 : memref<10240x128xf32, #tpu.memory_space<hbm>>) target(%arg10 : memref<128x128xf32, #tpu.memory_space<vmem>>) offsets(%dma_start3A_116 : memref<128xi32, #tpu.memory_space<vmem>>) semaphore(%arg14 : memref<!tpu.dma_semaphore, #tpu.memory_space<semaphore_mem>>)
    %run_scoped3A = arith.constant 38 : i32
    "tpu.region"() ({
      %run_scoped3A_170 = tpu.sem_alloc : memref<!tpu.dma_semaphore, #tpu.memory_space<semaphore_mem>>
      %dma_start3A_171 = arith.constant 0 : i32
      %dma_start3A_172 = tpu.memref_slice %arg8[%run_scoped3A, %dma_start3A_171] : memref<40x128xi32, #tpu.memory_space<vmem>> -> memref<1x128xi32, #tpu.memory_space<vmem>>
      %dma_start3A_173 = tpu.memref_squeeze %dma_start3A_172 : memref<1x128xi32, #tpu.memory_space<vmem>> -> memref<128xi32, #tpu.memory_space<vmem>>
      %dma_start3A_174 = arith.constant 0 : i32
      %dma_start3A_175 = arith.constant 0 : i32
      %dma_start3A_176 = tpu.memref_slice %arg11[%dma_start3A_174, %dma_start3A_175] : memref<10240x128xf32, #tpu.memory_space<vmem_shared>> -> memref<10240x128xf32, #tpu.memory_space<vmem_shared>>
      tpu.enqueue_indirect_dma source(%arg9 : memref<128x128xf32, #tpu.memory_space<vmem>>) target(%dma_start3A_176 : memref<10240x128xf32, #tpu.memory_space<vmem_shared>>) offsets(%dma_start3A_173 : memref<128xi32, #tpu.memory_space<vmem>>) semaphore(%run_scoped3A_170 : memref<!tpu.dma_semaphore, #tpu.memory_space<semaphore_mem>>) {add = true}
      %dma_wait3A_177 = arith.constant 0 : i32
      %dma_wait3A_178 = tpu.memref_slice %arg8[%run_scoped3A, %dma_wait3A_177] : memref<40x128xi32, #tpu.memory_space<vmem>> -> memref<1x128xi32, #tpu.memory_space<vmem>>
      %dma_wait3A_179 = tpu.memref_squeeze %dma_wait3A_178 : memref<1x128xi32, #tpu.memory_space<vmem>> -> memref<128xi32, #tpu.memory_space<vmem>>
      %dma_wait3A_180 = arith.constant 0 : i32
      %dma_wait3A_181 = arith.constant 0 : i32
      %dma_wait3A_182 = tpu.memref_slice %arg11[%dma_wait3A_180, %dma_wait3A_181] : memref<10240x128xf32, #tpu.memory_space<vmem_shared>> -> memref<10240x128xf32, #tpu.memory_space<vmem_shared>>
      tpu.wait_indirect_dma semaphore(%run_scoped3A_170 : memref<!tpu.dma_semaphore, #tpu.memory_space<semaphore_mem>>) src(%arg9 : memref<128x128xf32, #tpu.memory_space<vmem>>) dst(%dma_wait3A_182 : memref<10240x128xf32, #tpu.memory_space<vmem_shared>>)
      tpu.yield
    }) : () -> ()
    %dma_wait3A_120 = arith.constant 39 : i32
    %dma_wait3A_121 = arith.constant 0 : i32
    %dma_wait3A_122 = tpu.memref_slice %arg7[%dma_wait3A_120, %dma_wait3A_121] : memref<40x128xi32, #tpu.memory_space<vmem>> -> memref<1x128xi32, #tpu.memory_space<vmem>>
    %dma_wait3A_123 = tpu.memref_squeeze %dma_wait3A_122 : memref<1x128xi32, #tpu.memory_space<vmem>> -> memref<128xi32, #tpu.memory_space<vmem>>
    %dma_wait3A_124 = arith.constant 0 : i32
    %dma_wait3A_125 = arith.constant 0 : i32
    %dma_wait3A_126 = tpu.memref_slice %arg2[%dma_wait3A_124, %dma_wait3A_125] : memref<10240x128xf32, #tpu.memory_space<hbm>> -> memref<10240x128xf32, #tpu.memory_space<hbm>>
    tpu.wait_indirect_dma semaphore(%arg14 : memref<!tpu.dma_semaphore, #tpu.memory_space<semaphore_mem>>) src(%dma_wait3A_126 : memref<10240x128xf32, #tpu.memory_space<hbm>>) dst(%arg10 : memref<128x128xf32, #tpu.memory_space<vmem>>)
    %run_scoped3A_127 = arith.constant 39 : i32
    "tpu.region"() ({
      %run_scoped3A_170 = tpu.sem_alloc : memref<!tpu.dma_semaphore, #tpu.memory_space<semaphore_mem>>
      %dma_start3A_171 = arith.constant 0 : i32
      %dma_start3A_172 = tpu.memref_slice %arg8[%run_scoped3A_127, %dma_start3A_171] : memref<40x128xi32, #tpu.memory_space<vmem>> -> memref<1x128xi32, #tpu.memory_space<vmem>>
      %dma_start3A_173 = tpu.memref_squeeze %dma_start3A_172 : memref<1x128xi32, #tpu.memory_space<vmem>> -> memref<128xi32, #tpu.memory_space<vmem>>
      %dma_start3A_174 = arith.constant 0 : i32
      %dma_start3A_175 = arith.constant 0 : i32
      %dma_start3A_176 = tpu.memref_slice %arg11[%dma_start3A_174, %dma_start3A_175] : memref<10240x128xf32, #tpu.memory_space<vmem_shared>> -> memref<10240x128xf32, #tpu.memory_space<vmem_shared>>
      tpu.enqueue_indirect_dma source(%arg10 : memref<128x128xf32, #tpu.memory_space<vmem>>) target(%dma_start3A_176 : memref<10240x128xf32, #tpu.memory_space<vmem_shared>>) offsets(%dma_start3A_173 : memref<128xi32, #tpu.memory_space<vmem>>) semaphore(%run_scoped3A_170 : memref<!tpu.dma_semaphore, #tpu.memory_space<semaphore_mem>>) {add = true}
      %dma_wait3A_177 = arith.constant 0 : i32
      %dma_wait3A_178 = tpu.memref_slice %arg8[%run_scoped3A_127, %dma_wait3A_177] : memref<40x128xi32, #tpu.memory_space<vmem>> -> memref<1x128xi32, #tpu.memory_space<vmem>>
      %dma_wait3A_179 = tpu.memref_squeeze %dma_wait3A_178 : memref<1x128xi32, #tpu.memory_space<vmem>> -> memref<128xi32, #tpu.memory_space<vmem>>
      %dma_wait3A_180 = arith.constant 0 : i32
      %dma_wait3A_181 = arith.constant 0 : i32
      %dma_wait3A_182 = tpu.memref_slice %arg11[%dma_wait3A_180, %dma_wait3A_181] : memref<10240x128xf32, #tpu.memory_space<vmem_shared>> -> memref<10240x128xf32, #tpu.memory_space<vmem_shared>>
      tpu.wait_indirect_dma semaphore(%run_scoped3A_170 : memref<!tpu.dma_semaphore, #tpu.memory_space<semaphore_mem>>) src(%arg10 : memref<128x128xf32, #tpu.memory_space<vmem>>) dst(%dma_wait3A_182 : memref<10240x128xf32, #tpu.memory_space<vmem_shared>>)
      tpu.yield
    }) : () -> ()
    %run_scoped3A_128 = arith.constant 1 : i32
    "tpu.region"() ({
      %run_scoped3A_170 = tpu.sem_alloc : memref<!tpu.dma_semaphore, #tpu.memory_space<semaphore_mem>>
      %dma_start3A_171 = arith.constant 0 : i32
      %dma_start3A_172 = arith.constant 0 : i32
      %dma_start3A_173 = tpu.memref_slice %arg3[%add3A, %run_scoped3A_128, %dma_start3A_171, %dma_start3A_172] : memref<32x2x40x128xi32, #tpu.memory_space<hbm>> -> memref<1x1x40x128xi32, #tpu.memory_space<hbm>>
      %dma_start3A_174 = tpu.memref_squeeze %dma_start3A_173 : memref<1x1x40x128xi32, #tpu.memory_space<hbm>> -> memref<40x128xi32, #tpu.memory_space<hbm>>
      %dma_start3A_175 = arith.constant 0 : i32
      %dma_start3A_176 = arith.constant 0 : i32
      %dma_start3A_177 = tpu.memref_slice %arg3[%add3A, %run_scoped3A_128, %dma_start3A_175, %dma_start3A_176] : memref<32x2x40x128xi32, #tpu.memory_space<hbm>> -> memref<1x1x40x128xi32, #tpu.memory_space<hbm>>
      %dma_start3A_178 = tpu.memref_squeeze %dma_start3A_177 : memref<1x1x40x128xi32, #tpu.memory_space<hbm>> -> memref<40x128xi32, #tpu.memory_space<hbm>>
      tpu.enqueue_dma source(%dma_start3A_178 : memref<40x128xi32, #tpu.memory_space<hbm>>) target(%arg7 : memref<40x128xi32, #tpu.memory_space<vmem>>) target_semaphore(%run_scoped3A_170 : memref<!tpu.dma_semaphore, #tpu.memory_space<semaphore_mem>>)
      %dma_wait3A_179 = arith.constant 0 : i32
      %dma_wait3A_180 = arith.constant 0 : i32
      %dma_wait3A_181 = tpu.memref_slice %arg3[%add3A, %run_scoped3A_128, %dma_wait3A_179, %dma_wait3A_180] : memref<32x2x40x128xi32, #tpu.memory_space<hbm>> -> memref<1x1x40x128xi32, #tpu.memory_space<hbm>>
      %dma_wait3A_182 = tpu.memref_squeeze %dma_wait3A_181 : memref<1x1x40x128xi32, #tpu.memory_space<hbm>> -> memref<40x128xi32, #tpu.memory_space<hbm>>
      %dma_wait3A_183 = arith.constant 0 : i32
      %dma_wait3A_184 = arith.constant 0 : i32
      %dma_wait3A_185 = tpu.memref_slice %arg3[%add3A, %run_scoped3A_128, %dma_wait3A_183, %dma_wait3A_184] : memref<32x2x40x128xi32, #tpu.memory_space<hbm>> -> memref<1x1x40x128xi32, #tpu.memory_space<hbm>>
      %dma_wait3A_186 = tpu.memref_squeeze %dma_wait3A_185 : memref<1x1x40x128xi32, #tpu.memory_space<hbm>> -> memref<40x128xi32, #tpu.memory_space<hbm>>
      tpu.wait_dma2 semaphore(%run_scoped3A_170 : memref<!tpu.dma_semaphore, #tpu.memory_space<semaphore_mem>>) src(%dma_wait3A_186 : memref<40x128xi32, #tpu.memory_space<hbm>>) dst(%arg7 : memref<40x128xi32, #tpu.memory_space<vmem>>)
      tpu.yield
    }) : () -> ()
    %run_scoped3A_129 = arith.constant 1 : i32
    "tpu.region"() ({
      %run_scoped3A_170 = tpu.sem_alloc : memref<!tpu.dma_semaphore, #tpu.memory_space<semaphore_mem>>
      %dma_start3A_171 = arith.constant 0 : i32
      %dma_start3A_172 = arith.constant 0 : i32
      %dma_start3A_173 = tpu.memref_slice %arg4[%add3A, %run_scoped3A_129, %dma_start3A_171, %dma_start3A_172] : memref<32x2x40x128xi32, #tpu.memory_space<hbm>> -> memref<1x1x40x128xi32, #tpu.memory_space<hbm>>
      %dma_start3A_174 = tpu.memref_squeeze %dma_start3A_173 : memref<1x1x40x128xi32, #tpu.memory_space<hbm>> -> memref<40x128xi32, #tpu.memory_space<hbm>>
      %dma_start3A_175 = arith.constant 0 : i32
      %dma_start3A_176 = arith.constant 0 : i32
      %dma_start3A_177 = tpu.memref_slice %arg4[%add3A, %run_scoped3A_129, %dma_start3A_175, %dma_start3A_176] : memref<32x2x40x128xi32, #tpu.memory_space<hbm>> -> memref<1x1x40x128xi32, #tpu.memory_space<hbm>>
      %dma_start3A_178 = tpu.memref_squeeze %dma_start3A_177 : memref<1x1x40x128xi32, #tpu.memory_space<hbm>> -> memref<40x128xi32, #tpu.memory_space<hbm>>
      tpu.enqueue_dma source(%dma_start3A_178 : memref<40x128xi32, #tpu.memory_space<hbm>>) target(%arg8 : memref<40x128xi32, #tpu.memory_space<vmem>>) target_semaphore(%run_scoped3A_170 : memref<!tpu.dma_semaphore, #tpu.memory_space<semaphore_mem>>)
      %dma_wait3A_179 = arith.constant 0 : i32
      %dma_wait3A_180 = arith.constant 0 : i32
      %dma_wait3A_181 = tpu.memref_slice %arg4[%add3A, %run_scoped3A_129, %dma_wait3A_179, %dma_wait3A_180] : memref<32x2x40x128xi32, #tpu.memory_space<hbm>> -> memref<1x1x40x128xi32, #tpu.memory_space<hbm>>
      %dma_wait3A_182 = tpu.memref_squeeze %dma_wait3A_181 : memref<1x1x40x128xi32, #tpu.memory_space<hbm>> -> memref<40x128xi32, #tpu.memory_space<hbm>>
      %dma_wait3A_183 = arith.constant 0 : i32
      %dma_wait3A_184 = arith.constant 0 : i32
      %dma_wait3A_185 = tpu.memref_slice %arg4[%add3A, %run_scoped3A_129, %dma_wait3A_183, %dma_wait3A_184] : memref<32x2x40x128xi32, #tpu.memory_space<hbm>> -> memref<1x1x40x128xi32, #tpu.memory_space<hbm>>
      %dma_wait3A_186 = tpu.memref_squeeze %dma_wait3A_185 : memref<1x1x40x128xi32, #tpu.memory_space<hbm>> -> memref<40x128xi32, #tpu.memory_space<hbm>>
      tpu.wait_dma2 semaphore(%run_scoped3A_170 : memref<!tpu.dma_semaphore, #tpu.memory_space<semaphore_mem>>) src(%dma_wait3A_186 : memref<40x128xi32, #tpu.memory_space<hbm>>) dst(%arg8 : memref<40x128xi32, #tpu.memory_space<vmem>>)
      tpu.yield
    }) : () -> ()
    %dma_start3A_130 = arith.constant 0 : i32
    %dma_start3A_131 = arith.constant 0 : i32
    %dma_start3A_132 = tpu.memref_slice %arg7[%dma_start3A_130, %dma_start3A_131] : memref<40x128xi32, #tpu.memory_space<vmem>> -> memref<1x128xi32, #tpu.memory_space<vmem>>
    %dma_start3A_133 = tpu.memref_squeeze %dma_start3A_132 : memref<1x128xi32, #tpu.memory_space<vmem>> -> memref<128xi32, #tpu.memory_space<vmem>>
    %dma_start3A_134 = arith.constant 0 : i32
    %dma_start3A_135 = arith.constant 0 : i32
    %dma_start3A_136 = tpu.memref_slice %arg2[%dma_start3A_134, %dma_start3A_135] : memref<10240x128xf32, #tpu.memory_space<hbm>> -> memref<10240x128xf32, #tpu.memory_space<hbm>>
    tpu.enqueue_indirect_dma source(%dma_start3A_136 : memref<10240x128xf32, #tpu.memory_space<hbm>>) target(%arg9 : memref<128x128xf32, #tpu.memory_space<vmem>>) offsets(%dma_start3A_133 : memref<128xi32, #tpu.memory_space<vmem>>) semaphore(%arg13 : memref<!tpu.dma_semaphore, #tpu.memory_space<semaphore_mem>>)
    %scan3A_137 = arith.constant 0 : i32
    %scan3A_138 = arith.constant 19 : i32
    %scan3A_139 = arith.addi %scan3A_137, %scan3A_138 : i32
    %scan3A_140 = arith.constant 1 : i32
    scf.for %scan3A_170 = %scan3A_137 to %scan3A_139 step %scan3A_140  : i32 {
      %mul3A_171 = arith.constant 2 : i32
      %mul3A_172 = arith.muli %scan3A_170, %mul3A_171 : i32
      %add3A_173 = arith.constant 0 : i32
      %add3A_174 = arith.addi %add3A_173, %mul3A_172 : i32
      %dma_wait3A_175 = arith.constant 0 : i32
      %dma_wait3A_176 = tpu.memref_slice %arg7[%add3A_174, %dma_wait3A_175] : memref<40x128xi32, #tpu.memory_space<vmem>> -> memref<1x128xi32, #tpu.memory_space<vmem>>
      %dma_wait3A_177 = tpu.memref_squeeze %dma_wait3A_176 : memref<1x128xi32, #tpu.memory_space<vmem>> -> memref<128xi32, #tpu.memory_space<vmem>>
      %dma_wait3A_178 = arith.constant 0 : i32
      %dma_wait3A_179 = arith.constant 0 : i32
      %dma_wait3A_180 = tpu.memref_slice %arg2[%dma_wait3A_178, %dma_wait3A_179] : memref<10240x128xf32, #tpu.memory_space<hbm>> -> memref<10240x128xf32, #tpu.memory_space<hbm>>
      tpu.wait_indirect_dma semaphore(%arg13 : memref<!tpu.dma_semaphore, #tpu.memory_space<semaphore_mem>>) src(%dma_wait3A_180 : memref<10240x128xf32, #tpu.memory_space<hbm>>) dst(%arg9 : memref<128x128xf32, #tpu.memory_space<vmem>>)
      %add3A_181 = arith.constant 1 : i32
      %add3A_182 = arith.addi %add3A_174, %add3A_181 : i32
      %dma_start3A_183 = arith.constant 0 : i32
      %dma_start3A_184 = tpu.memref_slice %arg7[%add3A_182, %dma_start3A_183] : memref<40x128xi32, #tpu.memory_space<vmem>> -> memref<1x128xi32, #tpu.memory_space<vmem>>
      %dma_start3A_185 = tpu.memref_squeeze %dma_start3A_184 : memref<1x128xi32, #tpu.memory_space<vmem>> -> memref<128xi32, #tpu.memory_space<vmem>>
      %dma_start3A_186 = arith.constant 0 : i32
      %dma_start3A_187 = arith.constant 0 : i32
      %dma_start3A_188 = tpu.memref_slice %arg2[%dma_start3A_186, %dma_start3A_187] : memref<10240x128xf32, #tpu.memory_space<hbm>> -> memref<10240x128xf32, #tpu.memory_space<hbm>>
      tpu.enqueue_indirect_dma source(%dma_start3A_188 : memref<10240x128xf32, #tpu.memory_space<hbm>>) target(%arg10 : memref<128x128xf32, #tpu.memory_space<vmem>>) offsets(%dma_start3A_185 : memref<128xi32, #tpu.memory_space<vmem>>) semaphore(%arg14 : memref<!tpu.dma_semaphore, #tpu.memory_space<semaphore_mem>>)
      "tpu.region"() ({
        %run_scoped3A_207 = tpu.sem_alloc : memref<!tpu.dma_semaphore, #tpu.memory_space<semaphore_mem>>
        %dma_start3A_208 = arith.constant 0 : i32
        %dma_start3A_209 = tpu.memref_slice %arg8[%add3A_174, %dma_start3A_208] : memref<40x128xi32, #tpu.memory_space<vmem>> -> memref<1x128xi32, #tpu.memory_space<vmem>>
        %dma_start3A_210 = tpu.memref_squeeze %dma_start3A_209 : memref<1x128xi32, #tpu.memory_space<vmem>> -> memref<128xi32, #tpu.memory_space<vmem>>
        %dma_start3A_211 = arith.constant 0 : i32
        %dma_start3A_212 = arith.constant 0 : i32
        %dma_start3A_213 = tpu.memref_slice %arg11[%dma_start3A_211, %dma_start3A_212] : memref<10240x128xf32, #tpu.memory_space<vmem_shared>> -> memref<10240x128xf32, #tpu.memory_space<vmem_shared>>
        tpu.enqueue_indirect_dma source(%arg9 : memref<128x128xf32, #tpu.memory_space<vmem>>) target(%dma_start3A_213 : memref<10240x128xf32, #tpu.memory_space<vmem_shared>>) offsets(%dma_start3A_210 : memref<128xi32, #tpu.memory_space<vmem>>) semaphore(%run_scoped3A_207 : memref<!tpu.dma_semaphore, #tpu.memory_space<semaphore_mem>>) {add = true}
        %dma_wait3A_214 = arith.constant 0 : i32
        %dma_wait3A_215 = tpu.memref_slice %arg8[%add3A_174, %dma_wait3A_214] : memref<40x128xi32, #tpu.memory_space<vmem>> -> memref<1x128xi32, #tpu.memory_space<vmem>>
        %dma_wait3A_216 = tpu.memref_squeeze %dma_wait3A_215 : memref<1x128xi32, #tpu.memory_space<vmem>> -> memref<128xi32, #tpu.memory_space<vmem>>
        %dma_wait3A_217 = arith.constant 0 : i32
        %dma_wait3A_218 = arith.constant 0 : i32
        %dma_wait3A_219 = tpu.memref_slice %arg11[%dma_wait3A_217, %dma_wait3A_218] : memref<10240x128xf32, #tpu.memory_space<vmem_shared>> -> memref<10240x128xf32, #tpu.memory_space<vmem_shared>>
        tpu.wait_indirect_dma semaphore(%run_scoped3A_207 : memref<!tpu.dma_semaphore, #tpu.memory_space<semaphore_mem>>) src(%arg9 : memref<128x128xf32, #tpu.memory_space<vmem>>) dst(%dma_wait3A_219 : memref<10240x128xf32, #tpu.memory_space<vmem_shared>>)
        tpu.yield
      }) : () -> ()
      %add3A_189 = arith.constant 1 : i32
      %add3A_190 = arith.addi %add3A_174, %add3A_189 : i32
      %dma_wait3A_191 = arith.constant 0 : i32
      %dma_wait3A_192 = tpu.memref_slice %arg7[%add3A_190, %dma_wait3A_191] : memref<40x128xi32, #tpu.memory_space<vmem>> -> memref<1x128xi32, #tpu.memory_space<vmem>>
      %dma_wait3A_193 = tpu.memref_squeeze %dma_wait3A_192 : memref<1x128xi32, #tpu.memory_space<vmem>> -> memref<128xi32, #tpu.memory_space<vmem>>
      %dma_wait3A_194 = arith.constant 0 : i32
      %dma_wait3A_195 = arith.constant 0 : i32
      %dma_wait3A_196 = tpu.memref_slice %arg2[%dma_wait3A_194, %dma_wait3A_195] : memref<10240x128xf32, #tpu.memory_space<hbm>> -> memref<10240x128xf32, #tpu.memory_space<hbm>>
      tpu.wait_indirect_dma semaphore(%arg14 : memref<!tpu.dma_semaphore, #tpu.memory_space<semaphore_mem>>) src(%dma_wait3A_196 : memref<10240x128xf32, #tpu.memory_space<hbm>>) dst(%arg10 : memref<128x128xf32, #tpu.memory_space<vmem>>)
      %add3A_197 = arith.constant 2 : i32
      %add3A_198 = arith.addi %add3A_174, %add3A_197 : i32
      %dma_start3A_199 = arith.constant 0 : i32
      %dma_start3A_200 = tpu.memref_slice %arg7[%add3A_198, %dma_start3A_199] : memref<40x128xi32, #tpu.memory_space<vmem>> -> memref<1x128xi32, #tpu.memory_space<vmem>>
      %dma_start3A_201 = tpu.memref_squeeze %dma_start3A_200 : memref<1x128xi32, #tpu.memory_space<vmem>> -> memref<128xi32, #tpu.memory_space<vmem>>
      %dma_start3A_202 = arith.constant 0 : i32
      %dma_start3A_203 = arith.constant 0 : i32
      %dma_start3A_204 = tpu.memref_slice %arg2[%dma_start3A_202, %dma_start3A_203] : memref<10240x128xf32, #tpu.memory_space<hbm>> -> memref<10240x128xf32, #tpu.memory_space<hbm>>
      tpu.enqueue_indirect_dma source(%dma_start3A_204 : memref<10240x128xf32, #tpu.memory_space<hbm>>) target(%arg9 : memref<128x128xf32, #tpu.memory_space<vmem>>) offsets(%dma_start3A_201 : memref<128xi32, #tpu.memory_space<vmem>>) semaphore(%arg13 : memref<!tpu.dma_semaphore, #tpu.memory_space<semaphore_mem>>)
      %add3A_205 = arith.constant 1 : i32
      %add3A_206 = arith.addi %add3A_174, %add3A_205 : i32
      "tpu.region"() ({
        %run_scoped3A_207 = tpu.sem_alloc : memref<!tpu.dma_semaphore, #tpu.memory_space<semaphore_mem>>
        %dma_start3A_208 = arith.constant 0 : i32
        %dma_start3A_209 = tpu.memref_slice %arg8[%add3A_206, %dma_start3A_208] : memref<40x128xi32, #tpu.memory_space<vmem>> -> memref<1x128xi32, #tpu.memory_space<vmem>>
        %dma_start3A_210 = tpu.memref_squeeze %dma_start3A_209 : memref<1x128xi32, #tpu.memory_space<vmem>> -> memref<128xi32, #tpu.memory_space<vmem>>
        %dma_start3A_211 = arith.constant 0 : i32
        %dma_start3A_212 = arith.constant 0 : i32
        %dma_start3A_213 = tpu.memref_slice %arg11[%dma_start3A_211, %dma_start3A_212] : memref<10240x128xf32, #tpu.memory_space<vmem_shared>> -> memref<10240x128xf32, #tpu.memory_space<vmem_shared>>
        tpu.enqueue_indirect_dma source(%arg10 : memref<128x128xf32, #tpu.memory_space<vmem>>) target(%dma_start3A_213 : memref<10240x128xf32, #tpu.memory_space<vmem_shared>>) offsets(%dma_start3A_210 : memref<128xi32, #tpu.memory_space<vmem>>) semaphore(%run_scoped3A_207 : memref<!tpu.dma_semaphore, #tpu.memory_space<semaphore_mem>>) {add = true}
        %dma_wait3A_214 = arith.constant 0 : i32
        %dma_wait3A_215 = tpu.memref_slice %arg8[%add3A_206, %dma_wait3A_214] : memref<40x128xi32, #tpu.memory_space<vmem>> -> memref<1x128xi32, #tpu.memory_space<vmem>>
        %dma_wait3A_216 = tpu.memref_squeeze %dma_wait3A_215 : memref<1x128xi32, #tpu.memory_space<vmem>> -> memref<128xi32, #tpu.memory_space<vmem>>
        %dma_wait3A_217 = arith.constant 0 : i32
        %dma_wait3A_218 = arith.constant 0 : i32
        %dma_wait3A_219 = tpu.memref_slice %arg11[%dma_wait3A_217, %dma_wait3A_218] : memref<10240x128xf32, #tpu.memory_space<vmem_shared>> -> memref<10240x128xf32, #tpu.memory_space<vmem_shared>>
        tpu.wait_indirect_dma semaphore(%run_scoped3A_207 : memref<!tpu.dma_semaphore, #tpu.memory_space<semaphore_mem>>) src(%arg10 : memref<128x128xf32, #tpu.memory_space<vmem>>) dst(%dma_wait3A_219 : memref<10240x128xf32, #tpu.memory_space<vmem_shared>>)
        tpu.yield
      }) : () -> ()
    }
    %scan3A_141 = arith.constant 19 : i32
    %dma_wait3A_142 = arith.constant 38 : i32
    %dma_wait3A_143 = arith.constant 0 : i32
    %dma_wait3A_144 = tpu.memref_slice %arg7[%dma_wait3A_142, %dma_wait3A_143] : memref<40x128xi32, #tpu.memory_space<vmem>> -> memref<1x128xi32, #tpu.memory_space<vmem>>
    %dma_wait3A_145 = tpu.memref_squeeze %dma_wait3A_144 : memref<1x128xi32, #tpu.memory_space<vmem>> -> memref<128xi32, #tpu.memory_space<vmem>>
    %dma_wait3A_146 = arith.constant 0 : i32
    %dma_wait3A_147 = arith.constant 0 : i32
    %dma_wait3A_148 = tpu.memref_slice %arg2[%dma_wait3A_146, %dma_wait3A_147] : memref<10240x128xf32, #tpu.memory_space<hbm>> -> memref<10240x128xf32, #tpu.memory_space<hbm>>
    tpu.wait_indirect_dma semaphore(%arg13 : memref<!tpu.dma_semaphore, #tpu.memory_space<semaphore_mem>>) src(%dma_wait3A_148 : memref<10240x128xf32, #tpu.memory_space<hbm>>) dst(%arg9 : memref<128x128xf32, #tpu.memory_space<vmem>>)
    %dma_start3A_149 = arith.constant 39 : i32
    %dma_start3A_150 = arith.constant 0 : i32
    %dma_start3A_151 = tpu.memref_slice %arg7[%dma_start3A_149, %dma_start3A_150] : memref<40x128xi32, #tpu.memory_space<vmem>> -> memref<1x128xi32, #tpu.memory_space<vmem>>
    %dma_start3A_152 = tpu.memref_squeeze %dma_start3A_151 : memref<1x128xi32, #tpu.memory_space<vmem>> -> memref<128xi32, #tpu.memory_space<vmem>>
    %dma_start3A_153 = arith.constant 0 : i32
    %dma_start3A_154 = arith.constant 0 : i32
    %dma_start3A_155 = tpu.memref_slice %arg2[%dma_start3A_153, %dma_start3A_154] : memref<10240x128xf32, #tpu.memory_space<hbm>> -> memref<10240x128xf32, #tpu.memory_space<hbm>>
    tpu.enqueue_indirect_dma source(%dma_start3A_155 : memref<10240x128xf32, #tpu.memory_space<hbm>>) target(%arg10 : memref<128x128xf32, #tpu.memory_space<vmem>>) offsets(%dma_start3A_152 : memref<128xi32, #tpu.memory_space<vmem>>) semaphore(%arg14 : memref<!tpu.dma_semaphore, #tpu.memory_space<semaphore_mem>>)
    %run_scoped3A_156 = arith.constant 38 : i32
    "tpu.region"() ({
      %run_scoped3A_170 = tpu.sem_alloc : memref<!tpu.dma_semaphore, #tpu.memory_space<semaphore_mem>>
      %dma_start3A_171 = arith.constant 0 : i32
      %dma_start3A_172 = tpu.memref_slice %arg8[%run_scoped3A_156, %dma_start3A_171] : memref<40x128xi32, #tpu.memory_space<vmem>> -> memref<1x128xi32, #tpu.memory_space<vmem>>
      %dma_start3A_173 = tpu.memref_squeeze %dma_start3A_172 : memref<1x128xi32, #tpu.memory_space<vmem>> -> memref<128xi32, #tpu.memory_space<vmem>>
      %dma_start3A_174 = arith.constant 0 : i32
      %dma_start3A_175 = arith.constant 0 : i32
      %dma_start3A_176 = tpu.memref_slice %arg11[%dma_start3A_174, %dma_start3A_175] : memref<10240x128xf32, #tpu.memory_space<vmem_shared>> -> memref<10240x128xf32, #tpu.memory_space<vmem_shared>>
      tpu.enqueue_indirect_dma source(%arg9 : memref<128x128xf32, #tpu.memory_space<vmem>>) target(%dma_start3A_176 : memref<10240x128xf32, #tpu.memory_space<vmem_shared>>) offsets(%dma_start3A_173 : memref<128xi32, #tpu.memory_space<vmem>>) semaphore(%run_scoped3A_170 : memref<!tpu.dma_semaphore, #tpu.memory_space<semaphore_mem>>) {add = true}
      %dma_wait3A_177 = arith.constant 0 : i32
      %dma_wait3A_178 = tpu.memref_slice %arg8[%run_scoped3A_156, %dma_wait3A_177] : memref<40x128xi32, #tpu.memory_space<vmem>> -> memref<1x128xi32, #tpu.memory_space<vmem>>
      %dma_wait3A_179 = tpu.memref_squeeze %dma_wait3A_178 : memref<1x128xi32, #tpu.memory_space<vmem>> -> memref<128xi32, #tpu.memory_space<vmem>>
      %dma_wait3A_180 = arith.constant 0 : i32
      %dma_wait3A_181 = arith.constant 0 : i32
      %dma_wait3A_182 = tpu.memref_slice %arg11[%dma_wait3A_180, %dma_wait3A_181] : memref<10240x128xf32, #tpu.memory_space<vmem_shared>> -> memref<10240x128xf32, #tpu.memory_space<vmem_shared>>
      tpu.wait_indirect_dma semaphore(%run_scoped3A_170 : memref<!tpu.dma_semaphore, #tpu.memory_space<semaphore_mem>>) src(%arg9 : memref<128x128xf32, #tpu.memory_space<vmem>>) dst(%dma_wait3A_182 : memref<10240x128xf32, #tpu.memory_space<vmem_shared>>)
      tpu.yield
    }) : () -> ()
    %dma_wait3A_157 = arith.constant 39 : i32
    %dma_wait3A_158 = arith.constant 0 : i32
    %dma_wait3A_159 = tpu.memref_slice %arg7[%dma_wait3A_157, %dma_wait3A_158] : memref<40x128xi32, #tpu.memory_space<vmem>> -> memref<1x128xi32, #tpu.memory_space<vmem>>
    %dma_wait3A_160 = tpu.memref_squeeze %dma_wait3A_159 : memref<1x128xi32, #tpu.memory_space<vmem>> -> memref<128xi32, #tpu.memory_space<vmem>>
    %dma_wait3A_161 = arith.constant 0 : i32
    %dma_wait3A_162 = arith.constant 0 : i32
    %dma_wait3A_163 = tpu.memref_slice %arg2[%dma_wait3A_161, %dma_wait3A_162] : memref<10240x128xf32, #tpu.memory_space<hbm>> -> memref<10240x128xf32, #tpu.memory_space<hbm>>
    tpu.wait_indirect_dma semaphore(%arg14 : memref<!tpu.dma_semaphore, #tpu.memory_space<semaphore_mem>>) src(%dma_wait3A_163 : memref<10240x128xf32, #tpu.memory_space<hbm>>) dst(%arg10 : memref<128x128xf32, #tpu.memory_space<vmem>>)
    %run_scoped3A_164 = arith.constant 39 : i32
    "tpu.region"() ({
      %run_scoped3A_170 = tpu.sem_alloc : memref<!tpu.dma_semaphore, #tpu.memory_space<semaphore_mem>>
      %dma_start3A_171 = arith.constant 0 : i32
      %dma_start3A_172 = tpu.memref_slice %arg8[%run_scoped3A_164, %dma_start3A_171] : memref<40x128xi32, #tpu.memory_space<vmem>> -> memref<1x128xi32, #tpu.memory_space<vmem>>
      %dma_start3A_173 = tpu.memref_squeeze %dma_start3A_172 : memref<1x128xi32, #tpu.memory_space<vmem>> -> memref<128xi32, #tpu.memory_space<vmem>>
      %dma_start3A_174 = arith.constant 0 : i32
      %dma_start3A_175 = arith.constant 0 : i32
      %dma_start3A_176 = tpu.memref_slice %arg11[%dma_start3A_174, %dma_start3A_175] : memref<10240x128xf32, #tpu.memory_space<vmem_shared>> -> memref<10240x128xf32, #tpu.memory_space<vmem_shared>>
      tpu.enqueue_indirect_dma source(%arg10 : memref<128x128xf32, #tpu.memory_space<vmem>>) target(%dma_start3A_176 : memref<10240x128xf32, #tpu.memory_space<vmem_shared>>) offsets(%dma_start3A_173 : memref<128xi32, #tpu.memory_space<vmem>>) semaphore(%run_scoped3A_170 : memref<!tpu.dma_semaphore, #tpu.memory_space<semaphore_mem>>) {add = true}
      %dma_wait3A_177 = arith.constant 0 : i32
      %dma_wait3A_178 = tpu.memref_slice %arg8[%run_scoped3A_164, %dma_wait3A_177] : memref<40x128xi32, #tpu.memory_space<vmem>> -> memref<1x128xi32, #tpu.memory_space<vmem>>
      %dma_wait3A_179 = tpu.memref_squeeze %dma_wait3A_178 : memref<1x128xi32, #tpu.memory_space<vmem>> -> memref<128xi32, #tpu.memory_space<vmem>>
      %dma_wait3A_180 = arith.constant 0 : i32
      %dma_wait3A_181 = arith.constant 0 : i32
      %dma_wait3A_182 = tpu.memref_slice %arg11[%dma_wait3A_180, %dma_wait3A_181] : memref<10240x128xf32, #tpu.memory_space<vmem_shared>> -> memref<10240x128xf32, #tpu.memory_space<vmem_shared>>
      tpu.wait_indirect_dma semaphore(%run_scoped3A_170 : memref<!tpu.dma_semaphore, #tpu.memory_space<semaphore_mem>>) src(%arg10 : memref<128x128xf32, #tpu.memory_space<vmem>>) dst(%dma_wait3A_182 : memref<10240x128xf32, #tpu.memory_space<vmem_shared>>)
      tpu.yield
    }) : () -> ()
    %barrier3A_165 = arith.constant 0 : index
    tpu.barrier barrier_id(%barrier3A_165)
    %mul3A_166 = arith.constant 640 : i32
    %mul3A_167 = arith.muli %arg1, %mul3A_166 : i32
    %mul3A_168 = arith.constant 640 : i32
    %mul3A_169 = arith.muli %arg1, %mul3A_168 : i32
    "tpu.region"() ({
      %run_scoped3A_170 = tpu.sem_alloc : memref<!tpu.dma_semaphore, #tpu.memory_space<semaphore_mem>>
      %dma_start3A_171 = arith.constant 0 : i32
      %dma_start3A_172 = tpu.memref_slice %arg6[%arg0, %mul3A_169, %dma_start3A_171] : memref<2x10240x128xf32, #tpu.memory_space<hbm>> -> memref<1x640x128xf32, #tpu.memory_space<hbm>>
      %dma_start3A_173 = tpu.memref_squeeze %dma_start3A_172 : memref<1x640x128xf32, #tpu.memory_space<hbm>> -> memref<640x128xf32, #tpu.memory_space<hbm>>
      %dma_start3A_174 = arith.constant 0 : i32
      %dma_start3A_175 = tpu.memref_slice %arg11[%mul3A_167, %dma_start3A_174] : memref<10240x128xf32, #tpu.memory_space<vmem_shared>> -> memref<640x128xf32, #tpu.memory_space<vmem_shared>>
      tpu.enqueue_dma source(%dma_start3A_175 : memref<640x128xf32, #tpu.memory_space<vmem_shared>>) target(%dma_start3A_173 : memref<640x128xf32, #tpu.memory_space<hbm>>) target_semaphore(%run_scoped3A_170 : memref<!tpu.dma_semaphore, #tpu.memory_space<semaphore_mem>>)
      %dma_wait3A_176 = arith.constant 0 : i32
      %dma_wait3A_177 = tpu.memref_slice %arg6[%arg0, %mul3A_169, %dma_wait3A_176] : memref<2x10240x128xf32, #tpu.memory_space<hbm>> -> memref<1x640x128xf32, #tpu.memory_space<hbm>>
      %dma_wait3A_178 = tpu.memref_squeeze %dma_wait3A_177 : memref<1x640x128xf32, #tpu.memory_space<hbm>> -> memref<640x128xf32, #tpu.memory_space<hbm>>
      %dma_wait3A_179 = arith.constant 0 : i32
      %dma_wait3A_180 = tpu.memref_slice %arg11[%mul3A_167, %dma_wait3A_179] : memref<10240x128xf32, #tpu.memory_space<vmem_shared>> -> memref<640x128xf32, #tpu.memory_space<vmem_shared>>
      tpu.wait_dma2 semaphore(%run_scoped3A_170 : memref<!tpu.dma_semaphore, #tpu.memory_space<semaphore_mem>>) src(%dma_wait3A_180 : memref<640x128xf32, #tpu.memory_space<vmem_shared>>) dst(%dma_wait3A_178 : memref<640x128xf32, #tpu.memory_space<hbm>>)
      tpu.yield
    }) : () -> ()
    return
  }
}

#map = affine_map<(d0, d1) -> (0, 0)>
#map1 = affine_map<(d0, d1) -> (0, 0, 0, 0)>
#map2 = affine_map<(d0, d1) -> (0, 0, 0)>
module attributes {stable_mosaic.version = 14 : i64} {
  func.func @_edge_body(%arg0: i32, %arg1: i32, %arg2: memref<10240x128xf32, #tpu.memory_space<hbm>>, %arg3: memref<32x2x40x128xi32, #tpu.memory_space<hbm>>, %arg4: memref<32x2x40x128xi32, #tpu.memory_space<hbm>>, %arg5: memref<128x128xf32, #tpu.memory_space<hbm>>, %arg6: memref<2x10240x128xf32, #tpu.memory_space<hbm>>, %arg7: memref<40x128xi32, #tpu.memory_space<vmem>>, %arg8: memref<40x128xi32, #tpu.memory_space<vmem>>, %arg9: memref<128x128xf32, #tpu.memory_space<vmem>>, %arg10: memref<128x128xf32, #tpu.memory_space<vmem>>, %arg11: memref<10240x128xf32, #tpu.memory_space<vmem_shared>>, %arg12: memref<!tpu.dma_semaphore, #tpu.memory_space<semaphore_mem>>, %arg13: memref<!tpu.dma_semaphore, #tpu.memory_space<semaphore_mem>>, %arg14: memref<!tpu.dma_semaphore, #tpu.memory_space<semaphore_mem>>) attributes {dimension_semantics = [#tpu.dimension_semantics<core_parallel>, #tpu.dimension_semantics<subcore_parallel>], iteration_bounds = array<i64: 2, 16>, scalar_prefetch = 0 : i64, scratch_operands = 8 : i64, tpu.core_type = #tpu.core_type<sc_vector_subcore>, window_params = [{transform_indices = #map}, {transform_indices = #map1}, {transform_indices = #map1}, {transform_indices = #map}, {transform_indices = #map2}]} {
    %mul3A = arith.constant 16 : i32
    %mul3A_0 = arith.muli %arg0, %mul3A : i32
    %add3A = arith.addi %mul3A_0, %arg1 : i32
    %mul3A_1 = arith.constant 640 : i32
    %mul3A_2 = arith.muli %arg1, %mul3A_1 : i32
    %add3A_3 = arith.constant 0 : i32
    %add3A_4 = arith.addi %mul3A_2, %add3A_3 : i32
    %dma_start3A = arith.constant 0 : i32
    %dma_start3A_5 = tpu.memref_slice %arg11[%add3A_4, %dma_start3A] : memref<10240x128xf32, #tpu.memory_space<vmem_shared>> -> memref<128x128xf32, #tpu.memory_space<vmem_shared>>
    tpu.enqueue_dma source(%arg5 : memref<128x128xf32, #tpu.memory_space<hbm>>) target(%dma_start3A_5 : memref<128x128xf32, #tpu.memory_space<vmem_shared>>) target_semaphore(%arg12 : memref<!tpu.dma_semaphore, #tpu.memory_space<semaphore_mem>>)
    %mul3A_6 = arith.constant 640 : i32
    %mul3A_7 = arith.muli %arg1, %mul3A_6 : i32
    %add3A_8 = arith.constant 128 : i32
    %add3A_9 = arith.addi %mul3A_7, %add3A_8 : i32
    %dma_start3A_10 = arith.constant 0 : i32
    %dma_start3A_11 = tpu.memref_slice %arg11[%add3A_9, %dma_start3A_10] : memref<10240x128xf32, #tpu.memory_space<vmem_shared>> -> memref<128x128xf32, #tpu.memory_space<vmem_shared>>
    tpu.enqueue_dma source(%arg5 : memref<128x128xf32, #tpu.memory_space<hbm>>) target(%dma_start3A_11 : memref<128x128xf32, #tpu.memory_space<vmem_shared>>) target_semaphore(%arg12 : memref<!tpu.dma_semaphore, #tpu.memory_space<semaphore_mem>>)
    %mul3A_12 = arith.constant 640 : i32
    %mul3A_13 = arith.muli %arg1, %mul3A_12 : i32
    %add3A_14 = arith.constant 256 : i32
    %add3A_15 = arith.addi %mul3A_13, %add3A_14 : i32
    %dma_start3A_16 = arith.constant 0 : i32
    %dma_start3A_17 = tpu.memref_slice %arg11[%add3A_15, %dma_start3A_16] : memref<10240x128xf32, #tpu.memory_space<vmem_shared>> -> memref<128x128xf32, #tpu.memory_space<vmem_shared>>
    tpu.enqueue_dma source(%arg5 : memref<128x128xf32, #tpu.memory_space<hbm>>) target(%dma_start3A_17 : memref<128x128xf32, #tpu.memory_space<vmem_shared>>) target_semaphore(%arg12 : memref<!tpu.dma_semaphore, #tpu.memory_space<semaphore_mem>>)
    %mul3A_18 = arith.constant 640 : i32
    %mul3A_19 = arith.muli %arg1, %mul3A_18 : i32
    %add3A_20 = arith.constant 384 : i32
    %add3A_21 = arith.addi %mul3A_19, %add3A_20 : i32
    %dma_start3A_22 = arith.constant 0 : i32
    %dma_start3A_23 = tpu.memref_slice %arg11[%add3A_21, %dma_start3A_22] : memref<10240x128xf32, #tpu.memory_space<vmem_shared>> -> memref<128x128xf32, #tpu.memory_space<vmem_shared>>
    tpu.enqueue_dma source(%arg5 : memref<128x128xf32, #tpu.memory_space<hbm>>) target(%dma_start3A_23 : memref<128x128xf32, #tpu.memory_space<vmem_shared>>) target_semaphore(%arg12 : memref<!tpu.dma_semaphore, #tpu.memory_space<semaphore_mem>>)
    %mul3A_24 = arith.constant 640 : i32
    %mul3A_25 = arith.muli %arg1, %mul3A_24 : i32
    %add3A_26 = arith.constant 512 : i32
    %add3A_27 = arith.addi %mul3A_25, %add3A_26 : i32
    %dma_start3A_28 = arith.constant 0 : i32
    %dma_start3A_29 = tpu.memref_slice %arg11[%add3A_27, %dma_start3A_28] : memref<10240x128xf32, #tpu.memory_space<vmem_shared>> -> memref<128x128xf32, #tpu.memory_space<vmem_shared>>
    tpu.enqueue_dma source(%arg5 : memref<128x128xf32, #tpu.memory_space<hbm>>) target(%dma_start3A_29 : memref<128x128xf32, #tpu.memory_space<vmem_shared>>) target_semaphore(%arg12 : memref<!tpu.dma_semaphore, #tpu.memory_space<semaphore_mem>>)
    %dma_start3A_30 = arith.constant 0 : i32
    %dma_start3A_31 = arith.constant 0 : i32
    %dma_start3A_32 = arith.constant 0 : i32
    %dma_start3A_33 = tpu.memref_slice %arg3[%add3A, %dma_start3A_30, %dma_start3A_31, %dma_start3A_32] : memref<32x2x40x128xi32, #tpu.memory_space<hbm>> -> memref<1x1x40x128xi32, #tpu.memory_space<hbm>>
    %dma_start3A_34 = tpu.memref_squeeze %dma_start3A_33 : memref<1x1x40x128xi32, #tpu.memory_space<hbm>> -> memref<40x128xi32, #tpu.memory_space<hbm>>
    %dma_start3A_35 = arith.constant 0 : i32
    %dma_start3A_36 = arith.constant 0 : i32
    %dma_start3A_37 = tpu.memref_slice %arg3[%add3A, %dma_start3A_30, %dma_start3A_35, %dma_start3A_36] : memref<32x2x40x128xi32, #tpu.memory_space<hbm>> -> memref<1x1x40x128xi32, #tpu.memory_space<hbm>>
    %dma_start3A_38 = tpu.memref_squeeze %dma_start3A_37 : memref<1x1x40x128xi32, #tpu.memory_space<hbm>> -> memref<40x128xi32, #tpu.memory_space<hbm>>
    tpu.enqueue_dma source(%dma_start3A_38 : memref<40x128xi32, #tpu.memory_space<hbm>>) target(%arg7 : memref<40x128xi32, #tpu.memory_space<vmem>>) target_semaphore(%arg12 : memref<!tpu.dma_semaphore, #tpu.memory_space<semaphore_mem>>)
    %dma_start3A_39 = arith.constant 0 : i32
    %dma_start3A_40 = arith.constant 0 : i32
    %dma_start3A_41 = arith.constant 0 : i32
    %dma_start3A_42 = tpu.memref_slice %arg4[%add3A, %dma_start3A_39, %dma_start3A_40, %dma_start3A_41] : memref<32x2x40x128xi32, #tpu.memory_space<hbm>> -> memref<1x1x40x128xi32, #tpu.memory_space<hbm>>
    %dma_start3A_43 = tpu.memref_squeeze %dma_start3A_42 : memref<1x1x40x128xi32, #tpu.memory_space<hbm>> -> memref<40x128xi32, #tpu.memory_space<hbm>>
    %dma_start3A_44 = arith.constant 0 : i32
    %dma_start3A_45 = arith.constant 0 : i32
    %dma_start3A_46 = tpu.memref_slice %arg4[%add3A, %dma_start3A_39, %dma_start3A_44, %dma_start3A_45] : memref<32x2x40x128xi32, #tpu.memory_space<hbm>> -> memref<1x1x40x128xi32, #tpu.memory_space<hbm>>
    %dma_start3A_47 = tpu.memref_squeeze %dma_start3A_46 : memref<1x1x40x128xi32, #tpu.memory_space<hbm>> -> memref<40x128xi32, #tpu.memory_space<hbm>>
    tpu.enqueue_dma source(%dma_start3A_47 : memref<40x128xi32, #tpu.memory_space<hbm>>) target(%arg8 : memref<40x128xi32, #tpu.memory_space<vmem>>) target_semaphore(%arg12 : memref<!tpu.dma_semaphore, #tpu.memory_space<semaphore_mem>>)
    %mul3A_48 = arith.constant 640 : i32
    %mul3A_49 = arith.muli %arg1, %mul3A_48 : i32
    %add3A_50 = arith.constant 0 : i32
    %add3A_51 = arith.addi %mul3A_49, %add3A_50 : i32
    %dma_wait3A = arith.constant 0 : i32
    %dma_wait3A_52 = tpu.memref_slice %arg11[%add3A_51, %dma_wait3A] : memref<10240x128xf32, #tpu.memory_space<vmem_shared>> -> memref<128x128xf32, #tpu.memory_space<vmem_shared>>
    tpu.wait_dma2 semaphore(%arg12 : memref<!tpu.dma_semaphore, #tpu.memory_space<semaphore_mem>>) src(%arg5 : memref<128x128xf32, #tpu.memory_space<hbm>>) dst(%dma_wait3A_52 : memref<128x128xf32, #tpu.memory_space<vmem_shared>>)
    %mul3A_53 = arith.constant 640 : i32
    %mul3A_54 = arith.muli %arg1, %mul3A_53 : i32
    %add3A_55 = arith.constant 128 : i32
    %add3A_56 = arith.addi %mul3A_54, %add3A_55 : i32
    %dma_wait3A_57 = arith.constant 0 : i32
    %dma_wait3A_58 = tpu.memref_slice %arg11[%add3A_56, %dma_wait3A_57] : memref<10240x128xf32, #tpu.memory_space<vmem_shared>> -> memref<128x128xf32, #tpu.memory_space<vmem_shared>>
    tpu.wait_dma2 semaphore(%arg12 : memref<!tpu.dma_semaphore, #tpu.memory_space<semaphore_mem>>) src(%arg5 : memref<128x128xf32, #tpu.memory_space<hbm>>) dst(%dma_wait3A_58 : memref<128x128xf32, #tpu.memory_space<vmem_shared>>)
    %mul3A_59 = arith.constant 640 : i32
    %mul3A_60 = arith.muli %arg1, %mul3A_59 : i32
    %add3A_61 = arith.constant 256 : i32
    %add3A_62 = arith.addi %mul3A_60, %add3A_61 : i32
    %dma_wait3A_63 = arith.constant 0 : i32
    %dma_wait3A_64 = tpu.memref_slice %arg11[%add3A_62, %dma_wait3A_63] : memref<10240x128xf32, #tpu.memory_space<vmem_shared>> -> memref<128x128xf32, #tpu.memory_space<vmem_shared>>
    tpu.wait_dma2 semaphore(%arg12 : memref<!tpu.dma_semaphore, #tpu.memory_space<semaphore_mem>>) src(%arg5 : memref<128x128xf32, #tpu.memory_space<hbm>>) dst(%dma_wait3A_64 : memref<128x128xf32, #tpu.memory_space<vmem_shared>>)
    %mul3A_65 = arith.constant 640 : i32
    %mul3A_66 = arith.muli %arg1, %mul3A_65 : i32
    %add3A_67 = arith.constant 384 : i32
    %add3A_68 = arith.addi %mul3A_66, %add3A_67 : i32
    %dma_wait3A_69 = arith.constant 0 : i32
    %dma_wait3A_70 = tpu.memref_slice %arg11[%add3A_68, %dma_wait3A_69] : memref<10240x128xf32, #tpu.memory_space<vmem_shared>> -> memref<128x128xf32, #tpu.memory_space<vmem_shared>>
    tpu.wait_dma2 semaphore(%arg12 : memref<!tpu.dma_semaphore, #tpu.memory_space<semaphore_mem>>) src(%arg5 : memref<128x128xf32, #tpu.memory_space<hbm>>) dst(%dma_wait3A_70 : memref<128x128xf32, #tpu.memory_space<vmem_shared>>)
    %mul3A_71 = arith.constant 640 : i32
    %mul3A_72 = arith.muli %arg1, %mul3A_71 : i32
    %add3A_73 = arith.constant 512 : i32
    %add3A_74 = arith.addi %mul3A_72, %add3A_73 : i32
    %dma_wait3A_75 = arith.constant 0 : i32
    %dma_wait3A_76 = tpu.memref_slice %arg11[%add3A_74, %dma_wait3A_75] : memref<10240x128xf32, #tpu.memory_space<vmem_shared>> -> memref<128x128xf32, #tpu.memory_space<vmem_shared>>
    tpu.wait_dma2 semaphore(%arg12 : memref<!tpu.dma_semaphore, #tpu.memory_space<semaphore_mem>>) src(%arg5 : memref<128x128xf32, #tpu.memory_space<hbm>>) dst(%dma_wait3A_76 : memref<128x128xf32, #tpu.memory_space<vmem_shared>>)
    %dma_wait3A_77 = arith.constant 0 : i32
    %dma_wait3A_78 = arith.constant 0 : i32
    %dma_wait3A_79 = arith.constant 0 : i32
    %dma_wait3A_80 = tpu.memref_slice %arg3[%add3A, %dma_wait3A_77, %dma_wait3A_78, %dma_wait3A_79] : memref<32x2x40x128xi32, #tpu.memory_space<hbm>> -> memref<1x1x40x128xi32, #tpu.memory_space<hbm>>
    %dma_wait3A_81 = tpu.memref_squeeze %dma_wait3A_80 : memref<1x1x40x128xi32, #tpu.memory_space<hbm>> -> memref<40x128xi32, #tpu.memory_space<hbm>>
    %dma_wait3A_82 = arith.constant 0 : i32
    %dma_wait3A_83 = arith.constant 0 : i32
    %dma_wait3A_84 = tpu.memref_slice %arg3[%add3A, %dma_wait3A_77, %dma_wait3A_82, %dma_wait3A_83] : memref<32x2x40x128xi32, #tpu.memory_space<hbm>> -> memref<1x1x40x128xi32, #tpu.memory_space<hbm>>
    %dma_wait3A_85 = tpu.memref_squeeze %dma_wait3A_84 : memref<1x1x40x128xi32, #tpu.memory_space<hbm>> -> memref<40x128xi32, #tpu.memory_space<hbm>>
    tpu.wait_dma2 semaphore(%arg12 : memref<!tpu.dma_semaphore, #tpu.memory_space<semaphore_mem>>) src(%dma_wait3A_85 : memref<40x128xi32, #tpu.memory_space<hbm>>) dst(%arg7 : memref<40x128xi32, #tpu.memory_space<vmem>>)
    %dma_wait3A_86 = arith.constant 0 : i32
    %dma_wait3A_87 = arith.constant 0 : i32
    %dma_wait3A_88 = arith.constant 0 : i32
    %dma_wait3A_89 = tpu.memref_slice %arg4[%add3A, %dma_wait3A_86, %dma_wait3A_87, %dma_wait3A_88] : memref<32x2x40x128xi32, #tpu.memory_space<hbm>> -> memref<1x1x40x128xi32, #tpu.memory_space<hbm>>
    %dma_wait3A_90 = tpu.memref_squeeze %dma_wait3A_89 : memref<1x1x40x128xi32, #tpu.memory_space<hbm>> -> memref<40x128xi32, #tpu.memory_space<hbm>>
    %dma_wait3A_91 = arith.constant 0 : i32
    %dma_wait3A_92 = arith.constant 0 : i32
    %dma_wait3A_93 = tpu.memref_slice %arg4[%add3A, %dma_wait3A_86, %dma_wait3A_91, %dma_wait3A_92] : memref<32x2x40x128xi32, #tpu.memory_space<hbm>> -> memref<1x1x40x128xi32, #tpu.memory_space<hbm>>
    %dma_wait3A_94 = tpu.memref_squeeze %dma_wait3A_93 : memref<1x1x40x128xi32, #tpu.memory_space<hbm>> -> memref<40x128xi32, #tpu.memory_space<hbm>>
    tpu.wait_dma2 semaphore(%arg12 : memref<!tpu.dma_semaphore, #tpu.memory_space<semaphore_mem>>) src(%dma_wait3A_94 : memref<40x128xi32, #tpu.memory_space<hbm>>) dst(%arg8 : memref<40x128xi32, #tpu.memory_space<vmem>>)
    %barrier3A = arith.constant 0 : index
    tpu.barrier barrier_id(%barrier3A)
    %dma_start3A_95 = arith.constant 0 : i32
    %dma_start3A_96 = arith.constant 0 : i32
    %dma_start3A_97 = tpu.memref_slice %arg7[%dma_start3A_95, %dma_start3A_96] : memref<40x128xi32, #tpu.memory_space<vmem>> -> memref<1x128xi32, #tpu.memory_space<vmem>>
    %dma_start3A_98 = tpu.memref_squeeze %dma_start3A_97 : memref<1x128xi32, #tpu.memory_space<vmem>> -> memref<128xi32, #tpu.memory_space<vmem>>
    %dma_start3A_99 = arith.constant 0 : i32
    %dma_start3A_100 = arith.constant 0 : i32
    %dma_start3A_101 = tpu.memref_slice %arg2[%dma_start3A_99, %dma_start3A_100] : memref<10240x128xf32, #tpu.memory_space<hbm>> -> memref<10240x128xf32, #tpu.memory_space<hbm>>
    tpu.enqueue_indirect_dma source(%dma_start3A_101 : memref<10240x128xf32, #tpu.memory_space<hbm>>) target(%arg9 : memref<128x128xf32, #tpu.memory_space<vmem>>) offsets(%dma_start3A_98 : memref<128xi32, #tpu.memory_space<vmem>>) semaphore(%arg13 : memref<!tpu.dma_semaphore, #tpu.memory_space<semaphore_mem>>)
    %scan3A = arith.constant 0 : i32
    %scan3A_102 = arith.constant 19 : i32
    %scan3A_103 = arith.addi %scan3A, %scan3A_102 : i32
    %scan3A_104 = arith.constant 1 : i32
    scf.for %scan3A_170 = %scan3A to %scan3A_103 step %scan3A_104  : i32 {
      %mul3A_171 = arith.constant 2 : i32
      %mul3A_172 = arith.muli %scan3A_170, %mul3A_171 : i32
      %add3A_173 = arith.constant 0 : i32
      %add3A_174 = arith.addi %add3A_173, %mul3A_172 : i32
      %dma_wait3A_175 = arith.constant 0 : i32
      %dma_wait3A_176 = tpu.memref_slice %arg7[%add3A_174, %dma_wait3A_175] : memref<40x128xi32, #tpu.memory_space<vmem>> -> memref<1x128xi32, #tpu.memory_space<vmem>>
      %dma_wait3A_177 = tpu.memref_squeeze %dma_wait3A_176 : memref<1x128xi32, #tpu.memory_space<vmem>> -> memref<128xi32, #tpu.memory_space<vmem>>
      %dma_wait3A_178 = arith.constant 0 : i32
      %dma_wait3A_179 = arith.constant 0 : i32
      %dma_wait3A_180 = tpu.memref_slice %arg2[%dma_wait3A_178, %dma_wait3A_179] : memref<10240x128xf32, #tpu.memory_space<hbm>> -> memref<10240x128xf32, #tpu.memory_space<hbm>>
      tpu.wait_indirect_dma semaphore(%arg13 : memref<!tpu.dma_semaphore, #tpu.memory_space<semaphore_mem>>) src(%dma_wait3A_180 : memref<10240x128xf32, #tpu.memory_space<hbm>>) dst(%arg9 : memref<128x128xf32, #tpu.memory_space<vmem>>)
      %add3A_181 = arith.constant 1 : i32
      %add3A_182 = arith.addi %add3A_174, %add3A_181 : i32
      %dma_start3A_183 = arith.constant 0 : i32
      %dma_start3A_184 = tpu.memref_slice %arg7[%add3A_182, %dma_start3A_183] : memref<40x128xi32, #tpu.memory_space<vmem>> -> memref<1x128xi32, #tpu.memory_space<vmem>>
      %dma_start3A_185 = tpu.memref_squeeze %dma_start3A_184 : memref<1x128xi32, #tpu.memory_space<vmem>> -> memref<128xi32, #tpu.memory_space<vmem>>
      %dma_start3A_186 = arith.constant 0 : i32
      %dma_start3A_187 = arith.constant 0 : i32
      %dma_start3A_188 = tpu.memref_slice %arg2[%dma_start3A_186, %dma_start3A_187] : memref<10240x128xf32, #tpu.memory_space<hbm>> -> memref<10240x128xf32, #tpu.memory_space<hbm>>
      tpu.enqueue_indirect_dma source(%dma_start3A_188 : memref<10240x128xf32, #tpu.memory_space<hbm>>) target(%arg10 : memref<128x128xf32, #tpu.memory_space<vmem>>) offsets(%dma_start3A_185 : memref<128xi32, #tpu.memory_space<vmem>>) semaphore(%arg14 : memref<!tpu.dma_semaphore, #tpu.memory_space<semaphore_mem>>)
      "tpu.region"() ({
        %run_scoped3A_207 = tpu.sem_alloc : memref<!tpu.dma_semaphore, #tpu.memory_space<semaphore_mem>>
        %dma_start3A_208 = arith.constant 0 : i32
        %dma_start3A_209 = tpu.memref_slice %arg8[%add3A_174, %dma_start3A_208] : memref<40x128xi32, #tpu.memory_space<vmem>> -> memref<1x128xi32, #tpu.memory_space<vmem>>
        %dma_start3A_210 = tpu.memref_squeeze %dma_start3A_209 : memref<1x128xi32, #tpu.memory_space<vmem>> -> memref<128xi32, #tpu.memory_space<vmem>>
        %dma_start3A_211 = arith.constant 0 : i32
        %dma_start3A_212 = arith.constant 0 : i32
        %dma_start3A_213 = tpu.memref_slice %arg11[%dma_start3A_211, %dma_start3A_212] : memref<10240x128xf32, #tpu.memory_space<vmem_shared>> -> memref<10240x128xf32, #tpu.memory_space<vmem_shared>>
        tpu.enqueue_indirect_dma source(%arg9 : memref<128x128xf32, #tpu.memory_space<vmem>>) target(%dma_start3A_213 : memref<10240x128xf32, #tpu.memory_space<vmem_shared>>) offsets(%dma_start3A_210 : memref<128xi32, #tpu.memory_space<vmem>>) semaphore(%run_scoped3A_207 : memref<!tpu.dma_semaphore, #tpu.memory_space<semaphore_mem>>) {add = true}
        %dma_wait3A_214 = arith.constant 0 : i32
        %dma_wait3A_215 = tpu.memref_slice %arg8[%add3A_174, %dma_wait3A_214] : memref<40x128xi32, #tpu.memory_space<vmem>> -> memref<1x128xi32, #tpu.memory_space<vmem>>
        %dma_wait3A_216 = tpu.memref_squeeze %dma_wait3A_215 : memref<1x128xi32, #tpu.memory_space<vmem>> -> memref<128xi32, #tpu.memory_space<vmem>>
        %dma_wait3A_217 = arith.constant 0 : i32
        %dma_wait3A_218 = arith.constant 0 : i32
        %dma_wait3A_219 = tpu.memref_slice %arg11[%dma_wait3A_217, %dma_wait3A_218] : memref<10240x128xf32, #tpu.memory_space<vmem_shared>> -> memref<10240x128xf32, #tpu.memory_space<vmem_shared>>
        tpu.wait_indirect_dma semaphore(%run_scoped3A_207 : memref<!tpu.dma_semaphore, #tpu.memory_space<semaphore_mem>>) src(%arg9 : memref<128x128xf32, #tpu.memory_space<vmem>>) dst(%dma_wait3A_219 : memref<10240x128xf32, #tpu.memory_space<vmem_shared>>)
        tpu.yield
      }) : () -> ()
      %add3A_189 = arith.constant 1 : i32
      %add3A_190 = arith.addi %add3A_174, %add3A_189 : i32
      %dma_wait3A_191 = arith.constant 0 : i32
      %dma_wait3A_192 = tpu.memref_slice %arg7[%add3A_190, %dma_wait3A_191] : memref<40x128xi32, #tpu.memory_space<vmem>> -> memref<1x128xi32, #tpu.memory_space<vmem>>
      %dma_wait3A_193 = tpu.memref_squeeze %dma_wait3A_192 : memref<1x128xi32, #tpu.memory_space<vmem>> -> memref<128xi32, #tpu.memory_space<vmem>>
      %dma_wait3A_194 = arith.constant 0 : i32
      %dma_wait3A_195 = arith.constant 0 : i32
      %dma_wait3A_196 = tpu.memref_slice %arg2[%dma_wait3A_194, %dma_wait3A_195] : memref<10240x128xf32, #tpu.memory_space<hbm>> -> memref<10240x128xf32, #tpu.memory_space<hbm>>
      tpu.wait_indirect_dma semaphore(%arg14 : memref<!tpu.dma_semaphore, #tpu.memory_space<semaphore_mem>>) src(%dma_wait3A_196 : memref<10240x128xf32, #tpu.memory_space<hbm>>) dst(%arg10 : memref<128x128xf32, #tpu.memory_space<vmem>>)
      %add3A_197 = arith.constant 2 : i32
      %add3A_198 = arith.addi %add3A_174, %add3A_197 : i32
      %dma_start3A_199 = arith.constant 0 : i32
      %dma_start3A_200 = tpu.memref_slice %arg7[%add3A_198, %dma_start3A_199] : memref<40x128xi32, #tpu.memory_space<vmem>> -> memref<1x128xi32, #tpu.memory_space<vmem>>
      %dma_start3A_201 = tpu.memref_squeeze %dma_start3A_200 : memref<1x128xi32, #tpu.memory_space<vmem>> -> memref<128xi32, #tpu.memory_space<vmem>>
      %dma_start3A_202 = arith.constant 0 : i32
      %dma_start3A_203 = arith.constant 0 : i32
      %dma_start3A_204 = tpu.memref_slice %arg2[%dma_start3A_202, %dma_start3A_203] : memref<10240x128xf32, #tpu.memory_space<hbm>> -> memref<10240x128xf32, #tpu.memory_space<hbm>>
      tpu.enqueue_indirect_dma source(%dma_start3A_204 : memref<10240x128xf32, #tpu.memory_space<hbm>>) target(%arg9 : memref<128x128xf32, #tpu.memory_space<vmem>>) offsets(%dma_start3A_201 : memref<128xi32, #tpu.memory_space<vmem>>) semaphore(%arg13 : memref<!tpu.dma_semaphore, #tpu.memory_space<semaphore_mem>>)
      %add3A_205 = arith.constant 1 : i32
      %add3A_206 = arith.addi %add3A_174, %add3A_205 : i32
      "tpu.region"() ({
        %run_scoped3A_207 = tpu.sem_alloc : memref<!tpu.dma_semaphore, #tpu.memory_space<semaphore_mem>>
        %dma_start3A_208 = arith.constant 0 : i32
        %dma_start3A_209 = tpu.memref_slice %arg8[%add3A_206, %dma_start3A_208] : memref<40x128xi32, #tpu.memory_space<vmem>> -> memref<1x128xi32, #tpu.memory_space<vmem>>
        %dma_start3A_210 = tpu.memref_squeeze %dma_start3A_209 : memref<1x128xi32, #tpu.memory_space<vmem>> -> memref<128xi32, #tpu.memory_space<vmem>>
        %dma_start3A_211 = arith.constant 0 : i32
        %dma_start3A_212 = arith.constant 0 : i32
        %dma_start3A_213 = tpu.memref_slice %arg11[%dma_start3A_211, %dma_start3A_212] : memref<10240x128xf32, #tpu.memory_space<vmem_shared>> -> memref<10240x128xf32, #tpu.memory_space<vmem_shared>>
        tpu.enqueue_indirect_dma source(%arg10 : memref<128x128xf32, #tpu.memory_space<vmem>>) target(%dma_start3A_213 : memref<10240x128xf32, #tpu.memory_space<vmem_shared>>) offsets(%dma_start3A_210 : memref<128xi32, #tpu.memory_space<vmem>>) semaphore(%run_scoped3A_207 : memref<!tpu.dma_semaphore, #tpu.memory_space<semaphore_mem>>) {add = true}
        %dma_wait3A_214 = arith.constant 0 : i32
        %dma_wait3A_215 = tpu.memref_slice %arg8[%add3A_206, %dma_wait3A_214] : memref<40x128xi32, #tpu.memory_space<vmem>> -> memref<1x128xi32, #tpu.memory_space<vmem>>
        %dma_wait3A_216 = tpu.memref_squeeze %dma_wait3A_215 : memref<1x128xi32, #tpu.memory_space<vmem>> -> memref<128xi32, #tpu.memory_space<vmem>>
        %dma_wait3A_217 = arith.constant 0 : i32
        %dma_wait3A_218 = arith.constant 0 : i32
        %dma_wait3A_219 = tpu.memref_slice %arg11[%dma_wait3A_217, %dma_wait3A_218] : memref<10240x128xf32, #tpu.memory_space<vmem_shared>> -> memref<10240x128xf32, #tpu.memory_space<vmem_shared>>
        tpu.wait_indirect_dma semaphore(%run_scoped3A_207 : memref<!tpu.dma_semaphore, #tpu.memory_space<semaphore_mem>>) src(%arg10 : memref<128x128xf32, #tpu.memory_space<vmem>>) dst(%dma_wait3A_219 : memref<10240x128xf32, #tpu.memory_space<vmem_shared>>)
        tpu.yield
      }) : () -> ()
    }
    %scan3A_105 = arith.constant 19 : i32
    %dma_wait3A_106 = arith.constant 38 : i32
    %dma_wait3A_107 = arith.constant 0 : i32
    %dma_wait3A_108 = tpu.memref_slice %arg7[%dma_wait3A_106, %dma_wait3A_107] : memref<40x128xi32, #tpu.memory_space<vmem>> -> memref<1x128xi32, #tpu.memory_space<vmem>>
    %dma_wait3A_109 = tpu.memref_squeeze %dma_wait3A_108 : memref<1x128xi32, #tpu.memory_space<vmem>> -> memref<128xi32, #tpu.memory_space<vmem>>
    %dma_wait3A_110 = arith.constant 0 : i32
    %dma_wait3A_111 = arith.constant 0 : i32
    %dma_wait3A_112 = tpu.memref_slice %arg2[%dma_wait3A_110, %dma_wait3A_111] : memref<10240x128xf32, #tpu.memory_space<hbm>> -> memref<10240x128xf32, #tpu.memory_space<hbm>>
    tpu.wait_indirect_dma semaphore(%arg13 : memref<!tpu.dma_semaphore, #tpu.memory_space<semaphore_mem>>) src(%dma_wait3A_112 : memref<10240x128xf32, #tpu.memory_space<hbm>>) dst(%arg9 : memref<128x128xf32, #tpu.memory_space<vmem>>)
    %dma_start3A_113 = arith.constant 39 : i32
    %dma_start3A_114 = arith.constant 0 : i32
    %dma_start3A_115 = tpu.memref_slice %arg7[%dma_start3A_113, %dma_start3A_114] : memref<40x128xi32, #tpu.memory_space<vmem>> -> memref<1x128xi32, #tpu.memory_space<vmem>>
    %dma_start3A_116 = tpu.memref_squeeze %dma_start3A_115 : memref<1x128xi32, #tpu.memory_space<vmem>> -> memref<128xi32, #tpu.memory_space<vmem>>
    %dma_start3A_117 = arith.constant 0 : i32
    %dma_start3A_118 = arith.constant 0 : i32
    %dma_start3A_119 = tpu.memref_slice %arg2[%dma_start3A_117, %dma_start3A_118] : memref<10240x128xf32, #tpu.memory_space<hbm>> -> memref<10240x128xf32, #tpu.memory_space<hbm>>
    tpu.enqueue_indirect_dma source(%dma_start3A_119 : memref<10240x128xf32, #tpu.memory_space<hbm>>) target(%arg10 : memref<128x128xf32, #tpu.memory_space<vmem>>) offsets(%dma_start3A_116 : memref<128xi32, #tpu.memory_space<vmem>>) semaphore(%arg14 : memref<!tpu.dma_semaphore, #tpu.memory_space<semaphore_mem>>)
    %run_scoped3A = arith.constant 38 : i32
    "tpu.region"() ({
      %run_scoped3A_170 = tpu.sem_alloc : memref<!tpu.dma_semaphore, #tpu.memory_space<semaphore_mem>>
      %dma_start3A_171 = arith.constant 0 : i32
      %dma_start3A_172 = tpu.memref_slice %arg8[%run_scoped3A, %dma_start3A_171] : memref<40x128xi32, #tpu.memory_space<vmem>> -> memref<1x128xi32, #tpu.memory_space<vmem>>
      %dma_start3A_173 = tpu.memref_squeeze %dma_start3A_172 : memref<1x128xi32, #tpu.memory_space<vmem>> -> memref<128xi32, #tpu.memory_space<vmem>>
      %dma_start3A_174 = arith.constant 0 : i32
      %dma_start3A_175 = arith.constant 0 : i32
      %dma_start3A_176 = tpu.memref_slice %arg11[%dma_start3A_174, %dma_start3A_175] : memref<10240x128xf32, #tpu.memory_space<vmem_shared>> -> memref<10240x128xf32, #tpu.memory_space<vmem_shared>>
      tpu.enqueue_indirect_dma source(%arg9 : memref<128x128xf32, #tpu.memory_space<vmem>>) target(%dma_start3A_176 : memref<10240x128xf32, #tpu.memory_space<vmem_shared>>) offsets(%dma_start3A_173 : memref<128xi32, #tpu.memory_space<vmem>>) semaphore(%run_scoped3A_170 : memref<!tpu.dma_semaphore, #tpu.memory_space<semaphore_mem>>) {add = true}
      %dma_wait3A_177 = arith.constant 0 : i32
      %dma_wait3A_178 = tpu.memref_slice %arg8[%run_scoped3A, %dma_wait3A_177] : memref<40x128xi32, #tpu.memory_space<vmem>> -> memref<1x128xi32, #tpu.memory_space<vmem>>
      %dma_wait3A_179 = tpu.memref_squeeze %dma_wait3A_178 : memref<1x128xi32, #tpu.memory_space<vmem>> -> memref<128xi32, #tpu.memory_space<vmem>>
      %dma_wait3A_180 = arith.constant 0 : i32
      %dma_wait3A_181 = arith.constant 0 : i32
      %dma_wait3A_182 = tpu.memref_slice %arg11[%dma_wait3A_180, %dma_wait3A_181] : memref<10240x128xf32, #tpu.memory_space<vmem_shared>> -> memref<10240x128xf32, #tpu.memory_space<vmem_shared>>
      tpu.wait_indirect_dma semaphore(%run_scoped3A_170 : memref<!tpu.dma_semaphore, #tpu.memory_space<semaphore_mem>>) src(%arg9 : memref<128x128xf32, #tpu.memory_space<vmem>>) dst(%dma_wait3A_182 : memref<10240x128xf32, #tpu.memory_space<vmem_shared>>)
      tpu.yield
    }) : () -> ()
    %dma_wait3A_120 = arith.constant 39 : i32
    %dma_wait3A_121 = arith.constant 0 : i32
    %dma_wait3A_122 = tpu.memref_slice %arg7[%dma_wait3A_120, %dma_wait3A_121] : memref<40x128xi32, #tpu.memory_space<vmem>> -> memref<1x128xi32, #tpu.memory_space<vmem>>
    %dma_wait3A_123 = tpu.memref_squeeze %dma_wait3A_122 : memref<1x128xi32, #tpu.memory_space<vmem>> -> memref<128xi32, #tpu.memory_space<vmem>>
    %dma_wait3A_124 = arith.constant 0 : i32
    %dma_wait3A_125 = arith.constant 0 : i32
    %dma_wait3A_126 = tpu.memref_slice %arg2[%dma_wait3A_124, %dma_wait3A_125] : memref<10240x128xf32, #tpu.memory_space<hbm>> -> memref<10240x128xf32, #tpu.memory_space<hbm>>
    tpu.wait_indirect_dma semaphore(%arg14 : memref<!tpu.dma_semaphore, #tpu.memory_space<semaphore_mem>>) src(%dma_wait3A_126 : memref<10240x128xf32, #tpu.memory_space<hbm>>) dst(%arg10 : memref<128x128xf32, #tpu.memory_space<vmem>>)
    %run_scoped3A_127 = arith.constant 39 : i32
    "tpu.region"() ({
      %run_scoped3A_170 = tpu.sem_alloc : memref<!tpu.dma_semaphore, #tpu.memory_space<semaphore_mem>>
      %dma_start3A_171 = arith.constant 0 : i32
      %dma_start3A_172 = tpu.memref_slice %arg8[%run_scoped3A_127, %dma_start3A_171] : memref<40x128xi32, #tpu.memory_space<vmem>> -> memref<1x128xi32, #tpu.memory_space<vmem>>
      %dma_start3A_173 = tpu.memref_squeeze %dma_start3A_172 : memref<1x128xi32, #tpu.memory_space<vmem>> -> memref<128xi32, #tpu.memory_space<vmem>>
      %dma_start3A_174 = arith.constant 0 : i32
      %dma_start3A_175 = arith.constant 0 : i32
      %dma_start3A_176 = tpu.memref_slice %arg11[%dma_start3A_174, %dma_start3A_175] : memref<10240x128xf32, #tpu.memory_space<vmem_shared>> -> memref<10240x128xf32, #tpu.memory_space<vmem_shared>>
      tpu.enqueue_indirect_dma source(%arg10 : memref<128x128xf32, #tpu.memory_space<vmem>>) target(%dma_start3A_176 : memref<10240x128xf32, #tpu.memory_space<vmem_shared>>) offsets(%dma_start3A_173 : memref<128xi32, #tpu.memory_space<vmem>>) semaphore(%run_scoped3A_170 : memref<!tpu.dma_semaphore, #tpu.memory_space<semaphore_mem>>) {add = true}
      %dma_wait3A_177 = arith.constant 0 : i32
      %dma_wait3A_178 = tpu.memref_slice %arg8[%run_scoped3A_127, %dma_wait3A_177] : memref<40x128xi32, #tpu.memory_space<vmem>> -> memref<1x128xi32, #tpu.memory_space<vmem>>
      %dma_wait3A_179 = tpu.memref_squeeze %dma_wait3A_178 : memref<1x128xi32, #tpu.memory_space<vmem>> -> memref<128xi32, #tpu.memory_space<vmem>>
      %dma_wait3A_180 = arith.constant 0 : i32
      %dma_wait3A_181 = arith.constant 0 : i32
      %dma_wait3A_182 = tpu.memref_slice %arg11[%dma_wait3A_180, %dma_wait3A_181] : memref<10240x128xf32, #tpu.memory_space<vmem_shared>> -> memref<10240x128xf32, #tpu.memory_space<vmem_shared>>
      tpu.wait_indirect_dma semaphore(%run_scoped3A_170 : memref<!tpu.dma_semaphore, #tpu.memory_space<semaphore_mem>>) src(%arg10 : memref<128x128xf32, #tpu.memory_space<vmem>>) dst(%dma_wait3A_182 : memref<10240x128xf32, #tpu.memory_space<vmem_shared>>)
      tpu.yield
    }) : () -> ()
    %run_scoped3A_128 = arith.constant 1 : i32
    "tpu.region"() ({
      %run_scoped3A_170 = tpu.sem_alloc : memref<!tpu.dma_semaphore, #tpu.memory_space<semaphore_mem>>
      %dma_start3A_171 = arith.constant 0 : i32
      %dma_start3A_172 = arith.constant 0 : i32
      %dma_start3A_173 = tpu.memref_slice %arg3[%add3A, %run_scoped3A_128, %dma_start3A_171, %dma_start3A_172] : memref<32x2x40x128xi32, #tpu.memory_space<hbm>> -> memref<1x1x40x128xi32, #tpu.memory_space<hbm>>
      %dma_start3A_174 = tpu.memref_squeeze %dma_start3A_173 : memref<1x1x40x128xi32, #tpu.memory_space<hbm>> -> memref<40x128xi32, #tpu.memory_space<hbm>>
      %dma_start3A_175 = arith.constant 0 : i32
      %dma_start3A_176 = arith.constant 0 : i32
      %dma_start3A_177 = tpu.memref_slice %arg3[%add3A, %run_scoped3A_128, %dma_start3A_175, %dma_start3A_176] : memref<32x2x40x128xi32, #tpu.memory_space<hbm>> -> memref<1x1x40x128xi32, #tpu.memory_space<hbm>>
      %dma_start3A_178 = tpu.memref_squeeze %dma_start3A_177 : memref<1x1x40x128xi32, #tpu.memory_space<hbm>> -> memref<40x128xi32, #tpu.memory_space<hbm>>
      tpu.enqueue_dma source(%dma_start3A_178 : memref<40x128xi32, #tpu.memory_space<hbm>>) target(%arg7 : memref<40x128xi32, #tpu.memory_space<vmem>>) target_semaphore(%run_scoped3A_170 : memref<!tpu.dma_semaphore, #tpu.memory_space<semaphore_mem>>)
      %dma_wait3A_179 = arith.constant 0 : i32
      %dma_wait3A_180 = arith.constant 0 : i32
      %dma_wait3A_181 = tpu.memref_slice %arg3[%add3A, %run_scoped3A_128, %dma_wait3A_179, %dma_wait3A_180] : memref<32x2x40x128xi32, #tpu.memory_space<hbm>> -> memref<1x1x40x128xi32, #tpu.memory_space<hbm>>
      %dma_wait3A_182 = tpu.memref_squeeze %dma_wait3A_181 : memref<1x1x40x128xi32, #tpu.memory_space<hbm>> -> memref<40x128xi32, #tpu.memory_space<hbm>>
      %dma_wait3A_183 = arith.constant 0 : i32
      %dma_wait3A_184 = arith.constant 0 : i32
      %dma_wait3A_185 = tpu.memref_slice %arg3[%add3A, %run_scoped3A_128, %dma_wait3A_183, %dma_wait3A_184] : memref<32x2x40x128xi32, #tpu.memory_space<hbm>> -> memref<1x1x40x128xi32, #tpu.memory_space<hbm>>
      %dma_wait3A_186 = tpu.memref_squeeze %dma_wait3A_185 : memref<1x1x40x128xi32, #tpu.memory_space<hbm>> -> memref<40x128xi32, #tpu.memory_space<hbm>>
      tpu.wait_dma2 semaphore(%run_scoped3A_170 : memref<!tpu.dma_semaphore, #tpu.memory_space<semaphore_mem>>) src(%dma_wait3A_186 : memref<40x128xi32, #tpu.memory_space<hbm>>) dst(%arg7 : memref<40x128xi32, #tpu.memory_space<vmem>>)
      tpu.yield
    }) : () -> ()
    %run_scoped3A_129 = arith.constant 1 : i32
    "tpu.region"() ({
      %run_scoped3A_170 = tpu.sem_alloc : memref<!tpu.dma_semaphore, #tpu.memory_space<semaphore_mem>>
      %dma_start3A_171 = arith.constant 0 : i32
      %dma_start3A_172 = arith.constant 0 : i32
      %dma_start3A_173 = tpu.memref_slice %arg4[%add3A, %run_scoped3A_129, %dma_start3A_171, %dma_start3A_172] : memref<32x2x40x128xi32, #tpu.memory_space<hbm>> -> memref<1x1x40x128xi32, #tpu.memory_space<hbm>>
      %dma_start3A_174 = tpu.memref_squeeze %dma_start3A_173 : memref<1x1x40x128xi32, #tpu.memory_space<hbm>> -> memref<40x128xi32, #tpu.memory_space<hbm>>
      %dma_start3A_175 = arith.constant 0 : i32
      %dma_start3A_176 = arith.constant 0 : i32
      %dma_start3A_177 = tpu.memref_slice %arg4[%add3A, %run_scoped3A_129, %dma_start3A_175, %dma_start3A_176] : memref<32x2x40x128xi32, #tpu.memory_space<hbm>> -> memref<1x1x40x128xi32, #tpu.memory_space<hbm>>
      %dma_start3A_178 = tpu.memref_squeeze %dma_start3A_177 : memref<1x1x40x128xi32, #tpu.memory_space<hbm>> -> memref<40x128xi32, #tpu.memory_space<hbm>>
      tpu.enqueue_dma source(%dma_start3A_178 : memref<40x128xi32, #tpu.memory_space<hbm>>) target(%arg8 : memref<40x128xi32, #tpu.memory_space<vmem>>) target_semaphore(%run_scoped3A_170 : memref<!tpu.dma_semaphore, #tpu.memory_space<semaphore_mem>>)
      %dma_wait3A_179 = arith.constant 0 : i32
      %dma_wait3A_180 = arith.constant 0 : i32
      %dma_wait3A_181 = tpu.memref_slice %arg4[%add3A, %run_scoped3A_129, %dma_wait3A_179, %dma_wait3A_180] : memref<32x2x40x128xi32, #tpu.memory_space<hbm>> -> memref<1x1x40x128xi32, #tpu.memory_space<hbm>>
      %dma_wait3A_182 = tpu.memref_squeeze %dma_wait3A_181 : memref<1x1x40x128xi32, #tpu.memory_space<hbm>> -> memref<40x128xi32, #tpu.memory_space<hbm>>
      %dma_wait3A_183 = arith.constant 0 : i32
      %dma_wait3A_184 = arith.constant 0 : i32
      %dma_wait3A_185 = tpu.memref_slice %arg4[%add3A, %run_scoped3A_129, %dma_wait3A_183, %dma_wait3A_184] : memref<32x2x40x128xi32, #tpu.memory_space<hbm>> -> memref<1x1x40x128xi32, #tpu.memory_space<hbm>>
      %dma_wait3A_186 = tpu.memref_squeeze %dma_wait3A_185 : memref<1x1x40x128xi32, #tpu.memory_space<hbm>> -> memref<40x128xi32, #tpu.memory_space<hbm>>
      tpu.wait_dma2 semaphore(%run_scoped3A_170 : memref<!tpu.dma_semaphore, #tpu.memory_space<semaphore_mem>>) src(%dma_wait3A_186 : memref<40x128xi32, #tpu.memory_space<hbm>>) dst(%arg8 : memref<40x128xi32, #tpu.memory_space<vmem>>)
      tpu.yield
    }) : () -> ()
    %dma_start3A_130 = arith.constant 0 : i32
    %dma_start3A_131 = arith.constant 0 : i32
    %dma_start3A_132 = tpu.memref_slice %arg7[%dma_start3A_130, %dma_start3A_131] : memref<40x128xi32, #tpu.memory_space<vmem>> -> memref<1x128xi32, #tpu.memory_space<vmem>>
    %dma_start3A_133 = tpu.memref_squeeze %dma_start3A_132 : memref<1x128xi32, #tpu.memory_space<vmem>> -> memref<128xi32, #tpu.memory_space<vmem>>
    %dma_start3A_134 = arith.constant 0 : i32
    %dma_start3A_135 = arith.constant 0 : i32
    %dma_start3A_136 = tpu.memref_slice %arg2[%dma_start3A_134, %dma_start3A_135] : memref<10240x128xf32, #tpu.memory_space<hbm>> -> memref<10240x128xf32, #tpu.memory_space<hbm>>
    tpu.enqueue_indirect_dma source(%dma_start3A_136 : memref<10240x128xf32, #tpu.memory_space<hbm>>) target(%arg9 : memref<128x128xf32, #tpu.memory_space<vmem>>) offsets(%dma_start3A_133 : memref<128xi32, #tpu.memory_space<vmem>>) semaphore(%arg13 : memref<!tpu.dma_semaphore, #tpu.memory_space<semaphore_mem>>)
    %scan3A_137 = arith.constant 0 : i32
    %scan3A_138 = arith.constant 19 : i32
    %scan3A_139 = arith.addi %scan3A_137, %scan3A_138 : i32
    %scan3A_140 = arith.constant 1 : i32
    scf.for %scan3A_170 = %scan3A_137 to %scan3A_139 step %scan3A_140  : i32 {
      %mul3A_171 = arith.constant 2 : i32
      %mul3A_172 = arith.muli %scan3A_170, %mul3A_171 : i32
      %add3A_173 = arith.constant 0 : i32
      %add3A_174 = arith.addi %add3A_173, %mul3A_172 : i32
      %dma_wait3A_175 = arith.constant 0 : i32
      %dma_wait3A_176 = tpu.memref_slice %arg7[%add3A_174, %dma_wait3A_175] : memref<40x128xi32, #tpu.memory_space<vmem>> -> memref<1x128xi32, #tpu.memory_space<vmem>>
      %dma_wait3A_177 = tpu.memref_squeeze %dma_wait3A_176 : memref<1x128xi32, #tpu.memory_space<vmem>> -> memref<128xi32, #tpu.memory_space<vmem>>
      %dma_wait3A_178 = arith.constant 0 : i32
      %dma_wait3A_179 = arith.constant 0 : i32
      %dma_wait3A_180 = tpu.memref_slice %arg2[%dma_wait3A_178, %dma_wait3A_179] : memref<10240x128xf32, #tpu.memory_space<hbm>> -> memref<10240x128xf32, #tpu.memory_space<hbm>>
      tpu.wait_indirect_dma semaphore(%arg13 : memref<!tpu.dma_semaphore, #tpu.memory_space<semaphore_mem>>) src(%dma_wait3A_180 : memref<10240x128xf32, #tpu.memory_space<hbm>>) dst(%arg9 : memref<128x128xf32, #tpu.memory_space<vmem>>)
      %add3A_181 = arith.constant 1 : i32
      %add3A_182 = arith.addi %add3A_174, %add3A_181 : i32
      %dma_start3A_183 = arith.constant 0 : i32
      %dma_start3A_184 = tpu.memref_slice %arg7[%add3A_182, %dma_start3A_183] : memref<40x128xi32, #tpu.memory_space<vmem>> -> memref<1x128xi32, #tpu.memory_space<vmem>>
      %dma_start3A_185 = tpu.memref_squeeze %dma_start3A_184 : memref<1x128xi32, #tpu.memory_space<vmem>> -> memref<128xi32, #tpu.memory_space<vmem>>
      %dma_start3A_186 = arith.constant 0 : i32
      %dma_start3A_187 = arith.constant 0 : i32
      %dma_start3A_188 = tpu.memref_slice %arg2[%dma_start3A_186, %dma_start3A_187] : memref<10240x128xf32, #tpu.memory_space<hbm>> -> memref<10240x128xf32, #tpu.memory_space<hbm>>
      tpu.enqueue_indirect_dma source(%dma_start3A_188 : memref<10240x128xf32, #tpu.memory_space<hbm>>) target(%arg10 : memref<128x128xf32, #tpu.memory_space<vmem>>) offsets(%dma_start3A_185 : memref<128xi32, #tpu.memory_space<vmem>>) semaphore(%arg14 : memref<!tpu.dma_semaphore, #tpu.memory_space<semaphore_mem>>)
      "tpu.region"() ({
        %run_scoped3A_207 = tpu.sem_alloc : memref<!tpu.dma_semaphore, #tpu.memory_space<semaphore_mem>>
        %dma_start3A_208 = arith.constant 0 : i32
        %dma_start3A_209 = tpu.memref_slice %arg8[%add3A_174, %dma_start3A_208] : memref<40x128xi32, #tpu.memory_space<vmem>> -> memref<1x128xi32, #tpu.memory_space<vmem>>
        %dma_start3A_210 = tpu.memref_squeeze %dma_start3A_209 : memref<1x128xi32, #tpu.memory_space<vmem>> -> memref<128xi32, #tpu.memory_space<vmem>>
        %dma_start3A_211 = arith.constant 0 : i32
        %dma_start3A_212 = arith.constant 0 : i32
        %dma_start3A_213 = tpu.memref_slice %arg11[%dma_start3A_211, %dma_start3A_212] : memref<10240x128xf32, #tpu.memory_space<vmem_shared>> -> memref<10240x128xf32, #tpu.memory_space<vmem_shared>>
        tpu.enqueue_indirect_dma source(%arg9 : memref<128x128xf32, #tpu.memory_space<vmem>>) target(%dma_start3A_213 : memref<10240x128xf32, #tpu.memory_space<vmem_shared>>) offsets(%dma_start3A_210 : memref<128xi32, #tpu.memory_space<vmem>>) semaphore(%run_scoped3A_207 : memref<!tpu.dma_semaphore, #tpu.memory_space<semaphore_mem>>) {add = true}
        %dma_wait3A_214 = arith.constant 0 : i32
        %dma_wait3A_215 = tpu.memref_slice %arg8[%add3A_174, %dma_wait3A_214] : memref<40x128xi32, #tpu.memory_space<vmem>> -> memref<1x128xi32, #tpu.memory_space<vmem>>
        %dma_wait3A_216 = tpu.memref_squeeze %dma_wait3A_215 : memref<1x128xi32, #tpu.memory_space<vmem>> -> memref<128xi32, #tpu.memory_space<vmem>>
        %dma_wait3A_217 = arith.constant 0 : i32
        %dma_wait3A_218 = arith.constant 0 : i32
        %dma_wait3A_219 = tpu.memref_slice %arg11[%dma_wait3A_217, %dma_wait3A_218] : memref<10240x128xf32, #tpu.memory_space<vmem_shared>> -> memref<10240x128xf32, #tpu.memory_space<vmem_shared>>
        tpu.wait_indirect_dma semaphore(%run_scoped3A_207 : memref<!tpu.dma_semaphore, #tpu.memory_space<semaphore_mem>>) src(%arg9 : memref<128x128xf32, #tpu.memory_space<vmem>>) dst(%dma_wait3A_219 : memref<10240x128xf32, #tpu.memory_space<vmem_shared>>)
        tpu.yield
      }) : () -> ()
      %add3A_189 = arith.constant 1 : i32
      %add3A_190 = arith.addi %add3A_174, %add3A_189 : i32
      %dma_wait3A_191 = arith.constant 0 : i32
      %dma_wait3A_192 = tpu.memref_slice %arg7[%add3A_190, %dma_wait3A_191] : memref<40x128xi32, #tpu.memory_space<vmem>> -> memref<1x128xi32, #tpu.memory_space<vmem>>
      %dma_wait3A_193 = tpu.memref_squeeze %dma_wait3A_192 : memref<1x128xi32, #tpu.memory_space<vmem>> -> memref<128xi32, #tpu.memory_space<vmem>>
      %dma_wait3A_194 = arith.constant 0 : i32
      %dma_wait3A_195 = arith.constant 0 : i32
      %dma_wait3A_196 = tpu.memref_slice %arg2[%dma_wait3A_194, %dma_wait3A_195] : memref<10240x128xf32, #tpu.memory_space<hbm>> -> memref<10240x128xf32, #tpu.memory_space<hbm>>
      tpu.wait_indirect_dma semaphore(%arg14 : memref<!tpu.dma_semaphore, #tpu.memory_space<semaphore_mem>>) src(%dma_wait3A_196 : memref<10240x128xf32, #tpu.memory_space<hbm>>) dst(%arg10 : memref<128x128xf32, #tpu.memory_space<vmem>>)
      %add3A_197 = arith.constant 2 : i32
      %add3A_198 = arith.addi %add3A_174, %add3A_197 : i32
      %dma_start3A_199 = arith.constant 0 : i32
      %dma_start3A_200 = tpu.memref_slice %arg7[%add3A_198, %dma_start3A_199] : memref<40x128xi32, #tpu.memory_space<vmem>> -> memref<1x128xi32, #tpu.memory_space<vmem>>
      %dma_start3A_201 = tpu.memref_squeeze %dma_start3A_200 : memref<1x128xi32, #tpu.memory_space<vmem>> -> memref<128xi32, #tpu.memory_space<vmem>>
      %dma_start3A_202 = arith.constant 0 : i32
      %dma_start3A_203 = arith.constant 0 : i32
      %dma_start3A_204 = tpu.memref_slice %arg2[%dma_start3A_202, %dma_start3A_203] : memref<10240x128xf32, #tpu.memory_space<hbm>> -> memref<10240x128xf32, #tpu.memory_space<hbm>>
      tpu.enqueue_indirect_dma source(%dma_start3A_204 : memref<10240x128xf32, #tpu.memory_space<hbm>>) target(%arg9 : memref<128x128xf32, #tpu.memory_space<vmem>>) offsets(%dma_start3A_201 : memref<128xi32, #tpu.memory_space<vmem>>) semaphore(%arg13 : memref<!tpu.dma_semaphore, #tpu.memory_space<semaphore_mem>>)
      %add3A_205 = arith.constant 1 : i32
      %add3A_206 = arith.addi %add3A_174, %add3A_205 : i32
      "tpu.region"() ({
        %run_scoped3A_207 = tpu.sem_alloc : memref<!tpu.dma_semaphore, #tpu.memory_space<semaphore_mem>>
        %dma_start3A_208 = arith.constant 0 : i32
        %dma_start3A_209 = tpu.memref_slice %arg8[%add3A_206, %dma_start3A_208] : memref<40x128xi32, #tpu.memory_space<vmem>> -> memref<1x128xi32, #tpu.memory_space<vmem>>
        %dma_start3A_210 = tpu.memref_squeeze %dma_start3A_209 : memref<1x128xi32, #tpu.memory_space<vmem>> -> memref<128xi32, #tpu.memory_space<vmem>>
        %dma_start3A_211 = arith.constant 0 : i32
        %dma_start3A_212 = arith.constant 0 : i32
        %dma_start3A_213 = tpu.memref_slice %arg11[%dma_start3A_211, %dma_start3A_212] : memref<10240x128xf32, #tpu.memory_space<vmem_shared>> -> memref<10240x128xf32, #tpu.memory_space<vmem_shared>>
        tpu.enqueue_indirect_dma source(%arg10 : memref<128x128xf32, #tpu.memory_space<vmem>>) target(%dma_start3A_213 : memref<10240x128xf32, #tpu.memory_space<vmem_shared>>) offsets(%dma_start3A_210 : memref<128xi32, #tpu.memory_space<vmem>>) semaphore(%run_scoped3A_207 : memref<!tpu.dma_semaphore, #tpu.memory_space<semaphore_mem>>) {add = true}
        %dma_wait3A_214 = arith.constant 0 : i32
        %dma_wait3A_215 = tpu.memref_slice %arg8[%add3A_206, %dma_wait3A_214] : memref<40x128xi32, #tpu.memory_space<vmem>> -> memref<1x128xi32, #tpu.memory_space<vmem>>
        %dma_wait3A_216 = tpu.memref_squeeze %dma_wait3A_215 : memref<1x128xi32, #tpu.memory_space<vmem>> -> memref<128xi32, #tpu.memory_space<vmem>>
        %dma_wait3A_217 = arith.constant 0 : i32
        %dma_wait3A_218 = arith.constant 0 : i32
        %dma_wait3A_219 = tpu.memref_slice %arg11[%dma_wait3A_217, %dma_wait3A_218] : memref<10240x128xf32, #tpu.memory_space<vmem_shared>> -> memref<10240x128xf32, #tpu.memory_space<vmem_shared>>
        tpu.wait_indirect_dma semaphore(%run_scoped3A_207 : memref<!tpu.dma_semaphore, #tpu.memory_space<semaphore_mem>>) src(%arg10 : memref<128x128xf32, #tpu.memory_space<vmem>>) dst(%dma_wait3A_219 : memref<10240x128xf32, #tpu.memory_space<vmem_shared>>)
        tpu.yield
      }) : () -> ()
    }
    %scan3A_141 = arith.constant 19 : i32
    %dma_wait3A_142 = arith.constant 38 : i32
    %dma_wait3A_143 = arith.constant 0 : i32
    %dma_wait3A_144 = tpu.memref_slice %arg7[%dma_wait3A_142, %dma_wait3A_143] : memref<40x128xi32, #tpu.memory_space<vmem>> -> memref<1x128xi32, #tpu.memory_space<vmem>>
    %dma_wait3A_145 = tpu.memref_squeeze %dma_wait3A_144 : memref<1x128xi32, #tpu.memory_space<vmem>> -> memref<128xi32, #tpu.memory_space<vmem>>
    %dma_wait3A_146 = arith.constant 0 : i32
    %dma_wait3A_147 = arith.constant 0 : i32
    %dma_wait3A_148 = tpu.memref_slice %arg2[%dma_wait3A_146, %dma_wait3A_147] : memref<10240x128xf32, #tpu.memory_space<hbm>> -> memref<10240x128xf32, #tpu.memory_space<hbm>>
    tpu.wait_indirect_dma semaphore(%arg13 : memref<!tpu.dma_semaphore, #tpu.memory_space<semaphore_mem>>) src(%dma_wait3A_148 : memref<10240x128xf32, #tpu.memory_space<hbm>>) dst(%arg9 : memref<128x128xf32, #tpu.memory_space<vmem>>)
    %dma_start3A_149 = arith.constant 39 : i32
    %dma_start3A_150 = arith.constant 0 : i32
    %dma_start3A_151 = tpu.memref_slice %arg7[%dma_start3A_149, %dma_start3A_150] : memref<40x128xi32, #tpu.memory_space<vmem>> -> memref<1x128xi32, #tpu.memory_space<vmem>>
    %dma_start3A_152 = tpu.memref_squeeze %dma_start3A_151 : memref<1x128xi32, #tpu.memory_space<vmem>> -> memref<128xi32, #tpu.memory_space<vmem>>
    %dma_start3A_153 = arith.constant 0 : i32
    %dma_start3A_154 = arith.constant 0 : i32
    %dma_start3A_155 = tpu.memref_slice %arg2[%dma_start3A_153, %dma_start3A_154] : memref<10240x128xf32, #tpu.memory_space<hbm>> -> memref<10240x128xf32, #tpu.memory_space<hbm>>
    tpu.enqueue_indirect_dma source(%dma_start3A_155 : memref<10240x128xf32, #tpu.memory_space<hbm>>) target(%arg10 : memref<128x128xf32, #tpu.memory_space<vmem>>) offsets(%dma_start3A_152 : memref<128xi32, #tpu.memory_space<vmem>>) semaphore(%arg14 : memref<!tpu.dma_semaphore, #tpu.memory_space<semaphore_mem>>)
    %run_scoped3A_156 = arith.constant 38 : i32
    "tpu.region"() ({
      %run_scoped3A_170 = tpu.sem_alloc : memref<!tpu.dma_semaphore, #tpu.memory_space<semaphore_mem>>
      %dma_start3A_171 = arith.constant 0 : i32
      %dma_start3A_172 = tpu.memref_slice %arg8[%run_scoped3A_156, %dma_start3A_171] : memref<40x128xi32, #tpu.memory_space<vmem>> -> memref<1x128xi32, #tpu.memory_space<vmem>>
      %dma_start3A_173 = tpu.memref_squeeze %dma_start3A_172 : memref<1x128xi32, #tpu.memory_space<vmem>> -> memref<128xi32, #tpu.memory_space<vmem>>
      %dma_start3A_174 = arith.constant 0 : i32
      %dma_start3A_175 = arith.constant 0 : i32
      %dma_start3A_176 = tpu.memref_slice %arg11[%dma_start3A_174, %dma_start3A_175] : memref<10240x128xf32, #tpu.memory_space<vmem_shared>> -> memref<10240x128xf32, #tpu.memory_space<vmem_shared>>
      tpu.enqueue_indirect_dma source(%arg9 : memref<128x128xf32, #tpu.memory_space<vmem>>) target(%dma_start3A_176 : memref<10240x128xf32, #tpu.memory_space<vmem_shared>>) offsets(%dma_start3A_173 : memref<128xi32, #tpu.memory_space<vmem>>) semaphore(%run_scoped3A_170 : memref<!tpu.dma_semaphore, #tpu.memory_space<semaphore_mem>>) {add = true}
      %dma_wait3A_177 = arith.constant 0 : i32
      %dma_wait3A_178 = tpu.memref_slice %arg8[%run_scoped3A_156, %dma_wait3A_177] : memref<40x128xi32, #tpu.memory_space<vmem>> -> memref<1x128xi32, #tpu.memory_space<vmem>>
      %dma_wait3A_179 = tpu.memref_squeeze %dma_wait3A_178 : memref<1x128xi32, #tpu.memory_space<vmem>> -> memref<128xi32, #tpu.memory_space<vmem>>
      %dma_wait3A_180 = arith.constant 0 : i32
      %dma_wait3A_181 = arith.constant 0 : i32
      %dma_wait3A_182 = tpu.memref_slice %arg11[%dma_wait3A_180, %dma_wait3A_181] : memref<10240x128xf32, #tpu.memory_space<vmem_shared>> -> memref<10240x128xf32, #tpu.memory_space<vmem_shared>>
      tpu.wait_indirect_dma semaphore(%run_scoped3A_170 : memref<!tpu.dma_semaphore, #tpu.memory_space<semaphore_mem>>) src(%arg9 : memref<128x128xf32, #tpu.memory_space<vmem>>) dst(%dma_wait3A_182 : memref<10240x128xf32, #tpu.memory_space<vmem_shared>>)
      tpu.yield
    }) : () -> ()
    %dma_wait3A_157 = arith.constant 39 : i32
    %dma_wait3A_158 = arith.constant 0 : i32
    %dma_wait3A_159 = tpu.memref_slice %arg7[%dma_wait3A_157, %dma_wait3A_158] : memref<40x128xi32, #tpu.memory_space<vmem>> -> memref<1x128xi32, #tpu.memory_space<vmem>>
    %dma_wait3A_160 = tpu.memref_squeeze %dma_wait3A_159 : memref<1x128xi32, #tpu.memory_space<vmem>> -> memref<128xi32, #tpu.memory_space<vmem>>
    %dma_wait3A_161 = arith.constant 0 : i32
    %dma_wait3A_162 = arith.constant 0 : i32
    %dma_wait3A_163 = tpu.memref_slice %arg2[%dma_wait3A_161, %dma_wait3A_162] : memref<10240x128xf32, #tpu.memory_space<hbm>> -> memref<10240x128xf32, #tpu.memory_space<hbm>>
    tpu.wait_indirect_dma semaphore(%arg14 : memref<!tpu.dma_semaphore, #tpu.memory_space<semaphore_mem>>) src(%dma_wait3A_163 : memref<10240x128xf32, #tpu.memory_space<hbm>>) dst(%arg10 : memref<128x128xf32, #tpu.memory_space<vmem>>)
    %run_scoped3A_164 = arith.constant 39 : i32
    "tpu.region"() ({
      %run_scoped3A_170 = tpu.sem_alloc : memref<!tpu.dma_semaphore, #tpu.memory_space<semaphore_mem>>
      %dma_start3A_171 = arith.constant 0 : i32
      %dma_start3A_172 = tpu.memref_slice %arg8[%run_scoped3A_164, %dma_start3A_171] : memref<40x128xi32, #tpu.memory_space<vmem>> -> memref<1x128xi32, #tpu.memory_space<vmem>>
      %dma_start3A_173 = tpu.memref_squeeze %dma_start3A_172 : memref<1x128xi32, #tpu.memory_space<vmem>> -> memref<128xi32, #tpu.memory_space<vmem>>
      %dma_start3A_174 = arith.constant 0 : i32
      %dma_start3A_175 = arith.constant 0 : i32
      %dma_start3A_176 = tpu.memref_slice %arg11[%dma_start3A_174, %dma_start3A_175] : memref<10240x128xf32, #tpu.memory_space<vmem_shared>> -> memref<10240x128xf32, #tpu.memory_space<vmem_shared>>
      tpu.enqueue_indirect_dma source(%arg10 : memref<128x128xf32, #tpu.memory_space<vmem>>) target(%dma_start3A_176 : memref<10240x128xf32, #tpu.memory_space<vmem_shared>>) offsets(%dma_start3A_173 : memref<128xi32, #tpu.memory_space<vmem>>) semaphore(%run_scoped3A_170 : memref<!tpu.dma_semaphore, #tpu.memory_space<semaphore_mem>>) {add = true}
      %dma_wait3A_177 = arith.constant 0 : i32
      %dma_wait3A_178 = tpu.memref_slice %arg8[%run_scoped3A_164, %dma_wait3A_177] : memref<40x128xi32, #tpu.memory_space<vmem>> -> memref<1x128xi32, #tpu.memory_space<vmem>>
      %dma_wait3A_179 = tpu.memref_squeeze %dma_wait3A_178 : memref<1x128xi32, #tpu.memory_space<vmem>> -> memref<128xi32, #tpu.memory_space<vmem>>
      %dma_wait3A_180 = arith.constant 0 : i32
      %dma_wait3A_181 = arith.constant 0 : i32
      %dma_wait3A_182 = tpu.memref_slice %arg11[%dma_wait3A_180, %dma_wait3A_181] : memref<10240x128xf32, #tpu.memory_space<vmem_shared>> -> memref<10240x128xf32, #tpu.memory_space<vmem_shared>>
      tpu.wait_indirect_dma semaphore(%run_scoped3A_170 : memref<!tpu.dma_semaphore, #tpu.memory_space<semaphore_mem>>) src(%arg10 : memref<128x128xf32, #tpu.memory_space<vmem>>) dst(%dma_wait3A_182 : memref<10240x128xf32, #tpu.memory_space<vmem_shared>>)
      tpu.yield
    }) : () -> ()
    %barrier3A_165 = arith.constant 0 : index
    tpu.barrier barrier_id(%barrier3A_165)
    %mul3A_166 = arith.constant 640 : i32
    %mul3A_167 = arith.muli %arg1, %mul3A_166 : i32
    %mul3A_168 = arith.constant 640 : i32
    %mul3A_169 = arith.muli %arg1, %mul3A_168 : i32
    "tpu.region"() ({
      %run_scoped3A_170 = tpu.sem_alloc : memref<!tpu.dma_semaphore, #tpu.memory_space<semaphore_mem>>
      %dma_start3A_171 = arith.constant 0 : i32
      %dma_start3A_172 = tpu.memref_slice %arg6[%arg0, %mul3A_169, %dma_start3A_171] : memref<2x10240x128xf32, #tpu.memory_space<hbm>> -> memref<1x640x128xf32, #tpu.memory_space<hbm>>
      %dma_start3A_173 = tpu.memref_squeeze %dma_start3A_172 : memref<1x640x128xf32, #tpu.memory_space<hbm>> -> memref<640x128xf32, #tpu.memory_space<hbm>>
      %dma_start3A_174 = arith.constant 0 : i32
      %dma_start3A_175 = tpu.memref_slice %arg11[%mul3A_167, %dma_start3A_174] : memref<10240x128xf32, #tpu.memory_space<vmem_shared>> -> memref<640x128xf32, #tpu.memory_space<vmem_shared>>
      tpu.enqueue_dma source(%dma_start3A_175 : memref<640x128xf32, #tpu.memory_space<vmem_shared>>) target(%dma_start3A_173 : memref<640x128xf32, #tpu.memory_space<hbm>>) target_semaphore(%run_scoped3A_170 : memref<!tpu.dma_semaphore, #tpu.memory_space<semaphore_mem>>)
      %dma_wait3A_176 = arith.constant 0 : i32
      %dma_wait3A_177 = tpu.memref_slice %arg6[%arg0, %mul3A_169, %dma_wait3A_176] : memref<2x10240x128xf32, #tpu.memory_space<hbm>> -> memref<1x640x128xf32, #tpu.memory_space<hbm>>
      %dma_wait3A_178 = tpu.memref_squeeze %dma_wait3A_177 : memref<1x640x128xf32, #tpu.memory_space<hbm>> -> memref<640x128xf32, #tpu.memory_space<hbm>>
      %dma_wait3A_179 = arith.constant 0 : i32
      %dma_wait3A_180 = tpu.memref_slice %arg11[%mul3A_167, %dma_wait3A_179] : memref<10240x128xf32, #tpu.memory_space<vmem_shared>> -> memref<640x128xf32, #tpu.memory_space<vmem_shared>>
      tpu.wait_dma2 semaphore(%run_scoped3A_170 : memref<!tpu.dma_semaphore, #tpu.memory_space<semaphore_mem>>) src(%dma_wait3A_180 : memref<640x128xf32, #tpu.memory_space<vmem_shared>>) dst(%dma_wait3A_178 : memref<640x128xf32, #tpu.memory_space<hbm>>)
      tpu.yield
    }) : () -> ()
    return
  }
}

#map = affine_map<(d0, d1) -> (0, 0)>
#map1 = affine_map<(d0, d1) -> (0, 0, 0, 0)>
#map2 = affine_map<(d0, d1) -> (0, 0, 0)>
module attributes {stable_mosaic.version = 14 : i64} {
  func.func @_edge_body(%arg0: i32, %arg1: i32, %arg2: memref<10240x128xf32, #tpu.memory_space<hbm>>, %arg3: memref<32x2x40x128xi32, #tpu.memory_space<hbm>>, %arg4: memref<32x2x40x128xi32, #tpu.memory_space<hbm>>, %arg5: memref<128x128xf32, #tpu.memory_space<hbm>>, %arg6: memref<2x10240x128xf32, #tpu.memory_space<hbm>>, %arg7: memref<40x128xi32, #tpu.memory_space<vmem>>, %arg8: memref<40x128xi32, #tpu.memory_space<vmem>>, %arg9: memref<128x128xf32, #tpu.memory_space<vmem>>, %arg10: memref<128x128xf32, #tpu.memory_space<vmem>>, %arg11: memref<10240x128xf32, #tpu.memory_space<vmem_shared>>, %arg12: memref<!tpu.dma_semaphore, #tpu.memory_space<semaphore_mem>>, %arg13: memref<!tpu.dma_semaphore, #tpu.memory_space<semaphore_mem>>, %arg14: memref<!tpu.dma_semaphore, #tpu.memory_space<semaphore_mem>>) attributes {dimension_semantics = [#tpu.dimension_semantics<core_parallel>, #tpu.dimension_semantics<subcore_parallel>], iteration_bounds = array<i64: 2, 16>, scalar_prefetch = 0 : i64, scratch_operands = 8 : i64, tpu.core_type = #tpu.core_type<sc_vector_subcore>, window_params = [{transform_indices = #map}, {transform_indices = #map1}, {transform_indices = #map1}, {transform_indices = #map}, {transform_indices = #map2}]} {
    %mul3A = arith.constant 16 : i32
    %mul3A_0 = arith.muli %arg0, %mul3A : i32
    %add3A = arith.addi %mul3A_0, %arg1 : i32
    %mul3A_1 = arith.constant 640 : i32
    %mul3A_2 = arith.muli %arg1, %mul3A_1 : i32
    %add3A_3 = arith.constant 0 : i32
    %add3A_4 = arith.addi %mul3A_2, %add3A_3 : i32
    %dma_start3A = arith.constant 0 : i32
    %dma_start3A_5 = tpu.memref_slice %arg11[%add3A_4, %dma_start3A] : memref<10240x128xf32, #tpu.memory_space<vmem_shared>> -> memref<128x128xf32, #tpu.memory_space<vmem_shared>>
    tpu.enqueue_dma source(%arg5 : memref<128x128xf32, #tpu.memory_space<hbm>>) target(%dma_start3A_5 : memref<128x128xf32, #tpu.memory_space<vmem_shared>>) target_semaphore(%arg12 : memref<!tpu.dma_semaphore, #tpu.memory_space<semaphore_mem>>)
    %mul3A_6 = arith.constant 640 : i32
    %mul3A_7 = arith.muli %arg1, %mul3A_6 : i32
    %add3A_8 = arith.constant 128 : i32
    %add3A_9 = arith.addi %mul3A_7, %add3A_8 : i32
    %dma_start3A_10 = arith.constant 0 : i32
    %dma_start3A_11 = tpu.memref_slice %arg11[%add3A_9, %dma_start3A_10] : memref<10240x128xf32, #tpu.memory_space<vmem_shared>> -> memref<128x128xf32, #tpu.memory_space<vmem_shared>>
    tpu.enqueue_dma source(%arg5 : memref<128x128xf32, #tpu.memory_space<hbm>>) target(%dma_start3A_11 : memref<128x128xf32, #tpu.memory_space<vmem_shared>>) target_semaphore(%arg12 : memref<!tpu.dma_semaphore, #tpu.memory_space<semaphore_mem>>)
    %mul3A_12 = arith.constant 640 : i32
    %mul3A_13 = arith.muli %arg1, %mul3A_12 : i32
    %add3A_14 = arith.constant 256 : i32
    %add3A_15 = arith.addi %mul3A_13, %add3A_14 : i32
    %dma_start3A_16 = arith.constant 0 : i32
    %dma_start3A_17 = tpu.memref_slice %arg11[%add3A_15, %dma_start3A_16] : memref<10240x128xf32, #tpu.memory_space<vmem_shared>> -> memref<128x128xf32, #tpu.memory_space<vmem_shared>>
    tpu.enqueue_dma source(%arg5 : memref<128x128xf32, #tpu.memory_space<hbm>>) target(%dma_start3A_17 : memref<128x128xf32, #tpu.memory_space<vmem_shared>>) target_semaphore(%arg12 : memref<!tpu.dma_semaphore, #tpu.memory_space<semaphore_mem>>)
    %mul3A_18 = arith.constant 640 : i32
    %mul3A_19 = arith.muli %arg1, %mul3A_18 : i32
    %add3A_20 = arith.constant 384 : i32
    %add3A_21 = arith.addi %mul3A_19, %add3A_20 : i32
    %dma_start3A_22 = arith.constant 0 : i32
    %dma_start3A_23 = tpu.memref_slice %arg11[%add3A_21, %dma_start3A_22] : memref<10240x128xf32, #tpu.memory_space<vmem_shared>> -> memref<128x128xf32, #tpu.memory_space<vmem_shared>>
    tpu.enqueue_dma source(%arg5 : memref<128x128xf32, #tpu.memory_space<hbm>>) target(%dma_start3A_23 : memref<128x128xf32, #tpu.memory_space<vmem_shared>>) target_semaphore(%arg12 : memref<!tpu.dma_semaphore, #tpu.memory_space<semaphore_mem>>)
    %mul3A_24 = arith.constant 640 : i32
    %mul3A_25 = arith.muli %arg1, %mul3A_24 : i32
    %add3A_26 = arith.constant 512 : i32
    %add3A_27 = arith.addi %mul3A_25, %add3A_26 : i32
    %dma_start3A_28 = arith.constant 0 : i32
    %dma_start3A_29 = tpu.memref_slice %arg11[%add3A_27, %dma_start3A_28] : memref<10240x128xf32, #tpu.memory_space<vmem_shared>> -> memref<128x128xf32, #tpu.memory_space<vmem_shared>>
    tpu.enqueue_dma source(%arg5 : memref<128x128xf32, #tpu.memory_space<hbm>>) target(%dma_start3A_29 : memref<128x128xf32, #tpu.memory_space<vmem_shared>>) target_semaphore(%arg12 : memref<!tpu.dma_semaphore, #tpu.memory_space<semaphore_mem>>)
    %dma_start3A_30 = arith.constant 0 : i32
    %dma_start3A_31 = arith.constant 0 : i32
    %dma_start3A_32 = arith.constant 0 : i32
    %dma_start3A_33 = tpu.memref_slice %arg3[%add3A, %dma_start3A_30, %dma_start3A_31, %dma_start3A_32] : memref<32x2x40x128xi32, #tpu.memory_space<hbm>> -> memref<1x1x40x128xi32, #tpu.memory_space<hbm>>
    %dma_start3A_34 = tpu.memref_squeeze %dma_start3A_33 : memref<1x1x40x128xi32, #tpu.memory_space<hbm>> -> memref<40x128xi32, #tpu.memory_space<hbm>>
    %dma_start3A_35 = arith.constant 0 : i32
    %dma_start3A_36 = arith.constant 0 : i32
    %dma_start3A_37 = tpu.memref_slice %arg3[%add3A, %dma_start3A_30, %dma_start3A_35, %dma_start3A_36] : memref<32x2x40x128xi32, #tpu.memory_space<hbm>> -> memref<1x1x40x128xi32, #tpu.memory_space<hbm>>
    %dma_start3A_38 = tpu.memref_squeeze %dma_start3A_37 : memref<1x1x40x128xi32, #tpu.memory_space<hbm>> -> memref<40x128xi32, #tpu.memory_space<hbm>>
    tpu.enqueue_dma source(%dma_start3A_38 : memref<40x128xi32, #tpu.memory_space<hbm>>) target(%arg7 : memref<40x128xi32, #tpu.memory_space<vmem>>) target_semaphore(%arg12 : memref<!tpu.dma_semaphore, #tpu.memory_space<semaphore_mem>>)
    %dma_start3A_39 = arith.constant 0 : i32
    %dma_start3A_40 = arith.constant 0 : i32
    %dma_start3A_41 = arith.constant 0 : i32
    %dma_start3A_42 = tpu.memref_slice %arg4[%add3A, %dma_start3A_39, %dma_start3A_40, %dma_start3A_41] : memref<32x2x40x128xi32, #tpu.memory_space<hbm>> -> memref<1x1x40x128xi32, #tpu.memory_space<hbm>>
    %dma_start3A_43 = tpu.memref_squeeze %dma_start3A_42 : memref<1x1x40x128xi32, #tpu.memory_space<hbm>> -> memref<40x128xi32, #tpu.memory_space<hbm>>
    %dma_start3A_44 = arith.constant 0 : i32
    %dma_start3A_45 = arith.constant 0 : i32
    %dma_start3A_46 = tpu.memref_slice %arg4[%add3A, %dma_start3A_39, %dma_start3A_44, %dma_start3A_45] : memref<32x2x40x128xi32, #tpu.memory_space<hbm>> -> memref<1x1x40x128xi32, #tpu.memory_space<hbm>>
    %dma_start3A_47 = tpu.memref_squeeze %dma_start3A_46 : memref<1x1x40x128xi32, #tpu.memory_space<hbm>> -> memref<40x128xi32, #tpu.memory_space<hbm>>
    tpu.enqueue_dma source(%dma_start3A_47 : memref<40x128xi32, #tpu.memory_space<hbm>>) target(%arg8 : memref<40x128xi32, #tpu.memory_space<vmem>>) target_semaphore(%arg12 : memref<!tpu.dma_semaphore, #tpu.memory_space<semaphore_mem>>)
    %mul3A_48 = arith.constant 640 : i32
    %mul3A_49 = arith.muli %arg1, %mul3A_48 : i32
    %add3A_50 = arith.constant 0 : i32
    %add3A_51 = arith.addi %mul3A_49, %add3A_50 : i32
    %dma_wait3A = arith.constant 0 : i32
    %dma_wait3A_52 = tpu.memref_slice %arg11[%add3A_51, %dma_wait3A] : memref<10240x128xf32, #tpu.memory_space<vmem_shared>> -> memref<128x128xf32, #tpu.memory_space<vmem_shared>>
    tpu.wait_dma2 semaphore(%arg12 : memref<!tpu.dma_semaphore, #tpu.memory_space<semaphore_mem>>) src(%arg5 : memref<128x128xf32, #tpu.memory_space<hbm>>) dst(%dma_wait3A_52 : memref<128x128xf32, #tpu.memory_space<vmem_shared>>)
    %mul3A_53 = arith.constant 640 : i32
    %mul3A_54 = arith.muli %arg1, %mul3A_53 : i32
    %add3A_55 = arith.constant 128 : i32
    %add3A_56 = arith.addi %mul3A_54, %add3A_55 : i32
    %dma_wait3A_57 = arith.constant 0 : i32
    %dma_wait3A_58 = tpu.memref_slice %arg11[%add3A_56, %dma_wait3A_57] : memref<10240x128xf32, #tpu.memory_space<vmem_shared>> -> memref<128x128xf32, #tpu.memory_space<vmem_shared>>
    tpu.wait_dma2 semaphore(%arg12 : memref<!tpu.dma_semaphore, #tpu.memory_space<semaphore_mem>>) src(%arg5 : memref<128x128xf32, #tpu.memory_space<hbm>>) dst(%dma_wait3A_58 : memref<128x128xf32, #tpu.memory_space<vmem_shared>>)
    %mul3A_59 = arith.constant 640 : i32
    %mul3A_60 = arith.muli %arg1, %mul3A_59 : i32
    %add3A_61 = arith.constant 256 : i32
    %add3A_62 = arith.addi %mul3A_60, %add3A_61 : i32
    %dma_wait3A_63 = arith.constant 0 : i32
    %dma_wait3A_64 = tpu.memref_slice %arg11[%add3A_62, %dma_wait3A_63] : memref<10240x128xf32, #tpu.memory_space<vmem_shared>> -> memref<128x128xf32, #tpu.memory_space<vmem_shared>>
    tpu.wait_dma2 semaphore(%arg12 : memref<!tpu.dma_semaphore, #tpu.memory_space<semaphore_mem>>) src(%arg5 : memref<128x128xf32, #tpu.memory_space<hbm>>) dst(%dma_wait3A_64 : memref<128x128xf32, #tpu.memory_space<vmem_shared>>)
    %mul3A_65 = arith.constant 640 : i32
    %mul3A_66 = arith.muli %arg1, %mul3A_65 : i32
    %add3A_67 = arith.constant 384 : i32
    %add3A_68 = arith.addi %mul3A_66, %add3A_67 : i32
    %dma_wait3A_69 = arith.constant 0 : i32
    %dma_wait3A_70 = tpu.memref_slice %arg11[%add3A_68, %dma_wait3A_69] : memref<10240x128xf32, #tpu.memory_space<vmem_shared>> -> memref<128x128xf32, #tpu.memory_space<vmem_shared>>
    tpu.wait_dma2 semaphore(%arg12 : memref<!tpu.dma_semaphore, #tpu.memory_space<semaphore_mem>>) src(%arg5 : memref<128x128xf32, #tpu.memory_space<hbm>>) dst(%dma_wait3A_70 : memref<128x128xf32, #tpu.memory_space<vmem_shared>>)
    %mul3A_71 = arith.constant 640 : i32
    %mul3A_72 = arith.muli %arg1, %mul3A_71 : i32
    %add3A_73 = arith.constant 512 : i32
    %add3A_74 = arith.addi %mul3A_72, %add3A_73 : i32
    %dma_wait3A_75 = arith.constant 0 : i32
    %dma_wait3A_76 = tpu.memref_slice %arg11[%add3A_74, %dma_wait3A_75] : memref<10240x128xf32, #tpu.memory_space<vmem_shared>> -> memref<128x128xf32, #tpu.memory_space<vmem_shared>>
    tpu.wait_dma2 semaphore(%arg12 : memref<!tpu.dma_semaphore, #tpu.memory_space<semaphore_mem>>) src(%arg5 : memref<128x128xf32, #tpu.memory_space<hbm>>) dst(%dma_wait3A_76 : memref<128x128xf32, #tpu.memory_space<vmem_shared>>)
    %dma_wait3A_77 = arith.constant 0 : i32
    %dma_wait3A_78 = arith.constant 0 : i32
    %dma_wait3A_79 = arith.constant 0 : i32
    %dma_wait3A_80 = tpu.memref_slice %arg3[%add3A, %dma_wait3A_77, %dma_wait3A_78, %dma_wait3A_79] : memref<32x2x40x128xi32, #tpu.memory_space<hbm>> -> memref<1x1x40x128xi32, #tpu.memory_space<hbm>>
    %dma_wait3A_81 = tpu.memref_squeeze %dma_wait3A_80 : memref<1x1x40x128xi32, #tpu.memory_space<hbm>> -> memref<40x128xi32, #tpu.memory_space<hbm>>
    %dma_wait3A_82 = arith.constant 0 : i32
    %dma_wait3A_83 = arith.constant 0 : i32
    %dma_wait3A_84 = tpu.memref_slice %arg3[%add3A, %dma_wait3A_77, %dma_wait3A_82, %dma_wait3A_83] : memref<32x2x40x128xi32, #tpu.memory_space<hbm>> -> memref<1x1x40x128xi32, #tpu.memory_space<hbm>>
    %dma_wait3A_85 = tpu.memref_squeeze %dma_wait3A_84 : memref<1x1x40x128xi32, #tpu.memory_space<hbm>> -> memref<40x128xi32, #tpu.memory_space<hbm>>
    tpu.wait_dma2 semaphore(%arg12 : memref<!tpu.dma_semaphore, #tpu.memory_space<semaphore_mem>>) src(%dma_wait3A_85 : memref<40x128xi32, #tpu.memory_space<hbm>>) dst(%arg7 : memref<40x128xi32, #tpu.memory_space<vmem>>)
    %dma_wait3A_86 = arith.constant 0 : i32
    %dma_wait3A_87 = arith.constant 0 : i32
    %dma_wait3A_88 = arith.constant 0 : i32
    %dma_wait3A_89 = tpu.memref_slice %arg4[%add3A, %dma_wait3A_86, %dma_wait3A_87, %dma_wait3A_88] : memref<32x2x40x128xi32, #tpu.memory_space<hbm>> -> memref<1x1x40x128xi32, #tpu.memory_space<hbm>>
    %dma_wait3A_90 = tpu.memref_squeeze %dma_wait3A_89 : memref<1x1x40x128xi32, #tpu.memory_space<hbm>> -> memref<40x128xi32, #tpu.memory_space<hbm>>
    %dma_wait3A_91 = arith.constant 0 : i32
    %dma_wait3A_92 = arith.constant 0 : i32
    %dma_wait3A_93 = tpu.memref_slice %arg4[%add3A, %dma_wait3A_86, %dma_wait3A_91, %dma_wait3A_92] : memref<32x2x40x128xi32, #tpu.memory_space<hbm>> -> memref<1x1x40x128xi32, #tpu.memory_space<hbm>>
    %dma_wait3A_94 = tpu.memref_squeeze %dma_wait3A_93 : memref<1x1x40x128xi32, #tpu.memory_space<hbm>> -> memref<40x128xi32, #tpu.memory_space<hbm>>
    tpu.wait_dma2 semaphore(%arg12 : memref<!tpu.dma_semaphore, #tpu.memory_space<semaphore_mem>>) src(%dma_wait3A_94 : memref<40x128xi32, #tpu.memory_space<hbm>>) dst(%arg8 : memref<40x128xi32, #tpu.memory_space<vmem>>)
    %barrier3A = arith.constant 0 : index
    tpu.barrier barrier_id(%barrier3A)
    %dma_start3A_95 = arith.constant 0 : i32
    %dma_start3A_96 = arith.constant 0 : i32
    %dma_start3A_97 = tpu.memref_slice %arg7[%dma_start3A_95, %dma_start3A_96] : memref<40x128xi32, #tpu.memory_space<vmem>> -> memref<1x128xi32, #tpu.memory_space<vmem>>
    %dma_start3A_98 = tpu.memref_squeeze %dma_start3A_97 : memref<1x128xi32, #tpu.memory_space<vmem>> -> memref<128xi32, #tpu.memory_space<vmem>>
    %dma_start3A_99 = arith.constant 0 : i32
    %dma_start3A_100 = arith.constant 0 : i32
    %dma_start3A_101 = tpu.memref_slice %arg2[%dma_start3A_99, %dma_start3A_100] : memref<10240x128xf32, #tpu.memory_space<hbm>> -> memref<10240x128xf32, #tpu.memory_space<hbm>>
    tpu.enqueue_indirect_dma source(%dma_start3A_101 : memref<10240x128xf32, #tpu.memory_space<hbm>>) target(%arg9 : memref<128x128xf32, #tpu.memory_space<vmem>>) offsets(%dma_start3A_98 : memref<128xi32, #tpu.memory_space<vmem>>) semaphore(%arg13 : memref<!tpu.dma_semaphore, #tpu.memory_space<semaphore_mem>>)
    %scan3A = arith.constant 0 : i32
    %scan3A_102 = arith.constant 19 : i32
    %scan3A_103 = arith.addi %scan3A, %scan3A_102 : i32
    %scan3A_104 = arith.constant 1 : i32
    scf.for %scan3A_170 = %scan3A to %scan3A_103 step %scan3A_104  : i32 {
      %mul3A_171 = arith.constant 2 : i32
      %mul3A_172 = arith.muli %scan3A_170, %mul3A_171 : i32
      %add3A_173 = arith.constant 0 : i32
      %add3A_174 = arith.addi %add3A_173, %mul3A_172 : i32
      %dma_wait3A_175 = arith.constant 0 : i32
      %dma_wait3A_176 = tpu.memref_slice %arg7[%add3A_174, %dma_wait3A_175] : memref<40x128xi32, #tpu.memory_space<vmem>> -> memref<1x128xi32, #tpu.memory_space<vmem>>
      %dma_wait3A_177 = tpu.memref_squeeze %dma_wait3A_176 : memref<1x128xi32, #tpu.memory_space<vmem>> -> memref<128xi32, #tpu.memory_space<vmem>>
      %dma_wait3A_178 = arith.constant 0 : i32
      %dma_wait3A_179 = arith.constant 0 : i32
      %dma_wait3A_180 = tpu.memref_slice %arg2[%dma_wait3A_178, %dma_wait3A_179] : memref<10240x128xf32, #tpu.memory_space<hbm>> -> memref<10240x128xf32, #tpu.memory_space<hbm>>
      tpu.wait_indirect_dma semaphore(%arg13 : memref<!tpu.dma_semaphore, #tpu.memory_space<semaphore_mem>>) src(%dma_wait3A_180 : memref<10240x128xf32, #tpu.memory_space<hbm>>) dst(%arg9 : memref<128x128xf32, #tpu.memory_space<vmem>>)
      %add3A_181 = arith.constant 1 : i32
      %add3A_182 = arith.addi %add3A_174, %add3A_181 : i32
      %dma_start3A_183 = arith.constant 0 : i32
      %dma_start3A_184 = tpu.memref_slice %arg7[%add3A_182, %dma_start3A_183] : memref<40x128xi32, #tpu.memory_space<vmem>> -> memref<1x128xi32, #tpu.memory_space<vmem>>
      %dma_start3A_185 = tpu.memref_squeeze %dma_start3A_184 : memref<1x128xi32, #tpu.memory_space<vmem>> -> memref<128xi32, #tpu.memory_space<vmem>>
      %dma_start3A_186 = arith.constant 0 : i32
      %dma_start3A_187 = arith.constant 0 : i32
      %dma_start3A_188 = tpu.memref_slice %arg2[%dma_start3A_186, %dma_start3A_187] : memref<10240x128xf32, #tpu.memory_space<hbm>> -> memref<10240x128xf32, #tpu.memory_space<hbm>>
      tpu.enqueue_indirect_dma source(%dma_start3A_188 : memref<10240x128xf32, #tpu.memory_space<hbm>>) target(%arg10 : memref<128x128xf32, #tpu.memory_space<vmem>>) offsets(%dma_start3A_185 : memref<128xi32, #tpu.memory_space<vmem>>) semaphore(%arg14 : memref<!tpu.dma_semaphore, #tpu.memory_space<semaphore_mem>>)
      "tpu.region"() ({
        %run_scoped3A_207 = tpu.sem_alloc : memref<!tpu.dma_semaphore, #tpu.memory_space<semaphore_mem>>
        %dma_start3A_208 = arith.constant 0 : i32
        %dma_start3A_209 = tpu.memref_slice %arg8[%add3A_174, %dma_start3A_208] : memref<40x128xi32, #tpu.memory_space<vmem>> -> memref<1x128xi32, #tpu.memory_space<vmem>>
        %dma_start3A_210 = tpu.memref_squeeze %dma_start3A_209 : memref<1x128xi32, #tpu.memory_space<vmem>> -> memref<128xi32, #tpu.memory_space<vmem>>
        %dma_start3A_211 = arith.constant 0 : i32
        %dma_start3A_212 = arith.constant 0 : i32
        %dma_start3A_213 = tpu.memref_slice %arg11[%dma_start3A_211, %dma_start3A_212] : memref<10240x128xf32, #tpu.memory_space<vmem_shared>> -> memref<10240x128xf32, #tpu.memory_space<vmem_shared>>
        tpu.enqueue_indirect_dma source(%arg9 : memref<128x128xf32, #tpu.memory_space<vmem>>) target(%dma_start3A_213 : memref<10240x128xf32, #tpu.memory_space<vmem_shared>>) offsets(%dma_start3A_210 : memref<128xi32, #tpu.memory_space<vmem>>) semaphore(%run_scoped3A_207 : memref<!tpu.dma_semaphore, #tpu.memory_space<semaphore_mem>>) {add = true}
        %dma_wait3A_214 = arith.constant 0 : i32
        %dma_wait3A_215 = tpu.memref_slice %arg8[%add3A_174, %dma_wait3A_214] : memref<40x128xi32, #tpu.memory_space<vmem>> -> memref<1x128xi32, #tpu.memory_space<vmem>>
        %dma_wait3A_216 = tpu.memref_squeeze %dma_wait3A_215 : memref<1x128xi32, #tpu.memory_space<vmem>> -> memref<128xi32, #tpu.memory_space<vmem>>
        %dma_wait3A_217 = arith.constant 0 : i32
        %dma_wait3A_218 = arith.constant 0 : i32
        %dma_wait3A_219 = tpu.memref_slice %arg11[%dma_wait3A_217, %dma_wait3A_218] : memref<10240x128xf32, #tpu.memory_space<vmem_shared>> -> memref<10240x128xf32, #tpu.memory_space<vmem_shared>>
        tpu.wait_indirect_dma semaphore(%run_scoped3A_207 : memref<!tpu.dma_semaphore, #tpu.memory_space<semaphore_mem>>) src(%arg9 : memref<128x128xf32, #tpu.memory_space<vmem>>) dst(%dma_wait3A_219 : memref<10240x128xf32, #tpu.memory_space<vmem_shared>>)
        tpu.yield
      }) : () -> ()
      %add3A_189 = arith.constant 1 : i32
      %add3A_190 = arith.addi %add3A_174, %add3A_189 : i32
      %dma_wait3A_191 = arith.constant 0 : i32
      %dma_wait3A_192 = tpu.memref_slice %arg7[%add3A_190, %dma_wait3A_191] : memref<40x128xi32, #tpu.memory_space<vmem>> -> memref<1x128xi32, #tpu.memory_space<vmem>>
      %dma_wait3A_193 = tpu.memref_squeeze %dma_wait3A_192 : memref<1x128xi32, #tpu.memory_space<vmem>> -> memref<128xi32, #tpu.memory_space<vmem>>
      %dma_wait3A_194 = arith.constant 0 : i32
      %dma_wait3A_195 = arith.constant 0 : i32
      %dma_wait3A_196 = tpu.memref_slice %arg2[%dma_wait3A_194, %dma_wait3A_195] : memref<10240x128xf32, #tpu.memory_space<hbm>> -> memref<10240x128xf32, #tpu.memory_space<hbm>>
      tpu.wait_indirect_dma semaphore(%arg14 : memref<!tpu.dma_semaphore, #tpu.memory_space<semaphore_mem>>) src(%dma_wait3A_196 : memref<10240x128xf32, #tpu.memory_space<hbm>>) dst(%arg10 : memref<128x128xf32, #tpu.memory_space<vmem>>)
      %add3A_197 = arith.constant 2 : i32
      %add3A_198 = arith.addi %add3A_174, %add3A_197 : i32
      %dma_start3A_199 = arith.constant 0 : i32
      %dma_start3A_200 = tpu.memref_slice %arg7[%add3A_198, %dma_start3A_199] : memref<40x128xi32, #tpu.memory_space<vmem>> -> memref<1x128xi32, #tpu.memory_space<vmem>>
      %dma_start3A_201 = tpu.memref_squeeze %dma_start3A_200 : memref<1x128xi32, #tpu.memory_space<vmem>> -> memref<128xi32, #tpu.memory_space<vmem>>
      %dma_start3A_202 = arith.constant 0 : i32
      %dma_start3A_203 = arith.constant 0 : i32
      %dma_start3A_204 = tpu.memref_slice %arg2[%dma_start3A_202, %dma_start3A_203] : memref<10240x128xf32, #tpu.memory_space<hbm>> -> memref<10240x128xf32, #tpu.memory_space<hbm>>
      tpu.enqueue_indirect_dma source(%dma_start3A_204 : memref<10240x128xf32, #tpu.memory_space<hbm>>) target(%arg9 : memref<128x128xf32, #tpu.memory_space<vmem>>) offsets(%dma_start3A_201 : memref<128xi32, #tpu.memory_space<vmem>>) semaphore(%arg13 : memref<!tpu.dma_semaphore, #tpu.memory_space<semaphore_mem>>)
      %add3A_205 = arith.constant 1 : i32
      %add3A_206 = arith.addi %add3A_174, %add3A_205 : i32
      "tpu.region"() ({
        %run_scoped3A_207 = tpu.sem_alloc : memref<!tpu.dma_semaphore, #tpu.memory_space<semaphore_mem>>
        %dma_start3A_208 = arith.constant 0 : i32
        %dma_start3A_209 = tpu.memref_slice %arg8[%add3A_206, %dma_start3A_208] : memref<40x128xi32, #tpu.memory_space<vmem>> -> memref<1x128xi32, #tpu.memory_space<vmem>>
        %dma_start3A_210 = tpu.memref_squeeze %dma_start3A_209 : memref<1x128xi32, #tpu.memory_space<vmem>> -> memref<128xi32, #tpu.memory_space<vmem>>
        %dma_start3A_211 = arith.constant 0 : i32
        %dma_start3A_212 = arith.constant 0 : i32
        %dma_start3A_213 = tpu.memref_slice %arg11[%dma_start3A_211, %dma_start3A_212] : memref<10240x128xf32, #tpu.memory_space<vmem_shared>> -> memref<10240x128xf32, #tpu.memory_space<vmem_shared>>
        tpu.enqueue_indirect_dma source(%arg10 : memref<128x128xf32, #tpu.memory_space<vmem>>) target(%dma_start3A_213 : memref<10240x128xf32, #tpu.memory_space<vmem_shared>>) offsets(%dma_start3A_210 : memref<128xi32, #tpu.memory_space<vmem>>) semaphore(%run_scoped3A_207 : memref<!tpu.dma_semaphore, #tpu.memory_space<semaphore_mem>>) {add = true}
        %dma_wait3A_214 = arith.constant 0 : i32
        %dma_wait3A_215 = tpu.memref_slice %arg8[%add3A_206, %dma_wait3A_214] : memref<40x128xi32, #tpu.memory_space<vmem>> -> memref<1x128xi32, #tpu.memory_space<vmem>>
        %dma_wait3A_216 = tpu.memref_squeeze %dma_wait3A_215 : memref<1x128xi32, #tpu.memory_space<vmem>> -> memref<128xi32, #tpu.memory_space<vmem>>
        %dma_wait3A_217 = arith.constant 0 : i32
        %dma_wait3A_218 = arith.constant 0 : i32
        %dma_wait3A_219 = tpu.memref_slice %arg11[%dma_wait3A_217, %dma_wait3A_218] : memref<10240x128xf32, #tpu.memory_space<vmem_shared>> -> memref<10240x128xf32, #tpu.memory_space<vmem_shared>>
        tpu.wait_indirect_dma semaphore(%run_scoped3A_207 : memref<!tpu.dma_semaphore, #tpu.memory_space<semaphore_mem>>) src(%arg10 : memref<128x128xf32, #tpu.memory_space<vmem>>) dst(%dma_wait3A_219 : memref<10240x128xf32, #tpu.memory_space<vmem_shared>>)
        tpu.yield
      }) : () -> ()
    }
    %scan3A_105 = arith.constant 19 : i32
    %dma_wait3A_106 = arith.constant 38 : i32
    %dma_wait3A_107 = arith.constant 0 : i32
    %dma_wait3A_108 = tpu.memref_slice %arg7[%dma_wait3A_106, %dma_wait3A_107] : memref<40x128xi32, #tpu.memory_space<vmem>> -> memref<1x128xi32, #tpu.memory_space<vmem>>
    %dma_wait3A_109 = tpu.memref_squeeze %dma_wait3A_108 : memref<1x128xi32, #tpu.memory_space<vmem>> -> memref<128xi32, #tpu.memory_space<vmem>>
    %dma_wait3A_110 = arith.constant 0 : i32
    %dma_wait3A_111 = arith.constant 0 : i32
    %dma_wait3A_112 = tpu.memref_slice %arg2[%dma_wait3A_110, %dma_wait3A_111] : memref<10240x128xf32, #tpu.memory_space<hbm>> -> memref<10240x128xf32, #tpu.memory_space<hbm>>
    tpu.wait_indirect_dma semaphore(%arg13 : memref<!tpu.dma_semaphore, #tpu.memory_space<semaphore_mem>>) src(%dma_wait3A_112 : memref<10240x128xf32, #tpu.memory_space<hbm>>) dst(%arg9 : memref<128x128xf32, #tpu.memory_space<vmem>>)
    %dma_start3A_113 = arith.constant 39 : i32
    %dma_start3A_114 = arith.constant 0 : i32
    %dma_start3A_115 = tpu.memref_slice %arg7[%dma_start3A_113, %dma_start3A_114] : memref<40x128xi32, #tpu.memory_space<vmem>> -> memref<1x128xi32, #tpu.memory_space<vmem>>
    %dma_start3A_116 = tpu.memref_squeeze %dma_start3A_115 : memref<1x128xi32, #tpu.memory_space<vmem>> -> memref<128xi32, #tpu.memory_space<vmem>>
    %dma_start3A_117 = arith.constant 0 : i32
    %dma_start3A_118 = arith.constant 0 : i32
    %dma_start3A_119 = tpu.memref_slice %arg2[%dma_start3A_117, %dma_start3A_118] : memref<10240x128xf32, #tpu.memory_space<hbm>> -> memref<10240x128xf32, #tpu.memory_space<hbm>>
    tpu.enqueue_indirect_dma source(%dma_start3A_119 : memref<10240x128xf32, #tpu.memory_space<hbm>>) target(%arg10 : memref<128x128xf32, #tpu.memory_space<vmem>>) offsets(%dma_start3A_116 : memref<128xi32, #tpu.memory_space<vmem>>) semaphore(%arg14 : memref<!tpu.dma_semaphore, #tpu.memory_space<semaphore_mem>>)
    %run_scoped3A = arith.constant 38 : i32
    "tpu.region"() ({
      %run_scoped3A_170 = tpu.sem_alloc : memref<!tpu.dma_semaphore, #tpu.memory_space<semaphore_mem>>
      %dma_start3A_171 = arith.constant 0 : i32
      %dma_start3A_172 = tpu.memref_slice %arg8[%run_scoped3A, %dma_start3A_171] : memref<40x128xi32, #tpu.memory_space<vmem>> -> memref<1x128xi32, #tpu.memory_space<vmem>>
      %dma_start3A_173 = tpu.memref_squeeze %dma_start3A_172 : memref<1x128xi32, #tpu.memory_space<vmem>> -> memref<128xi32, #tpu.memory_space<vmem>>
      %dma_start3A_174 = arith.constant 0 : i32
      %dma_start3A_175 = arith.constant 0 : i32
      %dma_start3A_176 = tpu.memref_slice %arg11[%dma_start3A_174, %dma_start3A_175] : memref<10240x128xf32, #tpu.memory_space<vmem_shared>> -> memref<10240x128xf32, #tpu.memory_space<vmem_shared>>
      tpu.enqueue_indirect_dma source(%arg9 : memref<128x128xf32, #tpu.memory_space<vmem>>) target(%dma_start3A_176 : memref<10240x128xf32, #tpu.memory_space<vmem_shared>>) offsets(%dma_start3A_173 : memref<128xi32, #tpu.memory_space<vmem>>) semaphore(%run_scoped3A_170 : memref<!tpu.dma_semaphore, #tpu.memory_space<semaphore_mem>>) {add = true}
      %dma_wait3A_177 = arith.constant 0 : i32
      %dma_wait3A_178 = tpu.memref_slice %arg8[%run_scoped3A, %dma_wait3A_177] : memref<40x128xi32, #tpu.memory_space<vmem>> -> memref<1x128xi32, #tpu.memory_space<vmem>>
      %dma_wait3A_179 = tpu.memref_squeeze %dma_wait3A_178 : memref<1x128xi32, #tpu.memory_space<vmem>> -> memref<128xi32, #tpu.memory_space<vmem>>
      %dma_wait3A_180 = arith.constant 0 : i32
      %dma_wait3A_181 = arith.constant 0 : i32
      %dma_wait3A_182 = tpu.memref_slice %arg11[%dma_wait3A_180, %dma_wait3A_181] : memref<10240x128xf32, #tpu.memory_space<vmem_shared>> -> memref<10240x128xf32, #tpu.memory_space<vmem_shared>>
      tpu.wait_indirect_dma semaphore(%run_scoped3A_170 : memref<!tpu.dma_semaphore, #tpu.memory_space<semaphore_mem>>) src(%arg9 : memref<128x128xf32, #tpu.memory_space<vmem>>) dst(%dma_wait3A_182 : memref<10240x128xf32, #tpu.memory_space<vmem_shared>>)
      tpu.yield
    }) : () -> ()
    %dma_wait3A_120 = arith.constant 39 : i32
    %dma_wait3A_121 = arith.constant 0 : i32
    %dma_wait3A_122 = tpu.memref_slice %arg7[%dma_wait3A_120, %dma_wait3A_121] : memref<40x128xi32, #tpu.memory_space<vmem>> -> memref<1x128xi32, #tpu.memory_space<vmem>>
    %dma_wait3A_123 = tpu.memref_squeeze %dma_wait3A_122 : memref<1x128xi32, #tpu.memory_space<vmem>> -> memref<128xi32, #tpu.memory_space<vmem>>
    %dma_wait3A_124 = arith.constant 0 : i32
    %dma_wait3A_125 = arith.constant 0 : i32
    %dma_wait3A_126 = tpu.memref_slice %arg2[%dma_wait3A_124, %dma_wait3A_125] : memref<10240x128xf32, #tpu.memory_space<hbm>> -> memref<10240x128xf32, #tpu.memory_space<hbm>>
    tpu.wait_indirect_dma semaphore(%arg14 : memref<!tpu.dma_semaphore, #tpu.memory_space<semaphore_mem>>) src(%dma_wait3A_126 : memref<10240x128xf32, #tpu.memory_space<hbm>>) dst(%arg10 : memref<128x128xf32, #tpu.memory_space<vmem>>)
    %run_scoped3A_127 = arith.constant 39 : i32
    "tpu.region"() ({
      %run_scoped3A_170 = tpu.sem_alloc : memref<!tpu.dma_semaphore, #tpu.memory_space<semaphore_mem>>
      %dma_start3A_171 = arith.constant 0 : i32
      %dma_start3A_172 = tpu.memref_slice %arg8[%run_scoped3A_127, %dma_start3A_171] : memref<40x128xi32, #tpu.memory_space<vmem>> -> memref<1x128xi32, #tpu.memory_space<vmem>>
      %dma_start3A_173 = tpu.memref_squeeze %dma_start3A_172 : memref<1x128xi32, #tpu.memory_space<vmem>> -> memref<128xi32, #tpu.memory_space<vmem>>
      %dma_start3A_174 = arith.constant 0 : i32
      %dma_start3A_175 = arith.constant 0 : i32
      %dma_start3A_176 = tpu.memref_slice %arg11[%dma_start3A_174, %dma_start3A_175] : memref<10240x128xf32, #tpu.memory_space<vmem_shared>> -> memref<10240x128xf32, #tpu.memory_space<vmem_shared>>
      tpu.enqueue_indirect_dma source(%arg10 : memref<128x128xf32, #tpu.memory_space<vmem>>) target(%dma_start3A_176 : memref<10240x128xf32, #tpu.memory_space<vmem_shared>>) offsets(%dma_start3A_173 : memref<128xi32, #tpu.memory_space<vmem>>) semaphore(%run_scoped3A_170 : memref<!tpu.dma_semaphore, #tpu.memory_space<semaphore_mem>>) {add = true}
      %dma_wait3A_177 = arith.constant 0 : i32
      %dma_wait3A_178 = tpu.memref_slice %arg8[%run_scoped3A_127, %dma_wait3A_177] : memref<40x128xi32, #tpu.memory_space<vmem>> -> memref<1x128xi32, #tpu.memory_space<vmem>>
      %dma_wait3A_179 = tpu.memref_squeeze %dma_wait3A_178 : memref<1x128xi32, #tpu.memory_space<vmem>> -> memref<128xi32, #tpu.memory_space<vmem>>
      %dma_wait3A_180 = arith.constant 0 : i32
      %dma_wait3A_181 = arith.constant 0 : i32
      %dma_wait3A_182 = tpu.memref_slice %arg11[%dma_wait3A_180, %dma_wait3A_181] : memref<10240x128xf32, #tpu.memory_space<vmem_shared>> -> memref<10240x128xf32, #tpu.memory_space<vmem_shared>>
      tpu.wait_indirect_dma semaphore(%run_scoped3A_170 : memref<!tpu.dma_semaphore, #tpu.memory_space<semaphore_mem>>) src(%arg10 : memref<128x128xf32, #tpu.memory_space<vmem>>) dst(%dma_wait3A_182 : memref<10240x128xf32, #tpu.memory_space<vmem_shared>>)
      tpu.yield
    }) : () -> ()
    %run_scoped3A_128 = arith.constant 1 : i32
    "tpu.region"() ({
      %run_scoped3A_170 = tpu.sem_alloc : memref<!tpu.dma_semaphore, #tpu.memory_space<semaphore_mem>>
      %dma_start3A_171 = arith.constant 0 : i32
      %dma_start3A_172 = arith.constant 0 : i32
      %dma_start3A_173 = tpu.memref_slice %arg3[%add3A, %run_scoped3A_128, %dma_start3A_171, %dma_start3A_172] : memref<32x2x40x128xi32, #tpu.memory_space<hbm>> -> memref<1x1x40x128xi32, #tpu.memory_space<hbm>>
      %dma_start3A_174 = tpu.memref_squeeze %dma_start3A_173 : memref<1x1x40x128xi32, #tpu.memory_space<hbm>> -> memref<40x128xi32, #tpu.memory_space<hbm>>
      %dma_start3A_175 = arith.constant 0 : i32
      %dma_start3A_176 = arith.constant 0 : i32
      %dma_start3A_177 = tpu.memref_slice %arg3[%add3A, %run_scoped3A_128, %dma_start3A_175, %dma_start3A_176] : memref<32x2x40x128xi32, #tpu.memory_space<hbm>> -> memref<1x1x40x128xi32, #tpu.memory_space<hbm>>
      %dma_start3A_178 = tpu.memref_squeeze %dma_start3A_177 : memref<1x1x40x128xi32, #tpu.memory_space<hbm>> -> memref<40x128xi32, #tpu.memory_space<hbm>>
      tpu.enqueue_dma source(%dma_start3A_178 : memref<40x128xi32, #tpu.memory_space<hbm>>) target(%arg7 : memref<40x128xi32, #tpu.memory_space<vmem>>) target_semaphore(%run_scoped3A_170 : memref<!tpu.dma_semaphore, #tpu.memory_space<semaphore_mem>>)
      %dma_wait3A_179 = arith.constant 0 : i32
      %dma_wait3A_180 = arith.constant 0 : i32
      %dma_wait3A_181 = tpu.memref_slice %arg3[%add3A, %run_scoped3A_128, %dma_wait3A_179, %dma_wait3A_180] : memref<32x2x40x128xi32, #tpu.memory_space<hbm>> -> memref<1x1x40x128xi32, #tpu.memory_space<hbm>>
      %dma_wait3A_182 = tpu.memref_squeeze %dma_wait3A_181 : memref<1x1x40x128xi32, #tpu.memory_space<hbm>> -> memref<40x128xi32, #tpu.memory_space<hbm>>
      %dma_wait3A_183 = arith.constant 0 : i32
      %dma_wait3A_184 = arith.constant 0 : i32
      %dma_wait3A_185 = tpu.memref_slice %arg3[%add3A, %run_scoped3A_128, %dma_wait3A_183, %dma_wait3A_184] : memref<32x2x40x128xi32, #tpu.memory_space<hbm>> -> memref<1x1x40x128xi32, #tpu.memory_space<hbm>>
      %dma_wait3A_186 = tpu.memref_squeeze %dma_wait3A_185 : memref<1x1x40x128xi32, #tpu.memory_space<hbm>> -> memref<40x128xi32, #tpu.memory_space<hbm>>
      tpu.wait_dma2 semaphore(%run_scoped3A_170 : memref<!tpu.dma_semaphore, #tpu.memory_space<semaphore_mem>>) src(%dma_wait3A_186 : memref<40x128xi32, #tpu.memory_space<hbm>>) dst(%arg7 : memref<40x128xi32, #tpu.memory_space<vmem>>)
      tpu.yield
    }) : () -> ()
    %run_scoped3A_129 = arith.constant 1 : i32
    "tpu.region"() ({
      %run_scoped3A_170 = tpu.sem_alloc : memref<!tpu.dma_semaphore, #tpu.memory_space<semaphore_mem>>
      %dma_start3A_171 = arith.constant 0 : i32
      %dma_start3A_172 = arith.constant 0 : i32
      %dma_start3A_173 = tpu.memref_slice %arg4[%add3A, %run_scoped3A_129, %dma_start3A_171, %dma_start3A_172] : memref<32x2x40x128xi32, #tpu.memory_space<hbm>> -> memref<1x1x40x128xi32, #tpu.memory_space<hbm>>
      %dma_start3A_174 = tpu.memref_squeeze %dma_start3A_173 : memref<1x1x40x128xi32, #tpu.memory_space<hbm>> -> memref<40x128xi32, #tpu.memory_space<hbm>>
      %dma_start3A_175 = arith.constant 0 : i32
      %dma_start3A_176 = arith.constant 0 : i32
      %dma_start3A_177 = tpu.memref_slice %arg4[%add3A, %run_scoped3A_129, %dma_start3A_175, %dma_start3A_176] : memref<32x2x40x128xi32, #tpu.memory_space<hbm>> -> memref<1x1x40x128xi32, #tpu.memory_space<hbm>>
      %dma_start3A_178 = tpu.memref_squeeze %dma_start3A_177 : memref<1x1x40x128xi32, #tpu.memory_space<hbm>> -> memref<40x128xi32, #tpu.memory_space<hbm>>
      tpu.enqueue_dma source(%dma_start3A_178 : memref<40x128xi32, #tpu.memory_space<hbm>>) target(%arg8 : memref<40x128xi32, #tpu.memory_space<vmem>>) target_semaphore(%run_scoped3A_170 : memref<!tpu.dma_semaphore, #tpu.memory_space<semaphore_mem>>)
      %dma_wait3A_179 = arith.constant 0 : i32
      %dma_wait3A_180 = arith.constant 0 : i32
      %dma_wait3A_181 = tpu.memref_slice %arg4[%add3A, %run_scoped3A_129, %dma_wait3A_179, %dma_wait3A_180] : memref<32x2x40x128xi32, #tpu.memory_space<hbm>> -> memref<1x1x40x128xi32, #tpu.memory_space<hbm>>
      %dma_wait3A_182 = tpu.memref_squeeze %dma_wait3A_181 : memref<1x1x40x128xi32, #tpu.memory_space<hbm>> -> memref<40x128xi32, #tpu.memory_space<hbm>>
      %dma_wait3A_183 = arith.constant 0 : i32
      %dma_wait3A_184 = arith.constant 0 : i32
      %dma_wait3A_185 = tpu.memref_slice %arg4[%add3A, %run_scoped3A_129, %dma_wait3A_183, %dma_wait3A_184] : memref<32x2x40x128xi32, #tpu.memory_space<hbm>> -> memref<1x1x40x128xi32, #tpu.memory_space<hbm>>
      %dma_wait3A_186 = tpu.memref_squeeze %dma_wait3A_185 : memref<1x1x40x128xi32, #tpu.memory_space<hbm>> -> memref<40x128xi32, #tpu.memory_space<hbm>>
      tpu.wait_dma2 semaphore(%run_scoped3A_170 : memref<!tpu.dma_semaphore, #tpu.memory_space<semaphore_mem>>) src(%dma_wait3A_186 : memref<40x128xi32, #tpu.memory_space<hbm>>) dst(%arg8 : memref<40x128xi32, #tpu.memory_space<vmem>>)
      tpu.yield
    }) : () -> ()
    %dma_start3A_130 = arith.constant 0 : i32
    %dma_start3A_131 = arith.constant 0 : i32
    %dma_start3A_132 = tpu.memref_slice %arg7[%dma_start3A_130, %dma_start3A_131] : memref<40x128xi32, #tpu.memory_space<vmem>> -> memref<1x128xi32, #tpu.memory_space<vmem>>
    %dma_start3A_133 = tpu.memref_squeeze %dma_start3A_132 : memref<1x128xi32, #tpu.memory_space<vmem>> -> memref<128xi32, #tpu.memory_space<vmem>>
    %dma_start3A_134 = arith.constant 0 : i32
    %dma_start3A_135 = arith.constant 0 : i32
    %dma_start3A_136 = tpu.memref_slice %arg2[%dma_start3A_134, %dma_start3A_135] : memref<10240x128xf32, #tpu.memory_space<hbm>> -> memref<10240x128xf32, #tpu.memory_space<hbm>>
    tpu.enqueue_indirect_dma source(%dma_start3A_136 : memref<10240x128xf32, #tpu.memory_space<hbm>>) target(%arg9 : memref<128x128xf32, #tpu.memory_space<vmem>>) offsets(%dma_start3A_133 : memref<128xi32, #tpu.memory_space<vmem>>) semaphore(%arg13 : memref<!tpu.dma_semaphore, #tpu.memory_space<semaphore_mem>>)
    %scan3A_137 = arith.constant 0 : i32
    %scan3A_138 = arith.constant 19 : i32
    %scan3A_139 = arith.addi %scan3A_137, %scan3A_138 : i32
    %scan3A_140 = arith.constant 1 : i32
    scf.for %scan3A_170 = %scan3A_137 to %scan3A_139 step %scan3A_140  : i32 {
      %mul3A_171 = arith.constant 2 : i32
      %mul3A_172 = arith.muli %scan3A_170, %mul3A_171 : i32
      %add3A_173 = arith.constant 0 : i32
      %add3A_174 = arith.addi %add3A_173, %mul3A_172 : i32
      %dma_wait3A_175 = arith.constant 0 : i32
      %dma_wait3A_176 = tpu.memref_slice %arg7[%add3A_174, %dma_wait3A_175] : memref<40x128xi32, #tpu.memory_space<vmem>> -> memref<1x128xi32, #tpu.memory_space<vmem>>
      %dma_wait3A_177 = tpu.memref_squeeze %dma_wait3A_176 : memref<1x128xi32, #tpu.memory_space<vmem>> -> memref<128xi32, #tpu.memory_space<vmem>>
      %dma_wait3A_178 = arith.constant 0 : i32
      %dma_wait3A_179 = arith.constant 0 : i32
      %dma_wait3A_180 = tpu.memref_slice %arg2[%dma_wait3A_178, %dma_wait3A_179] : memref<10240x128xf32, #tpu.memory_space<hbm>> -> memref<10240x128xf32, #tpu.memory_space<hbm>>
      tpu.wait_indirect_dma semaphore(%arg13 : memref<!tpu.dma_semaphore, #tpu.memory_space<semaphore_mem>>) src(%dma_wait3A_180 : memref<10240x128xf32, #tpu.memory_space<hbm>>) dst(%arg9 : memref<128x128xf32, #tpu.memory_space<vmem>>)
      %add3A_181 = arith.constant 1 : i32
      %add3A_182 = arith.addi %add3A_174, %add3A_181 : i32
      %dma_start3A_183 = arith.constant 0 : i32
      %dma_start3A_184 = tpu.memref_slice %arg7[%add3A_182, %dma_start3A_183] : memref<40x128xi32, #tpu.memory_space<vmem>> -> memref<1x128xi32, #tpu.memory_space<vmem>>
      %dma_start3A_185 = tpu.memref_squeeze %dma_start3A_184 : memref<1x128xi32, #tpu.memory_space<vmem>> -> memref<128xi32, #tpu.memory_space<vmem>>
      %dma_start3A_186 = arith.constant 0 : i32
      %dma_start3A_187 = arith.constant 0 : i32
      %dma_start3A_188 = tpu.memref_slice %arg2[%dma_start3A_186, %dma_start3A_187] : memref<10240x128xf32, #tpu.memory_space<hbm>> -> memref<10240x128xf32, #tpu.memory_space<hbm>>
      tpu.enqueue_indirect_dma source(%dma_start3A_188 : memref<10240x128xf32, #tpu.memory_space<hbm>>) target(%arg10 : memref<128x128xf32, #tpu.memory_space<vmem>>) offsets(%dma_start3A_185 : memref<128xi32, #tpu.memory_space<vmem>>) semaphore(%arg14 : memref<!tpu.dma_semaphore, #tpu.memory_space<semaphore_mem>>)
      "tpu.region"() ({
        %run_scoped3A_207 = tpu.sem_alloc : memref<!tpu.dma_semaphore, #tpu.memory_space<semaphore_mem>>
        %dma_start3A_208 = arith.constant 0 : i32
        %dma_start3A_209 = tpu.memref_slice %arg8[%add3A_174, %dma_start3A_208] : memref<40x128xi32, #tpu.memory_space<vmem>> -> memref<1x128xi32, #tpu.memory_space<vmem>>
        %dma_start3A_210 = tpu.memref_squeeze %dma_start3A_209 : memref<1x128xi32, #tpu.memory_space<vmem>> -> memref<128xi32, #tpu.memory_space<vmem>>
        %dma_start3A_211 = arith.constant 0 : i32
        %dma_start3A_212 = arith.constant 0 : i32
        %dma_start3A_213 = tpu.memref_slice %arg11[%dma_start3A_211, %dma_start3A_212] : memref<10240x128xf32, #tpu.memory_space<vmem_shared>> -> memref<10240x128xf32, #tpu.memory_space<vmem_shared>>
        tpu.enqueue_indirect_dma source(%arg9 : memref<128x128xf32, #tpu.memory_space<vmem>>) target(%dma_start3A_213 : memref<10240x128xf32, #tpu.memory_space<vmem_shared>>) offsets(%dma_start3A_210 : memref<128xi32, #tpu.memory_space<vmem>>) semaphore(%run_scoped3A_207 : memref<!tpu.dma_semaphore, #tpu.memory_space<semaphore_mem>>) {add = true}
        %dma_wait3A_214 = arith.constant 0 : i32
        %dma_wait3A_215 = tpu.memref_slice %arg8[%add3A_174, %dma_wait3A_214] : memref<40x128xi32, #tpu.memory_space<vmem>> -> memref<1x128xi32, #tpu.memory_space<vmem>>
        %dma_wait3A_216 = tpu.memref_squeeze %dma_wait3A_215 : memref<1x128xi32, #tpu.memory_space<vmem>> -> memref<128xi32, #tpu.memory_space<vmem>>
        %dma_wait3A_217 = arith.constant 0 : i32
        %dma_wait3A_218 = arith.constant 0 : i32
        %dma_wait3A_219 = tpu.memref_slice %arg11[%dma_wait3A_217, %dma_wait3A_218] : memref<10240x128xf32, #tpu.memory_space<vmem_shared>> -> memref<10240x128xf32, #tpu.memory_space<vmem_shared>>
        tpu.wait_indirect_dma semaphore(%run_scoped3A_207 : memref<!tpu.dma_semaphore, #tpu.memory_space<semaphore_mem>>) src(%arg9 : memref<128x128xf32, #tpu.memory_space<vmem>>) dst(%dma_wait3A_219 : memref<10240x128xf32, #tpu.memory_space<vmem_shared>>)
        tpu.yield
      }) : () -> ()
      %add3A_189 = arith.constant 1 : i32
      %add3A_190 = arith.addi %add3A_174, %add3A_189 : i32
      %dma_wait3A_191 = arith.constant 0 : i32
      %dma_wait3A_192 = tpu.memref_slice %arg7[%add3A_190, %dma_wait3A_191] : memref<40x128xi32, #tpu.memory_space<vmem>> -> memref<1x128xi32, #tpu.memory_space<vmem>>
      %dma_wait3A_193 = tpu.memref_squeeze %dma_wait3A_192 : memref<1x128xi32, #tpu.memory_space<vmem>> -> memref<128xi32, #tpu.memory_space<vmem>>
      %dma_wait3A_194 = arith.constant 0 : i32
      %dma_wait3A_195 = arith.constant 0 : i32
      %dma_wait3A_196 = tpu.memref_slice %arg2[%dma_wait3A_194, %dma_wait3A_195] : memref<10240x128xf32, #tpu.memory_space<hbm>> -> memref<10240x128xf32, #tpu.memory_space<hbm>>
      tpu.wait_indirect_dma semaphore(%arg14 : memref<!tpu.dma_semaphore, #tpu.memory_space<semaphore_mem>>) src(%dma_wait3A_196 : memref<10240x128xf32, #tpu.memory_space<hbm>>) dst(%arg10 : memref<128x128xf32, #tpu.memory_space<vmem>>)
      %add3A_197 = arith.constant 2 : i32
      %add3A_198 = arith.addi %add3A_174, %add3A_197 : i32
      %dma_start3A_199 = arith.constant 0 : i32
      %dma_start3A_200 = tpu.memref_slice %arg7[%add3A_198, %dma_start3A_199] : memref<40x128xi32, #tpu.memory_space<vmem>> -> memref<1x128xi32, #tpu.memory_space<vmem>>
      %dma_start3A_201 = tpu.memref_squeeze %dma_start3A_200 : memref<1x128xi32, #tpu.memory_space<vmem>> -> memref<128xi32, #tpu.memory_space<vmem>>
      %dma_start3A_202 = arith.constant 0 : i32
      %dma_start3A_203 = arith.constant 0 : i32
      %dma_start3A_204 = tpu.memref_slice %arg2[%dma_start3A_202, %dma_start3A_203] : memref<10240x128xf32, #tpu.memory_space<hbm>> -> memref<10240x128xf32, #tpu.memory_space<hbm>>
      tpu.enqueue_indirect_dma source(%dma_start3A_204 : memref<10240x128xf32, #tpu.memory_space<hbm>>) target(%arg9 : memref<128x128xf32, #tpu.memory_space<vmem>>) offsets(%dma_start3A_201 : memref<128xi32, #tpu.memory_space<vmem>>) semaphore(%arg13 : memref<!tpu.dma_semaphore, #tpu.memory_space<semaphore_mem>>)
      %add3A_205 = arith.constant 1 : i32
      %add3A_206 = arith.addi %add3A_174, %add3A_205 : i32
      "tpu.region"() ({
        %run_scoped3A_207 = tpu.sem_alloc : memref<!tpu.dma_semaphore, #tpu.memory_space<semaphore_mem>>
        %dma_start3A_208 = arith.constant 0 : i32
        %dma_start3A_209 = tpu.memref_slice %arg8[%add3A_206, %dma_start3A_208] : memref<40x128xi32, #tpu.memory_space<vmem>> -> memref<1x128xi32, #tpu.memory_space<vmem>>
        %dma_start3A_210 = tpu.memref_squeeze %dma_start3A_209 : memref<1x128xi32, #tpu.memory_space<vmem>> -> memref<128xi32, #tpu.memory_space<vmem>>
        %dma_start3A_211 = arith.constant 0 : i32
        %dma_start3A_212 = arith.constant 0 : i32
        %dma_start3A_213 = tpu.memref_slice %arg11[%dma_start3A_211, %dma_start3A_212] : memref<10240x128xf32, #tpu.memory_space<vmem_shared>> -> memref<10240x128xf32, #tpu.memory_space<vmem_shared>>
        tpu.enqueue_indirect_dma source(%arg10 : memref<128x128xf32, #tpu.memory_space<vmem>>) target(%dma_start3A_213 : memref<10240x128xf32, #tpu.memory_space<vmem_shared>>) offsets(%dma_start3A_210 : memref<128xi32, #tpu.memory_space<vmem>>) semaphore(%run_scoped3A_207 : memref<!tpu.dma_semaphore, #tpu.memory_space<semaphore_mem>>) {add = true}
        %dma_wait3A_214 = arith.constant 0 : i32
        %dma_wait3A_215 = tpu.memref_slice %arg8[%add3A_206, %dma_wait3A_214] : memref<40x128xi32, #tpu.memory_space<vmem>> -> memref<1x128xi32, #tpu.memory_space<vmem>>
        %dma_wait3A_216 = tpu.memref_squeeze %dma_wait3A_215 : memref<1x128xi32, #tpu.memory_space<vmem>> -> memref<128xi32, #tpu.memory_space<vmem>>
        %dma_wait3A_217 = arith.constant 0 : i32
        %dma_wait3A_218 = arith.constant 0 : i32
        %dma_wait3A_219 = tpu.memref_slice %arg11[%dma_wait3A_217, %dma_wait3A_218] : memref<10240x128xf32, #tpu.memory_space<vmem_shared>> -> memref<10240x128xf32, #tpu.memory_space<vmem_shared>>
        tpu.wait_indirect_dma semaphore(%run_scoped3A_207 : memref<!tpu.dma_semaphore, #tpu.memory_space<semaphore_mem>>) src(%arg10 : memref<128x128xf32, #tpu.memory_space<vmem>>) dst(%dma_wait3A_219 : memref<10240x128xf32, #tpu.memory_space<vmem_shared>>)
        tpu.yield
      }) : () -> ()
    }
    %scan3A_141 = arith.constant 19 : i32
    %dma_wait3A_142 = arith.constant 38 : i32
    %dma_wait3A_143 = arith.constant 0 : i32
    %dma_wait3A_144 = tpu.memref_slice %arg7[%dma_wait3A_142, %dma_wait3A_143] : memref<40x128xi32, #tpu.memory_space<vmem>> -> memref<1x128xi32, #tpu.memory_space<vmem>>
    %dma_wait3A_145 = tpu.memref_squeeze %dma_wait3A_144 : memref<1x128xi32, #tpu.memory_space<vmem>> -> memref<128xi32, #tpu.memory_space<vmem>>
    %dma_wait3A_146 = arith.constant 0 : i32
    %dma_wait3A_147 = arith.constant 0 : i32
    %dma_wait3A_148 = tpu.memref_slice %arg2[%dma_wait3A_146, %dma_wait3A_147] : memref<10240x128xf32, #tpu.memory_space<hbm>> -> memref<10240x128xf32, #tpu.memory_space<hbm>>
    tpu.wait_indirect_dma semaphore(%arg13 : memref<!tpu.dma_semaphore, #tpu.memory_space<semaphore_mem>>) src(%dma_wait3A_148 : memref<10240x128xf32, #tpu.memory_space<hbm>>) dst(%arg9 : memref<128x128xf32, #tpu.memory_space<vmem>>)
    %dma_start3A_149 = arith.constant 39 : i32
    %dma_start3A_150 = arith.constant 0 : i32
    %dma_start3A_151 = tpu.memref_slice %arg7[%dma_start3A_149, %dma_start3A_150] : memref<40x128xi32, #tpu.memory_space<vmem>> -> memref<1x128xi32, #tpu.memory_space<vmem>>
    %dma_start3A_152 = tpu.memref_squeeze %dma_start3A_151 : memref<1x128xi32, #tpu.memory_space<vmem>> -> memref<128xi32, #tpu.memory_space<vmem>>
    %dma_start3A_153 = arith.constant 0 : i32
    %dma_start3A_154 = arith.constant 0 : i32
    %dma_start3A_155 = tpu.memref_slice %arg2[%dma_start3A_153, %dma_start3A_154] : memref<10240x128xf32, #tpu.memory_space<hbm>> -> memref<10240x128xf32, #tpu.memory_space<hbm>>
    tpu.enqueue_indirect_dma source(%dma_start3A_155 : memref<10240x128xf32, #tpu.memory_space<hbm>>) target(%arg10 : memref<128x128xf32, #tpu.memory_space<vmem>>) offsets(%dma_start3A_152 : memref<128xi32, #tpu.memory_space<vmem>>) semaphore(%arg14 : memref<!tpu.dma_semaphore, #tpu.memory_space<semaphore_mem>>)
    %run_scoped3A_156 = arith.constant 38 : i32
    "tpu.region"() ({
      %run_scoped3A_170 = tpu.sem_alloc : memref<!tpu.dma_semaphore, #tpu.memory_space<semaphore_mem>>
      %dma_start3A_171 = arith.constant 0 : i32
      %dma_start3A_172 = tpu.memref_slice %arg8[%run_scoped3A_156, %dma_start3A_171] : memref<40x128xi32, #tpu.memory_space<vmem>> -> memref<1x128xi32, #tpu.memory_space<vmem>>
      %dma_start3A_173 = tpu.memref_squeeze %dma_start3A_172 : memref<1x128xi32, #tpu.memory_space<vmem>> -> memref<128xi32, #tpu.memory_space<vmem>>
      %dma_start3A_174 = arith.constant 0 : i32
      %dma_start3A_175 = arith.constant 0 : i32
      %dma_start3A_176 = tpu.memref_slice %arg11[%dma_start3A_174, %dma_start3A_175] : memref<10240x128xf32, #tpu.memory_space<vmem_shared>> -> memref<10240x128xf32, #tpu.memory_space<vmem_shared>>
      tpu.enqueue_indirect_dma source(%arg9 : memref<128x128xf32, #tpu.memory_space<vmem>>) target(%dma_start3A_176 : memref<10240x128xf32, #tpu.memory_space<vmem_shared>>) offsets(%dma_start3A_173 : memref<128xi32, #tpu.memory_space<vmem>>) semaphore(%run_scoped3A_170 : memref<!tpu.dma_semaphore, #tpu.memory_space<semaphore_mem>>) {add = true}
      %dma_wait3A_177 = arith.constant 0 : i32
      %dma_wait3A_178 = tpu.memref_slice %arg8[%run_scoped3A_156, %dma_wait3A_177] : memref<40x128xi32, #tpu.memory_space<vmem>> -> memref<1x128xi32, #tpu.memory_space<vmem>>
      %dma_wait3A_179 = tpu.memref_squeeze %dma_wait3A_178 : memref<1x128xi32, #tpu.memory_space<vmem>> -> memref<128xi32, #tpu.memory_space<vmem>>
      %dma_wait3A_180 = arith.constant 0 : i32
      %dma_wait3A_181 = arith.constant 0 : i32
      %dma_wait3A_182 = tpu.memref_slice %arg11[%dma_wait3A_180, %dma_wait3A_181] : memref<10240x128xf32, #tpu.memory_space<vmem_shared>> -> memref<10240x128xf32, #tpu.memory_space<vmem_shared>>
      tpu.wait_indirect_dma semaphore(%run_scoped3A_170 : memref<!tpu.dma_semaphore, #tpu.memory_space<semaphore_mem>>) src(%arg9 : memref<128x128xf32, #tpu.memory_space<vmem>>) dst(%dma_wait3A_182 : memref<10240x128xf32, #tpu.memory_space<vmem_shared>>)
      tpu.yield
    }) : () -> ()
    %dma_wait3A_157 = arith.constant 39 : i32
    %dma_wait3A_158 = arith.constant 0 : i32
    %dma_wait3A_159 = tpu.memref_slice %arg7[%dma_wait3A_157, %dma_wait3A_158] : memref<40x128xi32, #tpu.memory_space<vmem>> -> memref<1x128xi32, #tpu.memory_space<vmem>>
    %dma_wait3A_160 = tpu.memref_squeeze %dma_wait3A_159 : memref<1x128xi32, #tpu.memory_space<vmem>> -> memref<128xi32, #tpu.memory_space<vmem>>
    %dma_wait3A_161 = arith.constant 0 : i32
    %dma_wait3A_162 = arith.constant 0 : i32
    %dma_wait3A_163 = tpu.memref_slice %arg2[%dma_wait3A_161, %dma_wait3A_162] : memref<10240x128xf32, #tpu.memory_space<hbm>> -> memref<10240x128xf32, #tpu.memory_space<hbm>>
    tpu.wait_indirect_dma semaphore(%arg14 : memref<!tpu.dma_semaphore, #tpu.memory_space<semaphore_mem>>) src(%dma_wait3A_163 : memref<10240x128xf32, #tpu.memory_space<hbm>>) dst(%arg10 : memref<128x128xf32, #tpu.memory_space<vmem>>)
    %run_scoped3A_164 = arith.constant 39 : i32
    "tpu.region"() ({
      %run_scoped3A_170 = tpu.sem_alloc : memref<!tpu.dma_semaphore, #tpu.memory_space<semaphore_mem>>
      %dma_start3A_171 = arith.constant 0 : i32
      %dma_start3A_172 = tpu.memref_slice %arg8[%run_scoped3A_164, %dma_start3A_171] : memref<40x128xi32, #tpu.memory_space<vmem>> -> memref<1x128xi32, #tpu.memory_space<vmem>>
      %dma_start3A_173 = tpu.memref_squeeze %dma_start3A_172 : memref<1x128xi32, #tpu.memory_space<vmem>> -> memref<128xi32, #tpu.memory_space<vmem>>
      %dma_start3A_174 = arith.constant 0 : i32
      %dma_start3A_175 = arith.constant 0 : i32
      %dma_start3A_176 = tpu.memref_slice %arg11[%dma_start3A_174, %dma_start3A_175] : memref<10240x128xf32, #tpu.memory_space<vmem_shared>> -> memref<10240x128xf32, #tpu.memory_space<vmem_shared>>
      tpu.enqueue_indirect_dma source(%arg10 : memref<128x128xf32, #tpu.memory_space<vmem>>) target(%dma_start3A_176 : memref<10240x128xf32, #tpu.memory_space<vmem_shared>>) offsets(%dma_start3A_173 : memref<128xi32, #tpu.memory_space<vmem>>) semaphore(%run_scoped3A_170 : memref<!tpu.dma_semaphore, #tpu.memory_space<semaphore_mem>>) {add = true}
      %dma_wait3A_177 = arith.constant 0 : i32
      %dma_wait3A_178 = tpu.memref_slice %arg8[%run_scoped3A_164, %dma_wait3A_177] : memref<40x128xi32, #tpu.memory_space<vmem>> -> memref<1x128xi32, #tpu.memory_space<vmem>>
      %dma_wait3A_179 = tpu.memref_squeeze %dma_wait3A_178 : memref<1x128xi32, #tpu.memory_space<vmem>> -> memref<128xi32, #tpu.memory_space<vmem>>
      %dma_wait3A_180 = arith.constant 0 : i32
      %dma_wait3A_181 = arith.constant 0 : i32
      %dma_wait3A_182 = tpu.memref_slice %arg11[%dma_wait3A_180, %dma_wait3A_181] : memref<10240x128xf32, #tpu.memory_space<vmem_shared>> -> memref<10240x128xf32, #tpu.memory_space<vmem_shared>>
      tpu.wait_indirect_dma semaphore(%run_scoped3A_170 : memref<!tpu.dma_semaphore, #tpu.memory_space<semaphore_mem>>) src(%arg10 : memref<128x128xf32, #tpu.memory_space<vmem>>) dst(%dma_wait3A_182 : memref<10240x128xf32, #tpu.memory_space<vmem_shared>>)
      tpu.yield
    }) : () -> ()
    %barrier3A_165 = arith.constant 0 : index
    tpu.barrier barrier_id(%barrier3A_165)
    %mul3A_166 = arith.constant 640 : i32
    %mul3A_167 = arith.muli %arg1, %mul3A_166 : i32
    %mul3A_168 = arith.constant 640 : i32
    %mul3A_169 = arith.muli %arg1, %mul3A_168 : i32
    "tpu.region"() ({
      %run_scoped3A_170 = tpu.sem_alloc : memref<!tpu.dma_semaphore, #tpu.memory_space<semaphore_mem>>
      %dma_start3A_171 = arith.constant 0 : i32
      %dma_start3A_172 = tpu.memref_slice %arg6[%arg0, %mul3A_169, %dma_start3A_171] : memref<2x10240x128xf32, #tpu.memory_space<hbm>> -> memref<1x640x128xf32, #tpu.memory_space<hbm>>
      %dma_start3A_173 = tpu.memref_squeeze %dma_start3A_172 : memref<1x640x128xf32, #tpu.memory_space<hbm>> -> memref<640x128xf32, #tpu.memory_space<hbm>>
      %dma_start3A_174 = arith.constant 0 : i32
      %dma_start3A_175 = tpu.memref_slice %arg11[%mul3A_167, %dma_start3A_174] : memref<10240x128xf32, #tpu.memory_space<vmem_shared>> -> memref<640x128xf32, #tpu.memory_space<vmem_shared>>
      tpu.enqueue_dma source(%dma_start3A_175 : memref<640x128xf32, #tpu.memory_space<vmem_shared>>) target(%dma_start3A_173 : memref<640x128xf32, #tpu.memory_space<hbm>>) target_semaphore(%run_scoped3A_170 : memref<!tpu.dma_semaphore, #tpu.memory_space<semaphore_mem>>)
      %dma_wait3A_176 = arith.constant 0 : i32
      %dma_wait3A_177 = tpu.memref_slice %arg6[%arg0, %mul3A_169, %dma_wait3A_176] : memref<2x10240x128xf32, #tpu.memory_space<hbm>> -> memref<1x640x128xf32, #tpu.memory_space<hbm>>
      %dma_wait3A_178 = tpu.memref_squeeze %dma_wait3A_177 : memref<1x640x128xf32, #tpu.memory_space<hbm>> -> memref<640x128xf32, #tpu.memory_space<hbm>>
      %dma_wait3A_179 = arith.constant 0 : i32
      %dma_wait3A_180 = tpu.memref_slice %arg11[%mul3A_167, %dma_wait3A_179] : memref<10240x128xf32, #tpu.memory_space<vmem_shared>> -> memref<640x128xf32, #tpu.memory_space<vmem_shared>>
      tpu.wait_dma2 semaphore(%run_scoped3A_170 : memref<!tpu.dma_semaphore, #tpu.memory_space<semaphore_mem>>) src(%dma_wait3A_180 : memref<640x128xf32, #tpu.memory_space<vmem_shared>>) dst(%dma_wait3A_178 : memref<640x128xf32, #tpu.memory_space<hbm>>)
      tpu.yield
    }) : () -> ()
    return
  }
}

#map = affine_map<(d0, d1) -> (0, 0)>
#map1 = affine_map<(d0, d1) -> (0, 0, 0, 0)>
#map2 = affine_map<(d0, d1) -> (0, 0, 0)>
module attributes {stable_mosaic.version = 14 : i64} {
  func.func @_edge_body(%arg0: i32, %arg1: i32, %arg2: memref<10240x128xf32, #tpu.memory_space<hbm>>, %arg3: memref<32x2x40x128xi32, #tpu.memory_space<hbm>>, %arg4: memref<32x2x40x128xi32, #tpu.memory_space<hbm>>, %arg5: memref<128x128xf32, #tpu.memory_space<hbm>>, %arg6: memref<2x10240x128xf32, #tpu.memory_space<hbm>>, %arg7: memref<40x128xi32, #tpu.memory_space<vmem>>, %arg8: memref<40x128xi32, #tpu.memory_space<vmem>>, %arg9: memref<128x128xf32, #tpu.memory_space<vmem>>, %arg10: memref<128x128xf32, #tpu.memory_space<vmem>>, %arg11: memref<10240x128xf32, #tpu.memory_space<vmem_shared>>, %arg12: memref<!tpu.dma_semaphore, #tpu.memory_space<semaphore_mem>>, %arg13: memref<!tpu.dma_semaphore, #tpu.memory_space<semaphore_mem>>, %arg14: memref<!tpu.dma_semaphore, #tpu.memory_space<semaphore_mem>>) attributes {dimension_semantics = [#tpu.dimension_semantics<core_parallel>, #tpu.dimension_semantics<subcore_parallel>], iteration_bounds = array<i64: 2, 16>, scalar_prefetch = 0 : i64, scratch_operands = 8 : i64, tpu.core_type = #tpu.core_type<sc_vector_subcore>, window_params = [{transform_indices = #map}, {transform_indices = #map1}, {transform_indices = #map1}, {transform_indices = #map}, {transform_indices = #map2}]} {
    %mul3A = arith.constant 16 : i32
    %mul3A_0 = arith.muli %arg0, %mul3A : i32
    %add3A = arith.addi %mul3A_0, %arg1 : i32
    %mul3A_1 = arith.constant 640 : i32
    %mul3A_2 = arith.muli %arg1, %mul3A_1 : i32
    %add3A_3 = arith.constant 0 : i32
    %add3A_4 = arith.addi %mul3A_2, %add3A_3 : i32
    %dma_start3A = arith.constant 0 : i32
    %dma_start3A_5 = tpu.memref_slice %arg11[%add3A_4, %dma_start3A] : memref<10240x128xf32, #tpu.memory_space<vmem_shared>> -> memref<128x128xf32, #tpu.memory_space<vmem_shared>>
    tpu.enqueue_dma source(%arg5 : memref<128x128xf32, #tpu.memory_space<hbm>>) target(%dma_start3A_5 : memref<128x128xf32, #tpu.memory_space<vmem_shared>>) target_semaphore(%arg12 : memref<!tpu.dma_semaphore, #tpu.memory_space<semaphore_mem>>)
    %mul3A_6 = arith.constant 640 : i32
    %mul3A_7 = arith.muli %arg1, %mul3A_6 : i32
    %add3A_8 = arith.constant 128 : i32
    %add3A_9 = arith.addi %mul3A_7, %add3A_8 : i32
    %dma_start3A_10 = arith.constant 0 : i32
    %dma_start3A_11 = tpu.memref_slice %arg11[%add3A_9, %dma_start3A_10] : memref<10240x128xf32, #tpu.memory_space<vmem_shared>> -> memref<128x128xf32, #tpu.memory_space<vmem_shared>>
    tpu.enqueue_dma source(%arg5 : memref<128x128xf32, #tpu.memory_space<hbm>>) target(%dma_start3A_11 : memref<128x128xf32, #tpu.memory_space<vmem_shared>>) target_semaphore(%arg12 : memref<!tpu.dma_semaphore, #tpu.memory_space<semaphore_mem>>)
    %mul3A_12 = arith.constant 640 : i32
    %mul3A_13 = arith.muli %arg1, %mul3A_12 : i32
    %add3A_14 = arith.constant 256 : i32
    %add3A_15 = arith.addi %mul3A_13, %add3A_14 : i32
    %dma_start3A_16 = arith.constant 0 : i32
    %dma_start3A_17 = tpu.memref_slice %arg11[%add3A_15, %dma_start3A_16] : memref<10240x128xf32, #tpu.memory_space<vmem_shared>> -> memref<128x128xf32, #tpu.memory_space<vmem_shared>>
    tpu.enqueue_dma source(%arg5 : memref<128x128xf32, #tpu.memory_space<hbm>>) target(%dma_start3A_17 : memref<128x128xf32, #tpu.memory_space<vmem_shared>>) target_semaphore(%arg12 : memref<!tpu.dma_semaphore, #tpu.memory_space<semaphore_mem>>)
    %mul3A_18 = arith.constant 640 : i32
    %mul3A_19 = arith.muli %arg1, %mul3A_18 : i32
    %add3A_20 = arith.constant 384 : i32
    %add3A_21 = arith.addi %mul3A_19, %add3A_20 : i32
    %dma_start3A_22 = arith.constant 0 : i32
    %dma_start3A_23 = tpu.memref_slice %arg11[%add3A_21, %dma_start3A_22] : memref<10240x128xf32, #tpu.memory_space<vmem_shared>> -> memref<128x128xf32, #tpu.memory_space<vmem_shared>>
    tpu.enqueue_dma source(%arg5 : memref<128x128xf32, #tpu.memory_space<hbm>>) target(%dma_start3A_23 : memref<128x128xf32, #tpu.memory_space<vmem_shared>>) target_semaphore(%arg12 : memref<!tpu.dma_semaphore, #tpu.memory_space<semaphore_mem>>)
    %mul3A_24 = arith.constant 640 : i32
    %mul3A_25 = arith.muli %arg1, %mul3A_24 : i32
    %add3A_26 = arith.constant 512 : i32
    %add3A_27 = arith.addi %mul3A_25, %add3A_26 : i32
    %dma_start3A_28 = arith.constant 0 : i32
    %dma_start3A_29 = tpu.memref_slice %arg11[%add3A_27, %dma_start3A_28] : memref<10240x128xf32, #tpu.memory_space<vmem_shared>> -> memref<128x128xf32, #tpu.memory_space<vmem_shared>>
    tpu.enqueue_dma source(%arg5 : memref<128x128xf32, #tpu.memory_space<hbm>>) target(%dma_start3A_29 : memref<128x128xf32, #tpu.memory_space<vmem_shared>>) target_semaphore(%arg12 : memref<!tpu.dma_semaphore, #tpu.memory_space<semaphore_mem>>)
    %dma_start3A_30 = arith.constant 0 : i32
    %dma_start3A_31 = arith.constant 0 : i32
    %dma_start3A_32 = arith.constant 0 : i32
    %dma_start3A_33 = tpu.memref_slice %arg3[%add3A, %dma_start3A_30, %dma_start3A_31, %dma_start3A_32] : memref<32x2x40x128xi32, #tpu.memory_space<hbm>> -> memref<1x1x40x128xi32, #tpu.memory_space<hbm>>
    %dma_start3A_34 = tpu.memref_squeeze %dma_start3A_33 : memref<1x1x40x128xi32, #tpu.memory_space<hbm>> -> memref<40x128xi32, #tpu.memory_space<hbm>>
    %dma_start3A_35 = arith.constant 0 : i32
    %dma_start3A_36 = arith.constant 0 : i32
    %dma_start3A_37 = tpu.memref_slice %arg3[%add3A, %dma_start3A_30, %dma_start3A_35, %dma_start3A_36] : memref<32x2x40x128xi32, #tpu.memory_space<hbm>> -> memref<1x1x40x128xi32, #tpu.memory_space<hbm>>
    %dma_start3A_38 = tpu.memref_squeeze %dma_start3A_37 : memref<1x1x40x128xi32, #tpu.memory_space<hbm>> -> memref<40x128xi32, #tpu.memory_space<hbm>>
    tpu.enqueue_dma source(%dma_start3A_38 : memref<40x128xi32, #tpu.memory_space<hbm>>) target(%arg7 : memref<40x128xi32, #tpu.memory_space<vmem>>) target_semaphore(%arg12 : memref<!tpu.dma_semaphore, #tpu.memory_space<semaphore_mem>>)
    %dma_start3A_39 = arith.constant 0 : i32
    %dma_start3A_40 = arith.constant 0 : i32
    %dma_start3A_41 = arith.constant 0 : i32
    %dma_start3A_42 = tpu.memref_slice %arg4[%add3A, %dma_start3A_39, %dma_start3A_40, %dma_start3A_41] : memref<32x2x40x128xi32, #tpu.memory_space<hbm>> -> memref<1x1x40x128xi32, #tpu.memory_space<hbm>>
    %dma_start3A_43 = tpu.memref_squeeze %dma_start3A_42 : memref<1x1x40x128xi32, #tpu.memory_space<hbm>> -> memref<40x128xi32, #tpu.memory_space<hbm>>
    %dma_start3A_44 = arith.constant 0 : i32
    %dma_start3A_45 = arith.constant 0 : i32
    %dma_start3A_46 = tpu.memref_slice %arg4[%add3A, %dma_start3A_39, %dma_start3A_44, %dma_start3A_45] : memref<32x2x40x128xi32, #tpu.memory_space<hbm>> -> memref<1x1x40x128xi32, #tpu.memory_space<hbm>>
    %dma_start3A_47 = tpu.memref_squeeze %dma_start3A_46 : memref<1x1x40x128xi32, #tpu.memory_space<hbm>> -> memref<40x128xi32, #tpu.memory_space<hbm>>
    tpu.enqueue_dma source(%dma_start3A_47 : memref<40x128xi32, #tpu.memory_space<hbm>>) target(%arg8 : memref<40x128xi32, #tpu.memory_space<vmem>>) target_semaphore(%arg12 : memref<!tpu.dma_semaphore, #tpu.memory_space<semaphore_mem>>)
    %mul3A_48 = arith.constant 640 : i32
    %mul3A_49 = arith.muli %arg1, %mul3A_48 : i32
    %add3A_50 = arith.constant 0 : i32
    %add3A_51 = arith.addi %mul3A_49, %add3A_50 : i32
    %dma_wait3A = arith.constant 0 : i32
    %dma_wait3A_52 = tpu.memref_slice %arg11[%add3A_51, %dma_wait3A] : memref<10240x128xf32, #tpu.memory_space<vmem_shared>> -> memref<128x128xf32, #tpu.memory_space<vmem_shared>>
    tpu.wait_dma2 semaphore(%arg12 : memref<!tpu.dma_semaphore, #tpu.memory_space<semaphore_mem>>) src(%arg5 : memref<128x128xf32, #tpu.memory_space<hbm>>) dst(%dma_wait3A_52 : memref<128x128xf32, #tpu.memory_space<vmem_shared>>)
    %mul3A_53 = arith.constant 640 : i32
    %mul3A_54 = arith.muli %arg1, %mul3A_53 : i32
    %add3A_55 = arith.constant 128 : i32
    %add3A_56 = arith.addi %mul3A_54, %add3A_55 : i32
    %dma_wait3A_57 = arith.constant 0 : i32
    %dma_wait3A_58 = tpu.memref_slice %arg11[%add3A_56, %dma_wait3A_57] : memref<10240x128xf32, #tpu.memory_space<vmem_shared>> -> memref<128x128xf32, #tpu.memory_space<vmem_shared>>
    tpu.wait_dma2 semaphore(%arg12 : memref<!tpu.dma_semaphore, #tpu.memory_space<semaphore_mem>>) src(%arg5 : memref<128x128xf32, #tpu.memory_space<hbm>>) dst(%dma_wait3A_58 : memref<128x128xf32, #tpu.memory_space<vmem_shared>>)
    %mul3A_59 = arith.constant 640 : i32
    %mul3A_60 = arith.muli %arg1, %mul3A_59 : i32
    %add3A_61 = arith.constant 256 : i32
    %add3A_62 = arith.addi %mul3A_60, %add3A_61 : i32
    %dma_wait3A_63 = arith.constant 0 : i32
    %dma_wait3A_64 = tpu.memref_slice %arg11[%add3A_62, %dma_wait3A_63] : memref<10240x128xf32, #tpu.memory_space<vmem_shared>> -> memref<128x128xf32, #tpu.memory_space<vmem_shared>>
    tpu.wait_dma2 semaphore(%arg12 : memref<!tpu.dma_semaphore, #tpu.memory_space<semaphore_mem>>) src(%arg5 : memref<128x128xf32, #tpu.memory_space<hbm>>) dst(%dma_wait3A_64 : memref<128x128xf32, #tpu.memory_space<vmem_shared>>)
    %mul3A_65 = arith.constant 640 : i32
    %mul3A_66 = arith.muli %arg1, %mul3A_65 : i32
    %add3A_67 = arith.constant 384 : i32
    %add3A_68 = arith.addi %mul3A_66, %add3A_67 : i32
    %dma_wait3A_69 = arith.constant 0 : i32
    %dma_wait3A_70 = tpu.memref_slice %arg11[%add3A_68, %dma_wait3A_69] : memref<10240x128xf32, #tpu.memory_space<vmem_shared>> -> memref<128x128xf32, #tpu.memory_space<vmem_shared>>
    tpu.wait_dma2 semaphore(%arg12 : memref<!tpu.dma_semaphore, #tpu.memory_space<semaphore_mem>>) src(%arg5 : memref<128x128xf32, #tpu.memory_space<hbm>>) dst(%dma_wait3A_70 : memref<128x128xf32, #tpu.memory_space<vmem_shared>>)
    %mul3A_71 = arith.constant 640 : i32
    %mul3A_72 = arith.muli %arg1, %mul3A_71 : i32
    %add3A_73 = arith.constant 512 : i32
    %add3A_74 = arith.addi %mul3A_72, %add3A_73 : i32
    %dma_wait3A_75 = arith.constant 0 : i32
    %dma_wait3A_76 = tpu.memref_slice %arg11[%add3A_74, %dma_wait3A_75] : memref<10240x128xf32, #tpu.memory_space<vmem_shared>> -> memref<128x128xf32, #tpu.memory_space<vmem_shared>>
    tpu.wait_dma2 semaphore(%arg12 : memref<!tpu.dma_semaphore, #tpu.memory_space<semaphore_mem>>) src(%arg5 : memref<128x128xf32, #tpu.memory_space<hbm>>) dst(%dma_wait3A_76 : memref<128x128xf32, #tpu.memory_space<vmem_shared>>)
    %dma_wait3A_77 = arith.constant 0 : i32
    %dma_wait3A_78 = arith.constant 0 : i32
    %dma_wait3A_79 = arith.constant 0 : i32
    %dma_wait3A_80 = tpu.memref_slice %arg3[%add3A, %dma_wait3A_77, %dma_wait3A_78, %dma_wait3A_79] : memref<32x2x40x128xi32, #tpu.memory_space<hbm>> -> memref<1x1x40x128xi32, #tpu.memory_space<hbm>>
    %dma_wait3A_81 = tpu.memref_squeeze %dma_wait3A_80 : memref<1x1x40x128xi32, #tpu.memory_space<hbm>> -> memref<40x128xi32, #tpu.memory_space<hbm>>
    %dma_wait3A_82 = arith.constant 0 : i32
    %dma_wait3A_83 = arith.constant 0 : i32
    %dma_wait3A_84 = tpu.memref_slice %arg3[%add3A, %dma_wait3A_77, %dma_wait3A_82, %dma_wait3A_83] : memref<32x2x40x128xi32, #tpu.memory_space<hbm>> -> memref<1x1x40x128xi32, #tpu.memory_space<hbm>>
    %dma_wait3A_85 = tpu.memref_squeeze %dma_wait3A_84 : memref<1x1x40x128xi32, #tpu.memory_space<hbm>> -> memref<40x128xi32, #tpu.memory_space<hbm>>
    tpu.wait_dma2 semaphore(%arg12 : memref<!tpu.dma_semaphore, #tpu.memory_space<semaphore_mem>>) src(%dma_wait3A_85 : memref<40x128xi32, #tpu.memory_space<hbm>>) dst(%arg7 : memref<40x128xi32, #tpu.memory_space<vmem>>)
    %dma_wait3A_86 = arith.constant 0 : i32
    %dma_wait3A_87 = arith.constant 0 : i32
    %dma_wait3A_88 = arith.constant 0 : i32
    %dma_wait3A_89 = tpu.memref_slice %arg4[%add3A, %dma_wait3A_86, %dma_wait3A_87, %dma_wait3A_88] : memref<32x2x40x128xi32, #tpu.memory_space<hbm>> -> memref<1x1x40x128xi32, #tpu.memory_space<hbm>>
    %dma_wait3A_90 = tpu.memref_squeeze %dma_wait3A_89 : memref<1x1x40x128xi32, #tpu.memory_space<hbm>> -> memref<40x128xi32, #tpu.memory_space<hbm>>
    %dma_wait3A_91 = arith.constant 0 : i32
    %dma_wait3A_92 = arith.constant 0 : i32
    %dma_wait3A_93 = tpu.memref_slice %arg4[%add3A, %dma_wait3A_86, %dma_wait3A_91, %dma_wait3A_92] : memref<32x2x40x128xi32, #tpu.memory_space<hbm>> -> memref<1x1x40x128xi32, #tpu.memory_space<hbm>>
    %dma_wait3A_94 = tpu.memref_squeeze %dma_wait3A_93 : memref<1x1x40x128xi32, #tpu.memory_space<hbm>> -> memref<40x128xi32, #tpu.memory_space<hbm>>
    tpu.wait_dma2 semaphore(%arg12 : memref<!tpu.dma_semaphore, #tpu.memory_space<semaphore_mem>>) src(%dma_wait3A_94 : memref<40x128xi32, #tpu.memory_space<hbm>>) dst(%arg8 : memref<40x128xi32, #tpu.memory_space<vmem>>)
    %barrier3A = arith.constant 0 : index
    tpu.barrier barrier_id(%barrier3A)
    %dma_start3A_95 = arith.constant 0 : i32
    %dma_start3A_96 = arith.constant 0 : i32
    %dma_start3A_97 = tpu.memref_slice %arg7[%dma_start3A_95, %dma_start3A_96] : memref<40x128xi32, #tpu.memory_space<vmem>> -> memref<1x128xi32, #tpu.memory_space<vmem>>
    %dma_start3A_98 = tpu.memref_squeeze %dma_start3A_97 : memref<1x128xi32, #tpu.memory_space<vmem>> -> memref<128xi32, #tpu.memory_space<vmem>>
    %dma_start3A_99 = arith.constant 0 : i32
    %dma_start3A_100 = arith.constant 0 : i32
    %dma_start3A_101 = tpu.memref_slice %arg2[%dma_start3A_99, %dma_start3A_100] : memref<10240x128xf32, #tpu.memory_space<hbm>> -> memref<10240x128xf32, #tpu.memory_space<hbm>>
    tpu.enqueue_indirect_dma source(%dma_start3A_101 : memref<10240x128xf32, #tpu.memory_space<hbm>>) target(%arg9 : memref<128x128xf32, #tpu.memory_space<vmem>>) offsets(%dma_start3A_98 : memref<128xi32, #tpu.memory_space<vmem>>) semaphore(%arg13 : memref<!tpu.dma_semaphore, #tpu.memory_space<semaphore_mem>>)
    %scan3A = arith.constant 0 : i32
    %scan3A_102 = arith.constant 19 : i32
    %scan3A_103 = arith.addi %scan3A, %scan3A_102 : i32
    %scan3A_104 = arith.constant 1 : i32
    scf.for %scan3A_170 = %scan3A to %scan3A_103 step %scan3A_104  : i32 {
      %mul3A_171 = arith.constant 2 : i32
      %mul3A_172 = arith.muli %scan3A_170, %mul3A_171 : i32
      %add3A_173 = arith.constant 0 : i32
      %add3A_174 = arith.addi %add3A_173, %mul3A_172 : i32
      %dma_wait3A_175 = arith.constant 0 : i32
      %dma_wait3A_176 = tpu.memref_slice %arg7[%add3A_174, %dma_wait3A_175] : memref<40x128xi32, #tpu.memory_space<vmem>> -> memref<1x128xi32, #tpu.memory_space<vmem>>
      %dma_wait3A_177 = tpu.memref_squeeze %dma_wait3A_176 : memref<1x128xi32, #tpu.memory_space<vmem>> -> memref<128xi32, #tpu.memory_space<vmem>>
      %dma_wait3A_178 = arith.constant 0 : i32
      %dma_wait3A_179 = arith.constant 0 : i32
      %dma_wait3A_180 = tpu.memref_slice %arg2[%dma_wait3A_178, %dma_wait3A_179] : memref<10240x128xf32, #tpu.memory_space<hbm>> -> memref<10240x128xf32, #tpu.memory_space<hbm>>
      tpu.wait_indirect_dma semaphore(%arg13 : memref<!tpu.dma_semaphore, #tpu.memory_space<semaphore_mem>>) src(%dma_wait3A_180 : memref<10240x128xf32, #tpu.memory_space<hbm>>) dst(%arg9 : memref<128x128xf32, #tpu.memory_space<vmem>>)
      %add3A_181 = arith.constant 1 : i32
      %add3A_182 = arith.addi %add3A_174, %add3A_181 : i32
      %dma_start3A_183 = arith.constant 0 : i32
      %dma_start3A_184 = tpu.memref_slice %arg7[%add3A_182, %dma_start3A_183] : memref<40x128xi32, #tpu.memory_space<vmem>> -> memref<1x128xi32, #tpu.memory_space<vmem>>
      %dma_start3A_185 = tpu.memref_squeeze %dma_start3A_184 : memref<1x128xi32, #tpu.memory_space<vmem>> -> memref<128xi32, #tpu.memory_space<vmem>>
      %dma_start3A_186 = arith.constant 0 : i32
      %dma_start3A_187 = arith.constant 0 : i32
      %dma_start3A_188 = tpu.memref_slice %arg2[%dma_start3A_186, %dma_start3A_187] : memref<10240x128xf32, #tpu.memory_space<hbm>> -> memref<10240x128xf32, #tpu.memory_space<hbm>>
      tpu.enqueue_indirect_dma source(%dma_start3A_188 : memref<10240x128xf32, #tpu.memory_space<hbm>>) target(%arg10 : memref<128x128xf32, #tpu.memory_space<vmem>>) offsets(%dma_start3A_185 : memref<128xi32, #tpu.memory_space<vmem>>) semaphore(%arg14 : memref<!tpu.dma_semaphore, #tpu.memory_space<semaphore_mem>>)
      "tpu.region"() ({
        %run_scoped3A_207 = tpu.sem_alloc : memref<!tpu.dma_semaphore, #tpu.memory_space<semaphore_mem>>
        %dma_start3A_208 = arith.constant 0 : i32
        %dma_start3A_209 = tpu.memref_slice %arg8[%add3A_174, %dma_start3A_208] : memref<40x128xi32, #tpu.memory_space<vmem>> -> memref<1x128xi32, #tpu.memory_space<vmem>>
        %dma_start3A_210 = tpu.memref_squeeze %dma_start3A_209 : memref<1x128xi32, #tpu.memory_space<vmem>> -> memref<128xi32, #tpu.memory_space<vmem>>
        %dma_start3A_211 = arith.constant 0 : i32
        %dma_start3A_212 = arith.constant 0 : i32
        %dma_start3A_213 = tpu.memref_slice %arg11[%dma_start3A_211, %dma_start3A_212] : memref<10240x128xf32, #tpu.memory_space<vmem_shared>> -> memref<10240x128xf32, #tpu.memory_space<vmem_shared>>
        tpu.enqueue_indirect_dma source(%arg9 : memref<128x128xf32, #tpu.memory_space<vmem>>) target(%dma_start3A_213 : memref<10240x128xf32, #tpu.memory_space<vmem_shared>>) offsets(%dma_start3A_210 : memref<128xi32, #tpu.memory_space<vmem>>) semaphore(%run_scoped3A_207 : memref<!tpu.dma_semaphore, #tpu.memory_space<semaphore_mem>>) {add = true}
        %dma_wait3A_214 = arith.constant 0 : i32
        %dma_wait3A_215 = tpu.memref_slice %arg8[%add3A_174, %dma_wait3A_214] : memref<40x128xi32, #tpu.memory_space<vmem>> -> memref<1x128xi32, #tpu.memory_space<vmem>>
        %dma_wait3A_216 = tpu.memref_squeeze %dma_wait3A_215 : memref<1x128xi32, #tpu.memory_space<vmem>> -> memref<128xi32, #tpu.memory_space<vmem>>
        %dma_wait3A_217 = arith.constant 0 : i32
        %dma_wait3A_218 = arith.constant 0 : i32
        %dma_wait3A_219 = tpu.memref_slice %arg11[%dma_wait3A_217, %dma_wait3A_218] : memref<10240x128xf32, #tpu.memory_space<vmem_shared>> -> memref<10240x128xf32, #tpu.memory_space<vmem_shared>>
        tpu.wait_indirect_dma semaphore(%run_scoped3A_207 : memref<!tpu.dma_semaphore, #tpu.memory_space<semaphore_mem>>) src(%arg9 : memref<128x128xf32, #tpu.memory_space<vmem>>) dst(%dma_wait3A_219 : memref<10240x128xf32, #tpu.memory_space<vmem_shared>>)
        tpu.yield
      }) : () -> ()
      %add3A_189 = arith.constant 1 : i32
      %add3A_190 = arith.addi %add3A_174, %add3A_189 : i32
      %dma_wait3A_191 = arith.constant 0 : i32
      %dma_wait3A_192 = tpu.memref_slice %arg7[%add3A_190, %dma_wait3A_191] : memref<40x128xi32, #tpu.memory_space<vmem>> -> memref<1x128xi32, #tpu.memory_space<vmem>>
      %dma_wait3A_193 = tpu.memref_squeeze %dma_wait3A_192 : memref<1x128xi32, #tpu.memory_space<vmem>> -> memref<128xi32, #tpu.memory_space<vmem>>
      %dma_wait3A_194 = arith.constant 0 : i32
      %dma_wait3A_195 = arith.constant 0 : i32
      %dma_wait3A_196 = tpu.memref_slice %arg2[%dma_wait3A_194, %dma_wait3A_195] : memref<10240x128xf32, #tpu.memory_space<hbm>> -> memref<10240x128xf32, #tpu.memory_space<hbm>>
      tpu.wait_indirect_dma semaphore(%arg14 : memref<!tpu.dma_semaphore, #tpu.memory_space<semaphore_mem>>) src(%dma_wait3A_196 : memref<10240x128xf32, #tpu.memory_space<hbm>>) dst(%arg10 : memref<128x128xf32, #tpu.memory_space<vmem>>)
      %add3A_197 = arith.constant 2 : i32
      %add3A_198 = arith.addi %add3A_174, %add3A_197 : i32
      %dma_start3A_199 = arith.constant 0 : i32
      %dma_start3A_200 = tpu.memref_slice %arg7[%add3A_198, %dma_start3A_199] : memref<40x128xi32, #tpu.memory_space<vmem>> -> memref<1x128xi32, #tpu.memory_space<vmem>>
      %dma_start3A_201 = tpu.memref_squeeze %dma_start3A_200 : memref<1x128xi32, #tpu.memory_space<vmem>> -> memref<128xi32, #tpu.memory_space<vmem>>
      %dma_start3A_202 = arith.constant 0 : i32
      %dma_start3A_203 = arith.constant 0 : i32
      %dma_start3A_204 = tpu.memref_slice %arg2[%dma_start3A_202, %dma_start3A_203] : memref<10240x128xf32, #tpu.memory_space<hbm>> -> memref<10240x128xf32, #tpu.memory_space<hbm>>
      tpu.enqueue_indirect_dma source(%dma_start3A_204 : memref<10240x128xf32, #tpu.memory_space<hbm>>) target(%arg9 : memref<128x128xf32, #tpu.memory_space<vmem>>) offsets(%dma_start3A_201 : memref<128xi32, #tpu.memory_space<vmem>>) semaphore(%arg13 : memref<!tpu.dma_semaphore, #tpu.memory_space<semaphore_mem>>)
      %add3A_205 = arith.constant 1 : i32
      %add3A_206 = arith.addi %add3A_174, %add3A_205 : i32
      "tpu.region"() ({
        %run_scoped3A_207 = tpu.sem_alloc : memref<!tpu.dma_semaphore, #tpu.memory_space<semaphore_mem>>
        %dma_start3A_208 = arith.constant 0 : i32
        %dma_start3A_209 = tpu.memref_slice %arg8[%add3A_206, %dma_start3A_208] : memref<40x128xi32, #tpu.memory_space<vmem>> -> memref<1x128xi32, #tpu.memory_space<vmem>>
        %dma_start3A_210 = tpu.memref_squeeze %dma_start3A_209 : memref<1x128xi32, #tpu.memory_space<vmem>> -> memref<128xi32, #tpu.memory_space<vmem>>
        %dma_start3A_211 = arith.constant 0 : i32
        %dma_start3A_212 = arith.constant 0 : i32
        %dma_start3A_213 = tpu.memref_slice %arg11[%dma_start3A_211, %dma_start3A_212] : memref<10240x128xf32, #tpu.memory_space<vmem_shared>> -> memref<10240x128xf32, #tpu.memory_space<vmem_shared>>
        tpu.enqueue_indirect_dma source(%arg10 : memref<128x128xf32, #tpu.memory_space<vmem>>) target(%dma_start3A_213 : memref<10240x128xf32, #tpu.memory_space<vmem_shared>>) offsets(%dma_start3A_210 : memref<128xi32, #tpu.memory_space<vmem>>) semaphore(%run_scoped3A_207 : memref<!tpu.dma_semaphore, #tpu.memory_space<semaphore_mem>>) {add = true}
        %dma_wait3A_214 = arith.constant 0 : i32
        %dma_wait3A_215 = tpu.memref_slice %arg8[%add3A_206, %dma_wait3A_214] : memref<40x128xi32, #tpu.memory_space<vmem>> -> memref<1x128xi32, #tpu.memory_space<vmem>>
        %dma_wait3A_216 = tpu.memref_squeeze %dma_wait3A_215 : memref<1x128xi32, #tpu.memory_space<vmem>> -> memref<128xi32, #tpu.memory_space<vmem>>
        %dma_wait3A_217 = arith.constant 0 : i32
        %dma_wait3A_218 = arith.constant 0 : i32
        %dma_wait3A_219 = tpu.memref_slice %arg11[%dma_wait3A_217, %dma_wait3A_218] : memref<10240x128xf32, #tpu.memory_space<vmem_shared>> -> memref<10240x128xf32, #tpu.memory_space<vmem_shared>>
        tpu.wait_indirect_dma semaphore(%run_scoped3A_207 : memref<!tpu.dma_semaphore, #tpu.memory_space<semaphore_mem>>) src(%arg10 : memref<128x128xf32, #tpu.memory_space<vmem>>) dst(%dma_wait3A_219 : memref<10240x128xf32, #tpu.memory_space<vmem_shared>>)
        tpu.yield
      }) : () -> ()
    }
    %scan3A_105 = arith.constant 19 : i32
    %dma_wait3A_106 = arith.constant 38 : i32
    %dma_wait3A_107 = arith.constant 0 : i32
    %dma_wait3A_108 = tpu.memref_slice %arg7[%dma_wait3A_106, %dma_wait3A_107] : memref<40x128xi32, #tpu.memory_space<vmem>> -> memref<1x128xi32, #tpu.memory_space<vmem>>
    %dma_wait3A_109 = tpu.memref_squeeze %dma_wait3A_108 : memref<1x128xi32, #tpu.memory_space<vmem>> -> memref<128xi32, #tpu.memory_space<vmem>>
    %dma_wait3A_110 = arith.constant 0 : i32
    %dma_wait3A_111 = arith.constant 0 : i32
    %dma_wait3A_112 = tpu.memref_slice %arg2[%dma_wait3A_110, %dma_wait3A_111] : memref<10240x128xf32, #tpu.memory_space<hbm>> -> memref<10240x128xf32, #tpu.memory_space<hbm>>
    tpu.wait_indirect_dma semaphore(%arg13 : memref<!tpu.dma_semaphore, #tpu.memory_space<semaphore_mem>>) src(%dma_wait3A_112 : memref<10240x128xf32, #tpu.memory_space<hbm>>) dst(%arg9 : memref<128x128xf32, #tpu.memory_space<vmem>>)
    %dma_start3A_113 = arith.constant 39 : i32
    %dma_start3A_114 = arith.constant 0 : i32
    %dma_start3A_115 = tpu.memref_slice %arg7[%dma_start3A_113, %dma_start3A_114] : memref<40x128xi32, #tpu.memory_space<vmem>> -> memref<1x128xi32, #tpu.memory_space<vmem>>
    %dma_start3A_116 = tpu.memref_squeeze %dma_start3A_115 : memref<1x128xi32, #tpu.memory_space<vmem>> -> memref<128xi32, #tpu.memory_space<vmem>>
    %dma_start3A_117 = arith.constant 0 : i32
    %dma_start3A_118 = arith.constant 0 : i32
    %dma_start3A_119 = tpu.memref_slice %arg2[%dma_start3A_117, %dma_start3A_118] : memref<10240x128xf32, #tpu.memory_space<hbm>> -> memref<10240x128xf32, #tpu.memory_space<hbm>>
    tpu.enqueue_indirect_dma source(%dma_start3A_119 : memref<10240x128xf32, #tpu.memory_space<hbm>>) target(%arg10 : memref<128x128xf32, #tpu.memory_space<vmem>>) offsets(%dma_start3A_116 : memref<128xi32, #tpu.memory_space<vmem>>) semaphore(%arg14 : memref<!tpu.dma_semaphore, #tpu.memory_space<semaphore_mem>>)
    %run_scoped3A = arith.constant 38 : i32
    "tpu.region"() ({
      %run_scoped3A_170 = tpu.sem_alloc : memref<!tpu.dma_semaphore, #tpu.memory_space<semaphore_mem>>
      %dma_start3A_171 = arith.constant 0 : i32
      %dma_start3A_172 = tpu.memref_slice %arg8[%run_scoped3A, %dma_start3A_171] : memref<40x128xi32, #tpu.memory_space<vmem>> -> memref<1x128xi32, #tpu.memory_space<vmem>>
      %dma_start3A_173 = tpu.memref_squeeze %dma_start3A_172 : memref<1x128xi32, #tpu.memory_space<vmem>> -> memref<128xi32, #tpu.memory_space<vmem>>
      %dma_start3A_174 = arith.constant 0 : i32
      %dma_start3A_175 = arith.constant 0 : i32
      %dma_start3A_176 = tpu.memref_slice %arg11[%dma_start3A_174, %dma_start3A_175] : memref<10240x128xf32, #tpu.memory_space<vmem_shared>> -> memref<10240x128xf32, #tpu.memory_space<vmem_shared>>
      tpu.enqueue_indirect_dma source(%arg9 : memref<128x128xf32, #tpu.memory_space<vmem>>) target(%dma_start3A_176 : memref<10240x128xf32, #tpu.memory_space<vmem_shared>>) offsets(%dma_start3A_173 : memref<128xi32, #tpu.memory_space<vmem>>) semaphore(%run_scoped3A_170 : memref<!tpu.dma_semaphore, #tpu.memory_space<semaphore_mem>>) {add = true}
      %dma_wait3A_177 = arith.constant 0 : i32
      %dma_wait3A_178 = tpu.memref_slice %arg8[%run_scoped3A, %dma_wait3A_177] : memref<40x128xi32, #tpu.memory_space<vmem>> -> memref<1x128xi32, #tpu.memory_space<vmem>>
      %dma_wait3A_179 = tpu.memref_squeeze %dma_wait3A_178 : memref<1x128xi32, #tpu.memory_space<vmem>> -> memref<128xi32, #tpu.memory_space<vmem>>
      %dma_wait3A_180 = arith.constant 0 : i32
      %dma_wait3A_181 = arith.constant 0 : i32
      %dma_wait3A_182 = tpu.memref_slice %arg11[%dma_wait3A_180, %dma_wait3A_181] : memref<10240x128xf32, #tpu.memory_space<vmem_shared>> -> memref<10240x128xf32, #tpu.memory_space<vmem_shared>>
      tpu.wait_indirect_dma semaphore(%run_scoped3A_170 : memref<!tpu.dma_semaphore, #tpu.memory_space<semaphore_mem>>) src(%arg9 : memref<128x128xf32, #tpu.memory_space<vmem>>) dst(%dma_wait3A_182 : memref<10240x128xf32, #tpu.memory_space<vmem_shared>>)
      tpu.yield
    }) : () -> ()
    %dma_wait3A_120 = arith.constant 39 : i32
    %dma_wait3A_121 = arith.constant 0 : i32
    %dma_wait3A_122 = tpu.memref_slice %arg7[%dma_wait3A_120, %dma_wait3A_121] : memref<40x128xi32, #tpu.memory_space<vmem>> -> memref<1x128xi32, #tpu.memory_space<vmem>>
    %dma_wait3A_123 = tpu.memref_squeeze %dma_wait3A_122 : memref<1x128xi32, #tpu.memory_space<vmem>> -> memref<128xi32, #tpu.memory_space<vmem>>
    %dma_wait3A_124 = arith.constant 0 : i32
    %dma_wait3A_125 = arith.constant 0 : i32
    %dma_wait3A_126 = tpu.memref_slice %arg2[%dma_wait3A_124, %dma_wait3A_125] : memref<10240x128xf32, #tpu.memory_space<hbm>> -> memref<10240x128xf32, #tpu.memory_space<hbm>>
    tpu.wait_indirect_dma semaphore(%arg14 : memref<!tpu.dma_semaphore, #tpu.memory_space<semaphore_mem>>) src(%dma_wait3A_126 : memref<10240x128xf32, #tpu.memory_space<hbm>>) dst(%arg10 : memref<128x128xf32, #tpu.memory_space<vmem>>)
    %run_scoped3A_127 = arith.constant 39 : i32
    "tpu.region"() ({
      %run_scoped3A_170 = tpu.sem_alloc : memref<!tpu.dma_semaphore, #tpu.memory_space<semaphore_mem>>
      %dma_start3A_171 = arith.constant 0 : i32
      %dma_start3A_172 = tpu.memref_slice %arg8[%run_scoped3A_127, %dma_start3A_171] : memref<40x128xi32, #tpu.memory_space<vmem>> -> memref<1x128xi32, #tpu.memory_space<vmem>>
      %dma_start3A_173 = tpu.memref_squeeze %dma_start3A_172 : memref<1x128xi32, #tpu.memory_space<vmem>> -> memref<128xi32, #tpu.memory_space<vmem>>
      %dma_start3A_174 = arith.constant 0 : i32
      %dma_start3A_175 = arith.constant 0 : i32
      %dma_start3A_176 = tpu.memref_slice %arg11[%dma_start3A_174, %dma_start3A_175] : memref<10240x128xf32, #tpu.memory_space<vmem_shared>> -> memref<10240x128xf32, #tpu.memory_space<vmem_shared>>
      tpu.enqueue_indirect_dma source(%arg10 : memref<128x128xf32, #tpu.memory_space<vmem>>) target(%dma_start3A_176 : memref<10240x128xf32, #tpu.memory_space<vmem_shared>>) offsets(%dma_start3A_173 : memref<128xi32, #tpu.memory_space<vmem>>) semaphore(%run_scoped3A_170 : memref<!tpu.dma_semaphore, #tpu.memory_space<semaphore_mem>>) {add = true}
      %dma_wait3A_177 = arith.constant 0 : i32
      %dma_wait3A_178 = tpu.memref_slice %arg8[%run_scoped3A_127, %dma_wait3A_177] : memref<40x128xi32, #tpu.memory_space<vmem>> -> memref<1x128xi32, #tpu.memory_space<vmem>>
      %dma_wait3A_179 = tpu.memref_squeeze %dma_wait3A_178 : memref<1x128xi32, #tpu.memory_space<vmem>> -> memref<128xi32, #tpu.memory_space<vmem>>
      %dma_wait3A_180 = arith.constant 0 : i32
      %dma_wait3A_181 = arith.constant 0 : i32
      %dma_wait3A_182 = tpu.memref_slice %arg11[%dma_wait3A_180, %dma_wait3A_181] : memref<10240x128xf32, #tpu.memory_space<vmem_shared>> -> memref<10240x128xf32, #tpu.memory_space<vmem_shared>>
      tpu.wait_indirect_dma semaphore(%run_scoped3A_170 : memref<!tpu.dma_semaphore, #tpu.memory_space<semaphore_mem>>) src(%arg10 : memref<128x128xf32, #tpu.memory_space<vmem>>) dst(%dma_wait3A_182 : memref<10240x128xf32, #tpu.memory_space<vmem_shared>>)
      tpu.yield
    }) : () -> ()
    %run_scoped3A_128 = arith.constant 1 : i32
    "tpu.region"() ({
      %run_scoped3A_170 = tpu.sem_alloc : memref<!tpu.dma_semaphore, #tpu.memory_space<semaphore_mem>>
      %dma_start3A_171 = arith.constant 0 : i32
      %dma_start3A_172 = arith.constant 0 : i32
      %dma_start3A_173 = tpu.memref_slice %arg3[%add3A, %run_scoped3A_128, %dma_start3A_171, %dma_start3A_172] : memref<32x2x40x128xi32, #tpu.memory_space<hbm>> -> memref<1x1x40x128xi32, #tpu.memory_space<hbm>>
      %dma_start3A_174 = tpu.memref_squeeze %dma_start3A_173 : memref<1x1x40x128xi32, #tpu.memory_space<hbm>> -> memref<40x128xi32, #tpu.memory_space<hbm>>
      %dma_start3A_175 = arith.constant 0 : i32
      %dma_start3A_176 = arith.constant 0 : i32
      %dma_start3A_177 = tpu.memref_slice %arg3[%add3A, %run_scoped3A_128, %dma_start3A_175, %dma_start3A_176] : memref<32x2x40x128xi32, #tpu.memory_space<hbm>> -> memref<1x1x40x128xi32, #tpu.memory_space<hbm>>
      %dma_start3A_178 = tpu.memref_squeeze %dma_start3A_177 : memref<1x1x40x128xi32, #tpu.memory_space<hbm>> -> memref<40x128xi32, #tpu.memory_space<hbm>>
      tpu.enqueue_dma source(%dma_start3A_178 : memref<40x128xi32, #tpu.memory_space<hbm>>) target(%arg7 : memref<40x128xi32, #tpu.memory_space<vmem>>) target_semaphore(%run_scoped3A_170 : memref<!tpu.dma_semaphore, #tpu.memory_space<semaphore_mem>>)
      %dma_wait3A_179 = arith.constant 0 : i32
      %dma_wait3A_180 = arith.constant 0 : i32
      %dma_wait3A_181 = tpu.memref_slice %arg3[%add3A, %run_scoped3A_128, %dma_wait3A_179, %dma_wait3A_180] : memref<32x2x40x128xi32, #tpu.memory_space<hbm>> -> memref<1x1x40x128xi32, #tpu.memory_space<hbm>>
      %dma_wait3A_182 = tpu.memref_squeeze %dma_wait3A_181 : memref<1x1x40x128xi32, #tpu.memory_space<hbm>> -> memref<40x128xi32, #tpu.memory_space<hbm>>
      %dma_wait3A_183 = arith.constant 0 : i32
      %dma_wait3A_184 = arith.constant 0 : i32
      %dma_wait3A_185 = tpu.memref_slice %arg3[%add3A, %run_scoped3A_128, %dma_wait3A_183, %dma_wait3A_184] : memref<32x2x40x128xi32, #tpu.memory_space<hbm>> -> memref<1x1x40x128xi32, #tpu.memory_space<hbm>>
      %dma_wait3A_186 = tpu.memref_squeeze %dma_wait3A_185 : memref<1x1x40x128xi32, #tpu.memory_space<hbm>> -> memref<40x128xi32, #tpu.memory_space<hbm>>
      tpu.wait_dma2 semaphore(%run_scoped3A_170 : memref<!tpu.dma_semaphore, #tpu.memory_space<semaphore_mem>>) src(%dma_wait3A_186 : memref<40x128xi32, #tpu.memory_space<hbm>>) dst(%arg7 : memref<40x128xi32, #tpu.memory_space<vmem>>)
      tpu.yield
    }) : () -> ()
    %run_scoped3A_129 = arith.constant 1 : i32
    "tpu.region"() ({
      %run_scoped3A_170 = tpu.sem_alloc : memref<!tpu.dma_semaphore, #tpu.memory_space<semaphore_mem>>
      %dma_start3A_171 = arith.constant 0 : i32
      %dma_start3A_172 = arith.constant 0 : i32
      %dma_start3A_173 = tpu.memref_slice %arg4[%add3A, %run_scoped3A_129, %dma_start3A_171, %dma_start3A_172] : memref<32x2x40x128xi32, #tpu.memory_space<hbm>> -> memref<1x1x40x128xi32, #tpu.memory_space<hbm>>
      %dma_start3A_174 = tpu.memref_squeeze %dma_start3A_173 : memref<1x1x40x128xi32, #tpu.memory_space<hbm>> -> memref<40x128xi32, #tpu.memory_space<hbm>>
      %dma_start3A_175 = arith.constant 0 : i32
      %dma_start3A_176 = arith.constant 0 : i32
      %dma_start3A_177 = tpu.memref_slice %arg4[%add3A, %run_scoped3A_129, %dma_start3A_175, %dma_start3A_176] : memref<32x2x40x128xi32, #tpu.memory_space<hbm>> -> memref<1x1x40x128xi32, #tpu.memory_space<hbm>>
      %dma_start3A_178 = tpu.memref_squeeze %dma_start3A_177 : memref<1x1x40x128xi32, #tpu.memory_space<hbm>> -> memref<40x128xi32, #tpu.memory_space<hbm>>
      tpu.enqueue_dma source(%dma_start3A_178 : memref<40x128xi32, #tpu.memory_space<hbm>>) target(%arg8 : memref<40x128xi32, #tpu.memory_space<vmem>>) target_semaphore(%run_scoped3A_170 : memref<!tpu.dma_semaphore, #tpu.memory_space<semaphore_mem>>)
      %dma_wait3A_179 = arith.constant 0 : i32
      %dma_wait3A_180 = arith.constant 0 : i32
      %dma_wait3A_181 = tpu.memref_slice %arg4[%add3A, %run_scoped3A_129, %dma_wait3A_179, %dma_wait3A_180] : memref<32x2x40x128xi32, #tpu.memory_space<hbm>> -> memref<1x1x40x128xi32, #tpu.memory_space<hbm>>
      %dma_wait3A_182 = tpu.memref_squeeze %dma_wait3A_181 : memref<1x1x40x128xi32, #tpu.memory_space<hbm>> -> memref<40x128xi32, #tpu.memory_space<hbm>>
      %dma_wait3A_183 = arith.constant 0 : i32
      %dma_wait3A_184 = arith.constant 0 : i32
      %dma_wait3A_185 = tpu.memref_slice %arg4[%add3A, %run_scoped3A_129, %dma_wait3A_183, %dma_wait3A_184] : memref<32x2x40x128xi32, #tpu.memory_space<hbm>> -> memref<1x1x40x128xi32, #tpu.memory_space<hbm>>
      %dma_wait3A_186 = tpu.memref_squeeze %dma_wait3A_185 : memref<1x1x40x128xi32, #tpu.memory_space<hbm>> -> memref<40x128xi32, #tpu.memory_space<hbm>>
      tpu.wait_dma2 semaphore(%run_scoped3A_170 : memref<!tpu.dma_semaphore, #tpu.memory_space<semaphore_mem>>) src(%dma_wait3A_186 : memref<40x128xi32, #tpu.memory_space<hbm>>) dst(%arg8 : memref<40x128xi32, #tpu.memory_space<vmem>>)
      tpu.yield
    }) : () -> ()
    %dma_start3A_130 = arith.constant 0 : i32
    %dma_start3A_131 = arith.constant 0 : i32
    %dma_start3A_132 = tpu.memref_slice %arg7[%dma_start3A_130, %dma_start3A_131] : memref<40x128xi32, #tpu.memory_space<vmem>> -> memref<1x128xi32, #tpu.memory_space<vmem>>
    %dma_start3A_133 = tpu.memref_squeeze %dma_start3A_132 : memref<1x128xi32, #tpu.memory_space<vmem>> -> memref<128xi32, #tpu.memory_space<vmem>>
    %dma_start3A_134 = arith.constant 0 : i32
    %dma_start3A_135 = arith.constant 0 : i32
    %dma_start3A_136 = tpu.memref_slice %arg2[%dma_start3A_134, %dma_start3A_135] : memref<10240x128xf32, #tpu.memory_space<hbm>> -> memref<10240x128xf32, #tpu.memory_space<hbm>>
    tpu.enqueue_indirect_dma source(%dma_start3A_136 : memref<10240x128xf32, #tpu.memory_space<hbm>>) target(%arg9 : memref<128x128xf32, #tpu.memory_space<vmem>>) offsets(%dma_start3A_133 : memref<128xi32, #tpu.memory_space<vmem>>) semaphore(%arg13 : memref<!tpu.dma_semaphore, #tpu.memory_space<semaphore_mem>>)
    %scan3A_137 = arith.constant 0 : i32
    %scan3A_138 = arith.constant 19 : i32
    %scan3A_139 = arith.addi %scan3A_137, %scan3A_138 : i32
    %scan3A_140 = arith.constant 1 : i32
    scf.for %scan3A_170 = %scan3A_137 to %scan3A_139 step %scan3A_140  : i32 {
      %mul3A_171 = arith.constant 2 : i32
      %mul3A_172 = arith.muli %scan3A_170, %mul3A_171 : i32
      %add3A_173 = arith.constant 0 : i32
      %add3A_174 = arith.addi %add3A_173, %mul3A_172 : i32
      %dma_wait3A_175 = arith.constant 0 : i32
      %dma_wait3A_176 = tpu.memref_slice %arg7[%add3A_174, %dma_wait3A_175] : memref<40x128xi32, #tpu.memory_space<vmem>> -> memref<1x128xi32, #tpu.memory_space<vmem>>
      %dma_wait3A_177 = tpu.memref_squeeze %dma_wait3A_176 : memref<1x128xi32, #tpu.memory_space<vmem>> -> memref<128xi32, #tpu.memory_space<vmem>>
      %dma_wait3A_178 = arith.constant 0 : i32
      %dma_wait3A_179 = arith.constant 0 : i32
      %dma_wait3A_180 = tpu.memref_slice %arg2[%dma_wait3A_178, %dma_wait3A_179] : memref<10240x128xf32, #tpu.memory_space<hbm>> -> memref<10240x128xf32, #tpu.memory_space<hbm>>
      tpu.wait_indirect_dma semaphore(%arg13 : memref<!tpu.dma_semaphore, #tpu.memory_space<semaphore_mem>>) src(%dma_wait3A_180 : memref<10240x128xf32, #tpu.memory_space<hbm>>) dst(%arg9 : memref<128x128xf32, #tpu.memory_space<vmem>>)
      %add3A_181 = arith.constant 1 : i32
      %add3A_182 = arith.addi %add3A_174, %add3A_181 : i32
      %dma_start3A_183 = arith.constant 0 : i32
      %dma_start3A_184 = tpu.memref_slice %arg7[%add3A_182, %dma_start3A_183] : memref<40x128xi32, #tpu.memory_space<vmem>> -> memref<1x128xi32, #tpu.memory_space<vmem>>
      %dma_start3A_185 = tpu.memref_squeeze %dma_start3A_184 : memref<1x128xi32, #tpu.memory_space<vmem>> -> memref<128xi32, #tpu.memory_space<vmem>>
      %dma_start3A_186 = arith.constant 0 : i32
      %dma_start3A_187 = arith.constant 0 : i32
      %dma_start3A_188 = tpu.memref_slice %arg2[%dma_start3A_186, %dma_start3A_187] : memref<10240x128xf32, #tpu.memory_space<hbm>> -> memref<10240x128xf32, #tpu.memory_space<hbm>>
      tpu.enqueue_indirect_dma source(%dma_start3A_188 : memref<10240x128xf32, #tpu.memory_space<hbm>>) target(%arg10 : memref<128x128xf32, #tpu.memory_space<vmem>>) offsets(%dma_start3A_185 : memref<128xi32, #tpu.memory_space<vmem>>) semaphore(%arg14 : memref<!tpu.dma_semaphore, #tpu.memory_space<semaphore_mem>>)
      "tpu.region"() ({
        %run_scoped3A_207 = tpu.sem_alloc : memref<!tpu.dma_semaphore, #tpu.memory_space<semaphore_mem>>
        %dma_start3A_208 = arith.constant 0 : i32
        %dma_start3A_209 = tpu.memref_slice %arg8[%add3A_174, %dma_start3A_208] : memref<40x128xi32, #tpu.memory_space<vmem>> -> memref<1x128xi32, #tpu.memory_space<vmem>>
        %dma_start3A_210 = tpu.memref_squeeze %dma_start3A_209 : memref<1x128xi32, #tpu.memory_space<vmem>> -> memref<128xi32, #tpu.memory_space<vmem>>
        %dma_start3A_211 = arith.constant 0 : i32
        %dma_start3A_212 = arith.constant 0 : i32
        %dma_start3A_213 = tpu.memref_slice %arg11[%dma_start3A_211, %dma_start3A_212] : memref<10240x128xf32, #tpu.memory_space<vmem_shared>> -> memref<10240x128xf32, #tpu.memory_space<vmem_shared>>
        tpu.enqueue_indirect_dma source(%arg9 : memref<128x128xf32, #tpu.memory_space<vmem>>) target(%dma_start3A_213 : memref<10240x128xf32, #tpu.memory_space<vmem_shared>>) offsets(%dma_start3A_210 : memref<128xi32, #tpu.memory_space<vmem>>) semaphore(%run_scoped3A_207 : memref<!tpu.dma_semaphore, #tpu.memory_space<semaphore_mem>>) {add = true}
        %dma_wait3A_214 = arith.constant 0 : i32
        %dma_wait3A_215 = tpu.memref_slice %arg8[%add3A_174, %dma_wait3A_214] : memref<40x128xi32, #tpu.memory_space<vmem>> -> memref<1x128xi32, #tpu.memory_space<vmem>>
        %dma_wait3A_216 = tpu.memref_squeeze %dma_wait3A_215 : memref<1x128xi32, #tpu.memory_space<vmem>> -> memref<128xi32, #tpu.memory_space<vmem>>
        %dma_wait3A_217 = arith.constant 0 : i32
        %dma_wait3A_218 = arith.constant 0 : i32
        %dma_wait3A_219 = tpu.memref_slice %arg11[%dma_wait3A_217, %dma_wait3A_218] : memref<10240x128xf32, #tpu.memory_space<vmem_shared>> -> memref<10240x128xf32, #tpu.memory_space<vmem_shared>>
        tpu.wait_indirect_dma semaphore(%run_scoped3A_207 : memref<!tpu.dma_semaphore, #tpu.memory_space<semaphore_mem>>) src(%arg9 : memref<128x128xf32, #tpu.memory_space<vmem>>) dst(%dma_wait3A_219 : memref<10240x128xf32, #tpu.memory_space<vmem_shared>>)
        tpu.yield
      }) : () -> ()
      %add3A_189 = arith.constant 1 : i32
      %add3A_190 = arith.addi %add3A_174, %add3A_189 : i32
      %dma_wait3A_191 = arith.constant 0 : i32
      %dma_wait3A_192 = tpu.memref_slice %arg7[%add3A_190, %dma_wait3A_191] : memref<40x128xi32, #tpu.memory_space<vmem>> -> memref<1x128xi32, #tpu.memory_space<vmem>>
      %dma_wait3A_193 = tpu.memref_squeeze %dma_wait3A_192 : memref<1x128xi32, #tpu.memory_space<vmem>> -> memref<128xi32, #tpu.memory_space<vmem>>
      %dma_wait3A_194 = arith.constant 0 : i32
      %dma_wait3A_195 = arith.constant 0 : i32
      %dma_wait3A_196 = tpu.memref_slice %arg2[%dma_wait3A_194, %dma_wait3A_195] : memref<10240x128xf32, #tpu.memory_space<hbm>> -> memref<10240x128xf32, #tpu.memory_space<hbm>>
      tpu.wait_indirect_dma semaphore(%arg14 : memref<!tpu.dma_semaphore, #tpu.memory_space<semaphore_mem>>) src(%dma_wait3A_196 : memref<10240x128xf32, #tpu.memory_space<hbm>>) dst(%arg10 : memref<128x128xf32, #tpu.memory_space<vmem>>)
      %add3A_197 = arith.constant 2 : i32
      %add3A_198 = arith.addi %add3A_174, %add3A_197 : i32
      %dma_start3A_199 = arith.constant 0 : i32
      %dma_start3A_200 = tpu.memref_slice %arg7[%add3A_198, %dma_start3A_199] : memref<40x128xi32, #tpu.memory_space<vmem>> -> memref<1x128xi32, #tpu.memory_space<vmem>>
      %dma_start3A_201 = tpu.memref_squeeze %dma_start3A_200 : memref<1x128xi32, #tpu.memory_space<vmem>> -> memref<128xi32, #tpu.memory_space<vmem>>
      %dma_start3A_202 = arith.constant 0 : i32
      %dma_start3A_203 = arith.constant 0 : i32
      %dma_start3A_204 = tpu.memref_slice %arg2[%dma_start3A_202, %dma_start3A_203] : memref<10240x128xf32, #tpu.memory_space<hbm>> -> memref<10240x128xf32, #tpu.memory_space<hbm>>
      tpu.enqueue_indirect_dma source(%dma_start3A_204 : memref<10240x128xf32, #tpu.memory_space<hbm>>) target(%arg9 : memref<128x128xf32, #tpu.memory_space<vmem>>) offsets(%dma_start3A_201 : memref<128xi32, #tpu.memory_space<vmem>>) semaphore(%arg13 : memref<!tpu.dma_semaphore, #tpu.memory_space<semaphore_mem>>)
      %add3A_205 = arith.constant 1 : i32
      %add3A_206 = arith.addi %add3A_174, %add3A_205 : i32
      "tpu.region"() ({
        %run_scoped3A_207 = tpu.sem_alloc : memref<!tpu.dma_semaphore, #tpu.memory_space<semaphore_mem>>
        %dma_start3A_208 = arith.constant 0 : i32
        %dma_start3A_209 = tpu.memref_slice %arg8[%add3A_206, %dma_start3A_208] : memref<40x128xi32, #tpu.memory_space<vmem>> -> memref<1x128xi32, #tpu.memory_space<vmem>>
        %dma_start3A_210 = tpu.memref_squeeze %dma_start3A_209 : memref<1x128xi32, #tpu.memory_space<vmem>> -> memref<128xi32, #tpu.memory_space<vmem>>
        %dma_start3A_211 = arith.constant 0 : i32
        %dma_start3A_212 = arith.constant 0 : i32
        %dma_start3A_213 = tpu.memref_slice %arg11[%dma_start3A_211, %dma_start3A_212] : memref<10240x128xf32, #tpu.memory_space<vmem_shared>> -> memref<10240x128xf32, #tpu.memory_space<vmem_shared>>
        tpu.enqueue_indirect_dma source(%arg10 : memref<128x128xf32, #tpu.memory_space<vmem>>) target(%dma_start3A_213 : memref<10240x128xf32, #tpu.memory_space<vmem_shared>>) offsets(%dma_start3A_210 : memref<128xi32, #tpu.memory_space<vmem>>) semaphore(%run_scoped3A_207 : memref<!tpu.dma_semaphore, #tpu.memory_space<semaphore_mem>>) {add = true}
        %dma_wait3A_214 = arith.constant 0 : i32
        %dma_wait3A_215 = tpu.memref_slice %arg8[%add3A_206, %dma_wait3A_214] : memref<40x128xi32, #tpu.memory_space<vmem>> -> memref<1x128xi32, #tpu.memory_space<vmem>>
        %dma_wait3A_216 = tpu.memref_squeeze %dma_wait3A_215 : memref<1x128xi32, #tpu.memory_space<vmem>> -> memref<128xi32, #tpu.memory_space<vmem>>
        %dma_wait3A_217 = arith.constant 0 : i32
        %dma_wait3A_218 = arith.constant 0 : i32
        %dma_wait3A_219 = tpu.memref_slice %arg11[%dma_wait3A_217, %dma_wait3A_218] : memref<10240x128xf32, #tpu.memory_space<vmem_shared>> -> memref<10240x128xf32, #tpu.memory_space<vmem_shared>>
        tpu.wait_indirect_dma semaphore(%run_scoped3A_207 : memref<!tpu.dma_semaphore, #tpu.memory_space<semaphore_mem>>) src(%arg10 : memref<128x128xf32, #tpu.memory_space<vmem>>) dst(%dma_wait3A_219 : memref<10240x128xf32, #tpu.memory_space<vmem_shared>>)
        tpu.yield
      }) : () -> ()
    }
    %scan3A_141 = arith.constant 19 : i32
    %dma_wait3A_142 = arith.constant 38 : i32
    %dma_wait3A_143 = arith.constant 0 : i32
    %dma_wait3A_144 = tpu.memref_slice %arg7[%dma_wait3A_142, %dma_wait3A_143] : memref<40x128xi32, #tpu.memory_space<vmem>> -> memref<1x128xi32, #tpu.memory_space<vmem>>
    %dma_wait3A_145 = tpu.memref_squeeze %dma_wait3A_144 : memref<1x128xi32, #tpu.memory_space<vmem>> -> memref<128xi32, #tpu.memory_space<vmem>>
    %dma_wait3A_146 = arith.constant 0 : i32
    %dma_wait3A_147 = arith.constant 0 : i32
    %dma_wait3A_148 = tpu.memref_slice %arg2[%dma_wait3A_146, %dma_wait3A_147] : memref<10240x128xf32, #tpu.memory_space<hbm>> -> memref<10240x128xf32, #tpu.memory_space<hbm>>
    tpu.wait_indirect_dma semaphore(%arg13 : memref<!tpu.dma_semaphore, #tpu.memory_space<semaphore_mem>>) src(%dma_wait3A_148 : memref<10240x128xf32, #tpu.memory_space<hbm>>) dst(%arg9 : memref<128x128xf32, #tpu.memory_space<vmem>>)
    %dma_start3A_149 = arith.constant 39 : i32
    %dma_start3A_150 = arith.constant 0 : i32
    %dma_start3A_151 = tpu.memref_slice %arg7[%dma_start3A_149, %dma_start3A_150] : memref<40x128xi32, #tpu.memory_space<vmem>> -> memref<1x128xi32, #tpu.memory_space<vmem>>
    %dma_start3A_152 = tpu.memref_squeeze %dma_start3A_151 : memref<1x128xi32, #tpu.memory_space<vmem>> -> memref<128xi32, #tpu.memory_space<vmem>>
    %dma_start3A_153 = arith.constant 0 : i32
    %dma_start3A_154 = arith.constant 0 : i32
    %dma_start3A_155 = tpu.memref_slice %arg2[%dma_start3A_153, %dma_start3A_154] : memref<10240x128xf32, #tpu.memory_space<hbm>> -> memref<10240x128xf32, #tpu.memory_space<hbm>>
    tpu.enqueue_indirect_dma source(%dma_start3A_155 : memref<10240x128xf32, #tpu.memory_space<hbm>>) target(%arg10 : memref<128x128xf32, #tpu.memory_space<vmem>>) offsets(%dma_start3A_152 : memref<128xi32, #tpu.memory_space<vmem>>) semaphore(%arg14 : memref<!tpu.dma_semaphore, #tpu.memory_space<semaphore_mem>>)
    %run_scoped3A_156 = arith.constant 38 : i32
    "tpu.region"() ({
      %run_scoped3A_170 = tpu.sem_alloc : memref<!tpu.dma_semaphore, #tpu.memory_space<semaphore_mem>>
      %dma_start3A_171 = arith.constant 0 : i32
      %dma_start3A_172 = tpu.memref_slice %arg8[%run_scoped3A_156, %dma_start3A_171] : memref<40x128xi32, #tpu.memory_space<vmem>> -> memref<1x128xi32, #tpu.memory_space<vmem>>
      %dma_start3A_173 = tpu.memref_squeeze %dma_start3A_172 : memref<1x128xi32, #tpu.memory_space<vmem>> -> memref<128xi32, #tpu.memory_space<vmem>>
      %dma_start3A_174 = arith.constant 0 : i32
      %dma_start3A_175 = arith.constant 0 : i32
      %dma_start3A_176 = tpu.memref_slice %arg11[%dma_start3A_174, %dma_start3A_175] : memref<10240x128xf32, #tpu.memory_space<vmem_shared>> -> memref<10240x128xf32, #tpu.memory_space<vmem_shared>>
      tpu.enqueue_indirect_dma source(%arg9 : memref<128x128xf32, #tpu.memory_space<vmem>>) target(%dma_start3A_176 : memref<10240x128xf32, #tpu.memory_space<vmem_shared>>) offsets(%dma_start3A_173 : memref<128xi32, #tpu.memory_space<vmem>>) semaphore(%run_scoped3A_170 : memref<!tpu.dma_semaphore, #tpu.memory_space<semaphore_mem>>) {add = true}
      %dma_wait3A_177 = arith.constant 0 : i32
      %dma_wait3A_178 = tpu.memref_slice %arg8[%run_scoped3A_156, %dma_wait3A_177] : memref<40x128xi32, #tpu.memory_space<vmem>> -> memref<1x128xi32, #tpu.memory_space<vmem>>
      %dma_wait3A_179 = tpu.memref_squeeze %dma_wait3A_178 : memref<1x128xi32, #tpu.memory_space<vmem>> -> memref<128xi32, #tpu.memory_space<vmem>>
      %dma_wait3A_180 = arith.constant 0 : i32
      %dma_wait3A_181 = arith.constant 0 : i32
      %dma_wait3A_182 = tpu.memref_slice %arg11[%dma_wait3A_180, %dma_wait3A_181] : memref<10240x128xf32, #tpu.memory_space<vmem_shared>> -> memref<10240x128xf32, #tpu.memory_space<vmem_shared>>
      tpu.wait_indirect_dma semaphore(%run_scoped3A_170 : memref<!tpu.dma_semaphore, #tpu.memory_space<semaphore_mem>>) src(%arg9 : memref<128x128xf32, #tpu.memory_space<vmem>>) dst(%dma_wait3A_182 : memref<10240x128xf32, #tpu.memory_space<vmem_shared>>)
      tpu.yield
    }) : () -> ()
    %dma_wait3A_157 = arith.constant 39 : i32
    %dma_wait3A_158 = arith.constant 0 : i32
    %dma_wait3A_159 = tpu.memref_slice %arg7[%dma_wait3A_157, %dma_wait3A_158] : memref<40x128xi32, #tpu.memory_space<vmem>> -> memref<1x128xi32, #tpu.memory_space<vmem>>
    %dma_wait3A_160 = tpu.memref_squeeze %dma_wait3A_159 : memref<1x128xi32, #tpu.memory_space<vmem>> -> memref<128xi32, #tpu.memory_space<vmem>>
    %dma_wait3A_161 = arith.constant 0 : i32
    %dma_wait3A_162 = arith.constant 0 : i32
    %dma_wait3A_163 = tpu.memref_slice %arg2[%dma_wait3A_161, %dma_wait3A_162] : memref<10240x128xf32, #tpu.memory_space<hbm>> -> memref<10240x128xf32, #tpu.memory_space<hbm>>
    tpu.wait_indirect_dma semaphore(%arg14 : memref<!tpu.dma_semaphore, #tpu.memory_space<semaphore_mem>>) src(%dma_wait3A_163 : memref<10240x128xf32, #tpu.memory_space<hbm>>) dst(%arg10 : memref<128x128xf32, #tpu.memory_space<vmem>>)
    %run_scoped3A_164 = arith.constant 39 : i32
    "tpu.region"() ({
      %run_scoped3A_170 = tpu.sem_alloc : memref<!tpu.dma_semaphore, #tpu.memory_space<semaphore_mem>>
      %dma_start3A_171 = arith.constant 0 : i32
      %dma_start3A_172 = tpu.memref_slice %arg8[%run_scoped3A_164, %dma_start3A_171] : memref<40x128xi32, #tpu.memory_space<vmem>> -> memref<1x128xi32, #tpu.memory_space<vmem>>
      %dma_start3A_173 = tpu.memref_squeeze %dma_start3A_172 : memref<1x128xi32, #tpu.memory_space<vmem>> -> memref<128xi32, #tpu.memory_space<vmem>>
      %dma_start3A_174 = arith.constant 0 : i32
      %dma_start3A_175 = arith.constant 0 : i32
      %dma_start3A_176 = tpu.memref_slice %arg11[%dma_start3A_174, %dma_start3A_175] : memref<10240x128xf32, #tpu.memory_space<vmem_shared>> -> memref<10240x128xf32, #tpu.memory_space<vmem_shared>>
      tpu.enqueue_indirect_dma source(%arg10 : memref<128x128xf32, #tpu.memory_space<vmem>>) target(%dma_start3A_176 : memref<10240x128xf32, #tpu.memory_space<vmem_shared>>) offsets(%dma_start3A_173 : memref<128xi32, #tpu.memory_space<vmem>>) semaphore(%run_scoped3A_170 : memref<!tpu.dma_semaphore, #tpu.memory_space<semaphore_mem>>) {add = true}
      %dma_wait3A_177 = arith.constant 0 : i32
      %dma_wait3A_178 = tpu.memref_slice %arg8[%run_scoped3A_164, %dma_wait3A_177] : memref<40x128xi32, #tpu.memory_space<vmem>> -> memref<1x128xi32, #tpu.memory_space<vmem>>
      %dma_wait3A_179 = tpu.memref_squeeze %dma_wait3A_178 : memref<1x128xi32, #tpu.memory_space<vmem>> -> memref<128xi32, #tpu.memory_space<vmem>>
      %dma_wait3A_180 = arith.constant 0 : i32
      %dma_wait3A_181 = arith.constant 0 : i32
      %dma_wait3A_182 = tpu.memref_slice %arg11[%dma_wait3A_180, %dma_wait3A_181] : memref<10240x128xf32, #tpu.memory_space<vmem_shared>> -> memref<10240x128xf32, #tpu.memory_space<vmem_shared>>
      tpu.wait_indirect_dma semaphore(%run_scoped3A_170 : memref<!tpu.dma_semaphore, #tpu.memory_space<semaphore_mem>>) src(%arg10 : memref<128x128xf32, #tpu.memory_space<vmem>>) dst(%dma_wait3A_182 : memref<10240x128xf32, #tpu.memory_space<vmem_shared>>)
      tpu.yield
    }) : () -> ()
    %barrier3A_165 = arith.constant 0 : index
    tpu.barrier barrier_id(%barrier3A_165)
    %mul3A_166 = arith.constant 640 : i32
    %mul3A_167 = arith.muli %arg1, %mul3A_166 : i32
    %mul3A_168 = arith.constant 640 : i32
    %mul3A_169 = arith.muli %arg1, %mul3A_168 : i32
    "tpu.region"() ({
      %run_scoped3A_170 = tpu.sem_alloc : memref<!tpu.dma_semaphore, #tpu.memory_space<semaphore_mem>>
      %dma_start3A_171 = arith.constant 0 : i32
      %dma_start3A_172 = tpu.memref_slice %arg6[%arg0, %mul3A_169, %dma_start3A_171] : memref<2x10240x128xf32, #tpu.memory_space<hbm>> -> memref<1x640x128xf32, #tpu.memory_space<hbm>>
      %dma_start3A_173 = tpu.memref_squeeze %dma_start3A_172 : memref<1x640x128xf32, #tpu.memory_space<hbm>> -> memref<640x128xf32, #tpu.memory_space<hbm>>
      %dma_start3A_174 = arith.constant 0 : i32
      %dma_start3A_175 = tpu.memref_slice %arg11[%mul3A_167, %dma_start3A_174] : memref<10240x128xf32, #tpu.memory_space<vmem_shared>> -> memref<640x128xf32, #tpu.memory_space<vmem_shared>>
      tpu.enqueue_dma source(%dma_start3A_175 : memref<640x128xf32, #tpu.memory_space<vmem_shared>>) target(%dma_start3A_173 : memref<640x128xf32, #tpu.memory_space<hbm>>) target_semaphore(%run_scoped3A_170 : memref<!tpu.dma_semaphore, #tpu.memory_space<semaphore_mem>>)
      %dma_wait3A_176 = arith.constant 0 : i32
      %dma_wait3A_177 = tpu.memref_slice %arg6[%arg0, %mul3A_169, %dma_wait3A_176] : memref<2x10240x128xf32, #tpu.memory_space<hbm>> -> memref<1x640x128xf32, #tpu.memory_space<hbm>>
      %dma_wait3A_178 = tpu.memref_squeeze %dma_wait3A_177 : memref<1x640x128xf32, #tpu.memory_space<hbm>> -> memref<640x128xf32, #tpu.memory_space<hbm>>
      %dma_wait3A_179 = arith.constant 0 : i32
      %dma_wait3A_180 = tpu.memref_slice %arg11[%mul3A_167, %dma_wait3A_179] : memref<10240x128xf32, #tpu.memory_space<vmem_shared>> -> memref<640x128xf32, #tpu.memory_space<vmem_shared>>
      tpu.wait_dma2 semaphore(%run_scoped3A_170 : memref<!tpu.dma_semaphore, #tpu.memory_space<semaphore_mem>>) src(%dma_wait3A_180 : memref<640x128xf32, #tpu.memory_space<vmem_shared>>) dst(%dma_wait3A_178 : memref<640x128xf32, #tpu.memory_space<hbm>>)
      tpu.yield
    }) : () -> ()
    return
  }
}

module attributes {stable_mosaic.version = 14 : i64} {
  func.func @_first_body(%arg0: i32, %arg1: memref<2x1024x128xf32, #tpu.memory_space<vmem>>, %arg2: memref<1024x128xf32, #tpu.memory_space<vmem>>, %arg3: memref<128x128xf32, #tpu.memory_space<vmem>>, %arg4: memref<1024x128xf32, #tpu.memory_space<vmem>>) attributes {dimension_semantics = [#tpu.dimension_semantics<arbitrary>], iteration_bounds = array<i64: 10>, scalar_prefetch = 0 : i64, scratch_operands = 0 : i64, tpu.core_type = #tpu.core_type<tc>, window_params = [{transform_indices = @transform_0, window_bounds = array<i64: 2, 1024, 128>}, {transform_indices = @transform_1, window_bounds = array<i64: 1024, 128>}, {pipeline_mode = #tpu.pipeline_mode<synchronous>, transform_indices = @transform_2, window_bounds = array<i64: 128, 128>}, {transform_indices = @transform_3, window_bounds = array<i64: 1024, 128>}]} {
    %get3A = arith.constant 0 : index
    %get3A_0 = arith.constant 0 : index
    %get3A_1 = arith.constant 0 : index
    %get3A_2 = vector.load %arg1[%get3A, %get3A_0, %get3A_1] : memref<2x1024x128xf32, #tpu.memory_space<vmem>>, vector<1x1024x1xf32>
    %get3A_3 = vector.shape_cast %get3A_2 : vector<1x1024x1xf32> to vector<1024x1xf32>
    %get3A_4 = arith.constant 1 : index
    %get3A_5 = arith.constant 0 : index
    %get3A_6 = arith.constant 0 : index
    %get3A_7 = vector.load %arg1[%get3A_4, %get3A_5, %get3A_6] : memref<2x1024x128xf32, #tpu.memory_space<vmem>>, vector<1x1024x1xf32>
    %get3A_8 = vector.shape_cast %get3A_7 : vector<1x1024x1xf32> to vector<1024x1xf32>
    %add3A = arith.addf %get3A_3, %get3A_8 : vector<1024x1xf32>
    %add3A_9 = arith.constant 1.000000e+00 : f32
    %add3A_10 = vector.broadcast %add3A_9 : f32 to vector<1024x1xf32>
    %add3A_11 = arith.addf %add3A, %add3A_10 : vector<1024x1xf32>
    %rsqrt3A = math.rsqrt %add3A_11 : vector<1024x1xf32>
    %get3A_12 = arith.constant 0 : index
    %get3A_13 = arith.constant 0 : index
    %get3A_14 = vector.load %arg2[%get3A_12, %get3A_13] : memref<1024x128xf32, #tpu.memory_space<vmem>>, vector<1024x128xf32>
    %get3A_15 = arith.constant 0 : index
    %get3A_16 = arith.constant 0 : index
    %get3A_17 = vector.load %arg3[%get3A_15, %get3A_16] : memref<128x128xf32, #tpu.memory_space<vmem>>, vector<128x128xf32>
    %dot_general3A = arith.constant dense<0.000000e+00> : vector<1024x128xf32>
    %dot_general3A_18 = tpu.matmul %get3A_14, %get3A_17, %dot_general3A {dimension_numbers = #tpu.dot_dimension_numbers<[1], [0], [0], [1], [0, 0, 1, 1], [], []>, precision = #tpu.contract_precision<fp32>, transpose_lhs_hint = false} : vector<1024x128xf32>, vector<128x128xf32>, vector<1024x128xf32> -> vector<1024x128xf32>
    %mul3A = vector.broadcast %rsqrt3A : vector<1024x1xf32> to vector<1024x128xf32>
    %mul3A_19 = arith.mulf %dot_general3A_18, %mul3A : vector<1024x128xf32>
    %swap3A = arith.constant 0 : index
    %swap3A_20 = arith.constant 0 : index
    %swap3A_21 = vector.load %arg4[%swap3A, %swap3A_20] : memref<1024x128xf32, #tpu.memory_space<vmem>>, vector<1024x128xf32>
    tpu.vector_store %arg4[%swap3A, %swap3A_20], %mul3A_19 {strides = array<i32>} : memref<1024x128xf32, #tpu.memory_space<vmem>>, vector<1024x128xf32>,
    return
  }
  func.func @transform_0(%arg0: i32) -> (i32, i32, i32) {
    %c0_i32 = arith.constant 0 : i32
    %c0_i32_0 = arith.constant 0 : i32
    %c0_i32_1 = arith.constant 0 : i32
    return %c0_i32, %arg0, %c0_i32_0 : i32, i32, i32
  }
  func.func @transform_1(%arg0: i32) -> (i32, i32) {
    %c0_i32 = arith.constant 0 : i32
    %c0_i32_0 = arith.constant 0 : i32
    return %arg0, %c0_i32 : i32, i32
  }
  func.func @transform_2(%arg0: i32) -> (i32, i32) {
    %c0_i32 = arith.constant 0 : i32
    %c0_i32_0 = arith.constant 0 : i32
    %c0_i32_1 = arith.constant 0 : i32
    return %c0_i32, %c0_i32_0 : i32, i32
  }
  func.func @transform_3(%arg0: i32) -> (i32, i32) {
    %c0_i32 = arith.constant 0 : i32
    %c0_i32_0 = arith.constant 0 : i32
    return %arg0, %c0_i32 : i32, i32
  }
}

module attributes {stable_mosaic.version = 14 : i64} {
  func.func @_fused_body(%arg0: i32, %arg1: memref<2x1024x128xf32, #tpu.memory_space<vmem>>, %arg2: memref<2x1024x128xf32, #tpu.memory_space<vmem>>, %arg3: memref<1024x128xf32, #tpu.memory_space<vmem>>, %arg4: memref<1x128xf32, #tpu.memory_space<vmem>>, %arg5: memref<128x128xf32, #tpu.memory_space<vmem>>, %arg6: memref<1024x128xf32, #tpu.memory_space<vmem>>) attributes {dimension_semantics = [#tpu.dimension_semantics<arbitrary>], iteration_bounds = array<i64: 10>, scalar_prefetch = 0 : i64, scratch_operands = 0 : i64, tpu.core_type = #tpu.core_type<tc>, window_params = [{transform_indices = @transform_0, window_bounds = array<i64: 2, 1024, 128>}, {transform_indices = @transform_1, window_bounds = array<i64: 2, 1024, 128>}, {transform_indices = @transform_2, window_bounds = array<i64: 1024, 128>}, {pipeline_mode = #tpu.pipeline_mode<synchronous>, transform_indices = @transform_3, window_bounds = array<i64: 1, 128>}, {pipeline_mode = #tpu.pipeline_mode<synchronous>, transform_indices = @transform_4, window_bounds = array<i64: 128, 128>}, {transform_indices = @transform_5, window_bounds = array<i64: 1024, 128>}]} {
    %get3A = arith.constant 0 : index
    %get3A_0 = arith.constant 0 : index
    %get3A_1 = arith.constant 0 : index
    %get3A_2 = vector.load %arg1[%get3A, %get3A_0, %get3A_1] : memref<2x1024x128xf32, #tpu.memory_space<vmem>>, vector<1x1024x1xf32>
    %get3A_3 = vector.shape_cast %get3A_2 : vector<1x1024x1xf32> to vector<1024x1xf32>
    %get3A_4 = arith.constant 1 : index
    %get3A_5 = arith.constant 0 : index
    %get3A_6 = arith.constant 0 : index
    %get3A_7 = vector.load %arg1[%get3A_4, %get3A_5, %get3A_6] : memref<2x1024x128xf32, #tpu.memory_space<vmem>>, vector<1x1024x1xf32>
    %get3A_8 = vector.shape_cast %get3A_7 : vector<1x1024x1xf32> to vector<1024x1xf32>
    %add3A = arith.addf %get3A_3, %get3A_8 : vector<1024x1xf32>
    %add3A_9 = arith.constant 1.000000e+00 : f32
    %add3A_10 = vector.broadcast %add3A_9 : f32 to vector<1024x1xf32>
    %add3A_11 = arith.addf %add3A, %add3A_10 : vector<1024x1xf32>
    %rsqrt3A = math.rsqrt %add3A_11 : vector<1024x1xf32>
    %get3A_12 = arith.constant 0 : index
    %get3A_13 = arith.constant 0 : index
    %get3A_14 = arith.constant 0 : index
    %get3A_15 = vector.load %arg2[%get3A_12, %get3A_13, %get3A_14] : memref<2x1024x128xf32, #tpu.memory_space<vmem>>, vector<1x1024x128xf32>
    %get3A_16 = vector.shape_cast %get3A_15 : vector<1x1024x128xf32> to vector<1024x128xf32>
    %get3A_17 = arith.constant 1 : index
    %get3A_18 = arith.constant 0 : index
    %get3A_19 = arith.constant 0 : index
    %get3A_20 = vector.load %arg2[%get3A_17, %get3A_18, %get3A_19] : memref<2x1024x128xf32, #tpu.memory_space<vmem>>, vector<1x1024x128xf32>
    %get3A_21 = vector.shape_cast %get3A_20 : vector<1x1024x128xf32> to vector<1024x128xf32>
    %add3A_22 = arith.addf %get3A_16, %get3A_21 : vector<1024x128xf32>
    %get3A_23 = arith.constant 0 : index
    %get3A_24 = arith.constant 0 : index
    %get3A_25 = vector.load %arg3[%get3A_23, %get3A_24] : memref<1024x128xf32, #tpu.memory_space<vmem>>, vector<1024x128xf32>
    %add3A_26 = arith.addf %add3A_22, %get3A_25 : vector<1024x128xf32>
    %mul3A = vector.broadcast %rsqrt3A : vector<1024x1xf32> to vector<1024x128xf32>
    %mul3A_27 = arith.mulf %mul3A, %add3A_26 : vector<1024x128xf32>
    %get3A_28 = arith.constant 0 : index
    %get3A_29 = arith.constant 0 : index
    %get3A_30 = vector.load %arg4[%get3A_28, %get3A_29] : memref<1x128xf32, #tpu.memory_space<vmem>>, vector<1x128xf32>
    %add3A_31 = vector.broadcast %get3A_30 : vector<1x128xf32> to vector<1024x128xf32>
    %add3A_32 = arith.addf %mul3A_27, %add3A_31 : vector<1024x128xf32>
    %max3A = arith.constant 0.000000e+00 : f32
    %max3A_33 = vector.broadcast %max3A : f32 to vector<1024x128xf32>
    %max3A_34 = arith.maximumf %add3A_32, %max3A_33 : vector<1024x128xf32>
    %get3A_35 = arith.constant 0 : index
    %get3A_36 = arith.constant 0 : index
    %get3A_37 = vector.load %arg5[%get3A_35, %get3A_36] : memref<128x128xf32, #tpu.memory_space<vmem>>, vector<128x128xf32>
    %dot_general3A = arith.constant dense<0.000000e+00> : vector<1024x128xf32>
    %dot_general3A_38 = tpu.matmul %max3A_34, %get3A_37, %dot_general3A {dimension_numbers = #tpu.dot_dimension_numbers<[1], [0], [0], [1], [0, 0, 1, 1], [], []>, precision = #tpu.contract_precision<fp32>, transpose_lhs_hint = false} : vector<1024x128xf32>, vector<128x128xf32>, vector<1024x128xf32> -> vector<1024x128xf32>
    %mul3A_39 = vector.broadcast %rsqrt3A : vector<1024x1xf32> to vector<1024x128xf32>
    %mul3A_40 = arith.mulf %dot_general3A_38, %mul3A_39 : vector<1024x128xf32>
    %swap3A = arith.constant 0 : index
    %swap3A_41 = arith.constant 0 : index
    %swap3A_42 = vector.load %arg6[%swap3A, %swap3A_41] : memref<1024x128xf32, #tpu.memory_space<vmem>>, vector<1024x128xf32>
    tpu.vector_store %arg6[%swap3A, %swap3A_41], %mul3A_40 {strides = array<i32>} : memref<1024x128xf32, #tpu.memory_space<vmem>>, vector<1024x128xf32>,
    return
  }
  func.func @transform_0(%arg0: i32) -> (i32, i32, i32) {
    %c0_i32 = arith.constant 0 : i32
    %c0_i32_0 = arith.constant 0 : i32
    %c0_i32_1 = arith.constant 0 : i32
    return %c0_i32, %arg0, %c0_i32_0 : i32, i32, i32
  }
  func.func @transform_1(%arg0: i32) -> (i32, i32, i32) {
    %c0_i32 = arith.constant 0 : i32
    %c0_i32_0 = arith.constant 0 : i32
    %c0_i32_1 = arith.constant 0 : i32
    return %c0_i32, %arg0, %c0_i32_0 : i32, i32, i32
  }
  func.func @transform_2(%arg0: i32) -> (i32, i32) {
    %c0_i32 = arith.constant 0 : i32
    %c0_i32_0 = arith.constant 0 : i32
    return %arg0, %c0_i32 : i32, i32
  }
  func.func @transform_3(%arg0: i32) -> (i32, i32) {
    %c0_i32 = arith.constant 0 : i32
    %c0_i32_0 = arith.constant 0 : i32
    %c0_i32_1 = arith.constant 0 : i32
    return %c0_i32, %c0_i32_0 : i32, i32
  }
  func.func @transform_4(%arg0: i32) -> (i32, i32) {
    %c0_i32 = arith.constant 0 : i32
    %c0_i32_0 = arith.constant 0 : i32
    %c0_i32_1 = arith.constant 0 : i32
    return %c0_i32, %c0_i32_0 : i32, i32
  }
  func.func @transform_5(%arg0: i32) -> (i32, i32) {
    %c0_i32 = arith.constant 0 : i32
    %c0_i32_0 = arith.constant 0 : i32
    return %arg0, %c0_i32 : i32, i32
  }
}

module attributes {stable_mosaic.version = 14 : i64} {
  func.func @_final_body(%arg0: i32, %arg1: memref<2x1024x128xf32, #tpu.memory_space<vmem>>, %arg2: memref<2x1024x128xf32, #tpu.memory_space<vmem>>, %arg3: memref<1024x128xf32, #tpu.memory_space<vmem>>, %arg4: memref<1x128xf32, #tpu.memory_space<vmem>>, %arg5: memref<1024x1xi32, #tpu.memory_space<vmem>>, %arg6: memref<128x128xf32, #tpu.memory_space<vmem>>, %arg7: memref<1x128xf32, #tpu.memory_space<vmem>>, %arg8: memref<64x128xf32, #tpu.memory_space<vmem>>, %arg9: memref<64x128xf32, #tpu.memory_space<vmem>>, %arg10: memref<64x1xf32, #tpu.memory_space<vmem>>) attributes {dimension_semantics = [#tpu.dimension_semantics<arbitrary>], iteration_bounds = array<i64: 10>, scalar_prefetch = 0 : i64, scratch_operands = 2 : i64, tpu.core_type = #tpu.core_type<tc>, window_params = [{transform_indices = @transform_0, window_bounds = array<i64: 2, 1024, 128>}, {transform_indices = @transform_1, window_bounds = array<i64: 2, 1024, 128>}, {transform_indices = @transform_2, window_bounds = array<i64: 1024, 128>}, {pipeline_mode = #tpu.pipeline_mode<synchronous>, transform_indices = @transform_3, window_bounds = array<i64: 1, 128>}, {transform_indices = @transform_4, window_bounds = array<i64: 1024, 1>}, {pipeline_mode = #tpu.pipeline_mode<synchronous>, transform_indices = @transform_5, window_bounds = array<i64: 128, 128>}, {pipeline_mode = #tpu.pipeline_mode<synchronous>, transform_indices = @transform_6, window_bounds = array<i64: 1, 128>}, {pipeline_mode = #tpu.pipeline_mode<synchronous>, transform_indices = @transform_7, window_bounds = array<i64: 64, 128>}]} {
    %get3A = arith.constant 0 : index
    %get3A_0 = arith.constant 0 : index
    %get3A_1 = arith.constant 0 : index
    %get3A_2 = vector.load %arg1[%get3A, %get3A_0, %get3A_1] : memref<2x1024x128xf32, #tpu.memory_space<vmem>>, vector<1x1024x1xf32>
    %get3A_3 = vector.shape_cast %get3A_2 : vector<1x1024x1xf32> to vector<1024x1xf32>
    %get3A_4 = arith.constant 1 : index
    %get3A_5 = arith.constant 0 : index
    %get3A_6 = arith.constant 0 : index
    %get3A_7 = vector.load %arg1[%get3A_4, %get3A_5, %get3A_6] : memref<2x1024x128xf32, #tpu.memory_space<vmem>>, vector<1x1024x1xf32>
    %get3A_8 = vector.shape_cast %get3A_7 : vector<1x1024x1xf32> to vector<1024x1xf32>
    %add3A = arith.addf %get3A_3, %get3A_8 : vector<1024x1xf32>
    %add3A_9 = arith.constant 1.000000e+00 : f32
    %add3A_10 = vector.broadcast %add3A_9 : f32 to vector<1024x1xf32>
    %add3A_11 = arith.addf %add3A, %add3A_10 : vector<1024x1xf32>
    %rsqrt3A = math.rsqrt %add3A_11 : vector<1024x1xf32>
    %get3A_12 = arith.constant 0 : index
    %get3A_13 = arith.constant 0 : index
    %get3A_14 = arith.constant 0 : index
    %get3A_15 = vector.load %arg2[%get3A_12, %get3A_13, %get3A_14] : memref<2x1024x128xf32, #tpu.memory_space<vmem>>, vector<1x1024x128xf32>
    %get3A_16 = vector.shape_cast %get3A_15 : vector<1x1024x128xf32> to vector<1024x128xf32>
    %get3A_17 = arith.constant 1 : index
    %get3A_18 = arith.constant 0 : index
    %get3A_19 = arith.constant 0 : index
    %get3A_20 = vector.load %arg2[%get3A_17, %get3A_18, %get3A_19] : memref<2x1024x128xf32, #tpu.memory_space<vmem>>, vector<1x1024x128xf32>
    %get3A_21 = vector.shape_cast %get3A_20 : vector<1x1024x128xf32> to vector<1024x128xf32>
    %add3A_22 = arith.addf %get3A_16, %get3A_21 : vector<1024x128xf32>
    %get3A_23 = arith.constant 0 : index
    %get3A_24 = arith.constant 0 : index
    %get3A_25 = vector.load %arg3[%get3A_23, %get3A_24] : memref<1024x128xf32, #tpu.memory_space<vmem>>, vector<1024x128xf32>
    %add3A_26 = arith.addf %add3A_22, %get3A_25 : vector<1024x128xf32>
    %mul3A = vector.broadcast %rsqrt3A : vector<1024x1xf32> to vector<1024x128xf32>
    %mul3A_27 = arith.mulf %mul3A, %add3A_26 : vector<1024x128xf32>
    %get3A_28 = arith.constant 0 : index
    %get3A_29 = arith.constant 0 : index
    %get3A_30 = vector.load %arg4[%get3A_28, %get3A_29] : memref<1x128xf32, #tpu.memory_space<vmem>>, vector<1x128xf32>
    %add3A_31 = vector.broadcast %get3A_30 : vector<1x128xf32> to vector<1024x128xf32>
    %add3A_32 = arith.addf %mul3A_27, %add3A_31 : vector<1024x128xf32>
    %max3A = arith.constant 0.000000e+00 : f32
    %max3A_33 = vector.broadcast %max3A : f32 to vector<1024x128xf32>
    %max3A_34 = arith.maximumf %add3A_32, %max3A_33 : vector<1024x128xf32>
    %get3A_35 = arith.constant 0 : index
    %get3A_36 = arith.constant 0 : index
    %get3A_37 = vector.load %arg5[%get3A_35, %get3A_36] : memref<1024x1xi32, #tpu.memory_space<vmem>>, vector<1024x1xi32>
    %iota3A = tpu.iota {dimensions = array<i32: 1>} : vector<1024x64xi32>
    %eq3A = vector.broadcast %get3A_37 : vector<1024x1xi32> to vector<1024x64xi32>
    %eq3A_38 = arith.cmpi eq, %eq3A, %iota3A : vector<1024x64xi32>
    %convert_element_type3A = arith.extui %eq3A_38 : vector<1024x64xi1> to vector<1024x64xi32>
    %convert_element_type3A_39 = arith.sitofp %convert_element_type3A : vector<1024x64xi32> to vector<1024x64xf32>
    %dot_general3A = arith.constant dense<0.000000e+00> : vector<64x128xf32>
    %dot_general3A_40 = tpu.matmul %convert_element_type3A_39, %max3A_34, %dot_general3A {dimension_numbers = #tpu.dot_dimension_numbers<[0], [0], [1], [1], [0, 1, 1, 1], [], []>, precision = #tpu.contract_precision<fp32>, transpose_lhs_hint = false} : vector<1024x64xf32>, vector<1024x128xf32>, vector<64x128xf32> -> vector<64x128xf32>
    %reduce_sum3A = arith.constant dense<0.000000e+00> : vector<64xf32>
    %reduce_sum3A_41 = vector.multi_reduction <add>, %convert_element_type3A_39, %reduce_sum3A [0] : vector<1024x64xf32> to vector<64xf32>
    %broadcast_in_dim3A = vector.shape_cast %reduce_sum3A_41 : vector<64xf32> to vector<64x1xf32>
    %eq3A_42 = arith.constant 0 : i32
    %eq3A_43 = arith.cmpi eq, %arg0, %eq3A_42 : i32
    %convert_element_type3A_44 = arith.extui %eq3A_43 : i1 to i32
    %cond3A = arith.constant 0 : i32
    %cond3A_45 = arith.cmpi ne, %convert_element_type3A_44, %cond3A : i32
    scf.if %cond3A_45 {
      %broadcast_in_dim3A_64 = arith.constant 0.000000e+00 : f32
      %broadcast_in_dim3A_65 = vector.broadcast %broadcast_in_dim3A_64 : f32 to vector<64x128xf32>
      %swap3A_66 = arith.constant 0 : index
      %swap3A_67 = arith.constant 0 : index
      %swap3A_68 = vector.load %arg9[%swap3A_66, %swap3A_67] : memref<64x128xf32, #tpu.memory_space<vmem>>, vector<64x128xf32>
      tpu.vector_store %arg9[%swap3A_66, %swap3A_67], %broadcast_in_dim3A_65 {strides = array<i32>} : memref<64x128xf32, #tpu.memory_space<vmem>>, vector<64x128xf32>,
      %broadcast_in_dim3A_69 = arith.constant 0.000000e+00 : f32
      %broadcast_in_dim3A_70 = vector.broadcast %broadcast_in_dim3A_69 : f32 to vector<64x1xf32>
      %swap3A_71 = arith.constant 0 : index
      %swap3A_72 = arith.constant 0 : index
      %swap3A_73 = vector.load %arg10[%swap3A_71, %swap3A_72] : memref<64x1xf32, #tpu.memory_space<vmem>>, vector<64x1xf32>
      tpu.vector_store %arg10[%swap3A_71, %swap3A_72], %broadcast_in_dim3A_70 {strides = array<i32>} : memref<64x1xf32, #tpu.memory_space<vmem>>, vector<64x1xf32>,
    } else {
    }
    %get3A_46 = arith.constant 0 : index
    %get3A_47 = arith.constant 0 : index
    %get3A_48 = vector.load %arg9[%get3A_46, %get3A_47] : memref<64x128xf32, #tpu.memory_space<vmem>>, vector<64x128xf32>
    %add3A_49 = arith.addf %get3A_48, %dot_general3A_40 : vector<64x128xf32>
    %swap3A = arith.constant 0 : index
    %swap3A_50 = arith.constant 0 : index
    %swap3A_51 = vector.load %arg9[%swap3A, %swap3A_50] : memref<64x128xf32, #tpu.memory_space<vmem>>, vector<64x128xf32>
    tpu.vector_store %arg9[%swap3A, %swap3A_50], %add3A_49 {strides = array<i32>} : memref<64x128xf32, #tpu.memory_space<vmem>>, vector<64x128xf32>,
    %get3A_52 = arith.constant 0 : index
    %get3A_53 = arith.constant 0 : index
    %get3A_54 = vector.load %arg10[%get3A_52, %get3A_53] : memref<64x1xf32, #tpu.memory_space<vmem>>, vector<64x1xf32>
    %add3A_55 = arith.addf %get3A_54, %broadcast_in_dim3A : vector<64x1xf32>
    %swap3A_56 = arith.constant 0 : index
    %swap3A_57 = arith.constant 0 : index
    %swap3A_58 = vector.load %arg10[%swap3A_56, %swap3A_57] : memref<64x1xf32, #tpu.memory_space<vmem>>, vector<64x1xf32>
    tpu.vector_store %arg10[%swap3A_56, %swap3A_57], %add3A_55 {strides = array<i32>} : memref<64x1xf32, #tpu.memory_space<vmem>>, vector<64x1xf32>,
    %eq3A_59 = arith.constant 9 : i32
    %eq3A_60 = arith.cmpi eq, %arg0, %eq3A_59 : i32
    %convert_element_type3A_61 = arith.extui %eq3A_60 : i1 to i32
    %cond3A_62 = arith.constant 0 : i32
    %cond3A_63 = arith.cmpi ne, %convert_element_type3A_61, %cond3A_62 : i32
    scf.if %cond3A_63 {
      %get3A_64 = arith.constant 0 : index
      %get3A_65 = arith.constant 0 : index
      %get3A_66 = vector.load %arg9[%get3A_64, %get3A_65] : memref<64x128xf32, #tpu.memory_space<vmem>>, vector<64x128xf32>
      %get3A_67 = arith.constant 0 : index
      %get3A_68 = arith.constant 0 : index
      %get3A_69 = vector.load %arg10[%get3A_67, %get3A_68] : memref<64x1xf32, #tpu.memory_space<vmem>>, vector<64x1xf32>
      %max3A_70 = arith.constant 1.000000e+00 : f32
      %max3A_71 = vector.broadcast %max3A_70 : f32 to vector<64x1xf32>
      %max3A_72 = arith.maximumf %get3A_69, %max3A_71 : vector<64x1xf32>
      %div3A = vector.broadcast %max3A_72 : vector<64x1xf32> to vector<64x128xf32>
      %div3A_73 = arith.divf %get3A_66, %div3A : vector<64x128xf32>
      %get3A_74 = arith.constant 0 : index
      %get3A_75 = arith.constant 0 : index
      %get3A_76 = vector.load %arg6[%get3A_74, %get3A_75] : memref<128x128xf32, #tpu.memory_space<vmem>>, vector<128x128xf32>
      %dot_general3A_77 = arith.constant dense<0.000000e+00> : vector<64x128xf32>
      %dot_general3A_78 = tpu.matmul %div3A_73, %get3A_76, %dot_general3A_77 {dimension_numbers = #tpu.dot_dimension_numbers<[1], [0], [0], [1], [0, 0, 1, 1], [], []>, precision = #tpu.contract_precision<fp32>, transpose_lhs_hint = false} : vector<64x128xf32>, vector<128x128xf32>, vector<64x128xf32> -> vector<64x128xf32>
      %get3A_79 = arith.constant 0 : index
      %get3A_80 = arith.constant 0 : index
      %get3A_81 = vector.load %arg7[%get3A_79, %get3A_80] : memref<1x128xf32, #tpu.memory_space<vmem>>, vector<1x128xf32>
      %add3A_82 = vector.broadcast %get3A_81 : vector<1x128xf32> to vector<64x128xf32>
      %add3A_83 = arith.addf %dot_general3A_78, %add3A_82 : vector<64x128xf32>
      %swap3A_84 = arith.constant 0 : index
      %swap3A_85 = arith.constant 0 : index
      %swap3A_86 = vector.load %arg8[%swap3A_84, %swap3A_85] : memref<64x128xf32, #tpu.memory_space<vmem>>, vector<64x128xf32>
      tpu.vector_store %arg8[%swap3A_84, %swap3A_85], %add3A_83 {strides = array<i32>} : memref<64x128xf32, #tpu.memory_space<vmem>>, vector<64x128xf32>,
    } else {
    }
    return
  }
  func.func @transform_0(%arg0: i32) -> (i32, i32, i32) {
    %c0_i32 = arith.constant 0 : i32
    %c0_i32_0 = arith.constant 0 : i32
    %c0_i32_1 = arith.constant 0 : i32
    return %c0_i32, %arg0, %c0_i32_0 : i32, i32, i32
  }
  func.func @transform_1(%arg0: i32) -> (i32, i32, i32) {
    %c0_i32 = arith.constant 0 : i32
    %c0_i32_0 = arith.constant 0 : i32
    %c0_i32_1 = arith.constant 0 : i32
    return %c0_i32, %arg0, %c0_i32_0 : i32, i32, i32
  }
  func.func @transform_2(%arg0: i32) -> (i32, i32) {
    %c0_i32 = arith.constant 0 : i32
    %c0_i32_0 = arith.constant 0 : i32
    return %arg0, %c0_i32 : i32, i32
  }
  func.func @transform_3(%arg0: i32) -> (i32, i32) {
    %c0_i32 = arith.constant 0 : i32
    %c0_i32_0 = arith.constant 0 : i32
    %c0_i32_1 = arith.constant 0 : i32
    return %c0_i32, %c0_i32_0 : i32, i32
  }
  func.func @transform_4(%arg0: i32) -> (i32, i32) {
    %c0_i32 = arith.constant 0 : i32
    %c0_i32_0 = arith.constant 0 : i32
    return %arg0, %c0_i32 : i32, i32
  }
  func.func @transform_5(%arg0: i32) -> (i32, i32) {
    %c0_i32 = arith.constant 0 : i32
    %c0_i32_0 = arith.constant 0 : i32
    %c0_i32_1 = arith.constant 0 : i32
    return %c0_i32, %c0_i32_0 : i32, i32
  }
  func.func @transform_6(%arg0: i32) -> (i32, i32) {
    %c0_i32 = arith.constant 0 : i32
    %c0_i32_0 = arith.constant 0 : i32
    %c0_i32_1 = arith.constant 0 : i32
    return %c0_i32, %c0_i32_0 : i32, i32
  }
  func.func @transform_7(%arg0: i32) -> (i32, i32) {
    %c0_i32 = arith.constant 0 : i32
    %c0_i32_0 = arith.constant 0 : i32
    %c0_i32_1 = arith.constant 0 : i32
    return %c0_i32, %c0_i32_0 : i32, i32
  }
}

</mosaic_0001>

<sc_bundles>
// kernel: kernel.10.cloned.1.call-start
scs
__scs_entry_jumppad:
0x0: {  	(pc) =	sbr.rel $0x88, $3  }
0x1: {  	(tag) =	ssettag $0x0;
	lr =	simm.s32 $0x1  }
0x2: {  	[smem:$0x3F96] =	sst lr;
	_ =	strace $0xD0000000  }
0x3: {  	_ = 	snop  }
0x4: {  	_ = 	snop  }
0x5: {  	_ = 	snop  }
0x6: {  	_ = 	snop  }
0x7: {  	_ = 	snop  }
__scs_overlays_trampoline_lowered:
0x8: {  	[smem:$0x3FA5] =	sst s0  }
0x9: {  	[smem:$0x3FA6] =	sst s1  }
0xa: {  	[smem:$0x3FA7] =	sst s2  }
0xb: {  	[smem:$0x3FA8] =	sst s3  }
0xc: {  	[smem:$0x3FA9] =	sst s4  }
0xd: {  	[smem:$0x3FAA] =	sst s5  }
0xe: {  	[smem:$0x3FAB] =	sst s6  }
0xf: {  	[smem:$0x3FAC] =	sst s7  }
0x10: {  	[smem:$0x3FAD] =	sst s8  }
0x11: {  	[smem:$0x3FAE] =	sst s9;
	s0 =	simm.s32 @!p0 $0x0  }
0x12: {  	s1 =	sld [smem:$0x3F94];
	s0 =	simm.s32 @p0 $0x1  }
0x13: {  	[smem:$0x3FAF] =	sst s0;
	s0 =	simm.s32 @!p1 $0x0  }
0x14: {  	s2 =	sld [smem:$0x3F93];
	s0 =	simm.s32 @p1 $0x1  }
0x15: {  	[smem:$0x3FB0] =	sst s0;
	s0 =	simm.s32 @!p2 $0x0  }
0x16: {  	s3 =	sld [smem:$0x3FDB];
	s0 =	simm.s32 @p2 $0x1  }
0x17: {  	s4 =	simm.s32 $0x1BF5;
	[smem:$0x3FB2] =	sst s0  }
0x18: {  	s0 =	sld [smem:$0x3F95];
	_ =	swait.ge [sflag:s4], $0x0  }
0x19: {  	s7 =	sld [smem:$0x3F96]  }
0x1a: {  	s8 =	sadd.s32 $0xFFFFE003, lr  }
0x1b: {  	s9 =	sadd.s32 $0xFFFFFEF7, lr;
	s5 =	simm.s32 $0xFFFFFFFF;
	p2 =	slt.u32 s8, $0xFFFFF086  }
0x1c: {  	p1 =	slt.u32 s9, $0xF7A;
	s5 =	simm.s32 @!p2 $0x0  }
0x1d: {  	s5 =	simm.s32 @p1 $0x1;
	p0 =	seq.s32 s7, s2  }
0x1e: {  	s7 =	smul.u32 @!p0 $0xF7A, s2;
	p2 =	seq.s32 @!p0 s5, $0x0  }
0x1f: {  	s9 =	smul.u32 $0xF7A, s1;
	s8 =	simm.s32 @!p0 $0x1BF5;
	p2 =	por !p2, p0  }
0x20: {  	[sflag:s8] =	ssyncset.s32 @!p0 $0xFFFFF086;
	s6 =	sadd.s32 @!p0 s3, s7;
	s7 =	simm.s32 @!p0 $0x108  }
0x21: {  	s3 =	sadd.s32 s3, s9;
	s6 =	sadd.s32 @!p0 $0x88, s6;
	s7 =	simm.s32 @p2 $0x1082  }
0x22: {  	[simem:s7], [sflag:s8] =	dma.local @!p0 [hbm:s6], $0xF7A  }
0x23: {  	s9 =	sor.u32 $0xD0000000, s2;
	s6 =	simm.s32 $0x108;
	_ =	swait.ge @!p0 [sflag:s8], $0x0  }
0x24: {  	s3 =	sadd.s32 $0x88, s3;
	s6 =	simm.s32 @!p1 $0x1082;
	[sflag:s4] =	ssyncset.s32 $0xFFFFF086  }
0x25: {  	[simem:s6], [sflag:s4] =	dma.local [hbm:s3], $0xF7A  }
0x26: {  	[smem:$0x3F96] =	sst s1;
	(tag) =	ssettag s2;
	_ =	strace s9  }
0x27: {  	s1 =	sld [smem:$0x3FA6]  }
0x28: {  	s2 =	sld [smem:$0x3FA7]  }
0x29: {  	s4 =	sld [smem:$0x3FA9]  }
0x2a: {  	p0 =	seq.s32 s5, $0x0;
	s5 =	sld [smem:$0x3FAA]  }
0x2b: {  	s6 =	sld [smem:$0x3FAB]  }
0x2c: {  	s7 =	sld [smem:$0x3FAC]  }
0x2d: {  	s3 =	simm.s32 $0x108;
	s8 =	sld [smem:$0x3FAD]  }
0x2e: {  	s3 =	simm.s32 @!p0 $0x1082;
	s9 =	sld [smem:$0x3FAE]  }
0x2f: {  	lr =	sadd.s32 s0, s3;
	s0 =	sld [smem:$0x3FA5]  }
0x30: {  	s3 =	sld [smem:$0x3FA8]  }
0x31: {  	[smem:$0x3FB1] =	sst s10  }
0x32: {  	s10 =	sld [smem:$0x3FAF];
	_ =	sdelay $0x3  }
0x33: {  	p0 =	seq.s32 s10, $0x1;
	s10 =	sld [smem:$0x3FB1];
	_ =	sdelay $0x3  }
0x34: {  	[smem:$0x3FB1] =	sst s10  }
0x35: {  	s10 =	sld [smem:$0x3FB0];
	_ =	sdelay $0x3  }
0x36: {  	p1 =	seq.s32 s10, $0x1;
	s10 =	sld [smem:$0x3FB1];
	_ =	sdelay $0x3  }
0x37: {  	[smem:$0x3FB1] =	sst s10  }
0x38: {  	s10 =	sld [smem:$0x3FB2]  }
0x39: {  	_ = 	snop;
	(pc) =	sbr.ind lr, $3  }
0x3a: {  	_ = 	snop  }
0x3b: {  	_ = 	snop  }
0x3c: {  	p2 =	seq.s32 s10, $0x1;
	s10 =	sld [smem:$0x3FB1]  }
0x3d: {  	_ =	shalt  }
0x3e: {  	_ =	shalt  }
0x3f: {  	_ =	shalt  }
0x40: {  	_ =	shalt  }
0x41: {  	_ =	shalt  }
0x42: {  	_ =	shalt  }
0x43: {  	_ =	shalt  }
0x44: {  	_ =	shalt  }
0x45: {  	_ =	shalt  }
0x46: {  	_ =	shalt  }
0x47: {  	_ =	shalt  }
0x48: {  	_ =	shalt  }
0x49: {  	_ =	shalt  }
0x4a: {  	_ =	shalt  }
0x4b: {  	_ =	shalt  }
0x4c: {  	_ =	shalt  }
0x4d: {  	_ =	shalt  }
0x4e: {  	_ =	shalt  }
0x4f: {  	_ =	shalt  }
0x50: {  	_ =	shalt  }
0x51: {  	_ =	shalt  }
0x52: {  	_ =	shalt  }
0x53: {  	_ =	shalt  }
0x54: {  	_ =	shalt  }
0x55: {  	_ =	shalt  }
0x56: {  	_ =	shalt  }
0x57: {  	_ =	shalt  }
0x58: {  	_ =	shalt  }
0x59: {  	_ =	shalt  }
0x5a: {  	_ =	shalt  }
0x5b: {  	_ =	shalt  }
0x5c: {  	_ =	shalt  }
0x5d: {  	_ =	shalt  }
0x5e: {  	_ =	shalt  }
0x5f: {  	_ =	shalt  }
0x60: {  	_ =	shalt  }
0x61: {  	_ =	shalt  }
0x62: {  	_ =	shalt  }
0x63: {  	_ =	shalt  }
0x64: {  	_ =	shalt  }
0x65: {  	_ =	shalt  }
0x66: {  	_ =	shalt  }
0x67: {  	_ =	shalt  }
0x68: {  	_ =	shalt  }
0x69: {  	_ =	shalt  }
0x6a: {  	_ =	shalt  }
0x6b: {  	_ =	shalt  }
0x6c: {  	_ =	shalt  }
0x6d: {  	_ =	shalt  }
0x6e: {  	_ =	shalt  }
0x6f: {  	_ =	shalt  }
0x70: {  	_ =	shalt  }
0x71: {  	_ =	shalt  }
0x72: {  	_ =	shalt  }
0x73: {  	_ =	shalt  }
0x74: {  	_ =	shalt  }
0x75: {  	_ =	shalt  }
0x76: {  	_ =	shalt  }
0x77: {  	_ =	shalt  }
0x78: {  	_ =	shalt  }
0x79: {  	_ =	shalt  }
0x7a: {  	_ =	shalt  }
0x7b: {  	_ =	shalt  }
0x7c: {  	_ =	shalt  }
0x7d: {  	_ =	shalt  }
0x7e: {  	_ =	shalt  }
0x7f: {  	_ =	shalt  }
0x80: {  	_ =	shalt  }
0x81: {  	_ =	shalt  }
0x82: {  	_ =	shalt  }
0x83: {  	_ =	shalt  }
0x84: {  	_ =	shalt  }
0x85: {  	_ =	shalt  }
0x86: {  	_ =	shalt  }
0x87: {  	_ =	shalt  }
.Lfunc_end0:
.L_simem_size_0:
called_computation_lowered:
.L_overlay_start_0:
0x88: {  	s2 =	sld [smem:$0x3FD9]  }
0x89: {  	s3 =	sld [smem:$0x3FFE];
	_ =	sdelay $0x1  }
0x8a: {  	s1 =	srdreg.scid  }
0x8b: {  	s0 =	sand.u32 $0x1, s1  }
0x8c: {  	s16 =	sshll.u32 s0, $0xA;
	s2 =	sadd.s32 s3, s2  }
0x8d: {  	s2 =	sadd.s32 s2, s16  }
0x8e: {  	[smem:$0x3FBD] =	sst s2  }
0x8f: {  	_ = 	snop  }
0x90: {  	(tm) =	ssettm $0x1  }
0x91: {  	s17 =	sld [smem:$0x3FFB];
	_ =	sdelay $0x3  }
0x92: {  	_ =	strace s17  }
0x93: {  	s2 =	sld [smem:$0x3FFC];
	_ =	sdelay $0x3  }
0x94: {  	_ =	strace s2  }
0x95: {  	s2 =	sld [smem:$0x3FFD];
	_ =	sdelay $0x3  }
0x96: {  	_ =	strace s2  }
0x97: {  	_ =	strace $0x8FFFFFFF  }
0x98: {  	s18 =	sld [smem:$0x3FDB];
	_ =	sdelay $0x1  }
0x99: {  	s19 =	simm.s32 $_scs_section_size  }
0x9a: {  	s4 =	simm.s32 $_size__tile_overlayer_lowered;
	s5 =	simm.s32 $_tile_overlayer_lowered  }
0x9b: {  	s22 =	simm.s32 $0x1BFF;
	s21 =	sshll.u32 s5, $0x1;
	s2 =	sadd.s32 s19, s18  }
0x9c: {  	s6 =	simm.s32 $0x0;
	s20 =	sshll.u32 s4, $0x1;
	s4 =	sadd.s32 s21, s2  }
0x9d: {  	[timem:s6], [sflag:s22] =	dma.local [hbm:s4], s20  }
0x9e: {  	_ =	swait.ge [sflag:s22], s20  }
0x9f: {  	s3 =	ssub.s32 $0x0, s20;
	[sflag:s22] =	ssyncset.done $0x0  }
0xa0: {  	[sflag:s22] =	ssyncadd.s32 s3;
	_ =	sdelay $0x1  }
0xa1: {  	s23 =	simm.s32 $0x1B8B  }
0xa2: {  	_ =	swait.ge [sflag:s23], $0x1  }
0xa3: {  	[sflag:s23] =	ssyncset.done $0x0  }
0xa4: {  	s25 =	simm.s32 $0x1B8E;
	s24 =	sld [smem:$0x3FFE];
	[sflag:s23] =	ssyncadd.s32 $0xFFFFFFFF  }
0xa5: {  	s26 =	simm.s32 $execute0_lowered;
	[smem:$0x3FD2] =	sst s25  }
0xa6: {  	s4 =	sshll.u32 s26, $0x1;
	_ =	strace $0x80000046;
	[dreg:$0x1] =	wrdreg $0xFFFFFFFF  }
0xa7: {  	s28 =	simm.s32 $_size_execute0_lowered;
	s2 =	sadd.s32 s2, s4;
	[dreg:$0x0] =	wrdreg $0x0  }
0xa8: {  	s4 =	sshll.u32 s28, $0x1;
	[dreg:$0x2] =	wrdreg s2  }
0xa9: {  	[dreg:$0x3] =	wrdreg s4  }
0xaa: {  	[dreg:$0x4] =	wrdreg $0xC0  }
0xab: {  	_ =	task [dreg:s6], $0x5FFFF  }
0xac: {  	[dreg:$0x1] =	wrdreg $0xFFFFFFFF  }
0xad: {  	[dreg:$0x0] =	wrdreg $0x60  }
0xae: {  	[dreg:$0x2] =	wrdreg s24  }
0xaf: {  	[dreg:$0x3] =	wrdreg $0xA8000  }
0xb0: {  	[dreg:$0x4] =	wrdreg $0x9  }
0xb1: {  	_ =	task.clear_ibuf [dreg:s6], $0x5FFFF;
	_ =	strace $0x90000046  }
0xb2: {  	s29 =	simm.s32 $0x9;
	_ =	strace $0x80000048  }
0xb3: {  	_ =	swait.ge [sflag:s29], $0x1  }
0xb4: {  	[sflag:s29] =	ssyncadd.s32 $0xFFFFFFFF  }
0xb5: {  	_ =	strace $0x90000048  }
0xb6: {  	_ =	sfence  }
0xb7: {  	s30 =	sld [smem:$0x0];
	_ =	sdelay $0x2  }
0xb8: {  	s31 =	sshll.u32 s1, $0xD;
	s1 =	sshrl.u32 s1, $0x2  }
0xb9: {  	s3 =	sand.u32 $0x4000, s31;
	s1 =	sadd.s32 s1, s30  }
0xba: {  	s0 =	sor.u32 s3, s0;
	s1 =	sshll.u32 s1, $0x11  }
0xbb: {  	s0 =	sor.u32 s1, s0  }
0xbc: {  	s0 =	sadd.s32 $0x8F2B, s0  }
0xbd: {  	[sflag:s0] =	ssyncadd.remote.s32 $0x1  }
0xbe: {  	_ =	sfence.sel $0xFFFF  }
0xbf: {  	[dreg:$0x0] =	wrdreg $0xFFFFFFFF;
	(pc) =	sbr.abs _section_cstart, $3  }
0xc0: {  	[dreg:$0x1] =	wrdreg $0xFFFFFFFF  }
0xc1: {  	_ =	task.clear_ibuf [dreg:s6], $0x2FFFF;
	_ =	strace $0x9FFFFFFF  }
0xc2: {  	(tm) =	ssettm $0x7FFFFFFF  }
0xc3: {  	_ =	shalt  }
tec
execute0_lowered:
.L_overlay_start_1:
0x0: {  	(tag) =	ssettag $0x1  }
0x1: {  	s0 =	rddreg [dreg:$0x0]  }
0x2: {  	s1 =	rddreg [dreg:$0x1];
	s2 =	srdreg.scid;
	s3 =	simm.s32 $0x0  }
0x3: {  	s20 =	stileid.u32;
	s19 =	simm.s32 $0x1400;
	s28 =	simm.s32 $0x1380  }
0x4: {  	s29 =	simm.s32 $0x2700;
	s30 =	simm.s32 $0x2780;
	s31 =	simm.s32 $0x0  }
0x5: {  	s6 =	sand.u32 $0x1, s2;
	[smem:$0x7FF] =	sst s3;
	s8 =	smul.u32 $0x14000, s20  }
0x6: {  	s4 =	sadd.s32 $0x17A00, s0;
	s10 =	sadd.s32 $0xD200, s0;
	s9 =	smul.u32 $0x50000, s20  }
0x7: {  	s11 =	sadd.s32 $0x3200, s0;
	s5 =	sadd.s32 $0x17200, s0;
	s7 =	smul.u32 $0x140000, s6  }
0x8: {  	_ =	strace $0x80000047;
	s21 =	ssub.s32 $0x2, s6;
	s6 =	sshll.u32 s6, $0x4  }
0x9: {  	s22 =	sshrl.u32 s21, $0x1;
	s23 =	sor.u32 s20, s6;
	s24 =	sshrl.u32 s9, $0x2  }
0xa: {  	s6 =	sshll.u32 s20, $0x6;
	s20 =	simm.s32 $0x1;
	s7 =	sadd.s32 s8, s7  }
0xb: {  	s13 =	ssub.s32 s21, s22;
	s14 =	sadd.s32 s24, s1;
	s25 =	smul.u32 $0x2800, s23  }
0xc: {  	s21 =	simm.s32 $0x80;
	s22 =	simm.s32 $0x2800;
	s23 =	simm.s32 $0x2  }
0xd: {  	s24 =	simm.s32 $0x6800;
	s7 =	sshrl.u32 s7, $0x3;
	s15 =	sadd.s32 $0x4000, s14  }
0xe: {  	s16 =	sadd.s32 $0x8000, s14;
	s17 =	sadd.s32 $0xC000, s14;
	s18 =	sadd.s32 $0x10000, s14  }
0xf: {  	s13 =	smax.u32 s13, $0x1;
	s14 =	sshrl.u32 s14, $0x3;
	s0 =	sadd.s32 s7, s0  }
0x10: {  	s7 =	sor.u32 $0x1C01, s6;
	s12 =	sshrl.u32 s25, $0x3;
	s15 =	sshrl.u32 s15, $0x3  }
0x11: {  	s16 =	sshrl.u32 s16, $0x3;
	s17 =	sshrl.u32 s17, $0x3;
	s18 =	sshrl.u32 s18, $0x3  }
0x12: {  	s26 =	sadd.s32 s10, s12;
	s9 =	sadd.s32 s11, s12;
	s12 =	sadd.s32 $0x280, s12  }
0x13: {  	s25 =	simm.s32 $0x4;
	[dreg:$0x3] =	wrdreg s26;
	s10 =	sadd.s32 s10, s12  }
0x14: {  	s11 =	sadd.s32 s11, s12;
	s12 =	sadd.s32 $0x3FA00, s0;
	s26 =	simm.s32 $0x3  }
.LBB2_1:
0x15: {  	[spmem:s14], [sflag:s7] =	dma.local [hbm:s5], $0x800  }
0x16: {  	[spmem:s15], [sflag:s7] =	dma.local [hbm:s5], $0x800  }
0x17: {  	[spmem:s16], [sflag:s7] =	dma.local [hbm:s5], $0x800  }
0x18: {  	[spmem:s17], [sflag:s7] =	dma.local [hbm:s5], $0x800  }
0x19: {  	[spmem:s18], [sflag:s7] =	dma.local [hbm:s5], $0x800  }
0x1a: {  	s0 =	rddreg [dreg:$0x3]  }
0x1b: {  	[tilespmem:s3], [sflag:$0x1] =	stream.linear.gather [hbm4b:s0+s3], $0x1400, $0x38;
	[tilespmem:$0x1E800] =	vst v63  }
0x1c: {  	_ = 	snop  }
0x1d: {  	[tilespmem:s19], [sflag:$0x1] =	stream.linear.gather [hbm4b:s9+s3], $0x1400, $0x38;
	[tilespmem:$0x1E800] =	vst v63  }
0x1e: {  	_ =	swait.ge [sflag:s20], $0x800  }
0x1f: {  	[sflag:s20] =	ssyncset.done $0x0  }
0x20: {  	[sflag:s20] =	ssyncadd.s32 $0xFFFFF800  }
0x21: {  	_ =	swait.ge [sflag:s20], $0x800  }
0x22: {  	[sflag:s20] =	ssyncset.done $0x0  }
0x23: {  	[sflag:s20] =	ssyncadd.s32 $0xFFFFF800  }
0x24: {  	_ =	swait.ge [sflag:s20], $0x800  }
0x25: {  	[sflag:s20] =	ssyncset.done $0x0  }
0x26: {  	[sflag:s20] =	ssyncadd.s32 $0xFFFFF800  }
0x27: {  	_ =	swait.ge [sflag:s20], $0x800  }
0x28: {  	[sflag:s20] =	ssyncset.done $0x0  }
0x29: {  	[sflag:s20] =	ssyncadd.s32 $0xFFFFF800  }
0x2a: {  	_ =	swait.ge [sflag:s20], $0x800  }
0x2b: {  	[sflag:s20] =	ssyncset.done $0x0  }
0x2c: {  	[sflag:s20] =	ssyncadd.s32 $0xFFFFF800  }
0x2d: {  	_ =	swait.ge [sflag:s20], $0x1400  }
0x2e: {  	[sflag:s20] =	ssyncset.done $0x0  }
0x2f: {  	[sflag:s20] =	ssyncadd.s32 $0xFFFFEC00  }
0x30: {  	_ =	swait.ge [sflag:s20], $0x1400  }
0x31: {  	[sflag:s20] =	ssyncset.done $0x0  }
0x32: {  	[sflag:s20] =	ssyncadd.s32 $0xFFFFEC00  }
0x33: {  	[bflag:$0x0] =	sbarrier.arrive $0xFFFF  }
0x34: {  	[tilespmem:s22], [sflag:$0x2] =	stream.indirect.gather [hbm4b:s4+s21], $0x80, s3, s21, $0xb8;
	[tilespmem:$0x1E800] =	vst v63  }
0x35: {  	_ =	swait.ge [sflag:s23], $0x4000  }
0x36: {  	[sflag:s23] =	ssyncset.done $0x0  }
0x37: {  	s2 =	simm.s32 $0x80;
	[sflag:s23] =	ssyncadd.s32 $0xFFFFC000  }
0x38: {  	[tilespmem:s24], [sflag:$0x3] =	stream.indirect.gather [hbm4b:s4+s21], $0x80, s2, s21, $0xb8;
	[tilespmem:$0x1E800] =	vst v63  }
0x39: {  	s8 =	simm.s32 $0x1400  }
0x3a: {  	[spmem:s1] =	stream.indirect.scatter.add.f32 [tilespmem:s22], [sflag:$0x4], $0x80, s8, s21, $0xb8;
	[tilespmem:$0x1E800] =	vst v63  }
0x3b: {  	_ =	swait.ge [sflag:s25], $0x4000  }
0x3c: {  	[sflag:s25] =	ssyncset.done $0x0  }
0x3d: {  	[sflag:s25] =	ssyncadd.s32 $0xFFFFC000  }
0x3e: {  	_ =	swait.ge [sflag:s26], $0x4000  }
0x3f: {  	[sflag:s26] =	ssyncset.done $0x0  }
0x40: {  	s2 =	simm.s32 $0x100;
	[sflag:s26] =	ssyncadd.s32 $0xFFFFC000  }
0x41: {  	[tilespmem:s22], [sflag:$0x2] =	stream.indirect.gather [hbm4b:s4+s21], $0x80, s2, s21, $0xb8;
	[tilespmem:$0x1E800] =	vst v63  }
0x42: {  	s8 =	simm.s32 $0x1480  }
0x43: {  	[spmem:s1] =	stream.indirect.scatter.add.f32 [tilespmem:s24], [sflag:$0x4], $0x80, s8, s21, $0xb8;
	[tilespmem:$0x1E800] =	vst v63  }
0x44: {  	_ =	swait.ge [sflag:s25], $0x4000  }
0x45: {  	s0 =	simm.s32 $0x400;
	[sflag:s25] =	ssyncset.done $0x0  }
.LBB2_2:
0x46: {  	p0 =	sne.s32 s0, $0x4800  }
0x47: {  	[sflag:s25] =	ssyncadd.s32 $0xFFFFC000;
	s2 =	smov.u32 s0;
	s0 =	sadd.s32 $0x400, s0  }
0x48: {  	_ = 	snop  }
0x49: {  	_ =	swait.ge [sflag:s23], $0x4000  }
0x4a: {  	s2 =	sshra.s32 s2, $0x2;
	[sflag:s23] =	ssyncset.done $0x0  }
0x4b: {  	s8 =	sadd.s32 $0x80, s2;
	[sflag:s23] =	ssyncadd.s32 $0xFFFFC000  }
0x4c: {  	[tilespmem:s24], [sflag:$0x3] =	stream.indirect.gather [hbm4b:s4+s21], $0x80, s8, s21, $0xb8;
	[tilespmem:$0x1E800] =	vst v63  }
0x4d: {  	s8 =	sadd.s32 $0x1400, s2  }
0x4e: {  	[spmem:s1] =	stream.indirect.scatter.add.f32 [tilespmem:s22], [sflag:$0x4], $0x80, s8, s21, $0xb8;
	[tilespmem:$0x1E800] =	vst v63  }
0x4f: {  	_ =	swait.ge [sflag:s25], $0x4000  }
0x50: {  	[sflag:s25] =	ssyncset.done $0x0  }
0x51: {  	[sflag:s25] =	ssyncadd.s32 $0xFFFFC000  }
0x52: {  	_ =	swait.ge [sflag:s26], $0x4000  }
0x53: {  	[sflag:s26] =	ssyncset.done $0x0  }
0x54: {  	s8 =	sadd.s32 $0x100, s2;
	[sflag:s26] =	ssyncadd.s32 $0xFFFFC000  }
0x55: {  	[tilespmem:s22], [sflag:$0x2] =	stream.indirect.gather [hbm4b:s4+s21], $0x80, s8, s21, $0xb8;
	[tilespmem:$0x1E800] =	vst v63  }
.Ltmp0:
0x56: {  	_ = 	snop;
	(pc) =	sbr.rel @p0 .LBB2_2-.Ltmp0, $4  }
0x57: {  	s2 =	sadd.s32 $0x1480, s2  }
0x58: {  	[spmem:s1] =	stream.indirect.scatter.add.f32 [tilespmem:s24], [sflag:$0x4], $0x80, s2, s21, $0xb8;
	[tilespmem:$0x1E800] =	vst v63  }
0x59: {  	_ =	swait.ge [sflag:s25], $0x4000  }
0x5a: {  	[sflag:s25] =	ssyncset.done $0x0  }
0x5b: {  	[sflag:s25] =	ssyncadd.s32 $0xFFFFC000  }
0x5c: {  	_ =	swait.ge [sflag:s23], $0x4000  }
0x5d: {  	[sflag:s23] =	ssyncset.done $0x0  }
0x5e: {  	[sflag:s23] =	ssyncadd.s32 $0xFFFFC000  }
0x5f: {  	[tilespmem:s24], [sflag:$0x3] =	stream.indirect.gather [hbm4b:s4+s21], $0x80, s28, s21, $0xb8;
	[tilespmem:$0x1E800] =	vst v63  }
0x60: {  	_ = 	snop  }
0x61: {  	[spmem:s1] =	stream.indirect.scatter.add.f32 [tilespmem:s22], [sflag:$0x4], $0x80, s29, s21, $0xb8;
	[tilespmem:$0x1E800] =	vst v63  }
0x62: {  	_ =	swait.ge [sflag:s25], $0x4000  }
0x63: {  	[sflag:s25] =	ssyncset.done $0x0  }
0x64: {  	[sflag:s25] =	ssyncadd.s32 $0xFFFFC000  }
0x65: {  	_ =	swait.ge [sflag:s26], $0x4000  }
0x66: {  	[sflag:s26] =	ssyncset.done $0x0  }
0x67: {  	[sflag:s26] =	ssyncadd.s32 $0xFFFFC000  }
0x68: {  	[spmem:s1] =	stream.indirect.scatter.add.f32 [tilespmem:s24], [sflag:$0x4], $0x80, s30, s21, $0xb8;
	[tilespmem:$0x1E800] =	vst v63  }
0x69: {  	_ =	swait.ge [sflag:s25], $0x4000  }
0x6a: {  	[sflag:s25] =	ssyncset.done $0x0  }
0x6b: {  	s0 =	simm.s32 $0x0;
	[sflag:s25] =	ssyncadd.s32 $0xFFFFC000  }
0x6c: {  	[tilespmem:s0], [sflag:$0x4] =	stream.linear.gather [hbm4b:s10+s0], $0x1400, $0x38;
	[tilespmem:$0x1E800] =	vst v63  }
0x6d: {  	_ =	swait.ge [sflag:s25], $0x1400  }
0x6e: {  	[sflag:s25] =	ssyncset.done $0x0  }
0x6f: {  	[sflag:s25] =	ssyncadd.s32 $0xFFFFEC00  }
0x70: {  	[tilespmem:s19], [sflag:$0x4] =	stream.linear.gather [hbm4b:s11+s0], $0x1400, $0x38;
	[tilespmem:$0x1E800] =	vst v63  }
0x71: {  	_ =	swait.ge [sflag:s25], $0x1400  }
0x72: {  	[sflag:s25] =	ssyncset.done $0x0  }
0x73: {  	[sflag:s25] =	ssyncadd.s32 $0xFFFFEC00  }
0x74: {  	[tilespmem:s22], [sflag:$0x2] =	stream.indirect.gather [hbm4b:s4+s21], $0x80, s0, s21, $0xb8;
	[tilespmem:$0x1E800] =	vst v63  }
0x75: {  	_ =	swait.ge [sflag:s23], $0x4000  }
0x76: {  	[sflag:s23] =	ssyncset.done $0x0  }
0x77: {  	s2 =	simm.s32 $0x80;
	[sflag:s23] =	ssyncadd.s32 $0xFFFFC000  }
0x78: {  	[tilespmem:s24], [sflag:$0x3] =	stream.indirect.gather [hbm4b:s4+s21], $0x80, s2, s21, $0xb8;
	[tilespmem:$0x1E800] =	vst v63  }
0x79: {  	s8 =	simm.s32 $0x1400  }
0x7a: {  	[spmem:s1] =	stream.indirect.scatter.add.f32 [tilespmem:s22], [sflag:$0x4], $0x80, s8, s21, $0xb8;
	[tilespmem:$0x1E800] =	vst v63  }
0x7b: {  	_ =	swait.ge [sflag:s25], $0x4000  }
0x7c: {  	[sflag:s25] =	ssyncset.done $0x0  }
0x7d: {  	[sflag:s25] =	ssyncadd.s32 $0xFFFFC000  }
0x7e: {  	_ =	swait.ge [sflag:s26], $0x4000  }
0x7f: {  	[sflag:s26] =	ssyncset.done $0x0  }
0x80: {  	s2 =	simm.s32 $0x100;
	[sflag:s26] =	ssyncadd.s32 $0xFFFFC000  }
0x81: {  	[tilespmem:s22], [sflag:$0x2] =	stream.indirect.gather [hbm4b:s4+s21], $0x80, s2, s21, $0xb8;
	[tilespmem:$0x1E800] =	vst v63  }
0x82: {  	s8 =	simm.s32 $0x1480  }
0x83: {  	[spmem:s1] =	stream.indirect.scatter.add.f32 [tilespmem:s24], [sflag:$0x4], $0x80, s8, s21, $0xb8;
	[tilespmem:$0x1E800] =	vst v63  }
0x84: {  	_ =	swait.ge [sflag:s25], $0x4000  }
0x85: {  	s0 =	simm.s32 $0x400;
	[sflag:s25] =	ssyncset.done $0x0  }
.LBB2_4:
0x86: {  	p0 =	sne.s32 s0, $0x4800  }
0x87: {  	[sflag:s25] =	ssyncadd.s32 $0xFFFFC000;
	s2 =	smov.u32 s0;
	s0 =	sadd.s32 $0x400, s0  }
0x88: {  	_ = 	snop  }
0x89: {  	_ =	swait.ge [sflag:s23], $0x4000  }
0x8a: {  	s2 =	sshra.s32 s2, $0x2;
	[sflag:s23] =	ssyncset.done $0x0  }
0x8b: {  	s8 =	sadd.s32 $0x80, s2;
	[sflag:s23] =	ssyncadd.s32 $0xFFFFC000  }
0x8c: {  	[tilespmem:s24], [sflag:$0x3] =	stream.indirect.gather [hbm4b:s4+s21], $0x80, s8, s21, $0xb8;
	[tilespmem:$0x1E800] =	vst v63  }
0x8d: {  	s8 =	sadd.s32 $0x1400, s2  }
0x8e: {  	[spmem:s1] =	stream.indirect.scatter.add.f32 [tilespmem:s22], [sflag:$0x4], $0x80, s8, s21, $0xb8;
	[tilespmem:$0x1E800] =	vst v63  }
0x8f: {  	_ =	swait.ge [sflag:s25], $0x4000  }
0x90: {  	[sflag:s25] =	ssyncset.done $0x0  }
0x91: {  	[sflag:s25] =	ssyncadd.s32 $0xFFFFC000  }
0x92: {  	_ =	swait.ge [sflag:s26], $0x4000  }
0x93: {  	[sflag:s26] =	ssyncset.done $0x0  }
0x94: {  	s8 =	sadd.s32 $0x100, s2;
	[sflag:s26] =	ssyncadd.s32 $0xFFFFC000  }
0x95: {  	[tilespmem:s22], [sflag:$0x2] =	stream.indirect.gather [hbm4b:s4+s21], $0x80, s8, s21, $0xb8;
	[tilespmem:$0x1E800] =	vst v63  }
.Ltmp1:
0x96: {  	_ = 	snop;
	(pc) =	sbr.rel @p0 .LBB2_4-.Ltmp1, $4  }
0x97: {  	s2 =	sadd.s32 $0x1480, s2  }
0x98: {  	[spmem:s1] =	stream.indirect.scatter.add.f32 [tilespmem:s24], [sflag:$0x4], $0x80, s2, s21, $0xb8;
	[tilespmem:$0x1E800] =	vst v63  }
0x99: {  	_ =	swait.ge [sflag:s25], $0x4000  }
0x9a: {  	[sflag:s25] =	ssyncset.done $0x0  }
0x9b: {  	[sflag:s25] =	ssyncadd.s32 $0xFFFFC000  }
0x9c: {  	_ =	swait.ge [sflag:s23], $0x4000  }
0x9d: {  	[sflag:s23] =	ssyncset.done $0x0  }
0x9e: {  	[sflag:s23] =	ssyncadd.s32 $0xFFFFC000  }
0x9f: {  	[tilespmem:s24], [sflag:$0x3] =	stream.indirect.gather [hbm4b:s4+s21], $0x80, s28, s21, $0xb8;
	[tilespmem:$0x1E800] =	vst v63  }
0xa0: {  	_ = 	snop  }
0xa1: {  	[spmem:s1] =	stream.indirect.scatter.add.f32 [tilespmem:s22], [sflag:$0x4], $0x80, s29, s21, $0xb8;
	[tilespmem:$0x1E800] =	vst v63  }
0xa2: {  	_ =	swait.ge [sflag:s25], $0x4000  }
0xa3: {  	[sflag:s25] =	ssyncset.done $0x0  }
0xa4: {  	[sflag:s25] =	ssyncadd.s32 $0xFFFFC000  }
0xa5: {  	_ =	swait.ge [sflag:s26], $0x4000  }
0xa6: {  	[sflag:s26] =	ssyncset.done $0x0  }
0xa7: {  	[sflag:s26] =	ssyncadd.s32 $0xFFFFC000  }
0xa8: {  	[spmem:s1] =	stream.indirect.scatter.add.f32 [tilespmem:s24], [sflag:$0x4], $0x80, s30, s21, $0xb8;
	[tilespmem:$0x1E800] =	vst v63  }
0xa9: {  	_ =	swait.ge [sflag:s25], $0x4000  }
0xaa: {  	s31 =	sadd.s32 $0x1, s31;
	[sflag:s25] =	ssyncset.done $0x0  }
0xab: {  	p0 =	sne.s32 s31, s13;
	[sflag:s25] =	ssyncadd.s32 $0xFFFFC000  }
.Ltmp2:
0xac: {  	s0 =	sor.u32 $0x1C04, s6;
	[bflag:$0x0] =	sbarrier.arrive $0xFFFF;
	(pc) =	sbr.rel @p0 .LBB2_1-.Ltmp2, $4  }
0xad: {  	[hbm:s12], [sflag:s0] =	dma.local [spmem:s14], $0x2800  }
0xae: {  	_ =	swait.ge [sflag:s25], $0x2800  }
0xaf: {  	[sflag:s25] =	ssyncset.done $0x0  }
0xb0: {  	[sflag:s25] =	ssyncadd.s32 $0xFFFFD800  }
0xb1: {  	_ =	sfence.sel $0x180000  }
0xb2: {  	[bflag:$0x0] =	sbarrier.arrive $0xFFFF  }
0xb3: {  	_ =	strace $0x90000047  }
0xb4: {  	s0 =	stileid.u32;
	[bflag:$0x2] =	sbarrier.arrive $0xFFFF  }
0xb5: {  	p0 =	sne.s32 s0, $0x0;
	s0 =	rddreg [dreg:$0x2]  }
0xb6: {  	s0 =	sadd.s32 @!p0 $0x100000, s0  }
0xb7: {  	[sflag:s0] =	ssyncadd.tile.s32 @!p0 $0x1;
	_ =	shalt  }
.Lfunc_end2:
_tile_overlayer_lowered:
.L_overlay_start_2:
0xb8: {  	(tag) =	ssettag $0x2  }
0xb9: {  	s0 =	rddreg [dreg:$0x0];
	s2 =	stileid.u32  }
0xba: {  	s1 =	rddreg [dreg:$0x1];
	p0 =	sne.s32 s2, $0x0  }
0xbb: {  	s3 =	rddreg [dreg:$0x2];
	[bflag:$0x3] =	sbarrier.arrive $0xFFFF;
	s2 =	simm.s32 @!p0 $0x1C04  }
0xbc: {  	[timem:s3], [sflag:s2] =	dma.local @!p0 [hbm:s0], s1  }
0xbd: {  	s0 =	simm.s32 @!p0 $0x4  }
0xbe: {  	_ =	swait.ge @!p0 [sflag:s0], s1  }
0xbf: {  	s1 =	ssub.s32 @!p0 $0x0, s1;
	[sflag:s0] =	ssyncset.done @!p0 $0x0  }
0xc0: {  	[sflag:s0] =	ssyncadd.s32 @!p0 s1  }
0xc1: {  	[bflag:$0x3] =	sbarrier.arrive $0xFFFF  }
0xc2: {  	_ =	shalt  }

// kernel: kernel.13.cloned.1.call-start
scs
__scs_entry_jumppad:
0x0: {  	(pc) =	sbr.rel $0x88, $3  }
0x1: {  	(tag) =	ssettag $0x0;
	lr =	simm.s32 $0x1  }
0x2: {  	[smem:$0x3F96] =	sst lr;
	_ =	strace $0xD0000000  }
0x3: {  	_ = 	snop  }
0x4: {  	_ = 	snop  }
0x5: {  	_ = 	snop  }
0x6: {  	_ = 	snop  }
0x7: {  	_ = 	snop  }
__scs_overlays_trampoline_lowered:
0x8: {  	[smem:$0x3FA5] =	sst s0  }
0x9: {  	[smem:$0x3FA6] =	sst s1  }
0xa: {  	[smem:$0x3FA7] =	sst s2  }
0xb: {  	[smem:$0x3FA8] =	sst s3  }
0xc: {  	[smem:$0x3FA9] =	sst s4  }
0xd: {  	[smem:$0x3FAA] =	sst s5  }
0xe: {  	[smem:$0x3FAB] =	sst s6  }
0xf: {  	[smem:$0x3FAC] =	sst s7  }
0x10: {  	[smem:$0x3FAD] =	sst s8  }
0x11: {  	[smem:$0x3FAE] =	sst s9;
	s0 =	simm.s32 @!p0 $0x0  }
0x12: {  	s1 =	sld [smem:$0x3F94];
	s0 =	simm.s32 @p0 $0x1  }
0x13: {  	[smem:$0x3FAF] =	sst s0;
	s0 =	simm.s32 @!p1 $0x0  }
0x14: {  	s2 =	sld [smem:$0x3F93];
	s0 =	simm.s32 @p1 $0x1  }
0x15: {  	[smem:$0x3FB0] =	sst s0;
	s0 =	simm.s32 @!p2 $0x0  }
0x16: {  	s3 =	sld [smem:$0x3FDB];
	s0 =	simm.s32 @p2 $0x1  }
0x17: {  	s4 =	simm.s32 $0x1BF5;
	[smem:$0x3FB2] =	sst s0  }
0x18: {  	s0 =	sld [smem:$0x3F95];
	_ =	swait.ge [sflag:s4], $0x0  }
0x19: {  	s7 =	sld [smem:$0x3F96]  }
0x1a: {  	s8 =	sadd.s32 $0xFFFFE003, lr  }
0x1b: {  	s9 =	sadd.s32 $0xFFFFFEF7, lr;
	s5 =	simm.s32 $0xFFFFFFFF;
	p2 =	slt.u32 s8, $0xFFFFF086  }
0x1c: {  	p1 =	slt.u32 s9, $0xF7A;
	s5 =	simm.s32 @!p2 $0x0  }
0x1d: {  	s5 =	simm.s32 @p1 $0x1;
	p0 =	seq.s32 s7, s2  }
0x1e: {  	s7 =	smul.u32 @!p0 $0xF7A, s2;
	p2 =	seq.s32 @!p0 s5, $0x0  }
0x1f: {  	s9 =	smul.u32 $0xF7A, s1;
	s8 =	simm.s32 @!p0 $0x1BF5;
	p2 =	por !p2, p0  }
0x20: {  	[sflag:s8] =	ssyncset.s32 @!p0 $0xFFFFF086;
	s6 =	sadd.s32 @!p0 s3, s7;
	s7 =	simm.s32 @!p0 $0x108  }
0x21: {  	s3 =	sadd.s32 s3, s9;
	s6 =	sadd.s32 @!p0 $0x88, s6;
	s7 =	simm.s32 @p2 $0x1082  }
0x22: {  	[simem:s7], [sflag:s8] =	dma.local @!p0 [hbm:s6], $0xF7A  }
0x23: {  	s9 =	sor.u32 $0xD0000000, s2;
	s6 =	simm.s32 $0x108;
	_ =	swait.ge @!p0 [sflag:s8], $0x0  }
0x24: {  	s3 =	sadd.s32 $0x88, s3;
	s6 =	simm.s32 @!p1 $0x1082;
	[sflag:s4] =	ssyncset.s32 $0xFFFFF086  }
0x25: {  	[simem:s6], [sflag:s4] =	dma.local [hbm:s3], $0xF7A  }
0x26: {  	[smem:$0x3F96] =	sst s1;
	(tag) =	ssettag s2;
	_ =	strace s9  }
0x27: {  	s1 =	sld [smem:$0x3FA6]  }
0x28: {  	s2 =	sld [smem:$0x3FA7]  }
0x29: {  	s4 =	sld [smem:$0x3FA9]  }
0x2a: {  	p0 =	seq.s32 s5, $0x0;
	s5 =	sld [smem:$0x3FAA]  }
0x2b: {  	s6 =	sld [smem:$0x3FAB]  }
0x2c: {  	s7 =	sld [smem:$0x3FAC]  }
0x2d: {  	s3 =	simm.s32 $0x108;
	s8 =	sld [smem:$0x3FAD]  }
0x2e: {  	s3 =	simm.s32 @!p0 $0x1082;
	s9 =	sld [smem:$0x3FAE]  }
0x2f: {  	lr =	sadd.s32 s0, s3;
	s0 =	sld [smem:$0x3FA5]  }
0x30: {  	s3 =	sld [smem:$0x3FA8]  }
0x31: {  	[smem:$0x3FB1] =	sst s10  }
0x32: {  	s10 =	sld [smem:$0x3FAF];
	_ =	sdelay $0x3  }
0x33: {  	p0 =	seq.s32 s10, $0x1;
	s10 =	sld [smem:$0x3FB1];
	_ =	sdelay $0x3  }
0x34: {  	[smem:$0x3FB1] =	sst s10  }
0x35: {  	s10 =	sld [smem:$0x3FB0];
	_ =	sdelay $0x3  }
0x36: {  	p1 =	seq.s32 s10, $0x1;
	s10 =	sld [smem:$0x3FB1];
	_ =	sdelay $0x3  }
0x37: {  	[smem:$0x3FB1] =	sst s10  }
0x38: {  	s10 =	sld [smem:$0x3FB2]  }
0x39: {  	_ = 	snop;
	(pc) =	sbr.ind lr, $3  }
0x3a: {  	_ = 	snop  }
0x3b: {  	_ = 	snop  }
0x3c: {  	p2 =	seq.s32 s10, $0x1;
	s10 =	sld [smem:$0x3FB1]  }
0x3d: {  	_ =	shalt  }
0x3e: {  	_ =	shalt  }
0x3f: {  	_ =	shalt  }
0x40: {  	_ =	shalt  }
0x41: {  	_ =	shalt  }
0x42: {  	_ =	shalt  }
0x43: {  	_ =	shalt  }
0x44: {  	_ =	shalt  }
0x45: {  	_ =	shalt  }
0x46: {  	_ =	shalt  }
0x47: {  	_ =	shalt  }
0x48: {  	_ =	shalt  }
0x49: {  	_ =	shalt  }
0x4a: {  	_ =	shalt  }
0x4b: {  	_ =	shalt  }
0x4c: {  	_ =	shalt  }
0x4d: {  	_ =	shalt  }
0x4e: {  	_ =	shalt  }
0x4f: {  	_ =	shalt  }
0x50: {  	_ =	shalt  }
0x51: {  	_ =	shalt  }
0x52: {  	_ =	shalt  }
0x53: {  	_ =	shalt  }
0x54: {  	_ =	shalt  }
0x55: {  	_ =	shalt  }
0x56: {  	_ =	shalt  }
0x57: {  	_ =	shalt  }
0x58: {  	_ =	shalt  }
0x59: {  	_ =	shalt  }
0x5a: {  	_ =	shalt  }
0x5b: {  	_ =	shalt  }
0x5c: {  	_ =	shalt  }
0x5d: {  	_ =	shalt  }
0x5e: {  	_ =	shalt  }
0x5f: {  	_ =	shalt  }
0x60: {  	_ =	shalt  }
0x61: {  	_ =	shalt  }
0x62: {  	_ =	shalt  }
0x63: {  	_ =	shalt  }
0x64: {  	_ =	shalt  }
0x65: {  	_ =	shalt  }
0x66: {  	_ =	shalt  }
0x67: {  	_ =	shalt  }
0x68: {  	_ =	shalt  }
0x69: {  	_ =	shalt  }
0x6a: {  	_ =	shalt  }
0x6b: {  	_ =	shalt  }
0x6c: {  	_ =	shalt  }
0x6d: {  	_ =	shalt  }
0x6e: {  	_ =	shalt  }
0x6f: {  	_ =	shalt  }
0x70: {  	_ =	shalt  }
0x71: {  	_ =	shalt  }
0x72: {  	_ =	shalt  }
0x73: {  	_ =	shalt  }
0x74: {  	_ =	shalt  }
0x75: {  	_ =	shalt  }
0x76: {  	_ =	shalt  }
0x77: {  	_ =	shalt  }
0x78: {  	_ =	shalt  }
0x79: {  	_ =	shalt  }
0x7a: {  	_ =	shalt  }
0x7b: {  	_ =	shalt  }
0x7c: {  	_ =	shalt  }
0x7d: {  	_ =	shalt  }
0x7e: {  	_ =	shalt  }
0x7f: {  	_ =	shalt  }
0x80: {  	_ =	shalt  }
0x81: {  	_ =	shalt  }
0x82: {  	_ =	shalt  }
0x83: {  	_ =	shalt  }
0x84: {  	_ =	shalt  }
0x85: {  	_ =	shalt  }
0x86: {  	_ =	shalt  }
0x87: {  	_ =	shalt  }
.Lfunc_end0:
.L_simem_size_0:
called_computation.1_lowered:
.L_overlay_start_0:
0x88: {  	s2 =	sld [smem:$0x3FD9]  }
0x89: {  	s3 =	sld [smem:$0x3FFE];
	_ =	sdelay $0x1  }
0x8a: {  	s1 =	srdreg.scid  }
0x8b: {  	s0 =	sand.u32 $0x1, s1  }
0x8c: {  	s16 =	sshll.u32 s0, $0xA;
	s2 =	sadd.s32 s3, s2  }
0x8d: {  	s2 =	sadd.s32 s2, s16  }
0x8e: {  	[smem:$0x3FBD] =	sst s2  }
0x8f: {  	_ = 	snop  }
0x90: {  	(tm) =	ssettm $0x1  }
0x91: {  	s17 =	sld [smem:$0x3FFB];
	_ =	sdelay $0x3  }
0x92: {  	_ =	strace s17  }
0x93: {  	s2 =	sld [smem:$0x3FFC];
	_ =	sdelay $0x3  }
0x94: {  	_ =	strace s2  }
0x95: {  	s2 =	sld [smem:$0x3FFD];
	_ =	sdelay $0x3  }
0x96: {  	_ =	strace s2  }
0x97: {  	_ =	strace $0x8FFFFFFF  }
0x98: {  	s18 =	sld [smem:$0x3FDB];
	_ =	sdelay $0x1  }
0x99: {  	s19 =	simm.s32 $_scs_section_size  }
0x9a: {  	s4 =	simm.s32 $_size__tile_overlayer_lowered;
	s5 =	simm.s32 $_tile_overlayer_lowered  }
0x9b: {  	s22 =	simm.s32 $0x1BFF;
	s21 =	sshll.u32 s5, $0x1;
	s2 =	sadd.s32 s19, s18  }
0x9c: {  	s6 =	simm.s32 $0x0;
	s20 =	sshll.u32 s4, $0x1;
	s4 =	sadd.s32 s21, s2  }
0x9d: {  	[timem:s6], [sflag:s22] =	dma.local [hbm:s4], s20  }
0x9e: {  	_ =	swait.ge [sflag:s22], s20  }
0x9f: {  	s3 =	ssub.s32 $0x0, s20;
	[sflag:s22] =	ssyncset.done $0x0  }
0xa0: {  	[sflag:s22] =	ssyncadd.s32 s3;
	_ =	sdelay $0x1  }
0xa1: {  	s23 =	simm.s32 $0x1B8B  }
0xa2: {  	_ =	swait.ge [sflag:s23], $0x1  }
0xa3: {  	[sflag:s23] =	ssyncset.done $0x0  }
0xa4: {  	s25 =	simm.s32 $0x1B8E;
	s24 =	sld [smem:$0x3FFE];
	[sflag:s23] =	ssyncadd.s32 $0xFFFFFFFF  }
0xa5: {  	s26 =	simm.s32 $execute0_lowered;
	[smem:$0x3FD2] =	sst s25  }
0xa6: {  	s4 =	sshll.u32 s26, $0x1;
	_ =	strace $0x80000049;
	[dreg:$0x1] =	wrdreg $0xFFFFFFFF  }
0xa7: {  	s28 =	simm.s32 $_size_execute0_lowered;
	s2 =	sadd.s32 s2, s4;
	[dreg:$0x0] =	wrdreg $0x0  }
0xa8: {  	s4 =	sshll.u32 s28, $0x1;
	[dreg:$0x2] =	wrdreg s2  }
0xa9: {  	[dreg:$0x3] =	wrdreg s4  }
0xaa: {  	[dreg:$0x4] =	wrdreg $0xC0  }
0xab: {  	_ =	task [dreg:s6], $0x5FFFF  }
0xac: {  	[dreg:$0x1] =	wrdreg $0xFFFFFFFF  }
0xad: {  	[dreg:$0x0] =	wrdreg $0x60  }
0xae: {  	[dreg:$0x2] =	wrdreg s24  }
0xaf: {  	[dreg:$0x3] =	wrdreg $0xA8000  }
0xb0: {  	[dreg:$0x4] =	wrdreg $0x9  }
0xb1: {  	_ =	task.clear_ibuf [dreg:s6], $0x5FFFF;
	_ =	strace $0x90000049  }
0xb2: {  	s29 =	simm.s32 $0x9;
	_ =	strace $0x8000004B  }
0xb3: {  	_ =	swait.ge [sflag:s29], $0x1  }
0xb4: {  	[sflag:s29] =	ssyncadd.s32 $0xFFFFFFFF  }
0xb5: {  	_ =	strace $0x9000004B  }
0xb6: {  	_ =	sfence  }
0xb7: {  	s30 =	sld [smem:$0x0];
	_ =	sdelay $0x2  }
0xb8: {  	s31 =	sshll.u32 s1, $0xD;
	s1 =	sshrl.u32 s1, $0x2  }
0xb9: {  	s3 =	sand.u32 $0x4000, s31;
	s1 =	sadd.s32 s1, s30  }
0xba: {  	s0 =	sor.u32 s3, s0;
	s1 =	sshll.u32 s1, $0x11  }
0xbb: {  	s0 =	sor.u32 s1, s0  }
0xbc: {  	s0 =	sadd.s32 $0x8F2B, s0  }
0xbd: {  	[sflag:s0] =	ssyncadd.remote.s32 $0x1  }
0xbe: {  	_ =	sfence.sel $0xFFFF  }
0xbf: {  	[dreg:$0x0] =	wrdreg $0xFFFFFFFF;
	(pc) =	sbr.abs _section_cstart, $3  }
0xc0: {  	[dreg:$0x1] =	wrdreg $0xFFFFFFFF  }
0xc1: {  	_ =	task.clear_ibuf [dreg:s6], $0x2FFFF;
	_ =	strace $0x9FFFFFFF  }
0xc2: {  	(tm) =	ssettm $0x7FFFFFFF  }
0xc3: {  	_ =	shalt  }
tec
execute0_lowered:
.L_overlay_start_1:
0x0: {  	(tag) =	ssettag $0x1  }
0x1: {  	s0 =	rddreg [dreg:$0x0]  }
0x2: {  	s1 =	rddreg [dreg:$0x1];
	s2 =	srdreg.scid;
	s3 =	simm.s32 $0x0  }
0x3: {  	s20 =	stileid.u32;
	s19 =	simm.s32 $0x1400;
	s28 =	simm.s32 $0x1380  }
0x4: {  	s29 =	simm.s32 $0x2700;
	s30 =	simm.s32 $0x2780;
	s31 =	simm.s32 $0x0  }
0x5: {  	s6 =	sand.u32 $0x1, s2;
	[smem:$0x7FF] =	sst s3;
	s8 =	smul.u32 $0x14000, s20  }
0x6: {  	s4 =	sadd.s32 $0x17A00, s0;
	s10 =	sadd.s32 $0xD200, s0;
	s9 =	smul.u32 $0x50000, s20  }
0x7: {  	s11 =	sadd.s32 $0x3200, s0;
	s5 =	sadd.s32 $0x17200, s0;
	s7 =	smul.u32 $0x140000, s6  }
0x8: {  	_ =	strace $0x8000004A;
	s21 =	ssub.s32 $0x2, s6;
	s6 =	sshll.u32 s6, $0x4  }
0x9: {  	s22 =	sshrl.u32 s21, $0x1;
	s23 =	sor.u32 s20, s6;
	s24 =	sshrl.u32 s9, $0x2  }
0xa: {  	s6 =	sshll.u32 s20, $0x6;
	s20 =	simm.s32 $0x1;
	s7 =	sadd.s32 s8, s7  }
0xb: {  	s13 =	ssub.s32 s21, s22;
	s14 =	sadd.s32 s24, s1;
	s25 =	smul.u32 $0x2800, s23  }
0xc: {  	s21 =	simm.s32 $0x80;
	s22 =	simm.s32 $0x2800;
	s23 =	simm.s32 $0x2  }
0xd: {  	s24 =	simm.s32 $0x6800;
	s7 =	sshrl.u32 s7, $0x3;
	s15 =	sadd.s32 $0x4000, s14  }
0xe: {  	s16 =	sadd.s32 $0x8000, s14;
	s17 =	sadd.s32 $0xC000, s14;
	s18 =	sadd.s32 $0x10000, s14  }
0xf: {  	s13 =	smax.u32 s13, $0x1;
	s14 =	sshrl.u32 s14, $0x3;
	s0 =	sadd.s32 s7, s0  }
0x10: {  	s7 =	sor.u32 $0x1C01, s6;
	s12 =	sshrl.u32 s25, $0x3;
	s15 =	sshrl.u32 s15, $0x3  }
0x11: {  	s16 =	sshrl.u32 s16, $0x3;
	s17 =	sshrl.u32 s17, $0x3;
	s18 =	sshrl.u32 s18, $0x3  }
0x12: {  	s26 =	sadd.s32 s10, s12;
	s9 =	sadd.s32 s11, s12;
	s12 =	sadd.s32 $0x280, s12  }
0x13: {  	s25 =	simm.s32 $0x4;
	[dreg:$0x3] =	wrdreg s26;
	s10 =	sadd.s32 s10, s12  }
0x14: {  	s11 =	sadd.s32 s11, s12;
	s12 =	sadd.s32 $0x3FA00, s0;
	s26 =	simm.s32 $0x3  }
.LBB2_1:
0x15: {  	[spmem:s14], [sflag:s7] =	dma.local [hbm:s5], $0x800  }
0x16: {  	[spmem:s15], [sflag:s7] =	dma.local [hbm:s5], $0x800  }
0x17: {  	[spmem:s16], [sflag:s7] =	dma.local [hbm:s5], $0x800  }
0x18: {  	[spmem:s17], [sflag:s7] =	dma.local [hbm:s5], $0x800  }
0x19: {  	[spmem:s18], [sflag:s7] =	dma.local [hbm:s5], $0x800  }
0x1a: {  	s0 =	rddreg [dreg:$0x3]  }
0x1b: {  	[tilespmem:s3], [sflag:$0x1] =	stream.linear.gather [hbm4b:s0+s3], $0x1400, $0x38;
	[tilespmem:$0x1E800] =	vst v63  }
0x1c: {  	_ = 	snop  }
0x1d: {  	[tilespmem:s19], [sflag:$0x1] =	stream.linear.gather [hbm4b:s9+s3], $0x1400, $0x38;
	[tilespmem:$0x1E800] =	vst v63  }
0x1e: {  	_ =	swait.ge [sflag:s20], $0x800  }
0x1f: {  	[sflag:s20] =	ssyncset.done $0x0  }
0x20: {  	[sflag:s20] =	ssyncadd.s32 $0xFFFFF800  }
0x21: {  	_ =	swait.ge [sflag:s20], $0x800  }
0x22: {  	[sflag:s20] =	ssyncset.done $0x0  }
0x23: {  	[sflag:s20] =	ssyncadd.s32 $0xFFFFF800  }
0x24: {  	_ =	swait.ge [sflag:s20], $0x800  }
0x25: {  	[sflag:s20] =	ssyncset.done $0x0  }
0x26: {  	[sflag:s20] =	ssyncadd.s32 $0xFFFFF800  }
0x27: {  	_ =	swait.ge [sflag:s20], $0x800  }
0x28: {  	[sflag:s20] =	ssyncset.done $0x0  }
0x29: {  	[sflag:s20] =	ssyncadd.s32 $0xFFFFF800  }
0x2a: {  	_ =	swait.ge [sflag:s20], $0x800  }
0x2b: {  	[sflag:s20] =	ssyncset.done $0x0  }
0x2c: {  	[sflag:s20] =	ssyncadd.s32 $0xFFFFF800  }
0x2d: {  	_ =	swait.ge [sflag:s20], $0x1400  }
0x2e: {  	[sflag:s20] =	ssyncset.done $0x0  }
0x2f: {  	[sflag:s20] =	ssyncadd.s32 $0xFFFFEC00  }
0x30: {  	_ =	swait.ge [sflag:s20], $0x1400  }
0x31: {  	[sflag:s20] =	ssyncset.done $0x0  }
0x32: {  	[sflag:s20] =	ssyncadd.s32 $0xFFFFEC00  }
0x33: {  	[bflag:$0x0] =	sbarrier.arrive $0xFFFF  }
0x34: {  	[tilespmem:s22], [sflag:$0x2] =	stream.indirect.gather [hbm4b:s4+s21], $0x80, s3, s21, $0xb8;
	[tilespmem:$0x1E800] =	vst v63  }
0x35: {  	_ =	swait.ge [sflag:s23], $0x4000  }
0x36: {  	[sflag:s23] =	ssyncset.done $0x0  }
0x37: {  	s2 =	simm.s32 $0x80;
	[sflag:s23] =	ssyncadd.s32 $0xFFFFC000  }
0x38: {  	[tilespmem:s24], [sflag:$0x3] =	stream.indirect.gather [hbm4b:s4+s21], $0x80, s2, s21, $0xb8;
	[tilespmem:$0x1E800] =	vst v63  }
0x39: {  	s8 =	simm.s32 $0x1400  }
0x3a: {  	[spmem:s1] =	stream.indirect.scatter.add.f32 [tilespmem:s22], [sflag:$0x4], $0x80, s8, s21, $0xb8;
	[tilespmem:$0x1E800] =	vst v63  }
0x3b: {  	_ =	swait.ge [sflag:s25], $0x4000  }
0x3c: {  	[sflag:s25] =	ssyncset.done $0x0  }
0x3d: {  	[sflag:s25] =	ssyncadd.s32 $0xFFFFC000  }
0x3e: {  	_ =	swait.ge [sflag:s26], $0x4000  }
0x3f: {  	[sflag:s26] =	ssyncset.done $0x0  }
0x40: {  	s2 =	simm.s32 $0x100;
	[sflag:s26] =	ssyncadd.s32 $0xFFFFC000  }
0x41: {  	[tilespmem:s22], [sflag:$0x2] =	stream.indirect.gather [hbm4b:s4+s21], $0x80, s2, s21, $0xb8;
	[tilespmem:$0x1E800] =	vst v63  }
0x42: {  	s8 =	simm.s32 $0x1480  }
0x43: {  	[spmem:s1] =	stream.indirect.scatter.add.f32 [tilespmem:s24], [sflag:$0x4], $0x80, s8, s21, $0xb8;
	[tilespmem:$0x1E800] =	vst v63  }
0x44: {  	_ =	swait.ge [sflag:s25], $0x4000  }
0x45: {  	s0 =	simm.s32 $0x400;
	[sflag:s25] =	ssyncset.done $0x0  }
.LBB2_2:
0x46: {  	p0 =	sne.s32 s0, $0x4800  }
0x47: {  	[sflag:s25] =	ssyncadd.s32 $0xFFFFC000;
	s2 =	smov.u32 s0;
	s0 =	sadd.s32 $0x400, s0  }
0x48: {  	_ = 	snop  }
0x49: {  	_ =	swait.ge [sflag:s23], $0x4000  }
0x4a: {  	s2 =	sshra.s32 s2, $0x2;
	[sflag:s23] =	ssyncset.done $0x0  }
0x4b: {  	s8 =	sadd.s32 $0x80, s2;
	[sflag:s23] =	ssyncadd.s32 $0xFFFFC000  }
0x4c: {  	[tilespmem:s24], [sflag:$0x3] =	stream.indirect.gather [hbm4b:s4+s21], $0x80, s8, s21, $0xb8;
	[tilespmem:$0x1E800] =	vst v63  }
0x4d: {  	s8 =	sadd.s32 $0x1400, s2  }
0x4e: {  	[spmem:s1] =	stream.indirect.scatter.add.f32 [tilespmem:s22], [sflag:$0x4], $0x80, s8, s21, $0xb8;
	[tilespmem:$0x1E800] =	vst v63  }
0x4f: {  	_ =	swait.ge [sflag:s25], $0x4000  }
0x50: {  	[sflag:s25] =	ssyncset.done $0x0  }
0x51: {  	[sflag:s25] =	ssyncadd.s32 $0xFFFFC000  }
0x52: {  	_ =	swait.ge [sflag:s26], $0x4000  }
0x53: {  	[sflag:s26] =	ssyncset.done $0x0  }
0x54: {  	s8 =	sadd.s32 $0x100, s2;
	[sflag:s26] =	ssyncadd.s32 $0xFFFFC000  }
0x55: {  	[tilespmem:s22], [sflag:$0x2] =	stream.indirect.gather [hbm4b:s4+s21], $0x80, s8, s21, $0xb8;
	[tilespmem:$0x1E800] =	vst v63  }
.Ltmp0:
0x56: {  	_ = 	snop;
	(pc) =	sbr.rel @p0 .LBB2_2-.Ltmp0, $4  }
0x57: {  	s2 =	sadd.s32 $0x1480, s2  }
0x58: {  	[spmem:s1] =	stream.indirect.scatter.add.f32 [tilespmem:s24], [sflag:$0x4], $0x80, s2, s21, $0xb8;
	[tilespmem:$0x1E800] =	vst v63  }
0x59: {  	_ =	swait.ge [sflag:s25], $0x4000  }
0x5a: {  	[sflag:s25] =	ssyncset.done $0x0  }
0x5b: {  	[sflag:s25] =	ssyncadd.s32 $0xFFFFC000  }
0x5c: {  	_ =	swait.ge [sflag:s23], $0x4000  }
0x5d: {  	[sflag:s23] =	ssyncset.done $0x0  }
0x5e: {  	[sflag:s23] =	ssyncadd.s32 $0xFFFFC000  }
0x5f: {  	[tilespmem:s24], [sflag:$0x3] =	stream.indirect.gather [hbm4b:s4+s21], $0x80, s28, s21, $0xb8;
	[tilespmem:$0x1E800] =	vst v63  }
0x60: {  	_ = 	snop  }
0x61: {  	[spmem:s1] =	stream.indirect.scatter.add.f32 [tilespmem:s22], [sflag:$0x4], $0x80, s29, s21, $0xb8;
	[tilespmem:$0x1E800] =	vst v63  }
0x62: {  	_ =	swait.ge [sflag:s25], $0x4000  }
0x63: {  	[sflag:s25] =	ssyncset.done $0x0  }
0x64: {  	[sflag:s25] =	ssyncadd.s32 $0xFFFFC000  }
0x65: {  	_ =	swait.ge [sflag:s26], $0x4000  }
0x66: {  	[sflag:s26] =	ssyncset.done $0x0  }
0x67: {  	[sflag:s26] =	ssyncadd.s32 $0xFFFFC000  }
0x68: {  	[spmem:s1] =	stream.indirect.scatter.add.f32 [tilespmem:s24], [sflag:$0x4], $0x80, s30, s21, $0xb8;
	[tilespmem:$0x1E800] =	vst v63  }
0x69: {  	_ =	swait.ge [sflag:s25], $0x4000  }
0x6a: {  	[sflag:s25] =	ssyncset.done $0x0  }
0x6b: {  	s0 =	simm.s32 $0x0;
	[sflag:s25] =	ssyncadd.s32 $0xFFFFC000  }
0x6c: {  	[tilespmem:s0], [sflag:$0x4] =	stream.linear.gather [hbm4b:s10+s0], $0x1400, $0x38;
	[tilespmem:$0x1E800] =	vst v63  }
0x6d: {  	_ =	swait.ge [sflag:s25], $0x1400  }
0x6e: {  	[sflag:s25] =	ssyncset.done $0x0  }
0x6f: {  	[sflag:s25] =	ssyncadd.s32 $0xFFFFEC00  }
0x70: {  	[tilespmem:s19], [sflag:$0x4] =	stream.linear.gather [hbm4b:s11+s0], $0x1400, $0x38;
	[tilespmem:$0x1E800] =	vst v63  }
0x71: {  	_ =	swait.ge [sflag:s25], $0x1400  }
0x72: {  	[sflag:s25] =	ssyncset.done $0x0  }
0x73: {  	[sflag:s25] =	ssyncadd.s32 $0xFFFFEC00  }
0x74: {  	[tilespmem:s22], [sflag:$0x2] =	stream.indirect.gather [hbm4b:s4+s21], $0x80, s0, s21, $0xb8;
	[tilespmem:$0x1E800] =	vst v63  }
0x75: {  	_ =	swait.ge [sflag:s23], $0x4000  }
0x76: {  	[sflag:s23] =	ssyncset.done $0x0  }
0x77: {  	s2 =	simm.s32 $0x80;
	[sflag:s23] =	ssyncadd.s32 $0xFFFFC000  }
0x78: {  	[tilespmem:s24], [sflag:$0x3] =	stream.indirect.gather [hbm4b:s4+s21], $0x80, s2, s21, $0xb8;
	[tilespmem:$0x1E800] =	vst v63  }
0x79: {  	s8 =	simm.s32 $0x1400  }
0x7a: {  	[spmem:s1] =	stream.indirect.scatter.add.f32 [tilespmem:s22], [sflag:$0x4], $0x80, s8, s21, $0xb8;
	[tilespmem:$0x1E800] =	vst v63  }
0x7b: {  	_ =	swait.ge [sflag:s25], $0x4000  }
0x7c: {  	[sflag:s25] =	ssyncset.done $0x0  }
0x7d: {  	[sflag:s25] =	ssyncadd.s32 $0xFFFFC000  }
0x7e: {  	_ =	swait.ge [sflag:s26], $0x4000  }
0x7f: {  	[sflag:s26] =	ssyncset.done $0x0  }
0x80: {  	s2 =	simm.s32 $0x100;
	[sflag:s26] =	ssyncadd.s32 $0xFFFFC000  }
0x81: {  	[tilespmem:s22], [sflag:$0x2] =	stream.indirect.gather [hbm4b:s4+s21], $0x80, s2, s21, $0xb8;
	[tilespmem:$0x1E800] =	vst v63  }
0x82: {  	s8 =	simm.s32 $0x1480  }
0x83: {  	[spmem:s1] =	stream.indirect.scatter.add.f32 [tilespmem:s24], [sflag:$0x4], $0x80, s8, s21, $0xb8;
	[tilespmem:$0x1E800] =	vst v63  }
0x84: {  	_ =	swait.ge [sflag:s25], $0x4000  }
0x85: {  	s0 =	simm.s32 $0x400;
	[sflag:s25] =	ssyncset.done $0x0  }
.LBB2_4:
0x86: {  	p0 =	sne.s32 s0, $0x4800  }
0x87: {  	[sflag:s25] =	ssyncadd.s32 $0xFFFFC000;
	s2 =	smov.u32 s0;
	s0 =	sadd.s32 $0x400, s0  }
0x88: {  	_ = 	snop  }
0x89: {  	_ =	swait.ge [sflag:s23], $0x4000  }
0x8a: {  	s2 =	sshra.s32 s2, $0x2;
	[sflag:s23] =	ssyncset.done $0x0  }
0x8b: {  	s8 =	sadd.s32 $0x80, s2;
	[sflag:s23] =	ssyncadd.s32 $0xFFFFC000  }
0x8c: {  	[tilespmem:s24], [sflag:$0x3] =	stream.indirect.gather [hbm4b:s4+s21], $0x80, s8, s21, $0xb8;
	[tilespmem:$0x1E800] =	vst v63  }
0x8d: {  	s8 =	sadd.s32 $0x1400, s2  }
0x8e: {  	[spmem:s1] =	stream.indirect.scatter.add.f32 [tilespmem:s22], [sflag:$0x4], $0x80, s8, s21, $0xb8;
	[tilespmem:$0x1E800] =	vst v63  }
0x8f: {  	_ =	swait.ge [sflag:s25], $0x4000  }
0x90: {  	[sflag:s25] =	ssyncset.done $0x0  }
0x91: {  	[sflag:s25] =	ssyncadd.s32 $0xFFFFC000  }
0x92: {  	_ =	swait.ge [sflag:s26], $0x4000  }
0x93: {  	[sflag:s26] =	ssyncset.done $0x0  }
0x94: {  	s8 =	sadd.s32 $0x100, s2;
	[sflag:s26] =	ssyncadd.s32 $0xFFFFC000  }
0x95: {  	[tilespmem:s22], [sflag:$0x2] =	stream.indirect.gather [hbm4b:s4+s21], $0x80, s8, s21, $0xb8;
	[tilespmem:$0x1E800] =	vst v63  }
.Ltmp1:
0x96: {  	_ = 	snop;
	(pc) =	sbr.rel @p0 .LBB2_4-.Ltmp1, $4  }
0x97: {  	s2 =	sadd.s32 $0x1480, s2  }
0x98: {  	[spmem:s1] =	stream.indirect.scatter.add.f32 [tilespmem:s24], [sflag:$0x4], $0x80, s2, s21, $0xb8;
	[tilespmem:$0x1E800] =	vst v63  }
0x99: {  	_ =	swait.ge [sflag:s25], $0x4000  }
0x9a: {  	[sflag:s25] =	ssyncset.done $0x0  }
0x9b: {  	[sflag:s25] =	ssyncadd.s32 $0xFFFFC000  }
0x9c: {  	_ =	swait.ge [sflag:s23], $0x4000  }
0x9d: {  	[sflag:s23] =	ssyncset.done $0x0  }
0x9e: {  	[sflag:s23] =	ssyncadd.s32 $0xFFFFC000  }
0x9f: {  	[tilespmem:s24], [sflag:$0x3] =	stream.indirect.gather [hbm4b:s4+s21], $0x80, s28, s21, $0xb8;
	[tilespmem:$0x1E800] =	vst v63  }
0xa0: {  	_ = 	snop  }
0xa1: {  	[spmem:s1] =	stream.indirect.scatter.add.f32 [tilespmem:s22], [sflag:$0x4], $0x80, s29, s21, $0xb8;
	[tilespmem:$0x1E800] =	vst v63  }
0xa2: {  	_ =	swait.ge [sflag:s25], $0x4000  }
0xa3: {  	[sflag:s25] =	ssyncset.done $0x0  }
0xa4: {  	[sflag:s25] =	ssyncadd.s32 $0xFFFFC000  }
0xa5: {  	_ =	swait.ge [sflag:s26], $0x4000  }
0xa6: {  	[sflag:s26] =	ssyncset.done $0x0  }
0xa7: {  	[sflag:s26] =	ssyncadd.s32 $0xFFFFC000  }
0xa8: {  	[spmem:s1] =	stream.indirect.scatter.add.f32 [tilespmem:s24], [sflag:$0x4], $0x80, s30, s21, $0xb8;
	[tilespmem:$0x1E800] =	vst v63  }
0xa9: {  	_ =	swait.ge [sflag:s25], $0x4000  }
0xaa: {  	s31 =	sadd.s32 $0x1, s31;
	[sflag:s25] =	ssyncset.done $0x0  }
0xab: {  	p0 =	sne.s32 s31, s13;
	[sflag:s25] =	ssyncadd.s32 $0xFFFFC000  }
.Ltmp2:
0xac: {  	s0 =	sor.u32 $0x1C04, s6;
	[bflag:$0x0] =	sbarrier.arrive $0xFFFF;
	(pc) =	sbr.rel @p0 .LBB2_1-.Ltmp2, $4  }
0xad: {  	[hbm:s12], [sflag:s0] =	dma.local [spmem:s14], $0x2800  }
0xae: {  	_ =	swait.ge [sflag:s25], $0x2800  }
0xaf: {  	[sflag:s25] =	ssyncset.done $0x0  }
0xb0: {  	[sflag:s25] =	ssyncadd.s32 $0xFFFFD800  }
0xb1: {  	_ =	sfence.sel $0x180000  }
0xb2: {  	[bflag:$0x0] =	sbarrier.arrive $0xFFFF  }
0xb3: {  	_ =	strace $0x9000004A  }
0xb4: {  	s0 =	stileid.u32;
	[bflag:$0x2] =	sbarrier.arrive $0xFFFF  }
0xb5: {  	p0 =	sne.s32 s0, $0x0;
	s0 =	rddreg [dreg:$0x2]  }
0xb6: {  	s0 =	sadd.s32 @!p0 $0x100000, s0  }
0xb7: {  	[sflag:s0] =	ssyncadd.tile.s32 @!p0 $0x1;
	_ =	shalt  }
.Lfunc_end2:
_tile_overlayer_lowered:
.L_overlay_start_2:
0xb8: {  	(tag) =	ssettag $0x2  }
0xb9: {  	s0 =	rddreg [dreg:$0x0];
	s2 =	stileid.u32  }
0xba: {  	s1 =	rddreg [dreg:$0x1];
	p0 =	sne.s32 s2, $0x0  }
0xbb: {  	s3 =	rddreg [dreg:$0x2];
	[bflag:$0x3] =	sbarrier.arrive $0xFFFF;
	s2 =	simm.s32 @!p0 $0x1C04  }
0xbc: {  	[timem:s3], [sflag:s2] =	dma.local @!p0 [hbm:s0], s1  }
0xbd: {  	s0 =	simm.s32 @!p0 $0x4  }
0xbe: {  	_ =	swait.ge @!p0 [sflag:s0], s1  }
0xbf: {  	s1 =	ssub.s32 @!p0 $0x0, s1;
	[sflag:s0] =	ssyncset.done @!p0 $0x0  }
0xc0: {  	[sflag:s0] =	ssyncadd.s32 @!p0 s1  }
0xc1: {  	[bflag:$0x3] =	sbarrier.arrive $0xFFFF  }
0xc2: {  	_ =	shalt  }

// kernel: kernel.16.cloned.1.call-start
scs
__scs_entry_jumppad:
0x0: {  	(pc) =	sbr.rel $0x88, $3  }
0x1: {  	(tag) =	ssettag $0x0;
	lr =	simm.s32 $0x1  }
0x2: {  	[smem:$0x3F96] =	sst lr;
	_ =	strace $0xD0000000  }
0x3: {  	_ = 	snop  }
0x4: {  	_ = 	snop  }
0x5: {  	_ = 	snop  }
0x6: {  	_ = 	snop  }
0x7: {  	_ = 	snop  }
__scs_overlays_trampoline_lowered:
0x8: {  	[smem:$0x3FA5] =	sst s0  }
0x9: {  	[smem:$0x3FA6] =	sst s1  }
0xa: {  	[smem:$0x3FA7] =	sst s2  }
0xb: {  	[smem:$0x3FA8] =	sst s3  }
0xc: {  	[smem:$0x3FA9] =	sst s4  }
0xd: {  	[smem:$0x3FAA] =	sst s5  }
0xe: {  	[smem:$0x3FAB] =	sst s6  }
0xf: {  	[smem:$0x3FAC] =	sst s7  }
0x10: {  	[smem:$0x3FAD] =	sst s8  }
0x11: {  	[smem:$0x3FAE] =	sst s9;
	s0 =	simm.s32 @!p0 $0x0  }
0x12: {  	s1 =	sld [smem:$0x3F94];
	s0 =	simm.s32 @p0 $0x1  }
0x13: {  	[smem:$0x3FAF] =	sst s0;
	s0 =	simm.s32 @!p1 $0x0  }
0x14: {  	s2 =	sld [smem:$0x3F93];
	s0 =	simm.s32 @p1 $0x1  }
0x15: {  	[smem:$0x3FB0] =	sst s0;
	s0 =	simm.s32 @!p2 $0x0  }
0x16: {  	s3 =	sld [smem:$0x3FDB];
	s0 =	simm.s32 @p2 $0x1  }
0x17: {  	s4 =	simm.s32 $0x1BF5;
	[smem:$0x3FB2] =	sst s0  }
0x18: {  	s0 =	sld [smem:$0x3F95];
	_ =	swait.ge [sflag:s4], $0x0  }
0x19: {  	s7 =	sld [smem:$0x3F96]  }
0x1a: {  	s8 =	sadd.s32 $0xFFFFE003, lr  }
0x1b: {  	s9 =	sadd.s32 $0xFFFFFEF7, lr;
	s5 =	simm.s32 $0xFFFFFFFF;
	p2 =	slt.u32 s8, $0xFFFFF086  }
0x1c: {  	p1 =	slt.u32 s9, $0xF7A;
	s5 =	simm.s32 @!p2 $0x0  }
0x1d: {  	s5 =	simm.s32 @p1 $0x1;
	p0 =	seq.s32 s7, s2  }
0x1e: {  	s7 =	smul.u32 @!p0 $0xF7A, s2;
	p2 =	seq.s32 @!p0 s5, $0x0  }
0x1f: {  	s9 =	smul.u32 $0xF7A, s1;
	s8 =	simm.s32 @!p0 $0x1BF5;
	p2 =	por !p2, p0  }
0x20: {  	[sflag:s8] =	ssyncset.s32 @!p0 $0xFFFFF086;
	s6 =	sadd.s32 @!p0 s3, s7;
	s7 =	simm.s32 @!p0 $0x108  }
0x21: {  	s3 =	sadd.s32 s3, s9;
	s6 =	sadd.s32 @!p0 $0x88, s6;
	s7 =	simm.s32 @p2 $0x1082  }
0x22: {  	[simem:s7], [sflag:s8] =	dma.local @!p0 [hbm:s6], $0xF7A  }
0x23: {  	s9 =	sor.u32 $0xD0000000, s2;
	s6 =	simm.s32 $0x108;
	_ =	swait.ge @!p0 [sflag:s8], $0x0  }
0x24: {  	s3 =	sadd.s32 $0x88, s3;
	s6 =	simm.s32 @!p1 $0x1082;
	[sflag:s4] =	ssyncset.s32 $0xFFFFF086  }
0x25: {  	[simem:s6], [sflag:s4] =	dma.local [hbm:s3], $0xF7A  }
0x26: {  	[smem:$0x3F96] =	sst s1;
	(tag) =	ssettag s2;
	_ =	strace s9  }
0x27: {  	s1 =	sld [smem:$0x3FA6]  }
0x28: {  	s2 =	sld [smem:$0x3FA7]  }
0x29: {  	s4 =	sld [smem:$0x3FA9]  }
0x2a: {  	p0 =	seq.s32 s5, $0x0;
	s5 =	sld [smem:$0x3FAA]  }
0x2b: {  	s6 =	sld [smem:$0x3FAB]  }
0x2c: {  	s7 =	sld [smem:$0x3FAC]  }
0x2d: {  	s3 =	simm.s32 $0x108;
	s8 =	sld [smem:$0x3FAD]  }
0x2e: {  	s3 =	simm.s32 @!p0 $0x1082;
	s9 =	sld [smem:$0x3FAE]  }
0x2f: {  	lr =	sadd.s32 s0, s3;
	s0 =	sld [smem:$0x3FA5]  }
0x30: {  	s3 =	sld [smem:$0x3FA8]  }
0x31: {  	[smem:$0x3FB1] =	sst s10  }
0x32: {  	s10 =	sld [smem:$0x3FAF];
	_ =	sdelay $0x3  }
0x33: {  	p0 =	seq.s32 s10, $0x1;
	s10 =	sld [smem:$0x3FB1];
	_ =	sdelay $0x3  }
0x34: {  	[smem:$0x3FB1] =	sst s10  }
0x35: {  	s10 =	sld [smem:$0x3FB0];
	_ =	sdelay $0x3  }
0x36: {  	p1 =	seq.s32 s10, $0x1;
	s10 =	sld [smem:$0x3FB1];
	_ =	sdelay $0x3  }
0x37: {  	[smem:$0x3FB1] =	sst s10  }
0x38: {  	s10 =	sld [smem:$0x3FB2]  }
0x39: {  	_ = 	snop;
	(pc) =	sbr.ind lr, $3  }
0x3a: {  	_ = 	snop  }
0x3b: {  	_ = 	snop  }
0x3c: {  	p2 =	seq.s32 s10, $0x1;
	s10 =	sld [smem:$0x3FB1]  }
0x3d: {  	_ =	shalt  }
0x3e: {  	_ =	shalt  }
0x3f: {  	_ =	shalt  }
0x40: {  	_ =	shalt  }
0x41: {  	_ =	shalt  }
0x42: {  	_ =	shalt  }
0x43: {  	_ =	shalt  }
0x44: {  	_ =	shalt  }
0x45: {  	_ =	shalt  }
0x46: {  	_ =	shalt  }
0x47: {  	_ =	shalt  }
0x48: {  	_ =	shalt  }
0x49: {  	_ =	shalt  }
0x4a: {  	_ =	shalt  }
0x4b: {  	_ =	shalt  }
0x4c: {  	_ =	shalt  }
0x4d: {  	_ =	shalt  }
0x4e: {  	_ =	shalt  }
0x4f: {  	_ =	shalt  }
0x50: {  	_ =	shalt  }
0x51: {  	_ =	shalt  }
0x52: {  	_ =	shalt  }
0x53: {  	_ =	shalt  }
0x54: {  	_ =	shalt  }
0x55: {  	_ =	shalt  }
0x56: {  	_ =	shalt  }
0x57: {  	_ =	shalt  }
0x58: {  	_ =	shalt  }
0x59: {  	_ =	shalt  }
0x5a: {  	_ =	shalt  }
0x5b: {  	_ =	shalt  }
0x5c: {  	_ =	shalt  }
0x5d: {  	_ =	shalt  }
0x5e: {  	_ =	shalt  }
0x5f: {  	_ =	shalt  }
0x60: {  	_ =	shalt  }
0x61: {  	_ =	shalt  }
0x62: {  	_ =	shalt  }
0x63: {  	_ =	shalt  }
0x64: {  	_ =	shalt  }
0x65: {  	_ =	shalt  }
0x66: {  	_ =	shalt  }
0x67: {  	_ =	shalt  }
0x68: {  	_ =	shalt  }
0x69: {  	_ =	shalt  }
0x6a: {  	_ =	shalt  }
0x6b: {  	_ =	shalt  }
0x6c: {  	_ =	shalt  }
0x6d: {  	_ =	shalt  }
0x6e: {  	_ =	shalt  }
0x6f: {  	_ =	shalt  }
0x70: {  	_ =	shalt  }
0x71: {  	_ =	shalt  }
0x72: {  	_ =	shalt  }
0x73: {  	_ =	shalt  }
0x74: {  	_ =	shalt  }
0x75: {  	_ =	shalt  }
0x76: {  	_ =	shalt  }
0x77: {  	_ =	shalt  }
0x78: {  	_ =	shalt  }
0x79: {  	_ =	shalt  }
0x7a: {  	_ =	shalt  }
0x7b: {  	_ =	shalt  }
0x7c: {  	_ =	shalt  }
0x7d: {  	_ =	shalt  }
0x7e: {  	_ =	shalt  }
0x7f: {  	_ =	shalt  }
0x80: {  	_ =	shalt  }
0x81: {  	_ =	shalt  }
0x82: {  	_ =	shalt  }
0x83: {  	_ =	shalt  }
0x84: {  	_ =	shalt  }
0x85: {  	_ =	shalt  }
0x86: {  	_ =	shalt  }
0x87: {  	_ =	shalt  }
.Lfunc_end0:
.L_simem_size_0:
called_computation.2_lowered:
.L_overlay_start_0:
0x88: {  	s2 =	sld [smem:$0x3FD9]  }
0x89: {  	s3 =	sld [smem:$0x3FFE];
	_ =	sdelay $0x1  }
0x8a: {  	s1 =	srdreg.scid  }
0x8b: {  	s0 =	sand.u32 $0x1, s1  }
0x8c: {  	s16 =	sshll.u32 s0, $0xA;
	s2 =	sadd.s32 s3, s2  }
0x8d: {  	s2 =	sadd.s32 s2, s16  }
0x8e: {  	[smem:$0x3FBD] =	sst s2  }
0x8f: {  	_ = 	snop  }
0x90: {  	(tm) =	ssettm $0x1  }
0x91: {  	s17 =	sld [smem:$0x3FFB];
	_ =	sdelay $0x3  }
0x92: {  	_ =	strace s17  }
0x93: {  	s2 =	sld [smem:$0x3FFC];
	_ =	sdelay $0x3  }
0x94: {  	_ =	strace s2  }
0x95: {  	s2 =	sld [smem:$0x3FFD];
	_ =	sdelay $0x3  }
0x96: {  	_ =	strace s2  }
0x97: {  	_ =	strace $0x8FFFFFFF  }
0x98: {  	s18 =	sld [smem:$0x3FDB];
	_ =	sdelay $0x1  }
0x99: {  	s19 =	simm.s32 $_scs_section_size  }
0x9a: {  	s4 =	simm.s32 $_size__tile_overlayer_lowered;
	s5 =	simm.s32 $_tile_overlayer_lowered  }
0x9b: {  	s22 =	simm.s32 $0x1BFF;
	s21 =	sshll.u32 s5, $0x1;
	s2 =	sadd.s32 s19, s18  }
0x9c: {  	s6 =	simm.s32 $0x0;
	s20 =	sshll.u32 s4, $0x1;
	s4 =	sadd.s32 s21, s2  }
0x9d: {  	[timem:s6], [sflag:s22] =	dma.local [hbm:s4], s20  }
0x9e: {  	_ =	swait.ge [sflag:s22], s20  }
0x9f: {  	s3 =	ssub.s32 $0x0, s20;
	[sflag:s22] =	ssyncset.done $0x0  }
0xa0: {  	[sflag:s22] =	ssyncadd.s32 s3;
	_ =	sdelay $0x1  }
0xa1: {  	s23 =	simm.s32 $0x1B8B  }
0xa2: {  	_ =	swait.ge [sflag:s23], $0x1  }
0xa3: {  	[sflag:s23] =	ssyncset.done $0x0  }
0xa4: {  	s25 =	simm.s32 $0x1B8E;
	s24 =	sld [smem:$0x3FFE];
	[sflag:s23] =	ssyncadd.s32 $0xFFFFFFFF  }
0xa5: {  	s26 =	simm.s32 $execute0_lowered;
	[smem:$0x3FD2] =	sst s25  }
0xa6: {  	s4 =	sshll.u32 s26, $0x1;
	_ =	strace $0x8000004C;
	[dreg:$0x1] =	wrdreg $0xFFFFFFFF  }
0xa7: {  	s28 =	simm.s32 $_size_execute0_lowered;
	s2 =	sadd.s32 s2, s4;
	[dreg:$0x0] =	wrdreg $0x0  }
0xa8: {  	s4 =	sshll.u32 s28, $0x1;
	[dreg:$0x2] =	wrdreg s2  }
0xa9: {  	[dreg:$0x3] =	wrdreg s4  }
0xaa: {  	[dreg:$0x4] =	wrdreg $0xC0  }
0xab: {  	_ =	task [dreg:s6], $0x5FFFF  }
0xac: {  	[dreg:$0x1] =	wrdreg $0xFFFFFFFF  }
0xad: {  	[dreg:$0x0] =	wrdreg $0x60  }
0xae: {  	[dreg:$0x2] =	wrdreg s24  }
0xaf: {  	[dreg:$0x3] =	wrdreg $0xA8000  }
0xb0: {  	[dreg:$0x4] =	wrdreg $0x9  }
0xb1: {  	_ =	task.clear_ibuf [dreg:s6], $0x5FFFF;
	_ =	strace $0x9000004C  }
0xb2: {  	s29 =	simm.s32 $0x9;
	_ =	strace $0x8000004E  }
0xb3: {  	_ =	swait.ge [sflag:s29], $0x1  }
0xb4: {  	[sflag:s29] =	ssyncadd.s32 $0xFFFFFFFF  }
0xb5: {  	_ =	strace $0x9000004E  }
0xb6: {  	_ =	sfence  }
0xb7: {  	s30 =	sld [smem:$0x0];
	_ =	sdelay $0x2  }
0xb8: {  	s31 =	sshll.u32 s1, $0xD;
	s1 =	sshrl.u32 s1, $0x2  }
0xb9: {  	s3 =	sand.u32 $0x4000, s31;
	s1 =	sadd.s32 s1, s30  }
0xba: {  	s0 =	sor.u32 s3, s0;
	s1 =	sshll.u32 s1, $0x11  }
0xbb: {  	s0 =	sor.u32 s1, s0  }
0xbc: {  	s0 =	sadd.s32 $0x8F2B, s0  }
0xbd: {  	[sflag:s0] =	ssyncadd.remote.s32 $0x1  }
0xbe: {  	_ =	sfence.sel $0xFFFF  }
0xbf: {  	[dreg:$0x0] =	wrdreg $0xFFFFFFFF;
	(pc) =	sbr.abs _section_cstart, $3  }
0xc0: {  	[dreg:$0x1] =	wrdreg $0xFFFFFFFF  }
0xc1: {  	_ =	task.clear_ibuf [dreg:s6], $0x2FFFF;
	_ =	strace $0x9FFFFFFF  }
0xc2: {  	(tm) =	ssettm $0x7FFFFFFF  }
0xc3: {  	_ =	shalt  }
tec
execute0_lowered:
.L_overlay_start_1:
0x0: {  	(tag) =	ssettag $0x1  }
0x1: {  	s0 =	rddreg [dreg:$0x0]  }
0x2: {  	s1 =	rddreg [dreg:$0x1];
	s2 =	srdreg.scid;
	s3 =	simm.s32 $0x0  }
0x3: {  	s20 =	stileid.u32;
	s19 =	simm.s32 $0x1400;
	s28 =	simm.s32 $0x1380  }
0x4: {  	s29 =	simm.s32 $0x2700;
	s30 =	simm.s32 $0x2780;
	s31 =	simm.s32 $0x0  }
0x5: {  	s6 =	sand.u32 $0x1, s2;
	[smem:$0x7FF] =	sst s3;
	s8 =	smul.u32 $0x14000, s20  }
0x6: {  	s4 =	sadd.s32 $0x17A00, s0;
	s10 =	sadd.s32 $0xD200, s0;
	s9 =	smul.u32 $0x50000, s20  }
0x7: {  	s11 =	sadd.s32 $0x3200, s0;
	s5 =	sadd.s32 $0x17200, s0;
	s7 =	smul.u32 $0x140000, s6  }
0x8: {  	_ =	strace $0x8000004D;
	s21 =	ssub.s32 $0x2, s6;
	s6 =	sshll.u32 s6, $0x4  }
0x9: {  	s22 =	sshrl.u32 s21, $0x1;
	s23 =	sor.u32 s20, s6;
	s24 =	sshrl.u32 s9, $0x2  }
0xa: {  	s6 =	sshll.u32 s20, $0x6;
	s20 =	simm.s32 $0x1;
	s7 =	sadd.s32 s8, s7  }
0xb: {  	s13 =	ssub.s32 s21, s22;
	s14 =	sadd.s32 s24, s1;
	s25 =	smul.u32 $0x2800, s23  }
0xc: {  	s21 =	simm.s32 $0x80;
	s22 =	simm.s32 $0x2800;
	s23 =	simm.s32 $0x2  }
0xd: {  	s24 =	simm.s32 $0x6800;
	s7 =	sshrl.u32 s7, $0x3;
	s15 =	sadd.s32 $0x4000, s14  }
0xe: {  	s16 =	sadd.s32 $0x8000, s14;
	s17 =	sadd.s32 $0xC000, s14;
	s18 =	sadd.s32 $0x10000, s14  }
0xf: {  	s13 =	smax.u32 s13, $0x1;
	s14 =	sshrl.u32 s14, $0x3;
	s0 =	sadd.s32 s7, s0  }
0x10: {  	s7 =	sor.u32 $0x1C01, s6;
	s12 =	sshrl.u32 s25, $0x3;
	s15 =	sshrl.u32 s15, $0x3  }
0x11: {  	s16 =	sshrl.u32 s16, $0x3;
	s17 =	sshrl.u32 s17, $0x3;
	s18 =	sshrl.u32 s18, $0x3  }
0x12: {  	s26 =	sadd.s32 s10, s12;
	s9 =	sadd.s32 s11, s12;
	s12 =	sadd.s32 $0x280, s12  }
0x13: {  	s25 =	simm.s32 $0x4;
	[dreg:$0x3] =	wrdreg s26;
	s10 =	sadd.s32 s10, s12  }
0x14: {  	s11 =	sadd.s32 s11, s12;
	s12 =	sadd.s32 $0x3FA00, s0;
	s26 =	simm.s32 $0x3  }
.LBB2_1:
0x15: {  	[spmem:s14], [sflag:s7] =	dma.local [hbm:s5], $0x800  }
0x16: {  	[spmem:s15], [sflag:s7] =	dma.local [hbm:s5], $0x800  }
0x17: {  	[spmem:s16], [sflag:s7] =	dma.local [hbm:s5], $0x800  }
0x18: {  	[spmem:s17], [sflag:s7] =	dma.local [hbm:s5], $0x800  }
0x19: {  	[spmem:s18], [sflag:s7] =	dma.local [hbm:s5], $0x800  }
0x1a: {  	s0 =	rddreg [dreg:$0x3]  }
0x1b: {  	[tilespmem:s3], [sflag:$0x1] =	stream.linear.gather [hbm4b:s0+s3], $0x1400, $0x38;
	[tilespmem:$0x1E800] =	vst v63  }
0x1c: {  	_ = 	snop  }
0x1d: {  	[tilespmem:s19], [sflag:$0x1] =	stream.linear.gather [hbm4b:s9+s3], $0x1400, $0x38;
	[tilespmem:$0x1E800] =	vst v63  }
0x1e: {  	_ =	swait.ge [sflag:s20], $0x800  }
0x1f: {  	[sflag:s20] =	ssyncset.done $0x0  }
0x20: {  	[sflag:s20] =	ssyncadd.s32 $0xFFFFF800  }
0x21: {  	_ =	swait.ge [sflag:s20], $0x800  }
0x22: {  	[sflag:s20] =	ssyncset.done $0x0  }
0x23: {  	[sflag:s20] =	ssyncadd.s32 $0xFFFFF800  }
0x24: {  	_ =	swait.ge [sflag:s20], $0x800  }
0x25: {  	[sflag:s20] =	ssyncset.done $0x0  }
0x26: {  	[sflag:s20] =	ssyncadd.s32 $0xFFFFF800  }
0x27: {  	_ =	swait.ge [sflag:s20], $0x800  }
0x28: {  	[sflag:s20] =	ssyncset.done $0x0  }
0x29: {  	[sflag:s20] =	ssyncadd.s32 $0xFFFFF800  }
0x2a: {  	_ =	swait.ge [sflag:s20], $0x800  }
0x2b: {  	[sflag:s20] =	ssyncset.done $0x0  }
0x2c: {  	[sflag:s20] =	ssyncadd.s32 $0xFFFFF800  }
0x2d: {  	_ =	swait.ge [sflag:s20], $0x1400  }
0x2e: {  	[sflag:s20] =	ssyncset.done $0x0  }
0x2f: {  	[sflag:s20] =	ssyncadd.s32 $0xFFFFEC00  }
0x30: {  	_ =	swait.ge [sflag:s20], $0x1400  }
0x31: {  	[sflag:s20] =	ssyncset.done $0x0  }
0x32: {  	[sflag:s20] =	ssyncadd.s32 $0xFFFFEC00  }
0x33: {  	[bflag:$0x0] =	sbarrier.arrive $0xFFFF  }
0x34: {  	[tilespmem:s22], [sflag:$0x2] =	stream.indirect.gather [hbm4b:s4+s21], $0x80, s3, s21, $0xb8;
	[tilespmem:$0x1E800] =	vst v63  }
0x35: {  	_ =	swait.ge [sflag:s23], $0x4000  }
0x36: {  	[sflag:s23] =	ssyncset.done $0x0  }
0x37: {  	s2 =	simm.s32 $0x80;
	[sflag:s23] =	ssyncadd.s32 $0xFFFFC000  }
0x38: {  	[tilespmem:s24], [sflag:$0x3] =	stream.indirect.gather [hbm4b:s4+s21], $0x80, s2, s21, $0xb8;
	[tilespmem:$0x1E800] =	vst v63  }
0x39: {  	s8 =	simm.s32 $0x1400  }
0x3a: {  	[spmem:s1] =	stream.indirect.scatter.add.f32 [tilespmem:s22], [sflag:$0x4], $0x80, s8, s21, $0xb8;
	[tilespmem:$0x1E800] =	vst v63  }
0x3b: {  	_ =	swait.ge [sflag:s25], $0x4000  }
0x3c: {  	[sflag:s25] =	ssyncset.done $0x0  }
0x3d: {  	[sflag:s25] =	ssyncadd.s32 $0xFFFFC000  }
0x3e: {  	_ =	swait.ge [sflag:s26], $0x4000  }
0x3f: {  	[sflag:s26] =	ssyncset.done $0x0  }
0x40: {  	s2 =	simm.s32 $0x100;
	[sflag:s26] =	ssyncadd.s32 $0xFFFFC000  }
0x41: {  	[tilespmem:s22], [sflag:$0x2] =	stream.indirect.gather [hbm4b:s4+s21], $0x80, s2, s21, $0xb8;
	[tilespmem:$0x1E800] =	vst v63  }
0x42: {  	s8 =	simm.s32 $0x1480  }
0x43: {  	[spmem:s1] =	stream.indirect.scatter.add.f32 [tilespmem:s24], [sflag:$0x4], $0x80, s8, s21, $0xb8;
	[tilespmem:$0x1E800] =	vst v63  }
0x44: {  	_ =	swait.ge [sflag:s25], $0x4000  }
0x45: {  	s0 =	simm.s32 $0x400;
	[sflag:s25] =	ssyncset.done $0x0  }
.LBB2_2:
0x46: {  	p0 =	sne.s32 s0, $0x4800  }
0x47: {  	[sflag:s25] =	ssyncadd.s32 $0xFFFFC000;
	s2 =	smov.u32 s0;
	s0 =	sadd.s32 $0x400, s0  }
0x48: {  	_ = 	snop  }
0x49: {  	_ =	swait.ge [sflag:s23], $0x4000  }
0x4a: {  	s2 =	sshra.s32 s2, $0x2;
	[sflag:s23] =	ssyncset.done $0x0  }
0x4b: {  	s8 =	sadd.s32 $0x80, s2;
	[sflag:s23] =	ssyncadd.s32 $0xFFFFC000  }
0x4c: {  	[tilespmem:s24], [sflag:$0x3] =	stream.indirect.gather [hbm4b:s4+s21], $0x80, s8, s21, $0xb8;
	[tilespmem:$0x1E800] =	vst v63  }
0x4d: {  	s8 =	sadd.s32 $0x1400, s2  }
0x4e: {  	[spmem:s1] =	stream.indirect.scatter.add.f32 [tilespmem:s22], [sflag:$0x4], $0x80, s8, s21, $0xb8;
	[tilespmem:$0x1E800] =	vst v63  }
0x4f: {  	_ =	swait.ge [sflag:s25], $0x4000  }
0x50: {  	[sflag:s25] =	ssyncset.done $0x0  }
0x51: {  	[sflag:s25] =	ssyncadd.s32 $0xFFFFC000  }
0x52: {  	_ =	swait.ge [sflag:s26], $0x4000  }
0x53: {  	[sflag:s26] =	ssyncset.done $0x0  }
0x54: {  	s8 =	sadd.s32 $0x100, s2;
	[sflag:s26] =	ssyncadd.s32 $0xFFFFC000  }
0x55: {  	[tilespmem:s22], [sflag:$0x2] =	stream.indirect.gather [hbm4b:s4+s21], $0x80, s8, s21, $0xb8;
	[tilespmem:$0x1E800] =	vst v63  }
.Ltmp0:
0x56: {  	_ = 	snop;
	(pc) =	sbr.rel @p0 .LBB2_2-.Ltmp0, $4  }
0x57: {  	s2 =	sadd.s32 $0x1480, s2  }
0x58: {  	[spmem:s1] =	stream.indirect.scatter.add.f32 [tilespmem:s24], [sflag:$0x4], $0x80, s2, s21, $0xb8;
	[tilespmem:$0x1E800] =	vst v63  }
0x59: {  	_ =	swait.ge [sflag:s25], $0x4000  }
0x5a: {  	[sflag:s25] =	ssyncset.done $0x0  }
0x5b: {  	[sflag:s25] =	ssyncadd.s32 $0xFFFFC000  }
0x5c: {  	_ =	swait.ge [sflag:s23], $0x4000  }
0x5d: {  	[sflag:s23] =	ssyncset.done $0x0  }
0x5e: {  	[sflag:s23] =	ssyncadd.s32 $0xFFFFC000  }
0x5f: {  	[tilespmem:s24], [sflag:$0x3] =	stream.indirect.gather [hbm4b:s4+s21], $0x80, s28, s21, $0xb8;
	[tilespmem:$0x1E800] =	vst v63  }
0x60: {  	_ = 	snop  }
0x61: {  	[spmem:s1] =	stream.indirect.scatter.add.f32 [tilespmem:s22], [sflag:$0x4], $0x80, s29, s21, $0xb8;
	[tilespmem:$0x1E800] =	vst v63  }
0x62: {  	_ =	swait.ge [sflag:s25], $0x4000  }
0x63: {  	[sflag:s25] =	ssyncset.done $0x0  }
0x64: {  	[sflag:s25] =	ssyncadd.s32 $0xFFFFC000  }
0x65: {  	_ =	swait.ge [sflag:s26], $0x4000  }
0x66: {  	[sflag:s26] =	ssyncset.done $0x0  }
0x67: {  	[sflag:s26] =	ssyncadd.s32 $0xFFFFC000  }
0x68: {  	[spmem:s1] =	stream.indirect.scatter.add.f32 [tilespmem:s24], [sflag:$0x4], $0x80, s30, s21, $0xb8;
	[tilespmem:$0x1E800] =	vst v63  }
0x69: {  	_ =	swait.ge [sflag:s25], $0x4000  }
0x6a: {  	[sflag:s25] =	ssyncset.done $0x0  }
0x6b: {  	s0 =	simm.s32 $0x0;
	[sflag:s25] =	ssyncadd.s32 $0xFFFFC000  }
0x6c: {  	[tilespmem:s0], [sflag:$0x4] =	stream.linear.gather [hbm4b:s10+s0], $0x1400, $0x38;
	[tilespmem:$0x1E800] =	vst v63  }
0x6d: {  	_ =	swait.ge [sflag:s25], $0x1400  }
0x6e: {  	[sflag:s25] =	ssyncset.done $0x0  }
0x6f: {  	[sflag:s25] =	ssyncadd.s32 $0xFFFFEC00  }
0x70: {  	[tilespmem:s19], [sflag:$0x4] =	stream.linear.gather [hbm4b:s11+s0], $0x1400, $0x38;
	[tilespmem:$0x1E800] =	vst v63  }
0x71: {  	_ =	swait.ge [sflag:s25], $0x1400  }
0x72: {  	[sflag:s25] =	ssyncset.done $0x0  }
0x73: {  	[sflag:s25] =	ssyncadd.s32 $0xFFFFEC00  }
0x74: {  	[tilespmem:s22], [sflag:$0x2] =	stream.indirect.gather [hbm4b:s4+s21], $0x80, s0, s21, $0xb8;
	[tilespmem:$0x1E800] =	vst v63  }
0x75: {  	_ =	swait.ge [sflag:s23], $0x4000  }
0x76: {  	[sflag:s23] =	ssyncset.done $0x0  }
0x77: {  	s2 =	simm.s32 $0x80;
	[sflag:s23] =	ssyncadd.s32 $0xFFFFC000  }
0x78: {  	[tilespmem:s24], [sflag:$0x3] =	stream.indirect.gather [hbm4b:s4+s21], $0x80, s2, s21, $0xb8;
	[tilespmem:$0x1E800] =	vst v63  }
0x79: {  	s8 =	simm.s32 $0x1400  }
0x7a: {  	[spmem:s1] =	stream.indirect.scatter.add.f32 [tilespmem:s22], [sflag:$0x4], $0x80, s8, s21, $0xb8;
	[tilespmem:$0x1E800] =	vst v63  }
0x7b: {  	_ =	swait.ge [sflag:s25], $0x4000  }
0x7c: {  	[sflag:s25] =	ssyncset.done $0x0  }
0x7d: {  	[sflag:s25] =	ssyncadd.s32 $0xFFFFC000  }
0x7e: {  	_ =	swait.ge [sflag:s26], $0x4000  }
0x7f: {  	[sflag:s26] =	ssyncset.done $0x0  }
0x80: {  	s2 =	simm.s32 $0x100;
	[sflag:s26] =	ssyncadd.s32 $0xFFFFC000  }
0x81: {  	[tilespmem:s22], [sflag:$0x2] =	stream.indirect.gather [hbm4b:s4+s21], $0x80, s2, s21, $0xb8;
	[tilespmem:$0x1E800] =	vst v63  }
0x82: {  	s8 =	simm.s32 $0x1480  }
0x83: {  	[spmem:s1] =	stream.indirect.scatter.add.f32 [tilespmem:s24], [sflag:$0x4], $0x80, s8, s21, $0xb8;
	[tilespmem:$0x1E800] =	vst v63  }
0x84: {  	_ =	swait.ge [sflag:s25], $0x4000  }
0x85: {  	s0 =	simm.s32 $0x400;
	[sflag:s25] =	ssyncset.done $0x0  }
.LBB2_4:
0x86: {  	p0 =	sne.s32 s0, $0x4800  }
0x87: {  	[sflag:s25] =	ssyncadd.s32 $0xFFFFC000;
	s2 =	smov.u32 s0;
	s0 =	sadd.s32 $0x400, s0  }
0x88: {  	_ = 	snop  }
0x89: {  	_ =	swait.ge [sflag:s23], $0x4000  }
0x8a: {  	s2 =	sshra.s32 s2, $0x2;
	[sflag:s23] =	ssyncset.done $0x0  }
0x8b: {  	s8 =	sadd.s32 $0x80, s2;
	[sflag:s23] =	ssyncadd.s32 $0xFFFFC000  }
0x8c: {  	[tilespmem:s24], [sflag:$0x3] =	stream.indirect.gather [hbm4b:s4+s21], $0x80, s8, s21, $0xb8;
	[tilespmem:$0x1E800] =	vst v63  }
0x8d: {  	s8 =	sadd.s32 $0x1400, s2  }
0x8e: {  	[spmem:s1] =	stream.indirect.scatter.add.f32 [tilespmem:s22], [sflag:$0x4], $0x80, s8, s21, $0xb8;
	[tilespmem:$0x1E800] =	vst v63  }
0x8f: {  	_ =	swait.ge [sflag:s25], $0x4000  }
0x90: {  	[sflag:s25] =	ssyncset.done $0x0  }
0x91: {  	[sflag:s25] =	ssyncadd.s32 $0xFFFFC000  }
0x92: {  	_ =	swait.ge [sflag:s26], $0x4000  }
0x93: {  	[sflag:s26] =	ssyncset.done $0x0  }
0x94: {  	s8 =	sadd.s32 $0x100, s2;
	[sflag:s26] =	ssyncadd.s32 $0xFFFFC000  }
0x95: {  	[tilespmem:s22], [sflag:$0x2] =	stream.indirect.gather [hbm4b:s4+s21], $0x80, s8, s21, $0xb8;
	[tilespmem:$0x1E800] =	vst v63  }
.Ltmp1:
0x96: {  	_ = 	snop;
	(pc) =	sbr.rel @p0 .LBB2_4-.Ltmp1, $4  }
0x97: {  	s2 =	sadd.s32 $0x1480, s2  }
0x98: {  	[spmem:s1] =	stream.indirect.scatter.add.f32 [tilespmem:s24], [sflag:$0x4], $0x80, s2, s21, $0xb8;
	[tilespmem:$0x1E800] =	vst v63  }
0x99: {  	_ =	swait.ge [sflag:s25], $0x4000  }
0x9a: {  	[sflag:s25] =	ssyncset.done $0x0  }
0x9b: {  	[sflag:s25] =	ssyncadd.s32 $0xFFFFC000  }
0x9c: {  	_ =	swait.ge [sflag:s23], $0x4000  }
0x9d: {  	[sflag:s23] =	ssyncset.done $0x0  }
0x9e: {  	[sflag:s23] =	ssyncadd.s32 $0xFFFFC000  }
0x9f: {  	[tilespmem:s24], [sflag:$0x3] =	stream.indirect.gather [hbm4b:s4+s21], $0x80, s28, s21, $0xb8;
	[tilespmem:$0x1E800] =	vst v63  }
0xa0: {  	_ = 	snop  }
0xa1: {  	[spmem:s1] =	stream.indirect.scatter.add.f32 [tilespmem:s22], [sflag:$0x4], $0x80, s29, s21, $0xb8;
	[tilespmem:$0x1E800] =	vst v63  }
0xa2: {  	_ =	swait.ge [sflag:s25], $0x4000  }
0xa3: {  	[sflag:s25] =	ssyncset.done $0x0  }
0xa4: {  	[sflag:s25] =	ssyncadd.s32 $0xFFFFC000  }
0xa5: {  	_ =	swait.ge [sflag:s26], $0x4000  }
0xa6: {  	[sflag:s26] =	ssyncset.done $0x0  }
0xa7: {  	[sflag:s26] =	ssyncadd.s32 $0xFFFFC000  }
0xa8: {  	[spmem:s1] =	stream.indirect.scatter.add.f32 [tilespmem:s24], [sflag:$0x4], $0x80, s30, s21, $0xb8;
	[tilespmem:$0x1E800] =	vst v63  }
0xa9: {  	_ =	swait.ge [sflag:s25], $0x4000  }
0xaa: {  	s31 =	sadd.s32 $0x1, s31;
	[sflag:s25] =	ssyncset.done $0x0  }
0xab: {  	p0 =	sne.s32 s31, s13;
	[sflag:s25] =	ssyncadd.s32 $0xFFFFC000  }
.Ltmp2:
0xac: {  	s0 =	sor.u32 $0x1C04, s6;
	[bflag:$0x0] =	sbarrier.arrive $0xFFFF;
	(pc) =	sbr.rel @p0 .LBB2_1-.Ltmp2, $4  }
0xad: {  	[hbm:s12], [sflag:s0] =	dma.local [spmem:s14], $0x2800  }
0xae: {  	_ =	swait.ge [sflag:s25], $0x2800  }
0xaf: {  	[sflag:s25] =	ssyncset.done $0x0  }
0xb0: {  	[sflag:s25] =	ssyncadd.s32 $0xFFFFD800  }
0xb1: {  	_ =	sfence.sel $0x180000  }
0xb2: {  	[bflag:$0x0] =	sbarrier.arrive $0xFFFF  }
0xb3: {  	_ =	strace $0x9000004D  }
0xb4: {  	s0 =	stileid.u32;
	[bflag:$0x2] =	sbarrier.arrive $0xFFFF  }
0xb5: {  	p0 =	sne.s32 s0, $0x0;
	s0 =	rddreg [dreg:$0x2]  }
0xb6: {  	s0 =	sadd.s32 @!p0 $0x100000, s0  }
0xb7: {  	[sflag:s0] =	ssyncadd.tile.s32 @!p0 $0x1;
	_ =	shalt  }
.Lfunc_end2:
_tile_overlayer_lowered:
.L_overlay_start_2:
0xb8: {  	(tag) =	ssettag $0x2  }
0xb9: {  	s0 =	rddreg [dreg:$0x0];
	s2 =	stileid.u32  }
0xba: {  	s1 =	rddreg [dreg:$0x1];
	p0 =	sne.s32 s2, $0x0  }
0xbb: {  	s3 =	rddreg [dreg:$0x2];
	[bflag:$0x3] =	sbarrier.arrive $0xFFFF;
	s2 =	simm.s32 @!p0 $0x1C04  }
0xbc: {  	[timem:s3], [sflag:s2] =	dma.local @!p0 [hbm:s0], s1  }
0xbd: {  	s0 =	simm.s32 @!p0 $0x4  }
0xbe: {  	_ =	swait.ge @!p0 [sflag:s0], s1  }
0xbf: {  	s1 =	ssub.s32 @!p0 $0x0, s1;
	[sflag:s0] =	ssyncset.done @!p0 $0x0  }
0xc0: {  	[sflag:s0] =	ssyncadd.s32 @!p0 s1  }
0xc1: {  	[bflag:$0x3] =	sbarrier.arrive $0xFFFF  }
0xc2: {  	_ =	shalt  }

// kernel: kernel.19.cloned.1.call-start
scs
__scs_entry_jumppad:
0x0: {  	(pc) =	sbr.rel $0x88, $3  }
0x1: {  	(tag) =	ssettag $0x0;
	lr =	simm.s32 $0x1  }
0x2: {  	[smem:$0x3F96] =	sst lr;
	_ =	strace $0xD0000000  }
0x3: {  	_ = 	snop  }
0x4: {  	_ = 	snop  }
0x5: {  	_ = 	snop  }
0x6: {  	_ = 	snop  }
0x7: {  	_ = 	snop  }
__scs_overlays_trampoline_lowered:
0x8: {  	[smem:$0x3FA5] =	sst s0  }
0x9: {  	[smem:$0x3FA6] =	sst s1  }
0xa: {  	[smem:$0x3FA7] =	sst s2  }
0xb: {  	[smem:$0x3FA8] =	sst s3  }
0xc: {  	[smem:$0x3FA9] =	sst s4  }
0xd: {  	[smem:$0x3FAA] =	sst s5  }
0xe: {  	[smem:$0x3FAB] =	sst s6  }
0xf: {  	[smem:$0x3FAC] =	sst s7  }
0x10: {  	[smem:$0x3FAD] =	sst s8  }
0x11: {  	[smem:$0x3FAE] =	sst s9;
	s0 =	simm.s32 @!p0 $0x0  }
0x12: {  	s1 =	sld [smem:$0x3F94];
	s0 =	simm.s32 @p0 $0x1  }
0x13: {  	[smem:$0x3FAF] =	sst s0;
	s0 =	simm.s32 @!p1 $0x0  }
0x14: {  	s2 =	sld [smem:$0x3F93];
	s0 =	simm.s32 @p1 $0x1  }
0x15: {  	[smem:$0x3FB0] =	sst s0;
	s0 =	simm.s32 @!p2 $0x0  }
0x16: {  	s3 =	sld [smem:$0x3FDB];
	s0 =	simm.s32 @p2 $0x1  }
0x17: {  	s4 =	simm.s32 $0x1BF5;
	[smem:$0x3FB2] =	sst s0  }
0x18: {  	s0 =	sld [smem:$0x3F95];
	_ =	swait.ge [sflag:s4], $0x0  }
0x19: {  	s7 =	sld [smem:$0x3F96]  }
0x1a: {  	s8 =	sadd.s32 $0xFFFFE003, lr  }
0x1b: {  	s9 =	sadd.s32 $0xFFFFFEF7, lr;
	s5 =	simm.s32 $0xFFFFFFFF;
	p2 =	slt.u32 s8, $0xFFFFF086  }
0x1c: {  	p1 =	slt.u32 s9, $0xF7A;
	s5 =	simm.s32 @!p2 $0x0  }
0x1d: {  	s5 =	simm.s32 @p1 $0x1;
	p0 =	seq.s32 s7, s2  }
0x1e: {  	s7 =	smul.u32 @!p0 $0xF7A, s2;
	p2 =	seq.s32 @!p0 s5, $0x0  }
0x1f: {  	s9 =	smul.u32 $0xF7A, s1;
	s8 =	simm.s32 @!p0 $0x1BF5;
	p2 =	por !p2, p0  }
0x20: {  	[sflag:s8] =	ssyncset.s32 @!p0 $0xFFFFF086;
	s6 =	sadd.s32 @!p0 s3, s7;
	s7 =	simm.s32 @!p0 $0x108  }
0x21: {  	s3 =	sadd.s32 s3, s9;
	s6 =	sadd.s32 @!p0 $0x88, s6;
	s7 =	simm.s32 @p2 $0x1082  }
0x22: {  	[simem:s7], [sflag:s8] =	dma.local @!p0 [hbm:s6], $0xF7A  }
0x23: {  	s9 =	sor.u32 $0xD0000000, s2;
	s6 =	simm.s32 $0x108;
	_ =	swait.ge @!p0 [sflag:s8], $0x0  }
0x24: {  	s3 =	sadd.s32 $0x88, s3;
	s6 =	simm.s32 @!p1 $0x1082;
	[sflag:s4] =	ssyncset.s32 $0xFFFFF086  }
0x25: {  	[simem:s6], [sflag:s4] =	dma.local [hbm:s3], $0xF7A  }
0x26: {  	[smem:$0x3F96] =	sst s1;
	(tag) =	ssettag s2;
	_ =	strace s9  }
0x27: {  	s1 =	sld [smem:$0x3FA6]  }
0x28: {  	s2 =	sld [smem:$0x3FA7]  }
0x29: {  	s4 =	sld [smem:$0x3FA9]  }
0x2a: {  	p0 =	seq.s32 s5, $0x0;
	s5 =	sld [smem:$0x3FAA]  }
0x2b: {  	s6 =	sld [smem:$0x3FAB]  }
0x2c: {  	s7 =	sld [smem:$0x3FAC]  }
0x2d: {  	s3 =	simm.s32 $0x108;
	s8 =	sld [smem:$0x3FAD]  }
0x2e: {  	s3 =	simm.s32 @!p0 $0x1082;
	s9 =	sld [smem:$0x3FAE]  }
0x2f: {  	lr =	sadd.s32 s0, s3;
	s0 =	sld [smem:$0x3FA5]  }
0x30: {  	s3 =	sld [smem:$0x3FA8]  }
0x31: {  	[smem:$0x3FB1] =	sst s10  }
0x32: {  	s10 =	sld [smem:$0x3FAF];
	_ =	sdelay $0x3  }
0x33: {  	p0 =	seq.s32 s10, $0x1;
	s10 =	sld [smem:$0x3FB1];
	_ =	sdelay $0x3  }
0x34: {  	[smem:$0x3FB1] =	sst s10  }
0x35: {  	s10 =	sld [smem:$0x3FB0];
	_ =	sdelay $0x3  }
0x36: {  	p1 =	seq.s32 s10, $0x1;
	s10 =	sld [smem:$0x3FB1];
	_ =	sdelay $0x3  }
0x37: {  	[smem:$0x3FB1] =	sst s10  }
0x38: {  	s10 =	sld [smem:$0x3FB2]  }
0x39: {  	_ = 	snop;
	(pc) =	sbr.ind lr, $3  }
0x3a: {  	_ = 	snop  }
0x3b: {  	_ = 	snop  }
0x3c: {  	p2 =	seq.s32 s10, $0x1;
	s10 =	sld [smem:$0x3FB1]  }
0x3d: {  	_ =	shalt  }
0x3e: {  	_ =	shalt  }
0x3f: {  	_ =	shalt  }
0x40: {  	_ =	shalt  }
0x41: {  	_ =	shalt  }
0x42: {  	_ =	shalt  }
0x43: {  	_ =	shalt  }
0x44: {  	_ =	shalt  }
0x45: {  	_ =	shalt  }
0x46: {  	_ =	shalt  }
0x47: {  	_ =	shalt  }
0x48: {  	_ =	shalt  }
0x49: {  	_ =	shalt  }
0x4a: {  	_ =	shalt  }
0x4b: {  	_ =	shalt  }
0x4c: {  	_ =	shalt  }
0x4d: {  	_ =	shalt  }
0x4e: {  	_ =	shalt  }
0x4f: {  	_ =	shalt  }
0x50: {  	_ =	shalt  }
0x51: {  	_ =	shalt  }
0x52: {  	_ =	shalt  }
0x53: {  	_ =	shalt  }
0x54: {  	_ =	shalt  }
0x55: {  	_ =	shalt  }
0x56: {  	_ =	shalt  }
0x57: {  	_ =	shalt  }
0x58: {  	_ =	shalt  }
0x59: {  	_ =	shalt  }
0x5a: {  	_ =	shalt  }
0x5b: {  	_ =	shalt  }
0x5c: {  	_ =	shalt  }
0x5d: {  	_ =	shalt  }
0x5e: {  	_ =	shalt  }
0x5f: {  	_ =	shalt  }
0x60: {  	_ =	shalt  }
0x61: {  	_ =	shalt  }
0x62: {  	_ =	shalt  }
0x63: {  	_ =	shalt  }
0x64: {  	_ =	shalt  }
0x65: {  	_ =	shalt  }
0x66: {  	_ =	shalt  }
0x67: {  	_ =	shalt  }
0x68: {  	_ =	shalt  }
0x69: {  	_ =	shalt  }
0x6a: {  	_ =	shalt  }
0x6b: {  	_ =	shalt  }
0x6c: {  	_ =	shalt  }
0x6d: {  	_ =	shalt  }
0x6e: {  	_ =	shalt  }
0x6f: {  	_ =	shalt  }
0x70: {  	_ =	shalt  }
0x71: {  	_ =	shalt  }
0x72: {  	_ =	shalt  }
0x73: {  	_ =	shalt  }
0x74: {  	_ =	shalt  }
0x75: {  	_ =	shalt  }
0x76: {  	_ =	shalt  }
0x77: {  	_ =	shalt  }
0x78: {  	_ =	shalt  }
0x79: {  	_ =	shalt  }
0x7a: {  	_ =	shalt  }
0x7b: {  	_ =	shalt  }
0x7c: {  	_ =	shalt  }
0x7d: {  	_ =	shalt  }
0x7e: {  	_ =	shalt  }
0x7f: {  	_ =	shalt  }
0x80: {  	_ =	shalt  }
0x81: {  	_ =	shalt  }
0x82: {  	_ =	shalt  }
0x83: {  	_ =	shalt  }
0x84: {  	_ =	shalt  }
0x85: {  	_ =	shalt  }
0x86: {  	_ =	shalt  }
0x87: {  	_ =	shalt  }
.Lfunc_end0:
.L_simem_size_0:
called_computation.3_lowered:
.L_overlay_start_0:
0x88: {  	s2 =	sld [smem:$0x3FD9]  }
0x89: {  	s3 =	sld [smem:$0x3FFE];
	_ =	sdelay $0x1  }
0x8a: {  	s1 =	srdreg.scid  }
0x8b: {  	s0 =	sand.u32 $0x1, s1  }
0x8c: {  	s16 =	sshll.u32 s0, $0xA;
	s2 =	sadd.s32 s3, s2  }
0x8d: {  	s2 =	sadd.s32 s2, s16  }
0x8e: {  	[smem:$0x3FBD] =	sst s2  }
0x8f: {  	_ = 	snop  }
0x90: {  	(tm) =	ssettm $0x1  }
0x91: {  	s17 =	sld [smem:$0x3FFB];
	_ =	sdelay $0x3  }
0x92: {  	_ =	strace s17  }
0x93: {  	s2 =	sld [smem:$0x3FFC];
	_ =	sdelay $0x3  }
0x94: {  	_ =	strace s2  }
0x95: {  	s2 =	sld [smem:$0x3FFD];
	_ =	sdelay $0x3  }
0x96: {  	_ =	strace s2  }
0x97: {  	_ =	strace $0x8FFFFFFF  }
0x98: {  	s18 =	sld [smem:$0x3FDB];
	_ =	sdelay $0x1  }
0x99: {  	s19 =	simm.s32 $_scs_section_size  }
0x9a: {  	s4 =	simm.s32 $_size__tile_overlayer_lowered;
	s5 =	simm.s32 $_tile_overlayer_lowered  }
0x9b: {  	s22 =	simm.s32 $0x1BFF;
	s21 =	sshll.u32 s5, $0x1;
	s2 =	sadd.s32 s19, s18  }
0x9c: {  	s6 =	simm.s32 $0x0;
	s20 =	sshll.u32 s4, $0x1;
	s4 =	sadd.s32 s21, s2  }
0x9d: {  	[timem:s6], [sflag:s22] =	dma.local [hbm:s4], s20  }
0x9e: {  	_ =	swait.ge [sflag:s22], s20  }
0x9f: {  	s3 =	ssub.s32 $0x0, s20;
	[sflag:s22] =	ssyncset.done $0x0  }
0xa0: {  	[sflag:s22] =	ssyncadd.s32 s3;
	_ =	sdelay $0x1  }
0xa1: {  	s23 =	simm.s32 $0x1B8B  }
0xa2: {  	_ =	swait.ge [sflag:s23], $0x1  }
0xa3: {  	[sflag:s23] =	ssyncset.done $0x0  }
0xa4: {  	s25 =	simm.s32 $0x1B8E;
	s24 =	sld [smem:$0x3FFE];
	[sflag:s23] =	ssyncadd.s32 $0xFFFFFFFF  }
0xa5: {  	s26 =	simm.s32 $execute0_lowered;
	[smem:$0x3FD2] =	sst s25  }
0xa6: {  	s4 =	sshll.u32 s26, $0x1;
	_ =	strace $0x8000004F;
	[dreg:$0x1] =	wrdreg $0xFFFFFFFF  }
0xa7: {  	s28 =	simm.s32 $_size_execute0_lowered;
	s2 =	sadd.s32 s2, s4;
	[dreg:$0x0] =	wrdreg $0x0  }
0xa8: {  	s4 =	sshll.u32 s28, $0x1;
	[dreg:$0x2] =	wrdreg s2  }
0xa9: {  	[dreg:$0x3] =	wrdreg s4  }
0xaa: {  	[dreg:$0x4] =	wrdreg $0xC0  }
0xab: {  	_ =	task [dreg:s6], $0x5FFFF  }
0xac: {  	[dreg:$0x1] =	wrdreg $0xFFFFFFFF  }
0xad: {  	[dreg:$0x0] =	wrdreg $0x60  }
0xae: {  	[dreg:$0x2] =	wrdreg s24  }
0xaf: {  	[dreg:$0x3] =	wrdreg $0xA8000  }
0xb0: {  	[dreg:$0x4] =	wrdreg $0x9  }
0xb1: {  	_ =	task.clear_ibuf [dreg:s6], $0x5FFFF;
	_ =	strace $0x9000004F  }
0xb2: {  	s29 =	simm.s32 $0x9;
	_ =	strace $0x80000051  }
0xb3: {  	_ =	swait.ge [sflag:s29], $0x1  }
0xb4: {  	[sflag:s29] =	ssyncadd.s32 $0xFFFFFFFF  }
0xb5: {  	_ =	strace $0x90000051  }
0xb6: {  	_ =	sfence  }
0xb7: {  	s30 =	sld [smem:$0x0];
	_ =	sdelay $0x2  }
0xb8: {  	s31 =	sshll.u32 s1, $0xD;
	s1 =	sshrl.u32 s1, $0x2  }
0xb9: {  	s3 =	sand.u32 $0x4000, s31;
	s1 =	sadd.s32 s1, s30  }
0xba: {  	s0 =	sor.u32 s3, s0;
	s1 =	sshll.u32 s1, $0x11  }
0xbb: {  	s0 =	sor.u32 s1, s0  }
0xbc: {  	s0 =	sadd.s32 $0x8F2B, s0  }
0xbd: {  	[sflag:s0] =	ssyncadd.remote.s32 $0x1  }
0xbe: {  	_ =	sfence.sel $0xFFFF  }
0xbf: {  	[dreg:$0x0] =	wrdreg $0xFFFFFFFF;
	(pc) =	sbr.abs _section_cstart, $3  }
0xc0: {  	[dreg:$0x1] =	wrdreg $0xFFFFFFFF  }
0xc1: {  	_ =	task.clear_ibuf [dreg:s6], $0x2FFFF;
	_ =	strace $0x9FFFFFFF  }
0xc2: {  	(tm) =	ssettm $0x7FFFFFFF  }
0xc3: {  	_ =	shalt  }
tec
execute0_lowered:
.L_overlay_start_1:
0x0: {  	(tag) =	ssettag $0x1  }
0x1: {  	s0 =	rddreg [dreg:$0x0]  }
0x2: {  	s1 =	rddreg [dreg:$0x1];
	s2 =	srdreg.scid;
	s3 =	simm.s32 $0x0  }
0x3: {  	s20 =	stileid.u32;
	s19 =	simm.s32 $0x1400;
	s28 =	simm.s32 $0x1380  }
0x4: {  	s29 =	simm.s32 $0x2700;
	s30 =	simm.s32 $0x2780;
	s31 =	simm.s32 $0x0  }
0x5: {  	s6 =	sand.u32 $0x1, s2;
	[smem:$0x7FF] =	sst s3;
	s8 =	smul.u32 $0x14000, s20  }
0x6: {  	s4 =	sadd.s32 $0x17A00, s0;
	s10 =	sadd.s32 $0xD200, s0;
	s9 =	smul.u32 $0x50000, s20  }
0x7: {  	s11 =	sadd.s32 $0x3200, s0;
	s5 =	sadd.s32 $0x17200, s0;
	s7 =	smul.u32 $0x140000, s6  }
0x8: {  	_ =	strace $0x80000050;
	s21 =	ssub.s32 $0x2, s6;
	s6 =	sshll.u32 s6, $0x4  }
0x9: {  	s22 =	sshrl.u32 s21, $0x1;
	s23 =	sor.u32 s20, s6;
	s24 =	sshrl.u32 s9, $0x2  }
0xa: {  	s6 =	sshll.u32 s20, $0x6;
	s20 =	simm.s32 $0x1;
	s7 =	sadd.s32 s8, s7  }
0xb: {  	s13 =	ssub.s32 s21, s22;
	s14 =	sadd.s32 s24, s1;
	s25 =	smul.u32 $0x2800, s23  }
0xc: {  	s21 =	simm.s32 $0x80;
	s22 =	simm.s32 $0x2800;
	s23 =	simm.s32 $0x2  }
0xd: {  	s24 =	simm.s32 $0x6800;
	s7 =	sshrl.u32 s7, $0x3;
	s15 =	sadd.s32 $0x4000, s14  }
0xe: {  	s16 =	sadd.s32 $0x8000, s14;
	s17 =	sadd.s32 $0xC000, s14;
	s18 =	sadd.s32 $0x10000, s14  }
0xf: {  	s13 =	smax.u32 s13, $0x1;
	s14 =	sshrl.u32 s14, $0x3;
	s0 =	sadd.s32 s7, s0  }
0x10: {  	s7 =	sor.u32 $0x1C01, s6;
	s12 =	sshrl.u32 s25, $0x3;
	s15 =	sshrl.u32 s15, $0x3  }
0x11: {  	s16 =	sshrl.u32 s16, $0x3;
	s17 =	sshrl.u32 s17, $0x3;
	s18 =	sshrl.u32 s18, $0x3  }
0x12: {  	s26 =	sadd.s32 s10, s12;
	s9 =	sadd.s32 s11, s12;
	s12 =	sadd.s32 $0x280, s12  }
0x13: {  	s25 =	simm.s32 $0x4;
	[dreg:$0x3] =	wrdreg s26;
	s10 =	sadd.s32 s10, s12  }
0x14: {  	s11 =	sadd.s32 s11, s12;
	s12 =	sadd.s32 $0x3FA00, s0;
	s26 =	simm.s32 $0x3  }
.LBB2_1:
0x15: {  	[spmem:s14], [sflag:s7] =	dma.local [hbm:s5], $0x800  }
0x16: {  	[spmem:s15], [sflag:s7] =	dma.local [hbm:s5], $0x800  }
0x17: {  	[spmem:s16], [sflag:s7] =	dma.local [hbm:s5], $0x800  }
0x18: {  	[spmem:s17], [sflag:s7] =	dma.local [hbm:s5], $0x800  }
0x19: {  	[spmem:s18], [sflag:s7] =	dma.local [hbm:s5], $0x800  }
0x1a: {  	s0 =	rddreg [dreg:$0x3]  }
0x1b: {  	[tilespmem:s3], [sflag:$0x1] =	stream.linear.gather [hbm4b:s0+s3], $0x1400, $0x38;
	[tilespmem:$0x1E800] =	vst v63  }
0x1c: {  	_ = 	snop  }
0x1d: {  	[tilespmem:s19], [sflag:$0x1] =	stream.linear.gather [hbm4b:s9+s3], $0x1400, $0x38;
	[tilespmem:$0x1E800] =	vst v63  }
0x1e: {  	_ =	swait.ge [sflag:s20], $0x800  }
0x1f: {  	[sflag:s20] =	ssyncset.done $0x0  }
0x20: {  	[sflag:s20] =	ssyncadd.s32 $0xFFFFF800  }
0x21: {  	_ =	swait.ge [sflag:s20], $0x800  }
0x22: {  	[sflag:s20] =	ssyncset.done $0x0  }
0x23: {  	[sflag:s20] =	ssyncadd.s32 $0xFFFFF800  }
0x24: {  	_ =	swait.ge [sflag:s20], $0x800  }
0x25: {  	[sflag:s20] =	ssyncset.done $0x0  }
0x26: {  	[sflag:s20] =	ssyncadd.s32 $0xFFFFF800  }
0x27: {  	_ =	swait.ge [sflag:s20], $0x800  }
0x28: {  	[sflag:s20] =	ssyncset.done $0x0  }
0x29: {  	[sflag:s20] =	ssyncadd.s32 $0xFFFFF800  }
0x2a: {  	_ =	swait.ge [sflag:s20], $0x800  }
0x2b: {  	[sflag:s20] =	ssyncset.done $0x0  }
0x2c: {  	[sflag:s20] =	ssyncadd.s32 $0xFFFFF800  }
0x2d: {  	_ =	swait.ge [sflag:s20], $0x1400  }
0x2e: {  	[sflag:s20] =	ssyncset.done $0x0  }
0x2f: {  	[sflag:s20] =	ssyncadd.s32 $0xFFFFEC00  }
0x30: {  	_ =	swait.ge [sflag:s20], $0x1400  }
0x31: {  	[sflag:s20] =	ssyncset.done $0x0  }
0x32: {  	[sflag:s20] =	ssyncadd.s32 $0xFFFFEC00  }
0x33: {  	[bflag:$0x0] =	sbarrier.arrive $0xFFFF  }
0x34: {  	[tilespmem:s22], [sflag:$0x2] =	stream.indirect.gather [hbm4b:s4+s21], $0x80, s3, s21, $0xb8;
	[tilespmem:$0x1E800] =	vst v63  }
0x35: {  	_ =	swait.ge [sflag:s23], $0x4000  }
0x36: {  	[sflag:s23] =	ssyncset.done $0x0  }
0x37: {  	s2 =	simm.s32 $0x80;
	[sflag:s23] =	ssyncadd.s32 $0xFFFFC000  }
0x38: {  	[tilespmem:s24], [sflag:$0x3] =	stream.indirect.gather [hbm4b:s4+s21], $0x80, s2, s21, $0xb8;
	[tilespmem:$0x1E800] =	vst v63  }
0x39: {  	s8 =	simm.s32 $0x1400  }
0x3a: {  	[spmem:s1] =	stream.indirect.scatter.add.f32 [tilespmem:s22], [sflag:$0x4], $0x80, s8, s21, $0xb8;
	[tilespmem:$0x1E800] =	vst v63  }
0x3b: {  	_ =	swait.ge [sflag:s25], $0x4000  }
0x3c: {  	[sflag:s25] =	ssyncset.done $0x0  }
0x3d: {  	[sflag:s25] =	ssyncadd.s32 $0xFFFFC000  }
0x3e: {  	_ =	swait.ge [sflag:s26], $0x4000  }
0x3f: {  	[sflag:s26] =	ssyncset.done $0x0  }
0x40: {  	s2 =	simm.s32 $0x100;
	[sflag:s26] =	ssyncadd.s32 $0xFFFFC000  }
0x41: {  	[tilespmem:s22], [sflag:$0x2] =	stream.indirect.gather [hbm4b:s4+s21], $0x80, s2, s21, $0xb8;
	[tilespmem:$0x1E800] =	vst v63  }
0x42: {  	s8 =	simm.s32 $0x1480  }
0x43: {  	[spmem:s1] =	stream.indirect.scatter.add.f32 [tilespmem:s24], [sflag:$0x4], $0x80, s8, s21, $0xb8;
	[tilespmem:$0x1E800] =	vst v63  }
0x44: {  	_ =	swait.ge [sflag:s25], $0x4000  }
0x45: {  	s0 =	simm.s32 $0x400;
	[sflag:s25] =	ssyncset.done $0x0  }
.LBB2_2:
0x46: {  	p0 =	sne.s32 s0, $0x4800  }
0x47: {  	[sflag:s25] =	ssyncadd.s32 $0xFFFFC000;
	s2 =	smov.u32 s0;
	s0 =	sadd.s32 $0x400, s0  }
0x48: {  	_ = 	snop  }
0x49: {  	_ =	swait.ge [sflag:s23], $0x4000  }
0x4a: {  	s2 =	sshra.s32 s2, $0x2;
	[sflag:s23] =	ssyncset.done $0x0  }
0x4b: {  	s8 =	sadd.s32 $0x80, s2;
	[sflag:s23] =	ssyncadd.s32 $0xFFFFC000  }
0x4c: {  	[tilespmem:s24], [sflag:$0x3] =	stream.indirect.gather [hbm4b:s4+s21], $0x80, s8, s21, $0xb8;
	[tilespmem:$0x1E800] =	vst v63  }
0x4d: {  	s8 =	sadd.s32 $0x1400, s2  }
0x4e: {  	[spmem:s1] =	stream.indirect.scatter.add.f32 [tilespmem:s22], [sflag:$0x4], $0x80, s8, s21, $0xb8;
	[tilespmem:$0x1E800] =	vst v63  }
0x4f: {  	_ =	swait.ge [sflag:s25], $0x4000  }
0x50: {  	[sflag:s25] =	ssyncset.done $0x0  }
0x51: {  	[sflag:s25] =	ssyncadd.s32 $0xFFFFC000  }
0x52: {  	_ =	swait.ge [sflag:s26], $0x4000  }
0x53: {  	[sflag:s26] =	ssyncset.done $0x0  }
0x54: {  	s8 =	sadd.s32 $0x100, s2;
	[sflag:s26] =	ssyncadd.s32 $0xFFFFC000  }
0x55: {  	[tilespmem:s22], [sflag:$0x2] =	stream.indirect.gather [hbm4b:s4+s21], $0x80, s8, s21, $0xb8;
	[tilespmem:$0x1E800] =	vst v63  }
.Ltmp0:
0x56: {  	_ = 	snop;
	(pc) =	sbr.rel @p0 .LBB2_2-.Ltmp0, $4  }
0x57: {  	s2 =	sadd.s32 $0x1480, s2  }
0x58: {  	[spmem:s1] =	stream.indirect.scatter.add.f32 [tilespmem:s24], [sflag:$0x4], $0x80, s2, s21, $0xb8;
	[tilespmem:$0x1E800] =	vst v63  }
0x59: {  	_ =	swait.ge [sflag:s25], $0x4000  }
0x5a: {  	[sflag:s25] =	ssyncset.done $0x0  }
0x5b: {  	[sflag:s25] =	ssyncadd.s32 $0xFFFFC000  }
0x5c: {  	_ =	swait.ge [sflag:s23], $0x4000  }
0x5d: {  	[sflag:s23] =	ssyncset.done $0x0  }
0x5e: {  	[sflag:s23] =	ssyncadd.s32 $0xFFFFC000  }
0x5f: {  	[tilespmem:s24], [sflag:$0x3] =	stream.indirect.gather [hbm4b:s4+s21], $0x80, s28, s21, $0xb8;
	[tilespmem:$0x1E800] =	vst v63  }
0x60: {  	_ = 	snop  }
0x61: {  	[spmem:s1] =	stream.indirect.scatter.add.f32 [tilespmem:s22], [sflag:$0x4], $0x80, s29, s21, $0xb8;
	[tilespmem:$0x1E800] =	vst v63  }
0x62: {  	_ =	swait.ge [sflag:s25], $0x4000  }
0x63: {  	[sflag:s25] =	ssyncset.done $0x0  }
0x64: {  	[sflag:s25] =	ssyncadd.s32 $0xFFFFC000  }
0x65: {  	_ =	swait.ge [sflag:s26], $0x4000  }
0x66: {  	[sflag:s26] =	ssyncset.done $0x0  }
0x67: {  	[sflag:s26] =	ssyncadd.s32 $0xFFFFC000  }
0x68: {  	[spmem:s1] =	stream.indirect.scatter.add.f32 [tilespmem:s24], [sflag:$0x4], $0x80, s30, s21, $0xb8;
	[tilespmem:$0x1E800] =	vst v63  }
0x69: {  	_ =	swait.ge [sflag:s25], $0x4000  }
0x6a: {  	[sflag:s25] =	ssyncset.done $0x0  }
0x6b: {  	s0 =	simm.s32 $0x0;
	[sflag:s25] =	ssyncadd.s32 $0xFFFFC000  }
0x6c: {  	[tilespmem:s0], [sflag:$0x4] =	stream.linear.gather [hbm4b:s10+s0], $0x1400, $0x38;
	[tilespmem:$0x1E800] =	vst v63  }
0x6d: {  	_ =	swait.ge [sflag:s25], $0x1400  }
0x6e: {  	[sflag:s25] =	ssyncset.done $0x0  }
0x6f: {  	[sflag:s25] =	ssyncadd.s32 $0xFFFFEC00  }
0x70: {  	[tilespmem:s19], [sflag:$0x4] =	stream.linear.gather [hbm4b:s11+s0], $0x1400, $0x38;
	[tilespmem:$0x1E800] =	vst v63  }
0x71: {  	_ =	swait.ge [sflag:s25], $0x1400  }
0x72: {  	[sflag:s25] =	ssyncset.done $0x0  }
0x73: {  	[sflag:s25] =	ssyncadd.s32 $0xFFFFEC00  }
0x74: {  	[tilespmem:s22], [sflag:$0x2] =	stream.indirect.gather [hbm4b:s4+s21], $0x80, s0, s21, $0xb8;
	[tilespmem:$0x1E800] =	vst v63  }
0x75: {  	_ =	swait.ge [sflag:s23], $0x4000  }
0x76: {  	[sflag:s23] =	ssyncset.done $0x0  }
0x77: {  	s2 =	simm.s32 $0x80;
	[sflag:s23] =	ssyncadd.s32 $0xFFFFC000  }
0x78: {  	[tilespmem:s24], [sflag:$0x3] =	stream.indirect.gather [hbm4b:s4+s21], $0x80, s2, s21, $0xb8;
	[tilespmem:$0x1E800] =	vst v63  }
0x79: {  	s8 =	simm.s32 $0x1400  }
0x7a: {  	[spmem:s1] =	stream.indirect.scatter.add.f32 [tilespmem:s22], [sflag:$0x4], $0x80, s8, s21, $0xb8;
	[tilespmem:$0x1E800] =	vst v63  }
0x7b: {  	_ =	swait.ge [sflag:s25], $0x4000  }
0x7c: {  	[sflag:s25] =	ssyncset.done $0x0  }
0x7d: {  	[sflag:s25] =	ssyncadd.s32 $0xFFFFC000  }
0x7e: {  	_ =	swait.ge [sflag:s26], $0x4000  }
0x7f: {  	[sflag:s26] =	ssyncset.done $0x0  }
0x80: {  	s2 =	simm.s32 $0x100;
	[sflag:s26] =	ssyncadd.s32 $0xFFFFC000  }
0x81: {  	[tilespmem:s22], [sflag:$0x2] =	stream.indirect.gather [hbm4b:s4+s21], $0x80, s2, s21, $0xb8;
	[tilespmem:$0x1E800] =	vst v63  }
0x82: {  	s8 =	simm.s32 $0x1480  }
0x83: {  	[spmem:s1] =	stream.indirect.scatter.add.f32 [tilespmem:s24], [sflag:$0x4], $0x80, s8, s21, $0xb8;
	[tilespmem:$0x1E800] =	vst v63  }
0x84: {  	_ =	swait.ge [sflag:s25], $0x4000  }
0x85: {  	s0 =	simm.s32 $0x400;
	[sflag:s25] =	ssyncset.done $0x0  }
.LBB2_4:
0x86: {  	p0 =	sne.s32 s0, $0x4800  }
0x87: {  	[sflag:s25] =	ssyncadd.s32 $0xFFFFC000;
	s2 =	smov.u32 s0;
	s0 =	sadd.s32 $0x400, s0  }
0x88: {  	_ = 	snop  }
0x89: {  	_ =	swait.ge [sflag:s23], $0x4000  }
0x8a: {  	s2 =	sshra.s32 s2, $0x2;
	[sflag:s23] =	ssyncset.done $0x0  }
0x8b: {  	s8 =	sadd.s32 $0x80, s2;
	[sflag:s23] =	ssyncadd.s32 $0xFFFFC000  }
0x8c: {  	[tilespmem:s24], [sflag:$0x3] =	stream.indirect.gather [hbm4b:s4+s21], $0x80, s8, s21, $0xb8;
	[tilespmem:$0x1E800] =	vst v63  }
0x8d: {  	s8 =	sadd.s32 $0x1400, s2  }
0x8e: {  	[spmem:s1] =	stream.indirect.scatter.add.f32 [tilespmem:s22], [sflag:$0x4], $0x80, s8, s21, $0xb8;
	[tilespmem:$0x1E800] =	vst v63  }
0x8f: {  	_ =	swait.ge [sflag:s25], $0x4000  }
0x90: {  	[sflag:s25] =	ssyncset.done $0x0  }
0x91: {  	[sflag:s25] =	ssyncadd.s32 $0xFFFFC000  }
0x92: {  	_ =	swait.ge [sflag:s26], $0x4000  }
0x93: {  	[sflag:s26] =	ssyncset.done $0x0  }
0x94: {  	s8 =	sadd.s32 $0x100, s2;
	[sflag:s26] =	ssyncadd.s32 $0xFFFFC000  }
0x95: {  	[tilespmem:s22], [sflag:$0x2] =	stream.indirect.gather [hbm4b:s4+s21], $0x80, s8, s21, $0xb8;
	[tilespmem:$0x1E800] =	vst v63  }
.Ltmp1:
0x96: {  	_ = 	snop;
	(pc) =	sbr.rel @p0 .LBB2_4-.Ltmp1, $4  }
0x97: {  	s2 =	sadd.s32 $0x1480, s2  }
0x98: {  	[spmem:s1] =	stream.indirect.scatter.add.f32 [tilespmem:s24], [sflag:$0x4], $0x80, s2, s21, $0xb8;
	[tilespmem:$0x1E800] =	vst v63  }
0x99: {  	_ =	swait.ge [sflag:s25], $0x4000  }
0x9a: {  	[sflag:s25] =	ssyncset.done $0x0  }
0x9b: {  	[sflag:s25] =	ssyncadd.s32 $0xFFFFC000  }
0x9c: {  	_ =	swait.ge [sflag:s23], $0x4000  }
0x9d: {  	[sflag:s23] =	ssyncset.done $0x0  }
0x9e: {  	[sflag:s23] =	ssyncadd.s32 $0xFFFFC000  }
0x9f: {  	[tilespmem:s24], [sflag:$0x3] =	stream.indirect.gather [hbm4b:s4+s21], $0x80, s28, s21, $0xb8;
	[tilespmem:$0x1E800] =	vst v63  }
0xa0: {  	_ = 	snop  }
0xa1: {  	[spmem:s1] =	stream.indirect.scatter.add.f32 [tilespmem:s22], [sflag:$0x4], $0x80, s29, s21, $0xb8;
	[tilespmem:$0x1E800] =	vst v63  }
0xa2: {  	_ =	swait.ge [sflag:s25], $0x4000  }
0xa3: {  	[sflag:s25] =	ssyncset.done $0x0  }
0xa4: {  	[sflag:s25] =	ssyncadd.s32 $0xFFFFC000  }
0xa5: {  	_ =	swait.ge [sflag:s26], $0x4000  }
0xa6: {  	[sflag:s26] =	ssyncset.done $0x0  }
0xa7: {  	[sflag:s26] =	ssyncadd.s32 $0xFFFFC000  }
0xa8: {  	[spmem:s1] =	stream.indirect.scatter.add.f32 [tilespmem:s24], [sflag:$0x4], $0x80, s30, s21, $0xb8;
	[tilespmem:$0x1E800] =	vst v63  }
0xa9: {  	_ =	swait.ge [sflag:s25], $0x4000  }
0xaa: {  	s31 =	sadd.s32 $0x1, s31;
	[sflag:s25] =	ssyncset.done $0x0  }
0xab: {  	p0 =	sne.s32 s31, s13;
	[sflag:s25] =	ssyncadd.s32 $0xFFFFC000  }
.Ltmp2:
0xac: {  	s0 =	sor.u32 $0x1C04, s6;
	[bflag:$0x0] =	sbarrier.arrive $0xFFFF;
	(pc) =	sbr.rel @p0 .LBB2_1-.Ltmp2, $4  }
0xad: {  	[hbm:s12], [sflag:s0] =	dma.local [spmem:s14], $0x2800  }
0xae: {  	_ =	swait.ge [sflag:s25], $0x2800  }
0xaf: {  	[sflag:s25] =	ssyncset.done $0x0  }
0xb0: {  	[sflag:s25] =	ssyncadd.s32 $0xFFFFD800  }
0xb1: {  	_ =	sfence.sel $0x180000  }
0xb2: {  	[bflag:$0x0] =	sbarrier.arrive $0xFFFF  }
0xb3: {  	_ =	strace $0x90000050  }
0xb4: {  	s0 =	stileid.u32;
	[bflag:$0x2] =	sbarrier.arrive $0xFFFF  }
0xb5: {  	p0 =	sne.s32 s0, $0x0;
	s0 =	rddreg [dreg:$0x2]  }
0xb6: {  	s0 =	sadd.s32 @!p0 $0x100000, s0  }
0xb7: {  	[sflag:s0] =	ssyncadd.tile.s32 @!p0 $0x1;
	_ =	shalt  }
.Lfunc_end2:
_tile_overlayer_lowered:
.L_overlay_start_2:
0xb8: {  	(tag) =	ssettag $0x2  }
0xb9: {  	s0 =	rddreg [dreg:$0x0];
	s2 =	stileid.u32  }
0xba: {  	s1 =	rddreg [dreg:$0x1];
	p0 =	sne.s32 s2, $0x0  }
0xbb: {  	s3 =	rddreg [dreg:$0x2];
	[bflag:$0x3] =	sbarrier.arrive $0xFFFF;
	s2 =	simm.s32 @!p0 $0x1C04  }
0xbc: {  	[timem:s3], [sflag:s2] =	dma.local @!p0 [hbm:s0], s1  }
0xbd: {  	s0 =	simm.s32 @!p0 $0x4  }
0xbe: {  	_ =	swait.ge @!p0 [sflag:s0], s1  }
0xbf: {  	s1 =	ssub.s32 @!p0 $0x0, s1;
	[sflag:s0] =	ssyncset.done @!p0 $0x0  }
0xc0: {  	[sflag:s0] =	ssyncadd.s32 @!p0 s1  }
0xc1: {  	[bflag:$0x3] =	sbarrier.arrive $0xFFFF  }
0xc2: {  	_ =	shalt  }

</sc_bundles>
